<compile_context>
chip_gen: v7x
topology: tpu7x:2x2x1
jax: 0.10.2.dev20260603
libtpu: 0.0.44.dev20260713+nightly
codegen_flags: <defaults>
</compile_context>

<pallas_src>
import jax
import jax.numpy as jnp
from jax import lax
from jax.experimental import pallas as pl
from jax.experimental.pallas import tpu as pltpu
from jax.experimental.pallas import tpu_sc as plsc

N = 10000
E = 320000
F = 128
H = 128
G = 64

NC = 2
NS = 16
NW = NC * NS
CHUNK = 128
CT = 80
E0 = NS * CT * CHUNK
E1 = NS * CT * CHUNK
NP = N + 112
NPS = NP // NS
DEGW = 128

ROWS_T = 10
ROWS = N // ROWS_T


def _sc_mesh():
    return plsc.VectorSubcoreMesh(core_axis_name="c", subcore_axis_name="s")



def _unpack_src(packed_v, j, sidx, b):
    for k in range(CHUNK // 16):
        v = packed_v.at[j][pl.ds(16 * k, 16)]
        sidx.at[b][pl.ds(16 * k, 16)] = lax.bitwise_and(v, jnp.int32(0x3FFF))


def _unpack_dst(packed_v, j, didx, b):
    for k in range(CHUNK // 16):
        v = packed_v.at[j][pl.ds(16 * k, 16)]
        didx.at[b][pl.ds(16 * k, 16)] = lax.shift_right_logical(
            v, jnp.int32(14))


def _deg_body(pk_hbm, zeros_hbm, ones_hbm, out_hbm, pk_v, didx, ones_v, ssem,
              acc_sh):
    c = lax.axis_index("c")
    s = lax.axis_index("s")
    t = c * NS + s
    pltpu.sync_copy(pk_hbm.at[t], pk_v)
    pltpu.sync_copy(ones_hbm, ones_v)

    @pl.when(s == 0)
    def _():
        pltpu.sync_copy(zeros_hbm, acc_sh)

    plsc.subcore_barrier()

    def pair(g2, carry):
        j0 = 2 * g2
        j1 = j0 + 1
        _unpack_dst(pk_v, j0, didx, 0)
        _unpack_dst(pk_v, j1, didx, 1)
        d0 = pltpu.async_copy(ones_v, acc_sh.at[didx.at[0]], ssem, add=True)
        d1 = pltpu.async_copy(ones_v, acc_sh.at[didx.at[1]], ssem, add=True)
        d0.wait()
        d1.wait()
        return carry

    lax.fori_loop(0, CT // 2, pair, 0)
    plsc.subcore_barrier()

    @pl.when(s == 0)
    def _():
        pltpu.sync_copy(acc_sh, out_hbm.at[c])


def _sc_degree(packed_t, zeros128, ones128):
    k = pl.kernel(
        _deg_body,
        out_type=jax.ShapeDtypeStruct((NC, NP, DEGW), jnp.float32),
        mesh=_sc_mesh(),
        scratch_types=[
            pltpu.VMEM((CT, CHUNK), jnp.int32),
            pltpu.VMEM((2, CHUNK), jnp.int32),
            pltpu.VMEM((CHUNK, DEGW), jnp.float32),
            pltpu.SemaphoreType.DMA,
            pltpu.VMEM_SHARED((NP, DEGW), jnp.float32),
        ],
    )
    return k(packed_t, zeros128, ones128)


def _agg_body(g_hbm, pk_hbm, zeros_hbm, out_hbm,
              pk_v, sidx, didx, rows_v, gsem, acc_sh):
    c = lax.axis_index("c")
    s = lax.axis_index("s")
    t = c * NS + s
    pltpu.sync_copy(pk_hbm.at[t], pk_v)

    @pl.when(s == 0)
    def _():
        pltpu.sync_copy(zeros_hbm, acc_sh)

    plsc.subcore_barrier()

    _unpack_src(pk_v, 0, sidx, 0)
    _unpack_dst(pk_v, 0, didx, 0)
    pltpu.async_copy(g_hbm.at[sidx.at[0]], rows_v.at[0], gsem)

    def pair(g2, carry):
        j0 = 2 * g2
        j1 = j0 + 1
        _unpack_src(pk_v, j1, sidx, 1)
        _unpack_dst(pk_v, j1, didx, 1)
        pltpu.make_async_copy(g_hbm.at[sidx.at[0]], rows_v.at[0], gsem).wait()
        pltpu.async_copy(g_hbm.at[sidx.at[1]], rows_v.at[1], gsem)
        pltpu.sync_copy(rows_v.at[0], acc_sh.at[didx.at[0]], add=True)

        @pl.when(j1 + 1 < CT)
        def _():
            _unpack_src(pk_v, j1 + 1, sidx, 0)
            _unpack_dst(pk_v, j1 + 1, didx, 0)

        pltpu.make_async_copy(g_hbm.at[sidx.at[1]], rows_v.at[1], gsem).wait()

        @pl.when(j1 + 1 < CT)
        def _():
            pltpu.async_copy(g_hbm.at[sidx.at[0]], rows_v.at[0], gsem)

        pltpu.sync_copy(rows_v.at[1], acc_sh.at[didx.at[1]], add=True)
        return carry

    lax.fori_loop(0, CT // 2, pair, 0)
    plsc.subcore_barrier()

    @pl.when(s == 0)
    def _():
        pltpu.sync_copy(acc_sh, out_hbm.at[c])


def _sc_aggregate(g, packed_t, zeros_np):
    k = pl.kernel(
        _agg_body,
        out_type=jax.ShapeDtypeStruct((NC, NP, H), jnp.float32),
        mesh=_sc_mesh(),
        scratch_types=[
            pltpu.VMEM((CT, CHUNK), jnp.int32),
            pltpu.VMEM((2, CHUNK), jnp.int32),
            pltpu.VMEM((2, CHUNK), jnp.int32),
            pltpu.VMEM((2, CHUNK, H), jnp.float32),
            pltpu.SemaphoreType.DMA,
            pltpu.VMEM_SHARED((NP, H), jnp.float32),
        ],
    )
    return k(g, packed_t, zeros_np)



def _mm_scale_body(x_ref, w_ref, deg_ref, g_ref, dinv_ref):
    t = jnp.dot(x_ref[...], w_ref[...], preferred_element_type=jnp.float32)
    dinv = lax.rsqrt(deg_ref[...] + 1.0)
    dinv_ref[...] = dinv
    g_ref[...] = t * dinv


def _tc_mm_scale(x, w, deg_e):
    return pl.pallas_call(
        _mm_scale_body,
        grid=(ROWS_T,),
        in_specs=[
            pl.BlockSpec((ROWS, F), lambda i: (i, 0)),
            pl.BlockSpec((F, H), lambda i: (0, 0)),
            pl.BlockSpec((ROWS, 1), lambda i: (i, 0)),
        ],
        out_specs=[
            pl.BlockSpec((ROWS, H), lambda i: (i, 0)),
            pl.BlockSpec((ROWS, 1), lambda i: (i, 0)),
        ],
        out_shape=[
            jax.ShapeDtypeStruct((N, H), jnp.float32),
            jax.ShapeDtypeStruct((N, 1), jnp.float32),
        ],
    )(x, w, deg_e)


def _mid_body(a0_ref, a1_ref, g_ref, dinv_ref, b_ref, w_ref, out_ref):
    dinv = dinv_ref[...]
    h = (a0_ref[...] + a1_ref[...] + g_ref[...]) * dinv + b_ref[...]
    h = jnp.maximum(h, 0.0)
    t = jnp.dot(h, w_ref[...], preferred_element_type=jnp.float32)
    out_ref[...] = t * dinv


def _tc_mid(a0, a1, g, dinv, b, w):
    return pl.pallas_call(
        _mid_body,
        grid=(ROWS_T,),
        in_specs=[
            pl.BlockSpec((ROWS, H), lambda i: (i, 0)),
            pl.BlockSpec((ROWS, H), lambda i: (i, 0)),
            pl.BlockSpec((ROWS, H), lambda i: (i, 0)),
            pl.BlockSpec((ROWS, 1), lambda i: (i, 0)),
            pl.BlockSpec((1, H), lambda i: (0, 0)),
            pl.BlockSpec((H, H), lambda i: (0, 0)),
        ],
        out_specs=pl.BlockSpec((ROWS, H), lambda i: (i, 0)),
        out_shape=jax.ShapeDtypeStruct((N, H), jnp.float32),
    )(a0, a1, g, dinv, b, w)


def _pool_body(a0_ref, a1_ref, g_ref, dinv_ref, b_ref, batch_ref,
               wl_ref, bl_ref, out_ref, psum, pcnt):
    i = pl.program_id(0)

    @pl.when(i == 0)
    def _():
        psum[...] = jnp.zeros_like(psum)
        pcnt[...] = jnp.zeros_like(pcnt)

    h = (a0_ref[...] + a1_ref[...] + g_ref[...]) * dinv_ref[...] + b_ref[...]
    ids = lax.broadcasted_iota(jnp.int32, (ROWS, G), 1)
    oh = (batch_ref[...] == ids).astype(jnp.float32)
    psum[...] += lax.dot_general(oh, h, (((0,), (0,)), ((), ())),
                                 preferred_element_type=jnp.float32)
    pcnt[...] += jnp.sum(oh, axis=0)[:, None]

    @pl.when(i == ROWS_T - 1)
    def _():
        pooled = psum[...] / jnp.maximum(pcnt[...], 1.0)
        out_ref[...] = jnp.dot(pooled, wl_ref[...],
                               preferred_element_type=jnp.float32) + bl_ref[...]


def _tc_pool(a0, a1, g, dinv, b, batch2d, wl, bl):
    return pl.pallas_call(
        _pool_body,
        grid=(ROWS_T,),
        in_specs=[
            pl.BlockSpec((ROWS, H), lambda i: (i, 0)),
            pl.BlockSpec((ROWS, H), lambda i: (i, 0)),
            pl.BlockSpec((ROWS, H), lambda i: (i, 0)),
            pl.BlockSpec((ROWS, 1), lambda i: (i, 0)),
            pl.BlockSpec((1, H), lambda i: (0, 0)),
            pl.BlockSpec((ROWS, 1), lambda i: (i, 0)),
            pl.BlockSpec((H, 2), lambda i: (0, 0)),
            pl.BlockSpec((1, 2), lambda i: (0, 0)),
        ],
        out_specs=pl.BlockSpec((G, 2), lambda i: (0, 0)),
        out_shape=jax.ShapeDtypeStruct((G, 2), jnp.float32),
        scratch_shapes=[
            pltpu.VMEM((G, H), jnp.float32),
            pltpu.VMEM((G, 1), jnp.float32),
        ],
    )(a0, a1, g, dinv, b, batch2d, wl, bl)



def kernel(x, edge_index, batch, W1, b1, W2, b2, Wl, bl):
    src = edge_index[0]
    dst = edge_index[1]
    packed = src + dst * 16384
    sink = jnp.int32(N * 16384)
    part0 = packed[:E0].reshape(NS, CT, CHUNK)
    part1 = jnp.concatenate(
        [packed[E0:], jnp.full((E1 - (E - E0),), sink)]).reshape(NS, CT, CHUNK)
    packed_t = jnp.concatenate([part0, part1], axis=0)

    zeros_np = jnp.zeros((NP, H), jnp.float32)
    ones_ch = jnp.ones((CHUNK, DEGW), jnp.float32)
    batch2d = batch.astype(jnp.int32)[:, None]

    degp = _sc_degree(packed_t, zeros_np, ones_ch)
    deg_e = degp[0, :N, :1] + degp[1, :N, :1]

    g1, dinv = _tc_mm_scale(x, W1, deg_e)
    acc1 = _sc_aggregate(g1, packed_t, zeros_np)
    g2 = _tc_mid(acc1[0, :N], acc1[1, :N], g1, dinv, b1[None, :], W2)
    acc2 = _sc_aggregate(g2, packed_t, zeros_np)
    out = _tc_pool(acc2[0, :N], acc2[1, :N], g2, dinv, b2[None, :],
                   batch2d, Wl, bl[None, :])
    return out

# --- scband reference (transcript-rebuilt; emitter-appended) ---
"""Pipeline reference for scband-gcn-class-64295660421704 (READ-ONLY COPY).

The authoritative reference and input builder live on the scoring server;
editing this copy changes nothing except your own understanding.
"""

import jax, jax.numpy as jnp
import numpy as np

N = 10000
E = 320000
F = 128
H = 128
G = 64


def setup_inputs(seed: int = 0) -> dict:
    key = jax.random.key(seed)
    ks = jax.random.split(key, 9)
    x = jax.random.normal(ks[0], (N, F), dtype=jnp.float32)
    edge_index = jax.random.randint(ks[1], (2, E), 0, N, dtype=jnp.int32)
    batch = jnp.sort(jax.random.randint(ks[2], (N,), 0, G, dtype=jnp.int32))
    W1 = jax.random.normal(ks[3], (F, H), dtype=jnp.float32) * (1.0 / np.sqrt(F))
    b1 = jnp.zeros((H,), dtype=jnp.float32)
    W2 = jax.random.normal(ks[4], (H, H), dtype=jnp.float32) * (1.0 / np.sqrt(H))
    b2 = jnp.zeros((H,), dtype=jnp.float32)
    Wl = jax.random.normal(ks[5], (H, 2), dtype=jnp.float32) * (1.0 / np.sqrt(H))
    bl = jnp.zeros((2,), dtype=jnp.float32)
    return {"x": x, "edge_index": edge_index, "batch": batch,
            "W1": W1, "b1": b1, "W2": W2, "b2": b2, "Wl": Wl, "bl": bl}


def reference(x, edge_index, batch, W1, b1, W2, b2, Wl, bl):
    # GCNConv: x' = D^{-1/2} (A + I) D^{-1/2} x W + b  (self-loops added, symmetric norm)
    src = edge_index[0]
    dst = edge_index[1]
    loop = jnp.arange(N, dtype=src.dtype)
    src = jnp.concatenate([src, loop])
    dst = jnp.concatenate([dst, loop])
    deg = jnp.zeros((N,), jnp.float32).at[dst].add(1.0)
    dinv = jax.lax.rsqrt(jnp.maximum(deg, 1e-12))
    norm = dinv[src] * dinv[dst]

    def conv(h, W, b):
        h = h @ W
        msg = h[src] * norm[:, None]
        out = jnp.zeros((N, W.shape[1]), h.dtype).at[dst].add(msg)
        return out + b

    h = jax.nn.relu(conv(x, W1, b1))
    h = conv(h, W2, b2)
    # global_mean_pool over batch ids
    seg_sum = jax.ops.segment_sum(h, batch, num_segments=G)
    cnt = jax.ops.segment_sum(jnp.ones((N,), h.dtype), batch, num_segments=G)
    pooled = seg_sum / jnp.maximum(cnt, 1.0)[:, None]
    return pooled @ Wl + bl

if __name__ == "__main__":
    import jax
    _d = setup_inputs()
    print(jax.jit(kernel)(*tuple(_d.values())))

</pallas_src>

<mosaic_0001>
#map = affine_map<(d0, d1) -> (0, 0, 0)>
#map1 = affine_map<(d0, d1) -> (0, 0)>
module attributes {stable_mosaic.version = 14 : i64} {
  func.func @_deg_body(%arg0: i32, %arg1: i32, %arg2: memref<32x80x128xi32, #tpu.memory_space<hbm>>, %arg3: memref<10112x128xf32, #tpu.memory_space<hbm>>, %arg4: memref<128x128xf32, #tpu.memory_space<hbm>>, %arg5: memref<2x10112x128xf32, #tpu.memory_space<hbm>>, %arg6: memref<80x128xi32, #tpu.memory_space<vmem>>, %arg7: memref<2x128xi32, #tpu.memory_space<vmem>>, %arg8: memref<128x128xf32, #tpu.memory_space<vmem>>, %arg9: memref<!tpu.dma_semaphore, #tpu.memory_space<semaphore_mem>>, %arg10: memref<10112x128xf32, #tpu.memory_space<vmem_shared>>) attributes {dimension_semantics = [#tpu.dimension_semantics<core_parallel>, #tpu.dimension_semantics<subcore_parallel>], iteration_bounds = array<i64: 2, 16>, scalar_prefetch = 0 : i64, scratch_operands = 5 : i64, tpu.core_type = #tpu.core_type<sc_vector_subcore>, window_params = [{transform_indices = #map}, {transform_indices = #map1}, {transform_indices = #map1}, {transform_indices = #map}]} {
    %mul3A = arith.constant 16 : i32
    %mul3A_0 = arith.muli %arg0, %mul3A : i32
    %add3A = arith.addi %mul3A_0, %arg1 : i32
    "tpu.region"() ({
      %run_scoped3A = tpu.sem_alloc : memref<!tpu.dma_semaphore, #tpu.memory_space<semaphore_mem>>
      %dma_start3A = arith.constant 0 : i32
      %dma_start3A_14 = arith.constant 0 : i32
      %dma_start3A_15 = tpu.memref_slice %arg2[%add3A, %dma_start3A, %dma_start3A_14] : memref<32x80x128xi32, #tpu.memory_space<hbm>> -> memref<1x80x128xi32, #tpu.memory_space<hbm>>
      %dma_start3A_16 = tpu.memref_squeeze %dma_start3A_15 : memref<1x80x128xi32, #tpu.memory_space<hbm>> -> memref<80x128xi32, #tpu.memory_space<hbm>>
      %dma_start3A_17 = arith.constant 0 : i32
      %dma_start3A_18 = arith.constant 0 : i32
      %dma_start3A_19 = tpu.memref_slice %arg2[%add3A, %dma_start3A_17, %dma_start3A_18] : memref<32x80x128xi32, #tpu.memory_space<hbm>> -> memref<1x80x128xi32, #tpu.memory_space<hbm>>
      %dma_start3A_20 = tpu.memref_squeeze %dma_start3A_19 : memref<1x80x128xi32, #tpu.memory_space<hbm>> -> memref<80x128xi32, #tpu.memory_space<hbm>>
      tpu.enqueue_dma source(%dma_start3A_20 : memref<80x128xi32, #tpu.memory_space<hbm>>) target(%arg6 : memref<80x128xi32, #tpu.memory_space<vmem>>) target_semaphore(%run_scoped3A : memref<!tpu.dma_semaphore, #tpu.memory_space<semaphore_mem>>)
      %dma_wait3A = arith.constant 0 : i32
      %dma_wait3A_21 = arith.constant 0 : i32
      %dma_wait3A_22 = tpu.memref_slice %arg2[%add3A, %dma_wait3A, %dma_wait3A_21] : memref<32x80x128xi32, #tpu.memory_space<hbm>> -> memref<1x80x128xi32, #tpu.memory_space<hbm>>
      %dma_wait3A_23 = tpu.memref_squeeze %dma_wait3A_22 : memref<1x80x128xi32, #tpu.memory_space<hbm>> -> memref<80x128xi32, #tpu.memory_space<hbm>>
      %dma_wait3A_24 = arith.constant 0 : i32
      %dma_wait3A_25 = arith.constant 0 : i32
      %dma_wait3A_26 = tpu.memref_slice %arg2[%add3A, %dma_wait3A_24, %dma_wait3A_25] : memref<32x80x128xi32, #tpu.memory_space<hbm>> -> memref<1x80x128xi32, #tpu.memory_space<hbm>>
      %dma_wait3A_27 = tpu.memref_squeeze %dma_wait3A_26 : memref<1x80x128xi32, #tpu.memory_space<hbm>> -> memref<80x128xi32, #tpu.memory_space<hbm>>
      tpu.wait_dma2 semaphore(%run_scoped3A : memref<!tpu.dma_semaphore, #tpu.memory_space<semaphore_mem>>) src(%dma_wait3A_27 : memref<80x128xi32, #tpu.memory_space<hbm>>) dst(%arg6 : memref<80x128xi32, #tpu.memory_space<vmem>>)
      tpu.yield
    }) : () -> ()
    "tpu.region"() ({
      %run_scoped3A = tpu.sem_alloc : memref<!tpu.dma_semaphore, #tpu.memory_space<semaphore_mem>>
      tpu.enqueue_dma source(%arg4 : memref<128x128xf32, #tpu.memory_space<hbm>>) target(%arg8 : memref<128x128xf32, #tpu.memory_space<vmem>>) target_semaphore(%run_scoped3A : memref<!tpu.dma_semaphore, #tpu.memory_space<semaphore_mem>>)
      tpu.wait_dma2 semaphore(%run_scoped3A : memref<!tpu.dma_semaphore, #tpu.memory_space<semaphore_mem>>) src(%arg4 : memref<128x128xf32, #tpu.memory_space<hbm>>) dst(%arg8 : memref<128x128xf32, #tpu.memory_space<vmem>>)
      tpu.yield
    }) : () -> ()
    %eq3A = arith.constant 0 : i32
    %eq3A_1 = arith.cmpi eq, %arg1, %eq3A : i32
    %convert_element_type3A = arith.extui %eq3A_1 : i1 to i32
    %cond3A = arith.constant 0 : i32
    %cond3A_2 = arith.cmpi ne, %convert_element_type3A, %cond3A : i32
    scf.if %cond3A_2 {
      "tpu.region"() ({
        %run_scoped3A = tpu.sem_alloc : memref<!tpu.dma_semaphore, #tpu.memory_space<semaphore_mem>>
        tpu.enqueue_dma source(%arg3 : memref<10112x128xf32, #tpu.memory_space<hbm>>) target(%arg10 : memref<10112x128xf32, #tpu.memory_space<vmem_shared>>) target_semaphore(%run_scoped3A : memref<!tpu.dma_semaphore, #tpu.memory_space<semaphore_mem>>)
        tpu.wait_dma2 semaphore(%run_scoped3A : memref<!tpu.dma_semaphore, #tpu.memory_space<semaphore_mem>>) src(%arg3 : memref<10112x128xf32, #tpu.memory_space<hbm>>) dst(%arg10 : memref<10112x128xf32, #tpu.memory_space<vmem_shared>>)
        tpu.yield
      }) : () -> ()
    } else {
    }
    %barrier3A = arith.constant 0 : index
    tpu.barrier barrier_id(%barrier3A)
    %scan3A = arith.constant 0 : i32
    %scan3A_3 = arith.constant 0 : i32
    %scan3A_4 = arith.constant 40 : i32
    %scan3A_5 = arith.addi %scan3A_3, %scan3A_4 : i32
    %scan3A_6 = arith.constant 1 : i32
    scf.for %scan3A_14 = %scan3A_3 to %scan3A_5 step %scan3A_6  : i32 {
      %mul3A_15 = arith.constant 2 : i32
      %mul3A_16 = arith.muli %mul3A_15, %scan3A_14 : i32
      %add3A_17 = arith.constant 1 : i32
      %add3A_18 = arith.addi %mul3A_16, %add3A_17 : i32
      %get3A = arith.constant 0 : i32
      %get3A_19 = tpu.memref_slice %arg6[%mul3A_16, %get3A] : memref<80x128xi32, #tpu.memory_space<vmem>> -> memref<1x128xi32, #tpu.memory_space<vmem>>
      %get3A_20 = tpu.memref_squeeze %get3A_19 : memref<1x128xi32, #tpu.memory_space<vmem>> -> memref<128xi32, #tpu.memory_space<vmem>>
      %get3A_21 = arith.constant 0 : index
      %get3A_22 = tpu.vector_load %get3A_20[%get3A_21] {strides = array<i32>} : memref<128xi32, #tpu.memory_space<vmem>>, vector<16xi32>,
      %get3A_23 = vector.shape_cast %get3A_22 : vector<16xi32> to vector<16xi32>
      %shift_right_logical3A = arith.constant 14 : i32
      %shift_right_logical3A_24 = vector.broadcast %shift_right_logical3A : i32 to vector<16xi32>
      %shift_right_logical3A_25 = arith.shrui %get3A_23, %shift_right_logical3A_24 : vector<16xi32>
      %swap3A = arith.constant 0 : i32
      %swap3A_26 = arith.constant 0 : i32
      %swap3A_27 = tpu.memref_slice %arg7[%swap3A, %swap3A_26] : memref<2x128xi32, #tpu.memory_space<vmem>> -> memref<1x128xi32, #tpu.memory_space<vmem>>
      %swap3A_28 = tpu.memref_squeeze %swap3A_27 : memref<1x128xi32, #tpu.memory_space<vmem>> -> memref<128xi32, #tpu.memory_space<vmem>>
      %swap3A_29 = arith.constant 0 : index
      %swap3A_30 = tpu.vector_load %swap3A_28[%swap3A_29] {strides = array<i32>} : memref<128xi32, #tpu.memory_space<vmem>>, vector<16xi32>,
      %swap3A_31 = vector.shape_cast %swap3A_30 : vector<16xi32> to vector<16xi32>
      %swap3A_32 = vector.shape_cast %shift_right_logical3A_25 : vector<16xi32> to vector<16xi32>
      tpu.vector_store %swap3A_28[%swap3A_29], %swap3A_32 {strides = array<i32>} : memref<128xi32, #tpu.memory_space<vmem>>, vector<16xi32>,
      %get3A_33 = arith.constant 0 : i32
      %get3A_34 = tpu.memref_slice %arg6[%mul3A_16, %get3A_33] : memref<80x128xi32, #tpu.memory_space<vmem>> -> memref<1x128xi32, #tpu.memory_space<vmem>>
      %get3A_35 = tpu.memref_squeeze %get3A_34 : memref<1x128xi32, #tpu.memory_space<vmem>> -> memref<128xi32, #tpu.memory_space<vmem>>
      %get3A_36 = arith.constant 16 : index
      %get3A_37 = tpu.vector_load %get3A_35[%get3A_36] {strides = array<i32>} : memref<128xi32, #tpu.memory_space<vmem>>, vector<16xi32>,
      %get3A_38 = vector.shape_cast %get3A_37 : vector<16xi32> to vector<16xi32>
      %shift_right_logical3A_39 = arith.constant 14 : i32
      %shift_right_logical3A_40 = vector.broadcast %shift_right_logical3A_39 : i32 to vector<16xi32>
      %shift_right_logical3A_41 = arith.shrui %get3A_38, %shift_right_logical3A_40 : vector<16xi32>
      %swap3A_42 = arith.constant 0 : i32
      %swap3A_43 = arith.constant 0 : i32
      %swap3A_44 = tpu.memref_slice %arg7[%swap3A_42, %swap3A_43] : memref<2x128xi32, #tpu.memory_space<vmem>> -> memref<1x128xi32, #tpu.memory_space<vmem>>
      %swap3A_45 = tpu.memref_squeeze %swap3A_44 : memref<1x128xi32, #tpu.memory_space<vmem>> -> memref<128xi32, #tpu.memory_space<vmem>>
      %swap3A_46 = arith.constant 16 : index
      %swap3A_47 = tpu.vector_load %swap3A_45[%swap3A_46] {strides = array<i32>} : memref<128xi32, #tpu.memory_space<vmem>>, vector<16xi32>,
      %swap3A_48 = vector.shape_cast %swap3A_47 : vector<16xi32> to vector<16xi32>
      %swap3A_49 = vector.shape_cast %shift_right_logical3A_41 : vector<16xi32> to vector<16xi32>
      tpu.vector_store %swap3A_45[%swap3A_46], %swap3A_49 {strides = array<i32>} : memref<128xi32, #tpu.memory_space<vmem>>, vector<16xi32>,
      %get3A_50 = arith.constant 0 : i32
      %get3A_51 = tpu.memref_slice %arg6[%mul3A_16, %get3A_50] : memref<80x128xi32, #tpu.memory_space<vmem>> -> memref<1x128xi32, #tpu.memory_space<vmem>>
      %get3A_52 = tpu.memref_squeeze %get3A_51 : memref<1x128xi32, #tpu.memory_space<vmem>> -> memref<128xi32, #tpu.memory_space<vmem>>
      %get3A_53 = arith.constant 32 : index
      %get3A_54 = tpu.vector_load %get3A_52[%get3A_53] {strides = array<i32>} : memref<128xi32, #tpu.memory_space<vmem>>, vector<16xi32>,
      %get3A_55 = vector.shape_cast %get3A_54 : vector<16xi32> to vector<16xi32>
      %shift_right_logical3A_56 = arith.constant 14 : i32
      %shift_right_logical3A_57 = vector.broadcast %shift_right_logical3A_56 : i32 to vector<16xi32>
      %shift_right_logical3A_58 = arith.shrui %get3A_55, %shift_right_logical3A_57 : vector<16xi32>
      %swap3A_59 = arith.constant 0 : i32
      %swap3A_60 = arith.constant 0 : i32
      %swap3A_61 = tpu.memref_slice %arg7[%swap3A_59, %swap3A_60] : memref<2x128xi32, #tpu.memory_space<vmem>> -> memref<1x128xi32, #tpu.memory_space<vmem>>
      %swap3A_62 = tpu.memref_squeeze %swap3A_61 : memref<1x128xi32, #tpu.memory_space<vmem>> -> memref<128xi32, #tpu.memory_space<vmem>>
      %swap3A_63 = arith.constant 32 : index
      %swap3A_64 = tpu.vector_load %swap3A_62[%swap3A_63] {strides = array<i32>} : memref<128xi32, #tpu.memory_space<vmem>>, vector<16xi32>,
      %swap3A_65 = vector.shape_cast %swap3A_64 : vector<16xi32> to vector<16xi32>
      %swap3A_66 = vector.shape_cast %shift_right_logical3A_58 : vector<16xi32> to vector<16xi32>
      tpu.vector_store %swap3A_62[%swap3A_63], %swap3A_66 {strides = array<i32>} : memref<128xi32, #tpu.memory_space<vmem>>, vector<16xi32>,
      %get3A_67 = arith.constant 0 : i32
      %get3A_68 = tpu.memref_slice %arg6[%mul3A_16, %get3A_67] : memref<80x128xi32, #tpu.memory_space<vmem>> -> memref<1x128xi32, #tpu.memory_space<vmem>>
      %get3A_69 = tpu.memref_squeeze %get3A_68 : memref<1x128xi32, #tpu.memory_space<vmem>> -> memref<128xi32, #tpu.memory_space<vmem>>
      %get3A_70 = arith.constant 48 : index
      %get3A_71 = tpu.vector_load %get3A_69[%get3A_70] {strides = array<i32>} : memref<128xi32, #tpu.memory_space<vmem>>, vector<16xi32>,
      %get3A_72 = vector.shape_cast %get3A_71 : vector<16xi32> to vector<16xi32>
      %shift_right_logical3A_73 = arith.constant 14 : i32
      %shift_right_logical3A_74 = vector.broadcast %shift_right_logical3A_73 : i32 to vector<16xi32>
      %shift_right_logical3A_75 = arith.shrui %get3A_72, %shift_right_logical3A_74 : vector<16xi32>
      %swap3A_76 = arith.constant 0 : i32
      %swap3A_77 = arith.constant 0 : i32
      %swap3A_78 = tpu.memref_slice %arg7[%swap3A_76, %swap3A_77] : memref<2x128xi32, #tpu.memory_space<vmem>> -> memref<1x128xi32, #tpu.memory_space<vmem>>
      %swap3A_79 = tpu.memref_squeeze %swap3A_78 : memref<1x128xi32, #tpu.memory_space<vmem>> -> memref<128xi32, #tpu.memory_space<vmem>>
      %swap3A_80 = arith.constant 48 : index
      %swap3A_81 = tpu.vector_load %swap3A_79[%swap3A_80] {strides = array<i32>} : memref<128xi32, #tpu.memory_space<vmem>>, vector<16xi32>,
      %swap3A_82 = vector.shape_cast %swap3A_81 : vector<16xi32> to vector<16xi32>
      %swap3A_83 = vector.shape_cast %shift_right_logical3A_75 : vector<16xi32> to vector<16xi32>
      tpu.vector_store %swap3A_79[%swap3A_80], %swap3A_83 {strides = array<i32>} : memref<128xi32, #tpu.memory_space<vmem>>, vector<16xi32>,
      %get3A_84 = arith.constant 0 : i32
      %get3A_85 = tpu.memref_slice %arg6[%mul3A_16, %get3A_84] : memref<80x128xi32, #tpu.memory_space<vmem>> -> memref<1x128xi32, #tpu.memory_space<vmem>>
      %get3A_86 = tpu.memref_squeeze %get3A_85 : memref<1x128xi32, #tpu.memory_space<vmem>> -> memref<128xi32, #tpu.memory_space<vmem>>
      %get3A_87 = arith.constant 64 : index
      %get3A_88 = tpu.vector_load %get3A_86[%get3A_87] {strides = array<i32>} : memref<128xi32, #tpu.memory_space<vmem>>, vector<16xi32>,
      %get3A_89 = vector.shape_cast %get3A_88 : vector<16xi32> to vector<16xi32>
      %shift_right_logical3A_90 = arith.constant 14 : i32
      %shift_right_logical3A_91 = vector.broadcast %shift_right_logical3A_90 : i32 to vector<16xi32>
      %shift_right_logical3A_92 = arith.shrui %get3A_89, %shift_right_logical3A_91 : vector<16xi32>
      %swap3A_93 = arith.constant 0 : i32
      %swap3A_94 = arith.constant 0 : i32
      %swap3A_95 = tpu.memref_slice %arg7[%swap3A_93, %swap3A_94] : memref<2x128xi32, #tpu.memory_space<vmem>> -> memref<1x128xi32, #tpu.memory_space<vmem>>
      %swap3A_96 = tpu.memref_squeeze %swap3A_95 : memref<1x128xi32, #tpu.memory_space<vmem>> -> memref<128xi32, #tpu.memory_space<vmem>>
      %swap3A_97 = arith.constant 64 : index
      %swap3A_98 = tpu.vector_load %swap3A_96[%swap3A_97] {strides = array<i32>} : memref<128xi32, #tpu.memory_space<vmem>>, vector<16xi32>,
      %swap3A_99 = vector.shape_cast %swap3A_98 : vector<16xi32> to vector<16xi32>
      %swap3A_100 = vector.shape_cast %shift_right_logical3A_92 : vector<16xi32> to vector<16xi32>
      tpu.vector_store %swap3A_96[%swap3A_97], %swap3A_100 {strides = array<i32>} : memref<128xi32, #tpu.memory_space<vmem>>, vector<16xi32>,
      %get3A_101 = arith.constant 0 : i32
      %get3A_102 = tpu.memref_slice %arg6[%mul3A_16, %get3A_101] : memref<80x128xi32, #tpu.memory_space<vmem>> -> memref<1x128xi32, #tpu.memory_space<vmem>>
      %get3A_103 = tpu.memref_squeeze %get3A_102 : memref<1x128xi32, #tpu.memory_space<vmem>> -> memref<128xi32, #tpu.memory_space<vmem>>
      %get3A_104 = arith.constant 80 : index
      %get3A_105 = tpu.vector_load %get3A_103[%get3A_104] {strides = array<i32>} : memref<128xi32, #tpu.memory_space<vmem>>, vector<16xi32>,
      %get3A_106 = vector.shape_cast %get3A_105 : vector<16xi32> to vector<16xi32>
      %shift_right_logical3A_107 = arith.constant 14 : i32
      %shift_right_logical3A_108 = vector.broadcast %shift_right_logical3A_107 : i32 to vector<16xi32>
      %shift_right_logical3A_109 = arith.shrui %get3A_106, %shift_right_logical3A_108 : vector<16xi32>
      %swap3A_110 = arith.constant 0 : i32
      %swap3A_111 = arith.constant 0 : i32
      %swap3A_112 = tpu.memref_slice %arg7[%swap3A_110, %swap3A_111] : memref<2x128xi32, #tpu.memory_space<vmem>> -> memref<1x128xi32, #tpu.memory_space<vmem>>
      %swap3A_113 = tpu.memref_squeeze %swap3A_112 : memref<1x128xi32, #tpu.memory_space<vmem>> -> memref<128xi32, #tpu.memory_space<vmem>>
      %swap3A_114 = arith.constant 80 : index
      %swap3A_115 = tpu.vector_load %swap3A_113[%swap3A_114] {strides = array<i32>} : memref<128xi32, #tpu.memory_space<vmem>>, vector<16xi32>,
      %swap3A_116 = vector.shape_cast %swap3A_115 : vector<16xi32> to vector<16xi32>
      %swap3A_117 = vector.shape_cast %shift_right_logical3A_109 : vector<16xi32> to vector<16xi32>
      tpu.vector_store %swap3A_113[%swap3A_114], %swap3A_117 {strides = array<i32>} : memref<128xi32, #tpu.memory_space<vmem>>, vector<16xi32>,
      %get3A_118 = arith.constant 0 : i32
      %get3A_119 = tpu.memref_slice %arg6[%mul3A_16, %get3A_118] : memref<80x128xi32, #tpu.memory_space<vmem>> -> memref<1x128xi32, #tpu.memory_space<vmem>>
      %get3A_120 = tpu.memref_squeeze %get3A_119 : memref<1x128xi32, #tpu.memory_space<vmem>> -> memref<128xi32, #tpu.memory_space<vmem>>
      %get3A_121 = arith.constant 96 : index
      %get3A_122 = tpu.vector_load %get3A_120[%get3A_121] {strides = array<i32>} : memref<128xi32, #tpu.memory_space<vmem>>, vector<16xi32>,
      %get3A_123 = vector.shape_cast %get3A_122 : vector<16xi32> to vector<16xi32>
      %shift_right_logical3A_124 = arith.constant 14 : i32
      %shift_right_logical3A_125 = vector.broadcast %shift_right_logical3A_124 : i32 to vector<16xi32>
      %shift_right_logical3A_126 = arith.shrui %get3A_123, %shift_right_logical3A_125 : vector<16xi32>
      %swap3A_127 = arith.constant 0 : i32
      %swap3A_128 = arith.constant 0 : i32
      %swap3A_129 = tpu.memref_slice %arg7[%swap3A_127, %swap3A_128] : memref<2x128xi32, #tpu.memory_space<vmem>> -> memref<1x128xi32, #tpu.memory_space<vmem>>
      %swap3A_130 = tpu.memref_squeeze %swap3A_129 : memref<1x128xi32, #tpu.memory_space<vmem>> -> memref<128xi32, #tpu.memory_space<vmem>>
      %swap3A_131 = arith.constant 96 : index
      %swap3A_132 = tpu.vector_load %swap3A_130[%swap3A_131] {strides = array<i32>} : memref<128xi32, #tpu.memory_space<vmem>>, vector<16xi32>,
      %swap3A_133 = vector.shape_cast %swap3A_132 : vector<16xi32> to vector<16xi32>
      %swap3A_134 = vector.shape_cast %shift_right_logical3A_126 : vector<16xi32> to vector<16xi32>
      tpu.vector_store %swap3A_130[%swap3A_131], %swap3A_134 {strides = array<i32>} : memref<128xi32, #tpu.memory_space<vmem>>, vector<16xi32>,
      %get3A_135 = arith.constant 0 : i32
      %get3A_136 = tpu.memref_slice %arg6[%mul3A_16, %get3A_135] : memref<80x128xi32, #tpu.memory_space<vmem>> -> memref<1x128xi32, #tpu.memory_space<vmem>>
      %get3A_137 = tpu.memref_squeeze %get3A_136 : memref<1x128xi32, #tpu.memory_space<vmem>> -> memref<128xi32, #tpu.memory_space<vmem>>
      %get3A_138 = arith.constant 112 : index
      %get3A_139 = tpu.vector_load %get3A_137[%get3A_138] {strides = array<i32>} : memref<128xi32, #tpu.memory_space<vmem>>, vector<16xi32>,
      %get3A_140 = vector.shape_cast %get3A_139 : vector<16xi32> to vector<16xi32>
      %shift_right_logical3A_141 = arith.constant 14 : i32
      %shift_right_logical3A_142 = vector.broadcast %shift_right_logical3A_141 : i32 to vector<16xi32>
      %shift_right_logical3A_143 = arith.shrui %get3A_140, %shift_right_logical3A_142 : vector<16xi32>
      %swap3A_144 = arith.constant 0 : i32
      %swap3A_145 = arith.constant 0 : i32
      %swap3A_146 = tpu.memref_slice %arg7[%swap3A_144, %swap3A_145] : memref<2x128xi32, #tpu.memory_space<vmem>> -> memref<1x128xi32, #tpu.memory_space<vmem>>
      %swap3A_147 = tpu.memref_squeeze %swap3A_146 : memref<1x128xi32, #tpu.memory_space<vmem>> -> memref<128xi32, #tpu.memory_space<vmem>>
      %swap3A_148 = arith.constant 112 : index
      %swap3A_149 = tpu.vector_load %swap3A_147[%swap3A_148] {strides = array<i32>} : memref<128xi32, #tpu.memory_space<vmem>>, vector<16xi32>,
      %swap3A_150 = vector.shape_cast %swap3A_149 : vector<16xi32> to vector<16xi32>
      %swap3A_151 = vector.shape_cast %shift_right_logical3A_143 : vector<16xi32> to vector<16xi32>
      tpu.vector_store %swap3A_147[%swap3A_148], %swap3A_151 {strides = array<i32>} : memref<128xi32, #tpu.memory_space<vmem>>, vector<16xi32>,
      %get3A_152 = arith.constant 0 : i32
      %get3A_153 = tpu.memref_slice %arg6[%add3A_18, %get3A_152] : memref<80x128xi32, #tpu.memory_space<vmem>> -> memref<1x128xi32, #tpu.memory_space<vmem>>
      %get3A_154 = tpu.memref_squeeze %get3A_153 : memref<1x128xi32, #tpu.memory_space<vmem>> -> memref<128xi32, #tpu.memory_space<vmem>>
      %get3A_155 = arith.constant 0 : index
      %get3A_156 = tpu.vector_load %get3A_154[%get3A_155] {strides = array<i32>} : memref<128xi32, #tpu.memory_space<vmem>>, vector<16xi32>,
      %get3A_157 = vector.shape_cast %get3A_156 : vector<16xi32> to vector<16xi32>
      %shift_right_logical3A_158 = arith.constant 14 : i32
      %shift_right_logical3A_159 = vector.broadcast %shift_right_logical3A_158 : i32 to vector<16xi32>
      %shift_right_logical3A_160 = arith.shrui %get3A_157, %shift_right_logical3A_159 : vector<16xi32>
      %swap3A_161 = arith.constant 1 : i32
      %swap3A_162 = arith.constant 0 : i32
      %swap3A_163 = tpu.memref_slice %arg7[%swap3A_161, %swap3A_162] : memref<2x128xi32, #tpu.memory_space<vmem>> -> memref<1x128xi32, #tpu.memory_space<vmem>>
      %swap3A_164 = tpu.memref_squeeze %swap3A_163 : memref<1x128xi32, #tpu.memory_space<vmem>> -> memref<128xi32, #tpu.memory_space<vmem>>
      %swap3A_165 = arith.constant 0 : index
      %swap3A_166 = tpu.vector_load %swap3A_164[%swap3A_165] {strides = array<i32>} : memref<128xi32, #tpu.memory_space<vmem>>, vector<16xi32>,
      %swap3A_167 = vector.shape_cast %swap3A_166 : vector<16xi32> to vector<16xi32>
      %swap3A_168 = vector.shape_cast %shift_right_logical3A_160 : vector<16xi32> to vector<16xi32>
      tpu.vector_store %swap3A_164[%swap3A_165], %swap3A_168 {strides = array<i32>} : memref<128xi32, #tpu.memory_space<vmem>>, vector<16xi32>,
      %get3A_169 = arith.constant 0 : i32
      %get3A_170 = tpu.memref_slice %arg6[%add3A_18, %get3A_169] : memref<80x128xi32, #tpu.memory_space<vmem>> -> memref<1x128xi32, #tpu.memory_space<vmem>>
      %get3A_171 = tpu.memref_squeeze %get3A_170 : memref<1x128xi32, #tpu.memory_space<vmem>> -> memref<128xi32, #tpu.memory_space<vmem>>
      %get3A_172 = arith.constant 16 : index
      %get3A_173 = tpu.vector_load %get3A_171[%get3A_172] {strides = array<i32>} : memref<128xi32, #tpu.memory_space<vmem>>, vector<16xi32>,
      %get3A_174 = vector.shape_cast %get3A_173 : vector<16xi32> to vector<16xi32>
      %shift_right_logical3A_175 = arith.constant 14 : i32
      %shift_right_logical3A_176 = vector.broadcast %shift_right_logical3A_175 : i32 to vector<16xi32>
      %shift_right_logical3A_177 = arith.shrui %get3A_174, %shift_right_logical3A_176 : vector<16xi32>
      %swap3A_178 = arith.constant 1 : i32
      %swap3A_179 = arith.constant 0 : i32
      %swap3A_180 = tpu.memref_slice %arg7[%swap3A_178, %swap3A_179] : memref<2x128xi32, #tpu.memory_space<vmem>> -> memref<1x128xi32, #tpu.memory_space<vmem>>
      %swap3A_181 = tpu.memref_squeeze %swap3A_180 : memref<1x128xi32, #tpu.memory_space<vmem>> -> memref<128xi32, #tpu.memory_space<vmem>>
      %swap3A_182 = arith.constant 16 : index
      %swap3A_183 = tpu.vector_load %swap3A_181[%swap3A_182] {strides = array<i32>} : memref<128xi32, #tpu.memory_space<vmem>>, vector<16xi32>,
      %swap3A_184 = vector.shape_cast %swap3A_183 : vector<16xi32> to vector<16xi32>
      %swap3A_185 = vector.shape_cast %shift_right_logical3A_177 : vector<16xi32> to vector<16xi32>
      tpu.vector_store %swap3A_181[%swap3A_182], %swap3A_185 {strides = array<i32>} : memref<128xi32, #tpu.memory_space<vmem>>, vector<16xi32>,
      %get3A_186 = arith.constant 0 : i32
      %get3A_187 = tpu.memref_slice %arg6[%add3A_18, %get3A_186] : memref<80x128xi32, #tpu.memory_space<vmem>> -> memref<1x128xi32, #tpu.memory_space<vmem>>
      %get3A_188 = tpu.memref_squeeze %get3A_187 : memref<1x128xi32, #tpu.memory_space<vmem>> -> memref<128xi32, #tpu.memory_space<vmem>>
      %get3A_189 = arith.constant 32 : index
      %get3A_190 = tpu.vector_load %get3A_188[%get3A_189] {strides = array<i32>} : memref<128xi32, #tpu.memory_space<vmem>>, vector<16xi32>,
      %get3A_191 = vector.shape_cast %get3A_190 : vector<16xi32> to vector<16xi32>
      %shift_right_logical3A_192 = arith.constant 14 : i32
      %shift_right_logical3A_193 = vector.broadcast %shift_right_logical3A_192 : i32 to vector<16xi32>
      %shift_right_logical3A_194 = arith.shrui %get3A_191, %shift_right_logical3A_193 : vector<16xi32>
      %swap3A_195 = arith.constant 1 : i32
      %swap3A_196 = arith.constant 0 : i32
      %swap3A_197 = tpu.memref_slice %arg7[%swap3A_195, %swap3A_196] : memref<2x128xi32, #tpu.memory_space<vmem>> -> memref<1x128xi32, #tpu.memory_space<vmem>>
      %swap3A_198 = tpu.memref_squeeze %swap3A_197 : memref<1x128xi32, #tpu.memory_space<vmem>> -> memref<128xi32, #tpu.memory_space<vmem>>
      %swap3A_199 = arith.constant 32 : index
      %swap3A_200 = tpu.vector_load %swap3A_198[%swap3A_199] {strides = array<i32>} : memref<128xi32, #tpu.memory_space<vmem>>, vector<16xi32>,
      %swap3A_201 = vector.shape_cast %swap3A_200 : vector<16xi32> to vector<16xi32>
      %swap3A_202 = vector.shape_cast %shift_right_logical3A_194 : vector<16xi32> to vector<16xi32>
      tpu.vector_store %swap3A_198[%swap3A_199], %swap3A_202 {strides = array<i32>} : memref<128xi32, #tpu.memory_space<vmem>>, vector<16xi32>,
      %get3A_203 = arith.constant 0 : i32
      %get3A_204 = tpu.memref_slice %arg6[%add3A_18, %get3A_203] : memref<80x128xi32, #tpu.memory_space<vmem>> -> memref<1x128xi32, #tpu.memory_space<vmem>>
      %get3A_205 = tpu.memref_squeeze %get3A_204 : memref<1x128xi32, #tpu.memory_space<vmem>> -> memref<128xi32, #tpu.memory_space<vmem>>
      %get3A_206 = arith.constant 48 : index
      %get3A_207 = tpu.vector_load %get3A_205[%get3A_206] {strides = array<i32>} : memref<128xi32, #tpu.memory_space<vmem>>, vector<16xi32>,
      %get3A_208 = vector.shape_cast %get3A_207 : vector<16xi32> to vector<16xi32>
      %shift_right_logical3A_209 = arith.constant 14 : i32
      %shift_right_logical3A_210 = vector.broadcast %shift_right_logical3A_209 : i32 to vector<16xi32>
      %shift_right_logical3A_211 = arith.shrui %get3A_208, %shift_right_logical3A_210 : vector<16xi32>
      %swap3A_212 = arith.constant 1 : i32
      %swap3A_213 = arith.constant 0 : i32
      %swap3A_214 = tpu.memref_slice %arg7[%swap3A_212, %swap3A_213] : memref<2x128xi32, #tpu.memory_space<vmem>> -> memref<1x128xi32, #tpu.memory_space<vmem>>
      %swap3A_215 = tpu.memref_squeeze %swap3A_214 : memref<1x128xi32, #tpu.memory_space<vmem>> -> memref<128xi32, #tpu.memory_space<vmem>>
      %swap3A_216 = arith.constant 48 : index
      %swap3A_217 = tpu.vector_load %swap3A_215[%swap3A_216] {strides = array<i32>} : memref<128xi32, #tpu.memory_space<vmem>>, vector<16xi32>,
      %swap3A_218 = vector.shape_cast %swap3A_217 : vector<16xi32> to vector<16xi32>
      %swap3A_219 = vector.shape_cast %shift_right_logical3A_211 : vector<16xi32> to vector<16xi32>
      tpu.vector_store %swap3A_215[%swap3A_216], %swap3A_219 {strides = array<i32>} : memref<128xi32, #tpu.memory_space<vmem>>, vector<16xi32>,
      %get3A_220 = arith.constant 0 : i32
      %get3A_221 = tpu.memref_slice %arg6[%add3A_18, %get3A_220] : memref<80x128xi32, #tpu.memory_space<vmem>> -> memref<1x128xi32, #tpu.memory_space<vmem>>
      %get3A_222 = tpu.memref_squeeze %get3A_221 : memref<1x128xi32, #tpu.memory_space<vmem>> -> memref<128xi32, #tpu.memory_space<vmem>>
      %get3A_223 = arith.constant 64 : index
      %get3A_224 = tpu.vector_load %get3A_222[%get3A_223] {strides = array<i32>} : memref<128xi32, #tpu.memory_space<vmem>>, vector<16xi32>,
      %get3A_225 = vector.shape_cast %get3A_224 : vector<16xi32> to vector<16xi32>
      %shift_right_logical3A_226 = arith.constant 14 : i32
      %shift_right_logical3A_227 = vector.broadcast %shift_right_logical3A_226 : i32 to vector<16xi32>
      %shift_right_logical3A_228 = arith.shrui %get3A_225, %shift_right_logical3A_227 : vector<16xi32>
      %swap3A_229 = arith.constant 1 : i32
      %swap3A_230 = arith.constant 0 : i32
      %swap3A_231 = tpu.memref_slice %arg7[%swap3A_229, %swap3A_230] : memref<2x128xi32, #tpu.memory_space<vmem>> -> memref<1x128xi32, #tpu.memory_space<vmem>>
      %swap3A_232 = tpu.memref_squeeze %swap3A_231 : memref<1x128xi32, #tpu.memory_space<vmem>> -> memref<128xi32, #tpu.memory_space<vmem>>
      %swap3A_233 = arith.constant 64 : index
      %swap3A_234 = tpu.vector_load %swap3A_232[%swap3A_233] {strides = array<i32>} : memref<128xi32, #tpu.memory_space<vmem>>, vector<16xi32>,
      %swap3A_235 = vector.shape_cast %swap3A_234 : vector<16xi32> to vector<16xi32>
      %swap3A_236 = vector.shape_cast %shift_right_logical3A_228 : vector<16xi32> to vector<16xi32>
      tpu.vector_store %swap3A_232[%swap3A_233], %swap3A_236 {strides = array<i32>} : memref<128xi32, #tpu.memory_space<vmem>>, vector<16xi32>,
      %get3A_237 = arith.constant 0 : i32
      %get3A_238 = tpu.memref_slice %arg6[%add3A_18, %get3A_237] : memref<80x128xi32, #tpu.memory_space<vmem>> -> memref<1x128xi32, #tpu.memory_space<vmem>>
      %get3A_239 = tpu.memref_squeeze %get3A_238 : memref<1x128xi32, #tpu.memory_space<vmem>> -> memref<128xi32, #tpu.memory_space<vmem>>
      %get3A_240 = arith.constant 80 : index
      %get3A_241 = tpu.vector_load %get3A_239[%get3A_240] {strides = array<i32>} : memref<128xi32, #tpu.memory_space<vmem>>, vector<16xi32>,
      %get3A_242 = vector.shape_cast %get3A_241 : vector<16xi32> to vector<16xi32>
      %shift_right_logical3A_243 = arith.constant 14 : i32
      %shift_right_logical3A_244 = vector.broadcast %shift_right_logical3A_243 : i32 to vector<16xi32>
      %shift_right_logical3A_245 = arith.shrui %get3A_242, %shift_right_logical3A_244 : vector<16xi32>
      %swap3A_246 = arith.constant 1 : i32
      %swap3A_247 = arith.constant 0 : i32
      %swap3A_248 = tpu.memref_slice %arg7[%swap3A_246, %swap3A_247] : memref<2x128xi32, #tpu.memory_space<vmem>> -> memref<1x128xi32, #tpu.memory_space<vmem>>
      %swap3A_249 = tpu.memref_squeeze %swap3A_248 : memref<1x128xi32, #tpu.memory_space<vmem>> -> memref<128xi32, #tpu.memory_space<vmem>>
      %swap3A_250 = arith.constant 80 : index
      %swap3A_251 = tpu.vector_load %swap3A_249[%swap3A_250] {strides = array<i32>} : memref<128xi32, #tpu.memory_space<vmem>>, vector<16xi32>,
      %swap3A_252 = vector.shape_cast %swap3A_251 : vector<16xi32> to vector<16xi32>
      %swap3A_253 = vector.shape_cast %shift_right_logical3A_245 : vector<16xi32> to vector<16xi32>
      tpu.vector_store %swap3A_249[%swap3A_250], %swap3A_253 {strides = array<i32>} : memref<128xi32, #tpu.memory_space<vmem>>, vector<16xi32>,
      %get3A_254 = arith.constant 0 : i32
      %get3A_255 = tpu.memref_slice %arg6[%add3A_18, %get3A_254] : memref<80x128xi32, #tpu.memory_space<vmem>> -> memref<1x128xi32, #tpu.memory_space<vmem>>
      %get3A_256 = tpu.memref_squeeze %get3A_255 : memref<1x128xi32, #tpu.memory_space<vmem>> -> memref<128xi32, #tpu.memory_space<vmem>>
      %get3A_257 = arith.constant 96 : index
      %get3A_258 = tpu.vector_load %get3A_256[%get3A_257] {strides = array<i32>} : memref<128xi32, #tpu.memory_space<vmem>>, vector<16xi32>,
      %get3A_259 = vector.shape_cast %get3A_258 : vector<16xi32> to vector<16xi32>
      %shift_right_logical3A_260 = arith.constant 14 : i32
      %shift_right_logical3A_261 = vector.broadcast %shift_right_logical3A_260 : i32 to vector<16xi32>
      %shift_right_logical3A_262 = arith.shrui %get3A_259, %shift_right_logical3A_261 : vector<16xi32>
      %swap3A_263 = arith.constant 1 : i32
      %swap3A_264 = arith.constant 0 : i32
      %swap3A_265 = tpu.memref_slice %arg7[%swap3A_263, %swap3A_264] : memref<2x128xi32, #tpu.memory_space<vmem>> -> memref<1x128xi32, #tpu.memory_space<vmem>>
      %swap3A_266 = tpu.memref_squeeze %swap3A_265 : memref<1x128xi32, #tpu.memory_space<vmem>> -> memref<128xi32, #tpu.memory_space<vmem>>
      %swap3A_267 = arith.constant 96 : index
      %swap3A_268 = tpu.vector_load %swap3A_266[%swap3A_267] {strides = array<i32>} : memref<128xi32, #tpu.memory_space<vmem>>, vector<16xi32>,
      %swap3A_269 = vector.shape_cast %swap3A_268 : vector<16xi32> to vector<16xi32>
      %swap3A_270 = vector.shape_cast %shift_right_logical3A_262 : vector<16xi32> to vector<16xi32>
      tpu.vector_store %swap3A_266[%swap3A_267], %swap3A_270 {strides = array<i32>} : memref<128xi32, #tpu.memory_space<vmem>>, vector<16xi32>,
      %get3A_271 = arith.constant 0 : i32
      %get3A_272 = tpu.memref_slice %arg6[%add3A_18, %get3A_271] : memref<80x128xi32, #tpu.memory_space<vmem>> -> memref<1x128xi32, #tpu.memory_space<vmem>>
      %get3A_273 = tpu.memref_squeeze %get3A_272 : memref<1x128xi32, #tpu.memory_space<vmem>> -> memref<128xi32, #tpu.memory_space<vmem>>
      %get3A_274 = arith.constant 112 : index
      %get3A_275 = tpu.vector_load %get3A_273[%get3A_274] {strides = array<i32>} : memref<128xi32, #tpu.memory_space<vmem>>, vector<16xi32>,
      %get3A_276 = vector.shape_cast %get3A_275 : vector<16xi32> to vector<16xi32>
      %shift_right_logical3A_277 = arith.constant 14 : i32
      %shift_right_logical3A_278 = vector.broadcast %shift_right_logical3A_277 : i32 to vector<16xi32>
      %shift_right_logical3A_279 = arith.shrui %get3A_276, %shift_right_logical3A_278 : vector<16xi32>
      %swap3A_280 = arith.constant 1 : i32
      %swap3A_281 = arith.constant 0 : i32
      %swap3A_282 = tpu.memref_slice %arg7[%swap3A_280, %swap3A_281] : memref<2x128xi32, #tpu.memory_space<vmem>> -> memref<1x128xi32, #tpu.memory_space<vmem>>
      %swap3A_283 = tpu.memref_squeeze %swap3A_282 : memref<1x128xi32, #tpu.memory_space<vmem>> -> memref<128xi32, #tpu.memory_space<vmem>>
      %swap3A_284 = arith.constant 112 : index
      %swap3A_285 = tpu.vector_load %swap3A_283[%swap3A_284] {strides = array<i32>} : memref<128xi32, #tpu.memory_space<vmem>>, vector<16xi32>,
      %swap3A_286 = vector.shape_cast %swap3A_285 : vector<16xi32> to vector<16xi32>
      %swap3A_287 = vector.shape_cast %shift_right_logical3A_279 : vector<16xi32> to vector<16xi32>
      tpu.vector_store %swap3A_283[%swap3A_284], %swap3A_287 {strides = array<i32>} : memref<128xi32, #tpu.memory_space<vmem>>, vector<16xi32>,
      %dma_start3A = arith.constant 0 : i32
      %dma_start3A_288 = arith.constant 0 : i32
      %dma_start3A_289 = tpu.memref_slice %arg7[%dma_start3A, %dma_start3A_288] : memref<2x128xi32, #tpu.memory_space<vmem>> -> memref<1x128xi32, #tpu.memory_space<vmem>>
      %dma_start3A_290 = tpu.memref_squeeze %dma_start3A_289 : memref<1x128xi32, #tpu.memory_space<vmem>> -> memref<128xi32, #tpu.memory_space<vmem>>
      %dma_start3A_291 = arith.constant 0 : i32
      %dma_start3A_292 = arith.constant 0 : i32
      %dma_start3A_293 = tpu.memref_slice %arg10[%dma_start3A_291, %dma_start3A_292] : memref<10112x128xf32, #tpu.memory_space<vmem_shared>> -> memref<10112x128xf32, #tpu.memory_space<vmem_shared>>
      tpu.enqueue_indirect_dma source(%arg8 : memref<128x128xf32, #tpu.memory_space<vmem>>) target(%dma_start3A_293 : memref<10112x128xf32, #tpu.memory_space<vmem_shared>>) offsets(%dma_start3A_290 : memref<128xi32, #tpu.memory_space<vmem>>) semaphore(%arg9 : memref<!tpu.dma_semaphore, #tpu.memory_space<semaphore_mem>>) {add = true}
      %dma_start3A_294 = arith.constant 1 : i32
      %dma_start3A_295 = arith.constant 0 : i32
      %dma_start3A_296 = tpu.memref_slice %arg7[%dma_start3A_294, %dma_start3A_295] : memref<2x128xi32, #tpu.memory_space<vmem>> -> memref<1x128xi32, #tpu.memory_space<vmem>>
      %dma_start3A_297 = tpu.memref_squeeze %dma_start3A_296 : memref<1x128xi32, #tpu.memory_space<vmem>> -> memref<128xi32, #tpu.memory_space<vmem>>
      %dma_start3A_298 = arith.constant 0 : i32
      %dma_start3A_299 = arith.constant 0 : i32
      %dma_start3A_300 = tpu.memref_slice %arg10[%dma_start3A_298, %dma_start3A_299] : memref<10112x128xf32, #tpu.memory_space<vmem_shared>> -> memref<10112x128xf32, #tpu.memory_space<vmem_shared>>
      tpu.enqueue_indirect_dma source(%arg8 : memref<128x128xf32, #tpu.memory_space<vmem>>) target(%dma_start3A_300 : memref<10112x128xf32, #tpu.memory_space<vmem_shared>>) offsets(%dma_start3A_297 : memref<128xi32, #tpu.memory_space<vmem>>) semaphore(%arg9 : memref<!tpu.dma_semaphore, #tpu.memory_space<semaphore_mem>>) {add = true}
      %dma_wait3A = arith.constant 0 : i32
      %dma_wait3A_301 = arith.constant 0 : i32
      %dma_wait3A_302 = tpu.memref_slice %arg7[%dma_wait3A, %dma_wait3A_301] : memref<2x128xi32, #tpu.memory_space<vmem>> -> memref<1x128xi32, #tpu.memory_space<vmem>>
      %dma_wait3A_303 = tpu.memref_squeeze %dma_wait3A_302 : memref<1x128xi32, #tpu.memory_space<vmem>> -> memref<128xi32, #tpu.memory_space<vmem>>
      %dma_wait3A_304 = arith.constant 0 : i32
      %dma_wait3A_305 = arith.constant 0 : i32
      %dma_wait3A_306 = tpu.memref_slice %arg10[%dma_wait3A_304, %dma_wait3A_305] : memref<10112x128xf32, #tpu.memory_space<vmem_shared>> -> memref<10112x128xf32, #tpu.memory_space<vmem_shared>>
      tpu.wait_indirect_dma semaphore(%arg9 : memref<!tpu.dma_semaphore, #tpu.memory_space<semaphore_mem>>) src(%arg8 : memref<128x128xf32, #tpu.memory_space<vmem>>) dst(%dma_wait3A_306 : memref<10112x128xf32, #tpu.memory_space<vmem_shared>>)
      %dma_wait3A_307 = arith.constant 1 : i32
      %dma_wait3A_308 = arith.constant 0 : i32
      %dma_wait3A_309 = tpu.memref_slice %arg7[%dma_wait3A_307, %dma_wait3A_308] : memref<2x128xi32, #tpu.memory_space<vmem>> -> memref<1x128xi32, #tpu.memory_space<vmem>>
      %dma_wait3A_310 = tpu.memref_squeeze %dma_wait3A_309 : memref<1x128xi32, #tpu.memory_space<vmem>> -> memref<128xi32, #tpu.memory_space<vmem>>
      %dma_wait3A_311 = arith.constant 0 : i32
      %dma_wait3A_312 = arith.constant 0 : i32
      %dma_wait3A_313 = tpu.memref_slice %arg10[%dma_wait3A_311, %dma_wait3A_312] : memref<10112x128xf32, #tpu.memory_space<vmem_shared>> -> memref<10112x128xf32, #tpu.memory_space<vmem_shared>>
      tpu.wait_indirect_dma semaphore(%arg9 : memref<!tpu.dma_semaphore, #tpu.memory_space<semaphore_mem>>) src(%arg8 : memref<128x128xf32, #tpu.memory_space<vmem>>) dst(%dma_wait3A_313 : memref<10112x128xf32, #tpu.memory_space<vmem_shared>>)
    }
    %scan3A_7 = arith.constant 40 : i32
    %barrier3A_8 = arith.constant 0 : index
    tpu.barrier barrier_id(%barrier3A_8)
    %eq3A_9 = arith.constant 0 : i32
    %eq3A_10 = arith.cmpi eq, %arg1, %eq3A_9 : i32
    %convert_element_type3A_11 = arith.extui %eq3A_10 : i1 to i32
    %cond3A_12 = arith.constant 0 : i32
    %cond3A_13 = arith.cmpi ne, %convert_element_type3A_11, %cond3A_12 : i32
    scf.if %cond3A_13 {
      "tpu.region"() ({
        %run_scoped3A = tpu.sem_alloc : memref<!tpu.dma_semaphore, #tpu.memory_space<semaphore_mem>>
        %dma_start3A = arith.constant 0 : i32
        %dma_start3A_14 = arith.constant 0 : i32
        %dma_start3A_15 = tpu.memref_slice %arg5[%arg0, %dma_start3A, %dma_start3A_14] : memref<2x10112x128xf32, #tpu.memory_space<hbm>> -> memref<1x10112x128xf32, #tpu.memory_space<hbm>>
        %dma_start3A_16 = tpu.memref_squeeze %dma_start3A_15 : memref<1x10112x128xf32, #tpu.memory_space<hbm>> -> memref<10112x128xf32, #tpu.memory_space<hbm>>
        tpu.enqueue_dma source(%arg10 : memref<10112x128xf32, #tpu.memory_space<vmem_shared>>) target(%dma_start3A_16 : memref<10112x128xf32, #tpu.memory_space<hbm>>) target_semaphore(%run_scoped3A : memref<!tpu.dma_semaphore, #tpu.memory_space<semaphore_mem>>)
        %dma_wait3A = arith.constant 0 : i32
        %dma_wait3A_17 = arith.constant 0 : i32
        %dma_wait3A_18 = tpu.memref_slice %arg5[%arg0, %dma_wait3A, %dma_wait3A_17] : memref<2x10112x128xf32, #tpu.memory_space<hbm>> -> memref<1x10112x128xf32, #tpu.memory_space<hbm>>
        %dma_wait3A_19 = tpu.memref_squeeze %dma_wait3A_18 : memref<1x10112x128xf32, #tpu.memory_space<hbm>> -> memref<10112x128xf32, #tpu.memory_space<hbm>>
        tpu.wait_dma2 semaphore(%run_scoped3A : memref<!tpu.dma_semaphore, #tpu.memory_space<semaphore_mem>>) src(%arg10 : memref<10112x128xf32, #tpu.memory_space<vmem_shared>>) dst(%dma_wait3A_19 : memref<10112x128xf32, #tpu.memory_space<hbm>>)
        tpu.yield
      }) : () -> ()
    } else {
    }
    return
  }
}

#map = affine_map<(d0, d1) -> (0, 0)>
#map1 = affine_map<(d0, d1) -> (0, 0, 0)>
module attributes {stable_mosaic.version = 14 : i64} {
  func.func @_agg_body(%arg0: i32, %arg1: i32, %arg2: memref<10000x128xf32, #tpu.memory_space<hbm>>, %arg3: memref<32x80x128xi32, #tpu.memory_space<hbm>>, %arg4: memref<10112x128xf32, #tpu.memory_space<hbm>>, %arg5: memref<2x10112x128xf32, #tpu.memory_space<hbm>>, %arg6: memref<80x128xi32, #tpu.memory_space<vmem>>, %arg7: memref<2x128xi32, #tpu.memory_space<vmem>>, %arg8: memref<2x128xi32, #tpu.memory_space<vmem>>, %arg9: memref<2x128x128xf32, #tpu.memory_space<vmem>>, %arg10: memref<!tpu.dma_semaphore, #tpu.memory_space<semaphore_mem>>, %arg11: memref<10112x128xf32, #tpu.memory_space<vmem_shared>>) attributes {dimension_semantics = [#tpu.dimension_semantics<core_parallel>, #tpu.dimension_semantics<subcore_parallel>], iteration_bounds = array<i64: 2, 16>, scalar_prefetch = 0 : i64, scratch_operands = 6 : i64, tpu.core_type = #tpu.core_type<sc_vector_subcore>, window_params = [{transform_indices = #map}, {transform_indices = #map1}, {transform_indices = #map}, {transform_indices = #map1}]} {
    %mul3A = arith.constant 16 : i32
    %mul3A_0 = arith.muli %arg0, %mul3A : i32
    %add3A = arith.addi %mul3A_0, %arg1 : i32
    "tpu.region"() ({
      %run_scoped3A = tpu.sem_alloc : memref<!tpu.dma_semaphore, #tpu.memory_space<semaphore_mem>>
      %dma_start3A_309 = arith.constant 0 : i32
      %dma_start3A_310 = arith.constant 0 : i32
      %dma_start3A_311 = tpu.memref_slice %arg3[%add3A, %dma_start3A_309, %dma_start3A_310] : memref<32x80x128xi32, #tpu.memory_space<hbm>> -> memref<1x80x128xi32, #tpu.memory_space<hbm>>
      %dma_start3A_312 = tpu.memref_squeeze %dma_start3A_311 : memref<1x80x128xi32, #tpu.memory_space<hbm>> -> memref<80x128xi32, #tpu.memory_space<hbm>>
      %dma_start3A_313 = arith.constant 0 : i32
      %dma_start3A_314 = arith.constant 0 : i32
      %dma_start3A_315 = tpu.memref_slice %arg3[%add3A, %dma_start3A_313, %dma_start3A_314] : memref<32x80x128xi32, #tpu.memory_space<hbm>> -> memref<1x80x128xi32, #tpu.memory_space<hbm>>
      %dma_start3A_316 = tpu.memref_squeeze %dma_start3A_315 : memref<1x80x128xi32, #tpu.memory_space<hbm>> -> memref<80x128xi32, #tpu.memory_space<hbm>>
      tpu.enqueue_dma source(%dma_start3A_316 : memref<80x128xi32, #tpu.memory_space<hbm>>) target(%arg6 : memref<80x128xi32, #tpu.memory_space<vmem>>) target_semaphore(%run_scoped3A : memref<!tpu.dma_semaphore, #tpu.memory_space<semaphore_mem>>)
      %dma_wait3A = arith.constant 0 : i32
      %dma_wait3A_317 = arith.constant 0 : i32
      %dma_wait3A_318 = tpu.memref_slice %arg3[%add3A, %dma_wait3A, %dma_wait3A_317] : memref<32x80x128xi32, #tpu.memory_space<hbm>> -> memref<1x80x128xi32, #tpu.memory_space<hbm>>
      %dma_wait3A_319 = tpu.memref_squeeze %dma_wait3A_318 : memref<1x80x128xi32, #tpu.memory_space<hbm>> -> memref<80x128xi32, #tpu.memory_space<hbm>>
      %dma_wait3A_320 = arith.constant 0 : i32
      %dma_wait3A_321 = arith.constant 0 : i32
      %dma_wait3A_322 = tpu.memref_slice %arg3[%add3A, %dma_wait3A_320, %dma_wait3A_321] : memref<32x80x128xi32, #tpu.memory_space<hbm>> -> memref<1x80x128xi32, #tpu.memory_space<hbm>>
      %dma_wait3A_323 = tpu.memref_squeeze %dma_wait3A_322 : memref<1x80x128xi32, #tpu.memory_space<hbm>> -> memref<80x128xi32, #tpu.memory_space<hbm>>
      tpu.wait_dma2 semaphore(%run_scoped3A : memref<!tpu.dma_semaphore, #tpu.memory_space<semaphore_mem>>) src(%dma_wait3A_323 : memref<80x128xi32, #tpu.memory_space<hbm>>) dst(%arg6 : memref<80x128xi32, #tpu.memory_space<vmem>>)
      tpu.yield
    }) : () -> ()
    %eq3A = arith.constant 0 : i32
    %eq3A_1 = arith.cmpi eq, %arg1, %eq3A : i32
    %convert_element_type3A = arith.extui %eq3A_1 : i1 to i32
    %cond3A = arith.constant 0 : i32
    %cond3A_2 = arith.cmpi ne, %convert_element_type3A, %cond3A : i32
    scf.if %cond3A_2 {
      "tpu.region"() ({
        %run_scoped3A = tpu.sem_alloc : memref<!tpu.dma_semaphore, #tpu.memory_space<semaphore_mem>>
        tpu.enqueue_dma source(%arg4 : memref<10112x128xf32, #tpu.memory_space<hbm>>) target(%arg11 : memref<10112x128xf32, #tpu.memory_space<vmem_shared>>) target_semaphore(%run_scoped3A : memref<!tpu.dma_semaphore, #tpu.memory_space<semaphore_mem>>)
        tpu.wait_dma2 semaphore(%run_scoped3A : memref<!tpu.dma_semaphore, #tpu.memory_space<semaphore_mem>>) src(%arg4 : memref<10112x128xf32, #tpu.memory_space<hbm>>) dst(%arg11 : memref<10112x128xf32, #tpu.memory_space<vmem_shared>>)
        tpu.yield
      }) : () -> ()
    } else {
    }
    %barrier3A = arith.constant 0 : index
    tpu.barrier barrier_id(%barrier3A)
    %get3A = arith.constant 0 : i32
    %get3A_3 = arith.constant 0 : i32
    %get3A_4 = tpu.memref_slice %arg6[%get3A, %get3A_3] : memref<80x128xi32, #tpu.memory_space<vmem>> -> memref<1x128xi32, #tpu.memory_space<vmem>>
    %get3A_5 = tpu.memref_squeeze %get3A_4 : memref<1x128xi32, #tpu.memory_space<vmem>> -> memref<128xi32, #tpu.memory_space<vmem>>
    %get3A_6 = arith.constant 0 : index
    %get3A_7 = tpu.vector_load %get3A_5[%get3A_6] {strides = array<i32>} : memref<128xi32, #tpu.memory_space<vmem>>, vector<16xi32>,
    %get3A_8 = vector.shape_cast %get3A_7 : vector<16xi32> to vector<16xi32>
    %and3A = arith.constant 16383 : i32
    %and3A_9 = vector.broadcast %and3A : i32 to vector<16xi32>
    %and3A_10 = arith.andi %get3A_8, %and3A_9 : vector<16xi32>
    %swap3A = arith.constant 0 : i32
    %swap3A_11 = arith.constant 0 : i32
    %swap3A_12 = tpu.memref_slice %arg7[%swap3A, %swap3A_11] : memref<2x128xi32, #tpu.memory_space<vmem>> -> memref<1x128xi32, #tpu.memory_space<vmem>>
    %swap3A_13 = tpu.memref_squeeze %swap3A_12 : memref<1x128xi32, #tpu.memory_space<vmem>> -> memref<128xi32, #tpu.memory_space<vmem>>
    %swap3A_14 = arith.constant 0 : index
    %swap3A_15 = tpu.vector_load %swap3A_13[%swap3A_14] {strides = array<i32>} : memref<128xi32, #tpu.memory_space<vmem>>, vector<16xi32>,
    %swap3A_16 = vector.shape_cast %swap3A_15 : vector<16xi32> to vector<16xi32>
    %swap3A_17 = vector.shape_cast %and3A_10 : vector<16xi32> to vector<16xi32>
    tpu.vector_store %swap3A_13[%swap3A_14], %swap3A_17 {strides = array<i32>} : memref<128xi32, #tpu.memory_space<vmem>>, vector<16xi32>,
    %get3A_18 = arith.constant 0 : i32
    %get3A_19 = arith.constant 0 : i32
    %get3A_20 = tpu.memref_slice %arg6[%get3A_18, %get3A_19] : memref<80x128xi32, #tpu.memory_space<vmem>> -> memref<1x128xi32, #tpu.memory_space<vmem>>
    %get3A_21 = tpu.memref_squeeze %get3A_20 : memref<1x128xi32, #tpu.memory_space<vmem>> -> memref<128xi32, #tpu.memory_space<vmem>>
    %get3A_22 = arith.constant 16 : index
    %get3A_23 = tpu.vector_load %get3A_21[%get3A_22] {strides = array<i32>} : memref<128xi32, #tpu.memory_space<vmem>>, vector<16xi32>,
    %get3A_24 = vector.shape_cast %get3A_23 : vector<16xi32> to vector<16xi32>
    %and3A_25 = arith.constant 16383 : i32
    %and3A_26 = vector.broadcast %and3A_25 : i32 to vector<16xi32>
    %and3A_27 = arith.andi %get3A_24, %and3A_26 : vector<16xi32>
    %swap3A_28 = arith.constant 0 : i32
    %swap3A_29 = arith.constant 0 : i32
    %swap3A_30 = tpu.memref_slice %arg7[%swap3A_28, %swap3A_29] : memref<2x128xi32, #tpu.memory_space<vmem>> -> memref<1x128xi32, #tpu.memory_space<vmem>>
    %swap3A_31 = tpu.memref_squeeze %swap3A_30 : memref<1x128xi32, #tpu.memory_space<vmem>> -> memref<128xi32, #tpu.memory_space<vmem>>
    %swap3A_32 = arith.constant 16 : index
    %swap3A_33 = tpu.vector_load %swap3A_31[%swap3A_32] {strides = array<i32>} : memref<128xi32, #tpu.memory_space<vmem>>, vector<16xi32>,
    %swap3A_34 = vector.shape_cast %swap3A_33 : vector<16xi32> to vector<16xi32>
    %swap3A_35 = vector.shape_cast %and3A_27 : vector<16xi32> to vector<16xi32>
    tpu.vector_store %swap3A_31[%swap3A_32], %swap3A_35 {strides = array<i32>} : memref<128xi32, #tpu.memory_space<vmem>>, vector<16xi32>,
    %get3A_36 = arith.constant 0 : i32
    %get3A_37 = arith.constant 0 : i32
    %get3A_38 = tpu.memref_slice %arg6[%get3A_36, %get3A_37] : memref<80x128xi32, #tpu.memory_space<vmem>> -> memref<1x128xi32, #tpu.memory_space<vmem>>
    %get3A_39 = tpu.memref_squeeze %get3A_38 : memref<1x128xi32, #tpu.memory_space<vmem>> -> memref<128xi32, #tpu.memory_space<vmem>>
    %get3A_40 = arith.constant 32 : index
    %get3A_41 = tpu.vector_load %get3A_39[%get3A_40] {strides = array<i32>} : memref<128xi32, #tpu.memory_space<vmem>>, vector<16xi32>,
    %get3A_42 = vector.shape_cast %get3A_41 : vector<16xi32> to vector<16xi32>
    %and3A_43 = arith.constant 16383 : i32
    %and3A_44 = vector.broadcast %and3A_43 : i32 to vector<16xi32>
    %and3A_45 = arith.andi %get3A_42, %and3A_44 : vector<16xi32>
    %swap3A_46 = arith.constant 0 : i32
    %swap3A_47 = arith.constant 0 : i32
    %swap3A_48 = tpu.memref_slice %arg7[%swap3A_46, %swap3A_47] : memref<2x128xi32, #tpu.memory_space<vmem>> -> memref<1x128xi32, #tpu.memory_space<vmem>>
    %swap3A_49 = tpu.memref_squeeze %swap3A_48 : memref<1x128xi32, #tpu.memory_space<vmem>> -> memref<128xi32, #tpu.memory_space<vmem>>
    %swap3A_50 = arith.constant 32 : index
    %swap3A_51 = tpu.vector_load %swap3A_49[%swap3A_50] {strides = array<i32>} : memref<128xi32, #tpu.memory_space<vmem>>, vector<16xi32>,
    %swap3A_52 = vector.shape_cast %swap3A_51 : vector<16xi32> to vector<16xi32>
    %swap3A_53 = vector.shape_cast %and3A_45 : vector<16xi32> to vector<16xi32>
    tpu.vector_store %swap3A_49[%swap3A_50], %swap3A_53 {strides = array<i32>} : memref<128xi32, #tpu.memory_space<vmem>>, vector<16xi32>,
    %get3A_54 = arith.constant 0 : i32
    %get3A_55 = arith.constant 0 : i32
    %get3A_56 = tpu.memref_slice %arg6[%get3A_54, %get3A_55] : memref<80x128xi32, #tpu.memory_space<vmem>> -> memref<1x128xi32, #tpu.memory_space<vmem>>
    %get3A_57 = tpu.memref_squeeze %get3A_56 : memref<1x128xi32, #tpu.memory_space<vmem>> -> memref<128xi32, #tpu.memory_space<vmem>>
    %get3A_58 = arith.constant 48 : index
    %get3A_59 = tpu.vector_load %get3A_57[%get3A_58] {strides = array<i32>} : memref<128xi32, #tpu.memory_space<vmem>>, vector<16xi32>,
    %get3A_60 = vector.shape_cast %get3A_59 : vector<16xi32> to vector<16xi32>
    %and3A_61 = arith.constant 16383 : i32
    %and3A_62 = vector.broadcast %and3A_61 : i32 to vector<16xi32>
    %and3A_63 = arith.andi %get3A_60, %and3A_62 : vector<16xi32>
    %swap3A_64 = arith.constant 0 : i32
    %swap3A_65 = arith.constant 0 : i32
    %swap3A_66 = tpu.memref_slice %arg7[%swap3A_64, %swap3A_65] : memref<2x128xi32, #tpu.memory_space<vmem>> -> memref<1x128xi32, #tpu.memory_space<vmem>>
    %swap3A_67 = tpu.memref_squeeze %swap3A_66 : memref<1x128xi32, #tpu.memory_space<vmem>> -> memref<128xi32, #tpu.memory_space<vmem>>
    %swap3A_68 = arith.constant 48 : index
    %swap3A_69 = tpu.vector_load %swap3A_67[%swap3A_68] {strides = array<i32>} : memref<128xi32, #tpu.memory_space<vmem>>, vector<16xi32>,
    %swap3A_70 = vector.shape_cast %swap3A_69 : vector<16xi32> to vector<16xi32>
    %swap3A_71 = vector.shape_cast %and3A_63 : vector<16xi32> to vector<16xi32>
    tpu.vector_store %swap3A_67[%swap3A_68], %swap3A_71 {strides = array<i32>} : memref<128xi32, #tpu.memory_space<vmem>>, vector<16xi32>,
    %get3A_72 = arith.constant 0 : i32
    %get3A_73 = arith.constant 0 : i32
    %get3A_74 = tpu.memref_slice %arg6[%get3A_72, %get3A_73] : memref<80x128xi32, #tpu.memory_space<vmem>> -> memref<1x128xi32, #tpu.memory_space<vmem>>
    %get3A_75 = tpu.memref_squeeze %get3A_74 : memref<1x128xi32, #tpu.memory_space<vmem>> -> memref<128xi32, #tpu.memory_space<vmem>>
    %get3A_76 = arith.constant 64 : index
    %get3A_77 = tpu.vector_load %get3A_75[%get3A_76] {strides = array<i32>} : memref<128xi32, #tpu.memory_space<vmem>>, vector<16xi32>,
    %get3A_78 = vector.shape_cast %get3A_77 : vector<16xi32> to vector<16xi32>
    %and3A_79 = arith.constant 16383 : i32
    %and3A_80 = vector.broadcast %and3A_79 : i32 to vector<16xi32>
    %and3A_81 = arith.andi %get3A_78, %and3A_80 : vector<16xi32>
    %swap3A_82 = arith.constant 0 : i32
    %swap3A_83 = arith.constant 0 : i32
    %swap3A_84 = tpu.memref_slice %arg7[%swap3A_82, %swap3A_83] : memref<2x128xi32, #tpu.memory_space<vmem>> -> memref<1x128xi32, #tpu.memory_space<vmem>>
    %swap3A_85 = tpu.memref_squeeze %swap3A_84 : memref<1x128xi32, #tpu.memory_space<vmem>> -> memref<128xi32, #tpu.memory_space<vmem>>
    %swap3A_86 = arith.constant 64 : index
    %swap3A_87 = tpu.vector_load %swap3A_85[%swap3A_86] {strides = array<i32>} : memref<128xi32, #tpu.memory_space<vmem>>, vector<16xi32>,
    %swap3A_88 = vector.shape_cast %swap3A_87 : vector<16xi32> to vector<16xi32>
    %swap3A_89 = vector.shape_cast %and3A_81 : vector<16xi32> to vector<16xi32>
    tpu.vector_store %swap3A_85[%swap3A_86], %swap3A_89 {strides = array<i32>} : memref<128xi32, #tpu.memory_space<vmem>>, vector<16xi32>,
    %get3A_90 = arith.constant 0 : i32
    %get3A_91 = arith.constant 0 : i32
    %get3A_92 = tpu.memref_slice %arg6[%get3A_90, %get3A_91] : memref<80x128xi32, #tpu.memory_space<vmem>> -> memref<1x128xi32, #tpu.memory_space<vmem>>
    %get3A_93 = tpu.memref_squeeze %get3A_92 : memref<1x128xi32, #tpu.memory_space<vmem>> -> memref<128xi32, #tpu.memory_space<vmem>>
    %get3A_94 = arith.constant 80 : index
    %get3A_95 = tpu.vector_load %get3A_93[%get3A_94] {strides = array<i32>} : memref<128xi32, #tpu.memory_space<vmem>>, vector<16xi32>,
    %get3A_96 = vector.shape_cast %get3A_95 : vector<16xi32> to vector<16xi32>
    %and3A_97 = arith.constant 16383 : i32
    %and3A_98 = vector.broadcast %and3A_97 : i32 to vector<16xi32>
    %and3A_99 = arith.andi %get3A_96, %and3A_98 : vector<16xi32>
    %swap3A_100 = arith.constant 0 : i32
    %swap3A_101 = arith.constant 0 : i32
    %swap3A_102 = tpu.memref_slice %arg7[%swap3A_100, %swap3A_101] : memref<2x128xi32, #tpu.memory_space<vmem>> -> memref<1x128xi32, #tpu.memory_space<vmem>>
    %swap3A_103 = tpu.memref_squeeze %swap3A_102 : memref<1x128xi32, #tpu.memory_space<vmem>> -> memref<128xi32, #tpu.memory_space<vmem>>
    %swap3A_104 = arith.constant 80 : index
    %swap3A_105 = tpu.vector_load %swap3A_103[%swap3A_104] {strides = array<i32>} : memref<128xi32, #tpu.memory_space<vmem>>, vector<16xi32>,
    %swap3A_106 = vector.shape_cast %swap3A_105 : vector<16xi32> to vector<16xi32>
    %swap3A_107 = vector.shape_cast %and3A_99 : vector<16xi32> to vector<16xi32>
    tpu.vector_store %swap3A_103[%swap3A_104], %swap3A_107 {strides = array<i32>} : memref<128xi32, #tpu.memory_space<vmem>>, vector<16xi32>,
    %get3A_108 = arith.constant 0 : i32
    %get3A_109 = arith.constant 0 : i32
    %get3A_110 = tpu.memref_slice %arg6[%get3A_108, %get3A_109] : memref<80x128xi32, #tpu.memory_space<vmem>> -> memref<1x128xi32, #tpu.memory_space<vmem>>
    %get3A_111 = tpu.memref_squeeze %get3A_110 : memref<1x128xi32, #tpu.memory_space<vmem>> -> memref<128xi32, #tpu.memory_space<vmem>>
    %get3A_112 = arith.constant 96 : index
    %get3A_113 = tpu.vector_load %get3A_111[%get3A_112] {strides = array<i32>} : memref<128xi32, #tpu.memory_space<vmem>>, vector<16xi32>,
    %get3A_114 = vector.shape_cast %get3A_113 : vector<16xi32> to vector<16xi32>
    %and3A_115 = arith.constant 16383 : i32
    %and3A_116 = vector.broadcast %and3A_115 : i32 to vector<16xi32>
    %and3A_117 = arith.andi %get3A_114, %and3A_116 : vector<16xi32>
    %swap3A_118 = arith.constant 0 : i32
    %swap3A_119 = arith.constant 0 : i32
    %swap3A_120 = tpu.memref_slice %arg7[%swap3A_118, %swap3A_119] : memref<2x128xi32, #tpu.memory_space<vmem>> -> memref<1x128xi32, #tpu.memory_space<vmem>>
    %swap3A_121 = tpu.memref_squeeze %swap3A_120 : memref<1x128xi32, #tpu.memory_space<vmem>> -> memref<128xi32, #tpu.memory_space<vmem>>
    %swap3A_122 = arith.constant 96 : index
    %swap3A_123 = tpu.vector_load %swap3A_121[%swap3A_122] {strides = array<i32>} : memref<128xi32, #tpu.memory_space<vmem>>, vector<16xi32>,
    %swap3A_124 = vector.shape_cast %swap3A_123 : vector<16xi32> to vector<16xi32>
    %swap3A_125 = vector.shape_cast %and3A_117 : vector<16xi32> to vector<16xi32>
    tpu.vector_store %swap3A_121[%swap3A_122], %swap3A_125 {strides = array<i32>} : memref<128xi32, #tpu.memory_space<vmem>>, vector<16xi32>,
    %get3A_126 = arith.constant 0 : i32
    %get3A_127 = arith.constant 0 : i32
    %get3A_128 = tpu.memref_slice %arg6[%get3A_126, %get3A_127] : memref<80x128xi32, #tpu.memory_space<vmem>> -> memref<1x128xi32, #tpu.memory_space<vmem>>
    %get3A_129 = tpu.memref_squeeze %get3A_128 : memref<1x128xi32, #tpu.memory_space<vmem>> -> memref<128xi32, #tpu.memory_space<vmem>>
    %get3A_130 = arith.constant 112 : index
    %get3A_131 = tpu.vector_load %get3A_129[%get3A_130] {strides = array<i32>} : memref<128xi32, #tpu.memory_space<vmem>>, vector<16xi32>,
    %get3A_132 = vector.shape_cast %get3A_131 : vector<16xi32> to vector<16xi32>
    %and3A_133 = arith.constant 16383 : i32
    %and3A_134 = vector.broadcast %and3A_133 : i32 to vector<16xi32>
    %and3A_135 = arith.andi %get3A_132, %and3A_134 : vector<16xi32>
    %swap3A_136 = arith.constant 0 : i32
    %swap3A_137 = arith.constant 0 : i32
    %swap3A_138 = tpu.memref_slice %arg7[%swap3A_136, %swap3A_137] : memref<2x128xi32, #tpu.memory_space<vmem>> -> memref<1x128xi32, #tpu.memory_space<vmem>>
    %swap3A_139 = tpu.memref_squeeze %swap3A_138 : memref<1x128xi32, #tpu.memory_space<vmem>> -> memref<128xi32, #tpu.memory_space<vmem>>
    %swap3A_140 = arith.constant 112 : index
    %swap3A_141 = tpu.vector_load %swap3A_139[%swap3A_140] {strides = array<i32>} : memref<128xi32, #tpu.memory_space<vmem>>, vector<16xi32>,
    %swap3A_142 = vector.shape_cast %swap3A_141 : vector<16xi32> to vector<16xi32>
    %swap3A_143 = vector.shape_cast %and3A_135 : vector<16xi32> to vector<16xi32>
    tpu.vector_store %swap3A_139[%swap3A_140], %swap3A_143 {strides = array<i32>} : memref<128xi32, #tpu.memory_space<vmem>>, vector<16xi32>,
    %get3A_144 = arith.constant 0 : i32
    %get3A_145 = arith.constant 0 : i32
    %get3A_146 = tpu.memref_slice %arg6[%get3A_144, %get3A_145] : memref<80x128xi32, #tpu.memory_space<vmem>> -> memref<1x128xi32, #tpu.memory_space<vmem>>
    %get3A_147 = tpu.memref_squeeze %get3A_146 : memref<1x128xi32, #tpu.memory_space<vmem>> -> memref<128xi32, #tpu.memory_space<vmem>>
    %get3A_148 = arith.constant 0 : index
    %get3A_149 = tpu.vector_load %get3A_147[%get3A_148] {strides = array<i32>} : memref<128xi32, #tpu.memory_space<vmem>>, vector<16xi32>,
    %get3A_150 = vector.shape_cast %get3A_149 : vector<16xi32> to vector<16xi32>
    %shift_right_logical3A = arith.constant 14 : i32
    %shift_right_logical3A_151 = vector.broadcast %shift_right_logical3A : i32 to vector<16xi32>
    %shift_right_logical3A_152 = arith.shrui %get3A_150, %shift_right_logical3A_151 : vector<16xi32>
    %swap3A_153 = arith.constant 0 : i32
    %swap3A_154 = arith.constant 0 : i32
    %swap3A_155 = tpu.memref_slice %arg8[%swap3A_153, %swap3A_154] : memref<2x128xi32, #tpu.memory_space<vmem>> -> memref<1x128xi32, #tpu.memory_space<vmem>>
    %swap3A_156 = tpu.memref_squeeze %swap3A_155 : memref<1x128xi32, #tpu.memory_space<vmem>> -> memref<128xi32, #tpu.memory_space<vmem>>
    %swap3A_157 = arith.constant 0 : index
    %swap3A_158 = tpu.vector_load %swap3A_156[%swap3A_157] {strides = array<i32>} : memref<128xi32, #tpu.memory_space<vmem>>, vector<16xi32>,
    %swap3A_159 = vector.shape_cast %swap3A_158 : vector<16xi32> to vector<16xi32>
    %swap3A_160 = vector.shape_cast %shift_right_logical3A_152 : vector<16xi32> to vector<16xi32>
    tpu.vector_store %swap3A_156[%swap3A_157], %swap3A_160 {strides = array<i32>} : memref<128xi32, #tpu.memory_space<vmem>>, vector<16xi32>,
    %get3A_161 = arith.constant 0 : i32
    %get3A_162 = arith.constant 0 : i32
    %get3A_163 = tpu.memref_slice %arg6[%get3A_161, %get3A_162] : memref<80x128xi32, #tpu.memory_space<vmem>> -> memref<1x128xi32, #tpu.memory_space<vmem>>
    %get3A_164 = tpu.memref_squeeze %get3A_163 : memref<1x128xi32, #tpu.memory_space<vmem>> -> memref<128xi32, #tpu.memory_space<vmem>>
    %get3A_165 = arith.constant 16 : index
    %get3A_166 = tpu.vector_load %get3A_164[%get3A_165] {strides = array<i32>} : memref<128xi32, #tpu.memory_space<vmem>>, vector<16xi32>,
    %get3A_167 = vector.shape_cast %get3A_166 : vector<16xi32> to vector<16xi32>
    %shift_right_logical3A_168 = arith.constant 14 : i32
    %shift_right_logical3A_169 = vector.broadcast %shift_right_logical3A_168 : i32 to vector<16xi32>
    %shift_right_logical3A_170 = arith.shrui %get3A_167, %shift_right_logical3A_169 : vector<16xi32>
    %swap3A_171 = arith.constant 0 : i32
    %swap3A_172 = arith.constant 0 : i32
    %swap3A_173 = tpu.memref_slice %arg8[%swap3A_171, %swap3A_172] : memref<2x128xi32, #tpu.memory_space<vmem>> -> memref<1x128xi32, #tpu.memory_space<vmem>>
    %swap3A_174 = tpu.memref_squeeze %swap3A_173 : memref<1x128xi32, #tpu.memory_space<vmem>> -> memref<128xi32, #tpu.memory_space<vmem>>
    %swap3A_175 = arith.constant 16 : index
    %swap3A_176 = tpu.vector_load %swap3A_174[%swap3A_175] {strides = array<i32>} : memref<128xi32, #tpu.memory_space<vmem>>, vector<16xi32>,
    %swap3A_177 = vector.shape_cast %swap3A_176 : vector<16xi32> to vector<16xi32>
    %swap3A_178 = vector.shape_cast %shift_right_logical3A_170 : vector<16xi32> to vector<16xi32>
    tpu.vector_store %swap3A_174[%swap3A_175], %swap3A_178 {strides = array<i32>} : memref<128xi32, #tpu.memory_space<vmem>>, vector<16xi32>,
    %get3A_179 = arith.constant 0 : i32
    %get3A_180 = arith.constant 0 : i32
    %get3A_181 = tpu.memref_slice %arg6[%get3A_179, %get3A_180] : memref<80x128xi32, #tpu.memory_space<vmem>> -> memref<1x128xi32, #tpu.memory_space<vmem>>
    %get3A_182 = tpu.memref_squeeze %get3A_181 : memref<1x128xi32, #tpu.memory_space<vmem>> -> memref<128xi32, #tpu.memory_space<vmem>>
    %get3A_183 = arith.constant 32 : index
    %get3A_184 = tpu.vector_load %get3A_182[%get3A_183] {strides = array<i32>} : memref<128xi32, #tpu.memory_space<vmem>>, vector<16xi32>,
    %get3A_185 = vector.shape_cast %get3A_184 : vector<16xi32> to vector<16xi32>
    %shift_right_logical3A_186 = arith.constant 14 : i32
    %shift_right_logical3A_187 = vector.broadcast %shift_right_logical3A_186 : i32 to vector<16xi32>
    %shift_right_logical3A_188 = arith.shrui %get3A_185, %shift_right_logical3A_187 : vector<16xi32>
    %swap3A_189 = arith.constant 0 : i32
    %swap3A_190 = arith.constant 0 : i32
    %swap3A_191 = tpu.memref_slice %arg8[%swap3A_189, %swap3A_190] : memref<2x128xi32, #tpu.memory_space<vmem>> -> memref<1x128xi32, #tpu.memory_space<vmem>>
    %swap3A_192 = tpu.memref_squeeze %swap3A_191 : memref<1x128xi32, #tpu.memory_space<vmem>> -> memref<128xi32, #tpu.memory_space<vmem>>
    %swap3A_193 = arith.constant 32 : index
    %swap3A_194 = tpu.vector_load %swap3A_192[%swap3A_193] {strides = array<i32>} : memref<128xi32, #tpu.memory_space<vmem>>, vector<16xi32>,
    %swap3A_195 = vector.shape_cast %swap3A_194 : vector<16xi32> to vector<16xi32>
    %swap3A_196 = vector.shape_cast %shift_right_logical3A_188 : vector<16xi32> to vector<16xi32>
    tpu.vector_store %swap3A_192[%swap3A_193], %swap3A_196 {strides = array<i32>} : memref<128xi32, #tpu.memory_space<vmem>>, vector<16xi32>,
    %get3A_197 = arith.constant 0 : i32
    %get3A_198 = arith.constant 0 : i32
    %get3A_199 = tpu.memref_slice %arg6[%get3A_197, %get3A_198] : memref<80x128xi32, #tpu.memory_space<vmem>> -> memref<1x128xi32, #tpu.memory_space<vmem>>
    %get3A_200 = tpu.memref_squeeze %get3A_199 : memref<1x128xi32, #tpu.memory_space<vmem>> -> memref<128xi32, #tpu.memory_space<vmem>>
    %get3A_201 = arith.constant 48 : index
    %get3A_202 = tpu.vector_load %get3A_200[%get3A_201] {strides = array<i32>} : memref<128xi32, #tpu.memory_space<vmem>>, vector<16xi32>,
    %get3A_203 = vector.shape_cast %get3A_202 : vector<16xi32> to vector<16xi32>
    %shift_right_logical3A_204 = arith.constant 14 : i32
    %shift_right_logical3A_205 = vector.broadcast %shift_right_logical3A_204 : i32 to vector<16xi32>
    %shift_right_logical3A_206 = arith.shrui %get3A_203, %shift_right_logical3A_205 : vector<16xi32>
    %swap3A_207 = arith.constant 0 : i32
    %swap3A_208 = arith.constant 0 : i32
    %swap3A_209 = tpu.memref_slice %arg8[%swap3A_207, %swap3A_208] : memref<2x128xi32, #tpu.memory_space<vmem>> -> memref<1x128xi32, #tpu.memory_space<vmem>>
    %swap3A_210 = tpu.memref_squeeze %swap3A_209 : memref<1x128xi32, #tpu.memory_space<vmem>> -> memref<128xi32, #tpu.memory_space<vmem>>
    %swap3A_211 = arith.constant 48 : index
    %swap3A_212 = tpu.vector_load %swap3A_210[%swap3A_211] {strides = array<i32>} : memref<128xi32, #tpu.memory_space<vmem>>, vector<16xi32>,
    %swap3A_213 = vector.shape_cast %swap3A_212 : vector<16xi32> to vector<16xi32>
    %swap3A_214 = vector.shape_cast %shift_right_logical3A_206 : vector<16xi32> to vector<16xi32>
    tpu.vector_store %swap3A_210[%swap3A_211], %swap3A_214 {strides = array<i32>} : memref<128xi32, #tpu.memory_space<vmem>>, vector<16xi32>,
    %get3A_215 = arith.constant 0 : i32
    %get3A_216 = arith.constant 0 : i32
    %get3A_217 = tpu.memref_slice %arg6[%get3A_215, %get3A_216] : memref<80x128xi32, #tpu.memory_space<vmem>> -> memref<1x128xi32, #tpu.memory_space<vmem>>
    %get3A_218 = tpu.memref_squeeze %get3A_217 : memref<1x128xi32, #tpu.memory_space<vmem>> -> memref<128xi32, #tpu.memory_space<vmem>>
    %get3A_219 = arith.constant 64 : index
    %get3A_220 = tpu.vector_load %get3A_218[%get3A_219] {strides = array<i32>} : memref<128xi32, #tpu.memory_space<vmem>>, vector<16xi32>,
    %get3A_221 = vector.shape_cast %get3A_220 : vector<16xi32> to vector<16xi32>
    %shift_right_logical3A_222 = arith.constant 14 : i32
    %shift_right_logical3A_223 = vector.broadcast %shift_right_logical3A_222 : i32 to vector<16xi32>
    %shift_right_logical3A_224 = arith.shrui %get3A_221, %shift_right_logical3A_223 : vector<16xi32>
    %swap3A_225 = arith.constant 0 : i32
    %swap3A_226 = arith.constant 0 : i32
    %swap3A_227 = tpu.memref_slice %arg8[%swap3A_225, %swap3A_226] : memref<2x128xi32, #tpu.memory_space<vmem>> -> memref<1x128xi32, #tpu.memory_space<vmem>>
    %swap3A_228 = tpu.memref_squeeze %swap3A_227 : memref<1x128xi32, #tpu.memory_space<vmem>> -> memref<128xi32, #tpu.memory_space<vmem>>
    %swap3A_229 = arith.constant 64 : index
    %swap3A_230 = tpu.vector_load %swap3A_228[%swap3A_229] {strides = array<i32>} : memref<128xi32, #tpu.memory_space<vmem>>, vector<16xi32>,
    %swap3A_231 = vector.shape_cast %swap3A_230 : vector<16xi32> to vector<16xi32>
    %swap3A_232 = vector.shape_cast %shift_right_logical3A_224 : vector<16xi32> to vector<16xi32>
    tpu.vector_store %swap3A_228[%swap3A_229], %swap3A_232 {strides = array<i32>} : memref<128xi32, #tpu.memory_space<vmem>>, vector<16xi32>,
    %get3A_233 = arith.constant 0 : i32
    %get3A_234 = arith.constant 0 : i32
    %get3A_235 = tpu.memref_slice %arg6[%get3A_233, %get3A_234] : memref<80x128xi32, #tpu.memory_space<vmem>> -> memref<1x128xi32, #tpu.memory_space<vmem>>
    %get3A_236 = tpu.memref_squeeze %get3A_235 : memref<1x128xi32, #tpu.memory_space<vmem>> -> memref<128xi32, #tpu.memory_space<vmem>>
    %get3A_237 = arith.constant 80 : index
    %get3A_238 = tpu.vector_load %get3A_236[%get3A_237] {strides = array<i32>} : memref<128xi32, #tpu.memory_space<vmem>>, vector<16xi32>,
    %get3A_239 = vector.shape_cast %get3A_238 : vector<16xi32> to vector<16xi32>
    %shift_right_logical3A_240 = arith.constant 14 : i32
    %shift_right_logical3A_241 = vector.broadcast %shift_right_logical3A_240 : i32 to vector<16xi32>
    %shift_right_logical3A_242 = arith.shrui %get3A_239, %shift_right_logical3A_241 : vector<16xi32>
    %swap3A_243 = arith.constant 0 : i32
    %swap3A_244 = arith.constant 0 : i32
    %swap3A_245 = tpu.memref_slice %arg8[%swap3A_243, %swap3A_244] : memref<2x128xi32, #tpu.memory_space<vmem>> -> memref<1x128xi32, #tpu.memory_space<vmem>>
    %swap3A_246 = tpu.memref_squeeze %swap3A_245 : memref<1x128xi32, #tpu.memory_space<vmem>> -> memref<128xi32, #tpu.memory_space<vmem>>
    %swap3A_247 = arith.constant 80 : index
    %swap3A_248 = tpu.vector_load %swap3A_246[%swap3A_247] {strides = array<i32>} : memref<128xi32, #tpu.memory_space<vmem>>, vector<16xi32>,
    %swap3A_249 = vector.shape_cast %swap3A_248 : vector<16xi32> to vector<16xi32>
    %swap3A_250 = vector.shape_cast %shift_right_logical3A_242 : vector<16xi32> to vector<16xi32>
    tpu.vector_store %swap3A_246[%swap3A_247], %swap3A_250 {strides = array<i32>} : memref<128xi32, #tpu.memory_space<vmem>>, vector<16xi32>,
    %get3A_251 = arith.constant 0 : i32
    %get3A_252 = arith.constant 0 : i32
    %get3A_253 = tpu.memref_slice %arg6[%get3A_251, %get3A_252] : memref<80x128xi32, #tpu.memory_space<vmem>> -> memref<1x128xi32, #tpu.memory_space<vmem>>
    %get3A_254 = tpu.memref_squeeze %get3A_253 : memref<1x128xi32, #tpu.memory_space<vmem>> -> memref<128xi32, #tpu.memory_space<vmem>>
    %get3A_255 = arith.constant 96 : index
    %get3A_256 = tpu.vector_load %get3A_254[%get3A_255] {strides = array<i32>} : memref<128xi32, #tpu.memory_space<vmem>>, vector<16xi32>,
    %get3A_257 = vector.shape_cast %get3A_256 : vector<16xi32> to vector<16xi32>
    %shift_right_logical3A_258 = arith.constant 14 : i32
    %shift_right_logical3A_259 = vector.broadcast %shift_right_logical3A_258 : i32 to vector<16xi32>
    %shift_right_logical3A_260 = arith.shrui %get3A_257, %shift_right_logical3A_259 : vector<16xi32>
    %swap3A_261 = arith.constant 0 : i32
    %swap3A_262 = arith.constant 0 : i32
    %swap3A_263 = tpu.memref_slice %arg8[%swap3A_261, %swap3A_262] : memref<2x128xi32, #tpu.memory_space<vmem>> -> memref<1x128xi32, #tpu.memory_space<vmem>>
    %swap3A_264 = tpu.memref_squeeze %swap3A_263 : memref<1x128xi32, #tpu.memory_space<vmem>> -> memref<128xi32, #tpu.memory_space<vmem>>
    %swap3A_265 = arith.constant 96 : index
    %swap3A_266 = tpu.vector_load %swap3A_264[%swap3A_265] {strides = array<i32>} : memref<128xi32, #tpu.memory_space<vmem>>, vector<16xi32>,
    %swap3A_267 = vector.shape_cast %swap3A_266 : vector<16xi32> to vector<16xi32>
    %swap3A_268 = vector.shape_cast %shift_right_logical3A_260 : vector<16xi32> to vector<16xi32>
    tpu.vector_store %swap3A_264[%swap3A_265], %swap3A_268 {strides = array<i32>} : memref<128xi32, #tpu.memory_space<vmem>>, vector<16xi32>,
    %get3A_269 = arith.constant 0 : i32
    %get3A_270 = arith.constant 0 : i32
    %get3A_271 = tpu.memref_slice %arg6[%get3A_269, %get3A_270] : memref<80x128xi32, #tpu.memory_space<vmem>> -> memref<1x128xi32, #tpu.memory_space<vmem>>
    %get3A_272 = tpu.memref_squeeze %get3A_271 : memref<1x128xi32, #tpu.memory_space<vmem>> -> memref<128xi32, #tpu.memory_space<vmem>>
    %get3A_273 = arith.constant 112 : index
    %get3A_274 = tpu.vector_load %get3A_272[%get3A_273] {strides = array<i32>} : memref<128xi32, #tpu.memory_space<vmem>>, vector<16xi32>,
    %get3A_275 = vector.shape_cast %get3A_274 : vector<16xi32> to vector<16xi32>
    %shift_right_logical3A_276 = arith.constant 14 : i32
    %shift_right_logical3A_277 = vector.broadcast %shift_right_logical3A_276 : i32 to vector<16xi32>
    %shift_right_logical3A_278 = arith.shrui %get3A_275, %shift_right_logical3A_277 : vector<16xi32>
    %swap3A_279 = arith.constant 0 : i32
    %swap3A_280 = arith.constant 0 : i32
    %swap3A_281 = tpu.memref_slice %arg8[%swap3A_279, %swap3A_280] : memref<2x128xi32, #tpu.memory_space<vmem>> -> memref<1x128xi32, #tpu.memory_space<vmem>>
    %swap3A_282 = tpu.memref_squeeze %swap3A_281 : memref<1x128xi32, #tpu.memory_space<vmem>> -> memref<128xi32, #tpu.memory_space<vmem>>
    %swap3A_283 = arith.constant 112 : index
    %swap3A_284 = tpu.vector_load %swap3A_282[%swap3A_283] {strides = array<i32>} : memref<128xi32, #tpu.memory_space<vmem>>, vector<16xi32>,
    %swap3A_285 = vector.shape_cast %swap3A_284 : vector<16xi32> to vector<16xi32>
    %swap3A_286 = vector.shape_cast %shift_right_logical3A_278 : vector<16xi32> to vector<16xi32>
    tpu.vector_store %swap3A_282[%swap3A_283], %swap3A_286 {strides = array<i32>} : memref<128xi32, #tpu.memory_space<vmem>>, vector<16xi32>,
    %dma_start3A = arith.constant 0 : i32
    %dma_start3A_287 = arith.constant 0 : i32
    %dma_start3A_288 = arith.constant 0 : i32
    %dma_start3A_289 = arith.constant 0 : i32
    %dma_start3A_290 = tpu.memref_slice %arg9[%dma_start3A_287, %dma_start3A_288, %dma_start3A_289] : memref<2x128x128xf32, #tpu.memory_space<vmem>> -> memref<1x128x128xf32, #tpu.memory_space<vmem>>
    %dma_start3A_291 = tpu.memref_squeeze %dma_start3A_290 : memref<1x128x128xf32, #tpu.memory_space<vmem>> -> memref<128x128xf32, #tpu.memory_space<vmem>>
    %dma_start3A_292 = arith.constant 0 : i32
    %dma_start3A_293 = tpu.memref_slice %arg7[%dma_start3A, %dma_start3A_292] : memref<2x128xi32, #tpu.memory_space<vmem>> -> memref<1x128xi32, #tpu.memory_space<vmem>>
    %dma_start3A_294 = tpu.memref_squeeze %dma_start3A_293 : memref<1x128xi32, #tpu.memory_space<vmem>> -> memref<128xi32, #tpu.memory_space<vmem>>
    %dma_start3A_295 = arith.constant 0 : i32
    %dma_start3A_296 = arith.constant 0 : i32
    %dma_start3A_297 = tpu.memref_slice %arg2[%dma_start3A_295, %dma_start3A_296] : memref<10000x128xf32, #tpu.memory_space<hbm>> -> memref<10000x128xf32, #tpu.memory_space<hbm>>
    tpu.enqueue_indirect_dma source(%dma_start3A_297 : memref<10000x128xf32, #tpu.memory_space<hbm>>) target(%dma_start3A_291 : memref<128x128xf32, #tpu.memory_space<vmem>>) offsets(%dma_start3A_294 : memref<128xi32, #tpu.memory_space<vmem>>) semaphore(%arg10 : memref<!tpu.dma_semaphore, #tpu.memory_space<semaphore_mem>>)
    %scan3A = arith.constant 0 : i32
    %scan3A_298 = arith.constant 0 : i32
    %scan3A_299 = arith.constant 40 : i32
    %scan3A_300 = arith.addi %scan3A_298, %scan3A_299 : i32
    %scan3A_301 = arith.constant 1 : i32
    scf.for %scan3A_309 = %scan3A_298 to %scan3A_300 step %scan3A_301  : i32 {
      %mul3A_310 = arith.constant 2 : i32
      %mul3A_311 = arith.muli %mul3A_310, %scan3A_309 : i32
      %add3A_312 = arith.constant 1 : i32
      %add3A_313 = arith.addi %mul3A_311, %add3A_312 : i32
      %get3A_314 = arith.constant 0 : i32
      %get3A_315 = tpu.memref_slice %arg6[%add3A_313, %get3A_314] : memref<80x128xi32, #tpu.memory_space<vmem>> -> memref<1x128xi32, #tpu.memory_space<vmem>>
      %get3A_316 = tpu.memref_squeeze %get3A_315 : memref<1x128xi32, #tpu.memory_space<vmem>> -> memref<128xi32, #tpu.memory_space<vmem>>
      %get3A_317 = arith.constant 0 : index
      %get3A_318 = tpu.vector_load %get3A_316[%get3A_317] {strides = array<i32>} : memref<128xi32, #tpu.memory_space<vmem>>, vector<16xi32>,
      %get3A_319 = vector.shape_cast %get3A_318 : vector<16xi32> to vector<16xi32>
      %and3A_320 = arith.constant 16383 : i32
      %and3A_321 = vector.broadcast %and3A_320 : i32 to vector<16xi32>
      %and3A_322 = arith.andi %get3A_319, %and3A_321 : vector<16xi32>
      %swap3A_323 = arith.constant 1 : i32
      %swap3A_324 = arith.constant 0 : i32
      %swap3A_325 = tpu.memref_slice %arg7[%swap3A_323, %swap3A_324] : memref<2x128xi32, #tpu.memory_space<vmem>> -> memref<1x128xi32, #tpu.memory_space<vmem>>
      %swap3A_326 = tpu.memref_squeeze %swap3A_325 : memref<1x128xi32, #tpu.memory_space<vmem>> -> memref<128xi32, #tpu.memory_space<vmem>>
      %swap3A_327 = arith.constant 0 : index
      %swap3A_328 = tpu.vector_load %swap3A_326[%swap3A_327] {strides = array<i32>} : memref<128xi32, #tpu.memory_space<vmem>>, vector<16xi32>,
      %swap3A_329 = vector.shape_cast %swap3A_328 : vector<16xi32> to vector<16xi32>
      %swap3A_330 = vector.shape_cast %and3A_322 : vector<16xi32> to vector<16xi32>
      tpu.vector_store %swap3A_326[%swap3A_327], %swap3A_330 {strides = array<i32>} : memref<128xi32, #tpu.memory_space<vmem>>, vector<16xi32>,
      %get3A_331 = arith.constant 0 : i32
      %get3A_332 = tpu.memref_slice %arg6[%add3A_313, %get3A_331] : memref<80x128xi32, #tpu.memory_space<vmem>> -> memref<1x128xi32, #tpu.memory_space<vmem>>
      %get3A_333 = tpu.memref_squeeze %get3A_332 : memref<1x128xi32, #tpu.memory_space<vmem>> -> memref<128xi32, #tpu.memory_space<vmem>>
      %get3A_334 = arith.constant 16 : index
      %get3A_335 = tpu.vector_load %get3A_333[%get3A_334] {strides = array<i32>} : memref<128xi32, #tpu.memory_space<vmem>>, vector<16xi32>,
      %get3A_336 = vector.shape_cast %get3A_335 : vector<16xi32> to vector<16xi32>
      %and3A_337 = arith.constant 16383 : i32
      %and3A_338 = vector.broadcast %and3A_337 : i32 to vector<16xi32>
      %and3A_339 = arith.andi %get3A_336, %and3A_338 : vector<16xi32>
      %swap3A_340 = arith.constant 1 : i32
      %swap3A_341 = arith.constant 0 : i32
      %swap3A_342 = tpu.memref_slice %arg7[%swap3A_340, %swap3A_341] : memref<2x128xi32, #tpu.memory_space<vmem>> -> memref<1x128xi32, #tpu.memory_space<vmem>>
      %swap3A_343 = tpu.memref_squeeze %swap3A_342 : memref<1x128xi32, #tpu.memory_space<vmem>> -> memref<128xi32, #tpu.memory_space<vmem>>
      %swap3A_344 = arith.constant 16 : index
      %swap3A_345 = tpu.vector_load %swap3A_343[%swap3A_344] {strides = array<i32>} : memref<128xi32, #tpu.memory_space<vmem>>, vector<16xi32>,
      %swap3A_346 = vector.shape_cast %swap3A_345 : vector<16xi32> to vector<16xi32>
      %swap3A_347 = vector.shape_cast %and3A_339 : vector<16xi32> to vector<16xi32>
      tpu.vector_store %swap3A_343[%swap3A_344], %swap3A_347 {strides = array<i32>} : memref<128xi32, #tpu.memory_space<vmem>>, vector<16xi32>,
      %get3A_348 = arith.constant 0 : i32
      %get3A_349 = tpu.memref_slice %arg6[%add3A_313, %get3A_348] : memref<80x128xi32, #tpu.memory_space<vmem>> -> memref<1x128xi32, #tpu.memory_space<vmem>>
      %get3A_350 = tpu.memref_squeeze %get3A_349 : memref<1x128xi32, #tpu.memory_space<vmem>> -> memref<128xi32, #tpu.memory_space<vmem>>
      %get3A_351 = arith.constant 32 : index
      %get3A_352 = tpu.vector_load %get3A_350[%get3A_351] {strides = array<i32>} : memref<128xi32, #tpu.memory_space<vmem>>, vector<16xi32>,
      %get3A_353 = vector.shape_cast %get3A_352 : vector<16xi32> to vector<16xi32>
      %and3A_354 = arith.constant 16383 : i32
      %and3A_355 = vector.broadcast %and3A_354 : i32 to vector<16xi32>
      %and3A_356 = arith.andi %get3A_353, %and3A_355 : vector<16xi32>
      %swap3A_357 = arith.constant 1 : i32
      %swap3A_358 = arith.constant 0 : i32
      %swap3A_359 = tpu.memref_slice %arg7[%swap3A_357, %swap3A_358] : memref<2x128xi32, #tpu.memory_space<vmem>> -> memref<1x128xi32, #tpu.memory_space<vmem>>
      %swap3A_360 = tpu.memref_squeeze %swap3A_359 : memref<1x128xi32, #tpu.memory_space<vmem>> -> memref<128xi32, #tpu.memory_space<vmem>>
      %swap3A_361 = arith.constant 32 : index
      %swap3A_362 = tpu.vector_load %swap3A_360[%swap3A_361] {strides = array<i32>} : memref<128xi32, #tpu.memory_space<vmem>>, vector<16xi32>,
      %swap3A_363 = vector.shape_cast %swap3A_362 : vector<16xi32> to vector<16xi32>
      %swap3A_364 = vector.shape_cast %and3A_356 : vector<16xi32> to vector<16xi32>
      tpu.vector_store %swap3A_360[%swap3A_361], %swap3A_364 {strides = array<i32>} : memref<128xi32, #tpu.memory_space<vmem>>, vector<16xi32>,
      %get3A_365 = arith.constant 0 : i32
      %get3A_366 = tpu.memref_slice %arg6[%add3A_313, %get3A_365] : memref<80x128xi32, #tpu.memory_space<vmem>> -> memref<1x128xi32, #tpu.memory_space<vmem>>
      %get3A_367 = tpu.memref_squeeze %get3A_366 : memref<1x128xi32, #tpu.memory_space<vmem>> -> memref<128xi32, #tpu.memory_space<vmem>>
      %get3A_368 = arith.constant 48 : index
      %get3A_369 = tpu.vector_load %get3A_367[%get3A_368] {strides = array<i32>} : memref<128xi32, #tpu.memory_space<vmem>>, vector<16xi32>,
      %get3A_370 = vector.shape_cast %get3A_369 : vector<16xi32> to vector<16xi32>
      %and3A_371 = arith.constant 16383 : i32
      %and3A_372 = vector.broadcast %and3A_371 : i32 to vector<16xi32>
      %and3A_373 = arith.andi %get3A_370, %and3A_372 : vector<16xi32>
      %swap3A_374 = arith.constant 1 : i32
      %swap3A_375 = arith.constant 0 : i32
      %swap3A_376 = tpu.memref_slice %arg7[%swap3A_374, %swap3A_375] : memref<2x128xi32, #tpu.memory_space<vmem>> -> memref<1x128xi32, #tpu.memory_space<vmem>>
      %swap3A_377 = tpu.memref_squeeze %swap3A_376 : memref<1x128xi32, #tpu.memory_space<vmem>> -> memref<128xi32, #tpu.memory_space<vmem>>
      %swap3A_378 = arith.constant 48 : index
      %swap3A_379 = tpu.vector_load %swap3A_377[%swap3A_378] {strides = array<i32>} : memref<128xi32, #tpu.memory_space<vmem>>, vector<16xi32>,
      %swap3A_380 = vector.shape_cast %swap3A_379 : vector<16xi32> to vector<16xi32>
      %swap3A_381 = vector.shape_cast %and3A_373 : vector<16xi32> to vector<16xi32>
      tpu.vector_store %swap3A_377[%swap3A_378], %swap3A_381 {strides = array<i32>} : memref<128xi32, #tpu.memory_space<vmem>>, vector<16xi32>,
      %get3A_382 = arith.constant 0 : i32
      %get3A_383 = tpu.memref_slice %arg6[%add3A_313, %get3A_382] : memref<80x128xi32, #tpu.memory_space<vmem>> -> memref<1x128xi32, #tpu.memory_space<vmem>>
      %get3A_384 = tpu.memref_squeeze %get3A_383 : memref<1x128xi32, #tpu.memory_space<vmem>> -> memref<128xi32, #tpu.memory_space<vmem>>
      %get3A_385 = arith.constant 64 : index
      %get3A_386 = tpu.vector_load %get3A_384[%get3A_385] {strides = array<i32>} : memref<128xi32, #tpu.memory_space<vmem>>, vector<16xi32>,
      %get3A_387 = vector.shape_cast %get3A_386 : vector<16xi32> to vector<16xi32>
      %and3A_388 = arith.constant 16383 : i32
      %and3A_389 = vector.broadcast %and3A_388 : i32 to vector<16xi32>
      %and3A_390 = arith.andi %get3A_387, %and3A_389 : vector<16xi32>
      %swap3A_391 = arith.constant 1 : i32
      %swap3A_392 = arith.constant 0 : i32
      %swap3A_393 = tpu.memref_slice %arg7[%swap3A_391, %swap3A_392] : memref<2x128xi32, #tpu.memory_space<vmem>> -> memref<1x128xi32, #tpu.memory_space<vmem>>
      %swap3A_394 = tpu.memref_squeeze %swap3A_393 : memref<1x128xi32, #tpu.memory_space<vmem>> -> memref<128xi32, #tpu.memory_space<vmem>>
      %swap3A_395 = arith.constant 64 : index
      %swap3A_396 = tpu.vector_load %swap3A_394[%swap3A_395] {strides = array<i32>} : memref<128xi32, #tpu.memory_space<vmem>>, vector<16xi32>,
      %swap3A_397 = vector.shape_cast %swap3A_396 : vector<16xi32> to vector<16xi32>
      %swap3A_398 = vector.shape_cast %and3A_390 : vector<16xi32> to vector<16xi32>
      tpu.vector_store %swap3A_394[%swap3A_395], %swap3A_398 {strides = array<i32>} : memref<128xi32, #tpu.memory_space<vmem>>, vector<16xi32>,
      %get3A_399 = arith.constant 0 : i32
      %get3A_400 = tpu.memref_slice %arg6[%add3A_313, %get3A_399] : memref<80x128xi32, #tpu.memory_space<vmem>> -> memref<1x128xi32, #tpu.memory_space<vmem>>
      %get3A_401 = tpu.memref_squeeze %get3A_400 : memref<1x128xi32, #tpu.memory_space<vmem>> -> memref<128xi32, #tpu.memory_space<vmem>>
      %get3A_402 = arith.constant 80 : index
      %get3A_403 = tpu.vector_load %get3A_401[%get3A_402] {strides = array<i32>} : memref<128xi32, #tpu.memory_space<vmem>>, vector<16xi32>,
      %get3A_404 = vector.shape_cast %get3A_403 : vector<16xi32> to vector<16xi32>
      %and3A_405 = arith.constant 16383 : i32
      %and3A_406 = vector.broadcast %and3A_405 : i32 to vector<16xi32>
      %and3A_407 = arith.andi %get3A_404, %and3A_406 : vector<16xi32>
      %swap3A_408 = arith.constant 1 : i32
      %swap3A_409 = arith.constant 0 : i32
      %swap3A_410 = tpu.memref_slice %arg7[%swap3A_408, %swap3A_409] : memref<2x128xi32, #tpu.memory_space<vmem>> -> memref<1x128xi32, #tpu.memory_space<vmem>>
      %swap3A_411 = tpu.memref_squeeze %swap3A_410 : memref<1x128xi32, #tpu.memory_space<vmem>> -> memref<128xi32, #tpu.memory_space<vmem>>
      %swap3A_412 = arith.constant 80 : index
      %swap3A_413 = tpu.vector_load %swap3A_411[%swap3A_412] {strides = array<i32>} : memref<128xi32, #tpu.memory_space<vmem>>, vector<16xi32>,
      %swap3A_414 = vector.shape_cast %swap3A_413 : vector<16xi32> to vector<16xi32>
      %swap3A_415 = vector.shape_cast %and3A_407 : vector<16xi32> to vector<16xi32>
      tpu.vector_store %swap3A_411[%swap3A_412], %swap3A_415 {strides = array<i32>} : memref<128xi32, #tpu.memory_space<vmem>>, vector<16xi32>,
      %get3A_416 = arith.constant 0 : i32
      %get3A_417 = tpu.memref_slice %arg6[%add3A_313, %get3A_416] : memref<80x128xi32, #tpu.memory_space<vmem>> -> memref<1x128xi32, #tpu.memory_space<vmem>>
      %get3A_418 = tpu.memref_squeeze %get3A_417 : memref<1x128xi32, #tpu.memory_space<vmem>> -> memref<128xi32, #tpu.memory_space<vmem>>
      %get3A_419 = arith.constant 96 : index
      %get3A_420 = tpu.vector_load %get3A_418[%get3A_419] {strides = array<i32>} : memref<128xi32, #tpu.memory_space<vmem>>, vector<16xi32>,
      %get3A_421 = vector.shape_cast %get3A_420 : vector<16xi32> to vector<16xi32>
      %and3A_422 = arith.constant 16383 : i32
      %and3A_423 = vector.broadcast %and3A_422 : i32 to vector<16xi32>
      %and3A_424 = arith.andi %get3A_421, %and3A_423 : vector<16xi32>
      %swap3A_425 = arith.constant 1 : i32
      %swap3A_426 = arith.constant 0 : i32
      %swap3A_427 = tpu.memref_slice %arg7[%swap3A_425, %swap3A_426] : memref<2x128xi32, #tpu.memory_space<vmem>> -> memref<1x128xi32, #tpu.memory_space<vmem>>
      %swap3A_428 = tpu.memref_squeeze %swap3A_427 : memref<1x128xi32, #tpu.memory_space<vmem>> -> memref<128xi32, #tpu.memory_space<vmem>>
      %swap3A_429 = arith.constant 96 : index
      %swap3A_430 = tpu.vector_load %swap3A_428[%swap3A_429] {strides = array<i32>} : memref<128xi32, #tpu.memory_space<vmem>>, vector<16xi32>,
      %swap3A_431 = vector.shape_cast %swap3A_430 : vector<16xi32> to vector<16xi32>
      %swap3A_432 = vector.shape_cast %and3A_424 : vector<16xi32> to vector<16xi32>
      tpu.vector_store %swap3A_428[%swap3A_429], %swap3A_432 {strides = array<i32>} : memref<128xi32, #tpu.memory_space<vmem>>, vector<16xi32>,
      %get3A_433 = arith.constant 0 : i32
      %get3A_434 = tpu.memref_slice %arg6[%add3A_313, %get3A_433] : memref<80x128xi32, #tpu.memory_space<vmem>> -> memref<1x128xi32, #tpu.memory_space<vmem>>
      %get3A_435 = tpu.memref_squeeze %get3A_434 : memref<1x128xi32, #tpu.memory_space<vmem>> -> memref<128xi32, #tpu.memory_space<vmem>>
      %get3A_436 = arith.constant 112 : index
      %get3A_437 = tpu.vector_load %get3A_435[%get3A_436] {strides = array<i32>} : memref<128xi32, #tpu.memory_space<vmem>>, vector<16xi32>,
      %get3A_438 = vector.shape_cast %get3A_437 : vector<16xi32> to vector<16xi32>
      %and3A_439 = arith.constant 16383 : i32
      %and3A_440 = vector.broadcast %and3A_439 : i32 to vector<16xi32>
      %and3A_441 = arith.andi %get3A_438, %and3A_440 : vector<16xi32>
      %swap3A_442 = arith.constant 1 : i32
      %swap3A_443 = arith.constant 0 : i32
      %swap3A_444 = tpu.memref_slice %arg7[%swap3A_442, %swap3A_443] : memref<2x128xi32, #tpu.memory_space<vmem>> -> memref<1x128xi32, #tpu.memory_space<vmem>>
      %swap3A_445 = tpu.memref_squeeze %swap3A_444 : memref<1x128xi32, #tpu.memory_space<vmem>> -> memref<128xi32, #tpu.memory_space<vmem>>
      %swap3A_446 = arith.constant 112 : index
      %swap3A_447 = tpu.vector_load %swap3A_445[%swap3A_446] {strides = array<i32>} : memref<128xi32, #tpu.memory_space<vmem>>, vector<16xi32>,
      %swap3A_448 = vector.shape_cast %swap3A_447 : vector<16xi32> to vector<16xi32>
      %swap3A_449 = vector.shape_cast %and3A_441 : vector<16xi32> to vector<16xi32>
      tpu.vector_store %swap3A_445[%swap3A_446], %swap3A_449 {strides = array<i32>} : memref<128xi32, #tpu.memory_space<vmem>>, vector<16xi32>,
      %get3A_450 = arith.constant 0 : i32
      %get3A_451 = tpu.memref_slice %arg6[%add3A_313, %get3A_450] : memref<80x128xi32, #tpu.memory_space<vmem>> -> memref<1x128xi32, #tpu.memory_space<vmem>>
      %get3A_452 = tpu.memref_squeeze %get3A_451 : memref<1x128xi32, #tpu.memory_space<vmem>> -> memref<128xi32, #tpu.memory_space<vmem>>
      %get3A_453 = arith.constant 0 : index
      %get3A_454 = tpu.vector_load %get3A_452[%get3A_453] {strides = array<i32>} : memref<128xi32, #tpu.memory_space<vmem>>, vector<16xi32>,
      %get3A_455 = vector.shape_cast %get3A_454 : vector<16xi32> to vector<16xi32>
      %shift_right_logical3A_456 = arith.constant 14 : i32
      %shift_right_logical3A_457 = vector.broadcast %shift_right_logical3A_456 : i32 to vector<16xi32>
      %shift_right_logical3A_458 = arith.shrui %get3A_455, %shift_right_logical3A_457 : vector<16xi32>
      %swap3A_459 = arith.constant 1 : i32
      %swap3A_460 = arith.constant 0 : i32
      %swap3A_461 = tpu.memref_slice %arg8[%swap3A_459, %swap3A_460] : memref<2x128xi32, #tpu.memory_space<vmem>> -> memref<1x128xi32, #tpu.memory_space<vmem>>
      %swap3A_462 = tpu.memref_squeeze %swap3A_461 : memref<1x128xi32, #tpu.memory_space<vmem>> -> memref<128xi32, #tpu.memory_space<vmem>>
      %swap3A_463 = arith.constant 0 : index
      %swap3A_464 = tpu.vector_load %swap3A_462[%swap3A_463] {strides = array<i32>} : memref<128xi32, #tpu.memory_space<vmem>>, vector<16xi32>,
      %swap3A_465 = vector.shape_cast %swap3A_464 : vector<16xi32> to vector<16xi32>
      %swap3A_466 = vector.shape_cast %shift_right_logical3A_458 : vector<16xi32> to vector<16xi32>
      tpu.vector_store %swap3A_462[%swap3A_463], %swap3A_466 {strides = array<i32>} : memref<128xi32, #tpu.memory_space<vmem>>, vector<16xi32>,
      %get3A_467 = arith.constant 0 : i32
      %get3A_468 = tpu.memref_slice %arg6[%add3A_313, %get3A_467] : memref<80x128xi32, #tpu.memory_space<vmem>> -> memref<1x128xi32, #tpu.memory_space<vmem>>
      %get3A_469 = tpu.memref_squeeze %get3A_468 : memref<1x128xi32, #tpu.memory_space<vmem>> -> memref<128xi32, #tpu.memory_space<vmem>>
      %get3A_470 = arith.constant 16 : index
      %get3A_471 = tpu.vector_load %get3A_469[%get3A_470] {strides = array<i32>} : memref<128xi32, #tpu.memory_space<vmem>>, vector<16xi32>,
      %get3A_472 = vector.shape_cast %get3A_471 : vector<16xi32> to vector<16xi32>
      %shift_right_logical3A_473 = arith.constant 14 : i32
      %shift_right_logical3A_474 = vector.broadcast %shift_right_logical3A_473 : i32 to vector<16xi32>
      %shift_right_logical3A_475 = arith.shrui %get3A_472, %shift_right_logical3A_474 : vector<16xi32>
      %swap3A_476 = arith.constant 1 : i32
      %swap3A_477 = arith.constant 0 : i32
      %swap3A_478 = tpu.memref_slice %arg8[%swap3A_476, %swap3A_477] : memref<2x128xi32, #tpu.memory_space<vmem>> -> memref<1x128xi32, #tpu.memory_space<vmem>>
      %swap3A_479 = tpu.memref_squeeze %swap3A_478 : memref<1x128xi32, #tpu.memory_space<vmem>> -> memref<128xi32, #tpu.memory_space<vmem>>
      %swap3A_480 = arith.constant 16 : index
      %swap3A_481 = tpu.vector_load %swap3A_479[%swap3A_480] {strides = array<i32>} : memref<128xi32, #tpu.memory_space<vmem>>, vector<16xi32>,
      %swap3A_482 = vector.shape_cast %swap3A_481 : vector<16xi32> to vector<16xi32>
      %swap3A_483 = vector.shape_cast %shift_right_logical3A_475 : vector<16xi32> to vector<16xi32>
      tpu.vector_store %swap3A_479[%swap3A_480], %swap3A_483 {strides = array<i32>} : memref<128xi32, #tpu.memory_space<vmem>>, vector<16xi32>,
      %get3A_484 = arith.constant 0 : i32
      %get3A_485 = tpu.memref_slice %arg6[%add3A_313, %get3A_484] : memref<80x128xi32, #tpu.memory_space<vmem>> -> memref<1x128xi32, #tpu.memory_space<vmem>>
      %get3A_486 = tpu.memref_squeeze %get3A_485 : memref<1x128xi32, #tpu.memory_space<vmem>> -> memref<128xi32, #tpu.memory_space<vmem>>
      %get3A_487 = arith.constant 32 : index
      %get3A_488 = tpu.vector_load %get3A_486[%get3A_487] {strides = array<i32>} : memref<128xi32, #tpu.memory_space<vmem>>, vector<16xi32>,
      %get3A_489 = vector.shape_cast %get3A_488 : vector<16xi32> to vector<16xi32>
      %shift_right_logical3A_490 = arith.constant 14 : i32
      %shift_right_logical3A_491 = vector.broadcast %shift_right_logical3A_490 : i32 to vector<16xi32>
      %shift_right_logical3A_492 = arith.shrui %get3A_489, %shift_right_logical3A_491 : vector<16xi32>
      %swap3A_493 = arith.constant 1 : i32
      %swap3A_494 = arith.constant 0 : i32
      %swap3A_495 = tpu.memref_slice %arg8[%swap3A_493, %swap3A_494] : memref<2x128xi32, #tpu.memory_space<vmem>> -> memref<1x128xi32, #tpu.memory_space<vmem>>
      %swap3A_496 = tpu.memref_squeeze %swap3A_495 : memref<1x128xi32, #tpu.memory_space<vmem>> -> memref<128xi32, #tpu.memory_space<vmem>>
      %swap3A_497 = arith.constant 32 : index
      %swap3A_498 = tpu.vector_load %swap3A_496[%swap3A_497] {strides = array<i32>} : memref<128xi32, #tpu.memory_space<vmem>>, vector<16xi32>,
      %swap3A_499 = vector.shape_cast %swap3A_498 : vector<16xi32> to vector<16xi32>
      %swap3A_500 = vector.shape_cast %shift_right_logical3A_492 : vector<16xi32> to vector<16xi32>
      tpu.vector_store %swap3A_496[%swap3A_497], %swap3A_500 {strides = array<i32>} : memref<128xi32, #tpu.memory_space<vmem>>, vector<16xi32>,
      %get3A_501 = arith.constant 0 : i32
      %get3A_502 = tpu.memref_slice %arg6[%add3A_313, %get3A_501] : memref<80x128xi32, #tpu.memory_space<vmem>> -> memref<1x128xi32, #tpu.memory_space<vmem>>
      %get3A_503 = tpu.memref_squeeze %get3A_502 : memref<1x128xi32, #tpu.memory_space<vmem>> -> memref<128xi32, #tpu.memory_space<vmem>>
      %get3A_504 = arith.constant 48 : index
      %get3A_505 = tpu.vector_load %get3A_503[%get3A_504] {strides = array<i32>} : memref<128xi32, #tpu.memory_space<vmem>>, vector<16xi32>,
      %get3A_506 = vector.shape_cast %get3A_505 : vector<16xi32> to vector<16xi32>
      %shift_right_logical3A_507 = arith.constant 14 : i32
      %shift_right_logical3A_508 = vector.broadcast %shift_right_logical3A_507 : i32 to vector<16xi32>
      %shift_right_logical3A_509 = arith.shrui %get3A_506, %shift_right_logical3A_508 : vector<16xi32>
      %swap3A_510 = arith.constant 1 : i32
      %swap3A_511 = arith.constant 0 : i32
      %swap3A_512 = tpu.memref_slice %arg8[%swap3A_510, %swap3A_511] : memref<2x128xi32, #tpu.memory_space<vmem>> -> memref<1x128xi32, #tpu.memory_space<vmem>>
      %swap3A_513 = tpu.memref_squeeze %swap3A_512 : memref<1x128xi32, #tpu.memory_space<vmem>> -> memref<128xi32, #tpu.memory_space<vmem>>
      %swap3A_514 = arith.constant 48 : index
      %swap3A_515 = tpu.vector_load %swap3A_513[%swap3A_514] {strides = array<i32>} : memref<128xi32, #tpu.memory_space<vmem>>, vector<16xi32>,
      %swap3A_516 = vector.shape_cast %swap3A_515 : vector<16xi32> to vector<16xi32>
      %swap3A_517 = vector.shape_cast %shift_right_logical3A_509 : vector<16xi32> to vector<16xi32>
      tpu.vector_store %swap3A_513[%swap3A_514], %swap3A_517 {strides = array<i32>} : memref<128xi32, #tpu.memory_space<vmem>>, vector<16xi32>,
      %get3A_518 = arith.constant 0 : i32
      %get3A_519 = tpu.memref_slice %arg6[%add3A_313, %get3A_518] : memref<80x128xi32, #tpu.memory_space<vmem>> -> memref<1x128xi32, #tpu.memory_space<vmem>>
      %get3A_520 = tpu.memref_squeeze %get3A_519 : memref<1x128xi32, #tpu.memory_space<vmem>> -> memref<128xi32, #tpu.memory_space<vmem>>
      %get3A_521 = arith.constant 64 : index
      %get3A_522 = tpu.vector_load %get3A_520[%get3A_521] {strides = array<i32>} : memref<128xi32, #tpu.memory_space<vmem>>, vector<16xi32>,
      %get3A_523 = vector.shape_cast %get3A_522 : vector<16xi32> to vector<16xi32>
      %shift_right_logical3A_524 = arith.constant 14 : i32
      %shift_right_logical3A_525 = vector.broadcast %shift_right_logical3A_524 : i32 to vector<16xi32>
      %shift_right_logical3A_526 = arith.shrui %get3A_523, %shift_right_logical3A_525 : vector<16xi32>
      %swap3A_527 = arith.constant 1 : i32
      %swap3A_528 = arith.constant 0 : i32
      %swap3A_529 = tpu.memref_slice %arg8[%swap3A_527, %swap3A_528] : memref<2x128xi32, #tpu.memory_space<vmem>> -> memref<1x128xi32, #tpu.memory_space<vmem>>
      %swap3A_530 = tpu.memref_squeeze %swap3A_529 : memref<1x128xi32, #tpu.memory_space<vmem>> -> memref<128xi32, #tpu.memory_space<vmem>>
      %swap3A_531 = arith.constant 64 : index
      %swap3A_532 = tpu.vector_load %swap3A_530[%swap3A_531] {strides = array<i32>} : memref<128xi32, #tpu.memory_space<vmem>>, vector<16xi32>,
      %swap3A_533 = vector.shape_cast %swap3A_532 : vector<16xi32> to vector<16xi32>
      %swap3A_534 = vector.shape_cast %shift_right_logical3A_526 : vector<16xi32> to vector<16xi32>
      tpu.vector_store %swap3A_530[%swap3A_531], %swap3A_534 {strides = array<i32>} : memref<128xi32, #tpu.memory_space<vmem>>, vector<16xi32>,
      %get3A_535 = arith.constant 0 : i32
      %get3A_536 = tpu.memref_slice %arg6[%add3A_313, %get3A_535] : memref<80x128xi32, #tpu.memory_space<vmem>> -> memref<1x128xi32, #tpu.memory_space<vmem>>
      %get3A_537 = tpu.memref_squeeze %get3A_536 : memref<1x128xi32, #tpu.memory_space<vmem>> -> memref<128xi32, #tpu.memory_space<vmem>>
      %get3A_538 = arith.constant 80 : index
      %get3A_539 = tpu.vector_load %get3A_537[%get3A_538] {strides = array<i32>} : memref<128xi32, #tpu.memory_space<vmem>>, vector<16xi32>,
      %get3A_540 = vector.shape_cast %get3A_539 : vector<16xi32> to vector<16xi32>
      %shift_right_logical3A_541 = arith.constant 14 : i32
      %shift_right_logical3A_542 = vector.broadcast %shift_right_logical3A_541 : i32 to vector<16xi32>
      %shift_right_logical3A_543 = arith.shrui %get3A_540, %shift_right_logical3A_542 : vector<16xi32>
      %swap3A_544 = arith.constant 1 : i32
      %swap3A_545 = arith.constant 0 : i32
      %swap3A_546 = tpu.memref_slice %arg8[%swap3A_544, %swap3A_545] : memref<2x128xi32, #tpu.memory_space<vmem>> -> memref<1x128xi32, #tpu.memory_space<vmem>>
      %swap3A_547 = tpu.memref_squeeze %swap3A_546 : memref<1x128xi32, #tpu.memory_space<vmem>> -> memref<128xi32, #tpu.memory_space<vmem>>
      %swap3A_548 = arith.constant 80 : index
      %swap3A_549 = tpu.vector_load %swap3A_547[%swap3A_548] {strides = array<i32>} : memref<128xi32, #tpu.memory_space<vmem>>, vector<16xi32>,
      %swap3A_550 = vector.shape_cast %swap3A_549 : vector<16xi32> to vector<16xi32>
      %swap3A_551 = vector.shape_cast %shift_right_logical3A_543 : vector<16xi32> to vector<16xi32>
      tpu.vector_store %swap3A_547[%swap3A_548], %swap3A_551 {strides = array<i32>} : memref<128xi32, #tpu.memory_space<vmem>>, vector<16xi32>,
      %get3A_552 = arith.constant 0 : i32
      %get3A_553 = tpu.memref_slice %arg6[%add3A_313, %get3A_552] : memref<80x128xi32, #tpu.memory_space<vmem>> -> memref<1x128xi32, #tpu.memory_space<vmem>>
      %get3A_554 = tpu.memref_squeeze %get3A_553 : memref<1x128xi32, #tpu.memory_space<vmem>> -> memref<128xi32, #tpu.memory_space<vmem>>
      %get3A_555 = arith.constant 96 : index
      %get3A_556 = tpu.vector_load %get3A_554[%get3A_555] {strides = array<i32>} : memref<128xi32, #tpu.memory_space<vmem>>, vector<16xi32>,
      %get3A_557 = vector.shape_cast %get3A_556 : vector<16xi32> to vector<16xi32>
      %shift_right_logical3A_558 = arith.constant 14 : i32
      %shift_right_logical3A_559 = vector.broadcast %shift_right_logical3A_558 : i32 to vector<16xi32>
      %shift_right_logical3A_560 = arith.shrui %get3A_557, %shift_right_logical3A_559 : vector<16xi32>
      %swap3A_561 = arith.constant 1 : i32
      %swap3A_562 = arith.constant 0 : i32
      %swap3A_563 = tpu.memref_slice %arg8[%swap3A_561, %swap3A_562] : memref<2x128xi32, #tpu.memory_space<vmem>> -> memref<1x128xi32, #tpu.memory_space<vmem>>
      %swap3A_564 = tpu.memref_squeeze %swap3A_563 : memref<1x128xi32, #tpu.memory_space<vmem>> -> memref<128xi32, #tpu.memory_space<vmem>>
      %swap3A_565 = arith.constant 96 : index
      %swap3A_566 = tpu.vector_load %swap3A_564[%swap3A_565] {strides = array<i32>} : memref<128xi32, #tpu.memory_space<vmem>>, vector<16xi32>,
      %swap3A_567 = vector.shape_cast %swap3A_566 : vector<16xi32> to vector<16xi32>
      %swap3A_568 = vector.shape_cast %shift_right_logical3A_560 : vector<16xi32> to vector<16xi32>
      tpu.vector_store %swap3A_564[%swap3A_565], %swap3A_568 {strides = array<i32>} : memref<128xi32, #tpu.memory_space<vmem>>, vector<16xi32>,
      %get3A_569 = arith.constant 0 : i32
      %get3A_570 = tpu.memref_slice %arg6[%add3A_313, %get3A_569] : memref<80x128xi32, #tpu.memory_space<vmem>> -> memref<1x128xi32, #tpu.memory_space<vmem>>
      %get3A_571 = tpu.memref_squeeze %get3A_570 : memref<1x128xi32, #tpu.memory_space<vmem>> -> memref<128xi32, #tpu.memory_space<vmem>>
      %get3A_572 = arith.constant 112 : index
      %get3A_573 = tpu.vector_load %get3A_571[%get3A_572] {strides = array<i32>} : memref<128xi32, #tpu.memory_space<vmem>>, vector<16xi32>,
      %get3A_574 = vector.shape_cast %get3A_573 : vector<16xi32> to vector<16xi32>
      %shift_right_logical3A_575 = arith.constant 14 : i32
      %shift_right_logical3A_576 = vector.broadcast %shift_right_logical3A_575 : i32 to vector<16xi32>
      %shift_right_logical3A_577 = arith.shrui %get3A_574, %shift_right_logical3A_576 : vector<16xi32>
      %swap3A_578 = arith.constant 1 : i32
      %swap3A_579 = arith.constant 0 : i32
      %swap3A_580 = tpu.memref_slice %arg8[%swap3A_578, %swap3A_579] : memref<2x128xi32, #tpu.memory_space<vmem>> -> memref<1x128xi32, #tpu.memory_space<vmem>>
      %swap3A_581 = tpu.memref_squeeze %swap3A_580 : memref<1x128xi32, #tpu.memory_space<vmem>> -> memref<128xi32, #tpu.memory_space<vmem>>
      %swap3A_582 = arith.constant 112 : index
      %swap3A_583 = tpu.vector_load %swap3A_581[%swap3A_582] {strides = array<i32>} : memref<128xi32, #tpu.memory_space<vmem>>, vector<16xi32>,
      %swap3A_584 = vector.shape_cast %swap3A_583 : vector<16xi32> to vector<16xi32>
      %swap3A_585 = vector.shape_cast %shift_right_logical3A_577 : vector<16xi32> to vector<16xi32>
      tpu.vector_store %swap3A_581[%swap3A_582], %swap3A_585 {strides = array<i32>} : memref<128xi32, #tpu.memory_space<vmem>>, vector<16xi32>,
      %dma_wait3A = arith.constant 0 : i32
      %dma_wait3A_586 = arith.constant 0 : i32
      %dma_wait3A_587 = arith.constant 0 : i32
      %dma_wait3A_588 = arith.constant 0 : i32
      %dma_wait3A_589 = tpu.memref_slice %arg9[%dma_wait3A_586, %dma_wait3A_587, %dma_wait3A_588] : memref<2x128x128xf32, #tpu.memory_space<vmem>> -> memref<1x128x128xf32, #tpu.memory_space<vmem>>
      %dma_wait3A_590 = tpu.memref_squeeze %dma_wait3A_589 : memref<1x128x128xf32, #tpu.memory_space<vmem>> -> memref<128x128xf32, #tpu.memory_space<vmem>>
      %dma_wait3A_591 = arith.constant 0 : i32
      %dma_wait3A_592 = tpu.memref_slice %arg7[%dma_wait3A, %dma_wait3A_591] : memref<2x128xi32, #tpu.memory_space<vmem>> -> memref<1x128xi32, #tpu.memory_space<vmem>>
      %dma_wait3A_593 = tpu.memref_squeeze %dma_wait3A_592 : memref<1x128xi32, #tpu.memory_space<vmem>> -> memref<128xi32, #tpu.memory_space<vmem>>
      %dma_wait3A_594 = arith.constant 0 : i32
      %dma_wait3A_595 = arith.constant 0 : i32
      %dma_wait3A_596 = tpu.memref_slice %arg2[%dma_wait3A_594, %dma_wait3A_595] : memref<10000x128xf32, #tpu.memory_space<hbm>> -> memref<10000x128xf32, #tpu.memory_space<hbm>>
      tpu.wait_indirect_dma semaphore(%arg10 : memref<!tpu.dma_semaphore, #tpu.memory_space<semaphore_mem>>) src(%dma_wait3A_596 : memref<10000x128xf32, #tpu.memory_space<hbm>>) dst(%dma_wait3A_590 : memref<128x128xf32, #tpu.memory_space<vmem>>)
      %dma_start3A_597 = arith.constant 1 : i32
      %dma_start3A_598 = arith.constant 1 : i32
      %dma_start3A_599 = arith.constant 0 : i32
      %dma_start3A_600 = arith.constant 0 : i32
      %dma_start3A_601 = tpu.memref_slice %arg9[%dma_start3A_598, %dma_start3A_599, %dma_start3A_600] : memref<2x128x128xf32, #tpu.memory_space<vmem>> -> memref<1x128x128xf32, #tpu.memory_space<vmem>>
      %dma_start3A_602 = tpu.memref_squeeze %dma_start3A_601 : memref<1x128x128xf32, #tpu.memory_space<vmem>> -> memref<128x128xf32, #tpu.memory_space<vmem>>
      %dma_start3A_603 = arith.constant 0 : i32
      %dma_start3A_604 = tpu.memref_slice %arg7[%dma_start3A_597, %dma_start3A_603] : memref<2x128xi32, #tpu.memory_space<vmem>> -> memref<1x128xi32, #tpu.memory_space<vmem>>
      %dma_start3A_605 = tpu.memref_squeeze %dma_start3A_604 : memref<1x128xi32, #tpu.memory_space<vmem>> -> memref<128xi32, #tpu.memory_space<vmem>>
      %dma_start3A_606 = arith.constant 0 : i32
      %dma_start3A_607 = arith.constant 0 : i32
      %dma_start3A_608 = tpu.memref_slice %arg2[%dma_start3A_606, %dma_start3A_607] : memref<10000x128xf32, #tpu.memory_space<hbm>> -> memref<10000x128xf32, #tpu.memory_space<hbm>>
      tpu.enqueue_indirect_dma source(%dma_start3A_608 : memref<10000x128xf32, #tpu.memory_space<hbm>>) target(%dma_start3A_602 : memref<128x128xf32, #tpu.memory_space<vmem>>) offsets(%dma_start3A_605 : memref<128xi32, #tpu.memory_space<vmem>>) semaphore(%arg10 : memref<!tpu.dma_semaphore, #tpu.memory_space<semaphore_mem>>)
      %run_scoped3A = arith.constant 0 : i32
      %run_scoped3A_609 = arith.constant 0 : i32
      "tpu.region"() ({
        %run_scoped3A_637 = tpu.sem_alloc : memref<!tpu.dma_semaphore, #tpu.memory_space<semaphore_mem>>
        %dma_start3A_638 = arith.constant 0 : i32
        %dma_start3A_639 = arith.constant 0 : i32
        %dma_start3A_640 = tpu.memref_slice %arg9[%run_scoped3A, %dma_start3A_638, %dma_start3A_639] : memref<2x128x128xf32, #tpu.memory_space<vmem>> -> memref<1x128x128xf32, #tpu.memory_space<vmem>>
        %dma_start3A_641 = tpu.memref_squeeze %dma_start3A_640 : memref<1x128x128xf32, #tpu.memory_space<vmem>> -> memref<128x128xf32, #tpu.memory_space<vmem>>
        %dma_start3A_642 = arith.constant 0 : i32
        %dma_start3A_643 = tpu.memref_slice %arg8[%run_scoped3A_609, %dma_start3A_642] : memref<2x128xi32, #tpu.memory_space<vmem>> -> memref<1x128xi32, #tpu.memory_space<vmem>>
        %dma_start3A_644 = tpu.memref_squeeze %dma_start3A_643 : memref<1x128xi32, #tpu.memory_space<vmem>> -> memref<128xi32, #tpu.memory_space<vmem>>
        %dma_start3A_645 = arith.constant 0 : i32
        %dma_start3A_646 = arith.constant 0 : i32
        %dma_start3A_647 = tpu.memref_slice %arg11[%dma_start3A_645, %dma_start3A_646] : memref<10112x128xf32, #tpu.memory_space<vmem_shared>> -> memref<10112x128xf32, #tpu.memory_space<vmem_shared>>
        tpu.enqueue_indirect_dma source(%dma_start3A_641 : memref<128x128xf32, #tpu.memory_space<vmem>>) target(%dma_start3A_647 : memref<10112x128xf32, #tpu.memory_space<vmem_shared>>) offsets(%dma_start3A_644 : memref<128xi32, #tpu.memory_space<vmem>>) semaphore(%run_scoped3A_637 : memref<!tpu.dma_semaphore, #tpu.memory_space<semaphore_mem>>) {add = true}
        %dma_wait3A_648 = arith.constant 0 : i32
        %dma_wait3A_649 = arith.constant 0 : i32
        %dma_wait3A_650 = tpu.memref_slice %arg9[%run_scoped3A, %dma_wait3A_648, %dma_wait3A_649] : memref<2x128x128xf32, #tpu.memory_space<vmem>> -> memref<1x128x128xf32, #tpu.memory_space<vmem>>
        %dma_wait3A_651 = tpu.memref_squeeze %dma_wait3A_650 : memref<1x128x128xf32, #tpu.memory_space<vmem>> -> memref<128x128xf32, #tpu.memory_space<vmem>>
        %dma_wait3A_652 = arith.constant 0 : i32
        %dma_wait3A_653 = tpu.memref_slice %arg8[%run_scoped3A_609, %dma_wait3A_652] : memref<2x128xi32, #tpu.memory_space<vmem>> -> memref<1x128xi32, #tpu.memory_space<vmem>>
        %dma_wait3A_654 = tpu.memref_squeeze %dma_wait3A_653 : memref<1x128xi32, #tpu.memory_space<vmem>> -> memref<128xi32, #tpu.memory_space<vmem>>
        %dma_wait3A_655 = arith.constant 0 : i32
        %dma_wait3A_656 = arith.constant 0 : i32
        %dma_wait3A_657 = tpu.memref_slice %arg11[%dma_wait3A_655, %dma_wait3A_656] : memref<10112x128xf32, #tpu.memory_space<vmem_shared>> -> memref<10112x128xf32, #tpu.memory_space<vmem_shared>>
        tpu.wait_indirect_dma semaphore(%run_scoped3A_637 : memref<!tpu.dma_semaphore, #tpu.memory_space<semaphore_mem>>) src(%dma_wait3A_651 : memref<128x128xf32, #tpu.memory_space<vmem>>) dst(%dma_wait3A_657 : memref<10112x128xf32, #tpu.memory_space<vmem_shared>>)
        tpu.yield
      }) : () -> ()
      %add3A_610 = arith.constant 1 : i32
      %add3A_611 = arith.addi %add3A_313, %add3A_610 : i32
      %lt3A = arith.constant 80 : i32
      %lt3A_612 = arith.cmpi slt, %add3A_611, %lt3A : i32
      %convert_element_type3A_613 = arith.extui %lt3A_612 : i1 to i32
      %cond3A_614 = arith.constant 0 : i32
      %cond3A_615 = arith.cmpi ne, %convert_element_type3A_613, %cond3A_614 : i32
      scf.if %cond3A_615 {
        %add3A_637 = arith.constant 1 : i32
        %add3A_638 = arith.addi %add3A_313, %add3A_637 : i32
        %get3A_639 = arith.constant 0 : i32
        %get3A_640 = tpu.memref_slice %arg6[%add3A_638, %get3A_639] : memref<80x128xi32, #tpu.memory_space<vmem>> -> memref<1x128xi32, #tpu.memory_space<vmem>>
        %get3A_641 = tpu.memref_squeeze %get3A_640 : memref<1x128xi32, #tpu.memory_space<vmem>> -> memref<128xi32, #tpu.memory_space<vmem>>
        %get3A_642 = arith.constant 0 : index
        %get3A_643 = tpu.vector_load %get3A_641[%get3A_642] {strides = array<i32>} : memref<128xi32, #tpu.memory_space<vmem>>, vector<16xi32>,
        %get3A_644 = vector.shape_cast %get3A_643 : vector<16xi32> to vector<16xi32>
        %and3A_645 = arith.constant 16383 : i32
        %and3A_646 = vector.broadcast %and3A_645 : i32 to vector<16xi32>
        %and3A_647 = arith.andi %get3A_644, %and3A_646 : vector<16xi32>
        %swap3A_648 = arith.constant 0 : i32
        %swap3A_649 = arith.constant 0 : i32
        %swap3A_650 = tpu.memref_slice %arg7[%swap3A_648, %swap3A_649] : memref<2x128xi32, #tpu.memory_space<vmem>> -> memref<1x128xi32, #tpu.memory_space<vmem>>
        %swap3A_651 = tpu.memref_squeeze %swap3A_650 : memref<1x128xi32, #tpu.memory_space<vmem>> -> memref<128xi32, #tpu.memory_space<vmem>>
        %swap3A_652 = arith.constant 0 : index
        %swap3A_653 = tpu.vector_load %swap3A_651[%swap3A_652] {strides = array<i32>} : memref<128xi32, #tpu.memory_space<vmem>>, vector<16xi32>,
        %swap3A_654 = vector.shape_cast %swap3A_653 : vector<16xi32> to vector<16xi32>
        %swap3A_655 = vector.shape_cast %and3A_647 : vector<16xi32> to vector<16xi32>
        tpu.vector_store %swap3A_651[%swap3A_652], %swap3A_655 {strides = array<i32>} : memref<128xi32, #tpu.memory_space<vmem>>, vector<16xi32>,
        %get3A_656 = arith.constant 0 : i32
        %get3A_657 = tpu.memref_slice %arg6[%add3A_638, %get3A_656] : memref<80x128xi32, #tpu.memory_space<vmem>> -> memref<1x128xi32, #tpu.memory_space<vmem>>
        %get3A_658 = tpu.memref_squeeze %get3A_657 : memref<1x128xi32, #tpu.memory_space<vmem>> -> memref<128xi32, #tpu.memory_space<vmem>>
        %get3A_659 = arith.constant 16 : index
        %get3A_660 = tpu.vector_load %get3A_658[%get3A_659] {strides = array<i32>} : memref<128xi32, #tpu.memory_space<vmem>>, vector<16xi32>,
        %get3A_661 = vector.shape_cast %get3A_660 : vector<16xi32> to vector<16xi32>
        %and3A_662 = arith.constant 16383 : i32
        %and3A_663 = vector.broadcast %and3A_662 : i32 to vector<16xi32>
        %and3A_664 = arith.andi %get3A_661, %and3A_663 : vector<16xi32>
        %swap3A_665 = arith.constant 0 : i32
        %swap3A_666 = arith.constant 0 : i32
        %swap3A_667 = tpu.memref_slice %arg7[%swap3A_665, %swap3A_666] : memref<2x128xi32, #tpu.memory_space<vmem>> -> memref<1x128xi32, #tpu.memory_space<vmem>>
        %swap3A_668 = tpu.memref_squeeze %swap3A_667 : memref<1x128xi32, #tpu.memory_space<vmem>> -> memref<128xi32, #tpu.memory_space<vmem>>
        %swap3A_669 = arith.constant 16 : index
        %swap3A_670 = tpu.vector_load %swap3A_668[%swap3A_669] {strides = array<i32>} : memref<128xi32, #tpu.memory_space<vmem>>, vector<16xi32>,
        %swap3A_671 = vector.shape_cast %swap3A_670 : vector<16xi32> to vector<16xi32>
        %swap3A_672 = vector.shape_cast %and3A_664 : vector<16xi32> to vector<16xi32>
        tpu.vector_store %swap3A_668[%swap3A_669], %swap3A_672 {strides = array<i32>} : memref<128xi32, #tpu.memory_space<vmem>>, vector<16xi32>,
        %get3A_673 = arith.constant 0 : i32
        %get3A_674 = tpu.memref_slice %arg6[%add3A_638, %get3A_673] : memref<80x128xi32, #tpu.memory_space<vmem>> -> memref<1x128xi32, #tpu.memory_space<vmem>>
        %get3A_675 = tpu.memref_squeeze %get3A_674 : memref<1x128xi32, #tpu.memory_space<vmem>> -> memref<128xi32, #tpu.memory_space<vmem>>
        %get3A_676 = arith.constant 32 : index
        %get3A_677 = tpu.vector_load %get3A_675[%get3A_676] {strides = array<i32>} : memref<128xi32, #tpu.memory_space<vmem>>, vector<16xi32>,
        %get3A_678 = vector.shape_cast %get3A_677 : vector<16xi32> to vector<16xi32>
        %and3A_679 = arith.constant 16383 : i32
        %and3A_680 = vector.broadcast %and3A_679 : i32 to vector<16xi32>
        %and3A_681 = arith.andi %get3A_678, %and3A_680 : vector<16xi32>
        %swap3A_682 = arith.constant 0 : i32
        %swap3A_683 = arith.constant 0 : i32
        %swap3A_684 = tpu.memref_slice %arg7[%swap3A_682, %swap3A_683] : memref<2x128xi32, #tpu.memory_space<vmem>> -> memref<1x128xi32, #tpu.memory_space<vmem>>
        %swap3A_685 = tpu.memref_squeeze %swap3A_684 : memref<1x128xi32, #tpu.memory_space<vmem>> -> memref<128xi32, #tpu.memory_space<vmem>>
        %swap3A_686 = arith.constant 32 : index
        %swap3A_687 = tpu.vector_load %swap3A_685[%swap3A_686] {strides = array<i32>} : memref<128xi32, #tpu.memory_space<vmem>>, vector<16xi32>,
        %swap3A_688 = vector.shape_cast %swap3A_687 : vector<16xi32> to vector<16xi32>
        %swap3A_689 = vector.shape_cast %and3A_681 : vector<16xi32> to vector<16xi32>
        tpu.vector_store %swap3A_685[%swap3A_686], %swap3A_689 {strides = array<i32>} : memref<128xi32, #tpu.memory_space<vmem>>, vector<16xi32>,
        %get3A_690 = arith.constant 0 : i32
        %get3A_691 = tpu.memref_slice %arg6[%add3A_638, %get3A_690] : memref<80x128xi32, #tpu.memory_space<vmem>> -> memref<1x128xi32, #tpu.memory_space<vmem>>
        %get3A_692 = tpu.memref_squeeze %get3A_691 : memref<1x128xi32, #tpu.memory_space<vmem>> -> memref<128xi32, #tpu.memory_space<vmem>>
        %get3A_693 = arith.constant 48 : index
        %get3A_694 = tpu.vector_load %get3A_692[%get3A_693] {strides = array<i32>} : memref<128xi32, #tpu.memory_space<vmem>>, vector<16xi32>,
        %get3A_695 = vector.shape_cast %get3A_694 : vector<16xi32> to vector<16xi32>
        %and3A_696 = arith.constant 16383 : i32
        %and3A_697 = vector.broadcast %and3A_696 : i32 to vector<16xi32>
        %and3A_698 = arith.andi %get3A_695, %and3A_697 : vector<16xi32>
        %swap3A_699 = arith.constant 0 : i32
        %swap3A_700 = arith.constant 0 : i32
        %swap3A_701 = tpu.memref_slice %arg7[%swap3A_699, %swap3A_700] : memref<2x128xi32, #tpu.memory_space<vmem>> -> memref<1x128xi32, #tpu.memory_space<vmem>>
        %swap3A_702 = tpu.memref_squeeze %swap3A_701 : memref<1x128xi32, #tpu.memory_space<vmem>> -> memref<128xi32, #tpu.memory_space<vmem>>
        %swap3A_703 = arith.constant 48 : index
        %swap3A_704 = tpu.vector_load %swap3A_702[%swap3A_703] {strides = array<i32>} : memref<128xi32, #tpu.memory_space<vmem>>, vector<16xi32>,
        %swap3A_705 = vector.shape_cast %swap3A_704 : vector<16xi32> to vector<16xi32>
        %swap3A_706 = vector.shape_cast %and3A_698 : vector<16xi32> to vector<16xi32>
        tpu.vector_store %swap3A_702[%swap3A_703], %swap3A_706 {strides = array<i32>} : memref<128xi32, #tpu.memory_space<vmem>>, vector<16xi32>,
        %get3A_707 = arith.constant 0 : i32
        %get3A_708 = tpu.memref_slice %arg6[%add3A_638, %get3A_707] : memref<80x128xi32, #tpu.memory_space<vmem>> -> memref<1x128xi32, #tpu.memory_space<vmem>>
        %get3A_709 = tpu.memref_squeeze %get3A_708 : memref<1x128xi32, #tpu.memory_space<vmem>> -> memref<128xi32, #tpu.memory_space<vmem>>
        %get3A_710 = arith.constant 64 : index
        %get3A_711 = tpu.vector_load %get3A_709[%get3A_710] {strides = array<i32>} : memref<128xi32, #tpu.memory_space<vmem>>, vector<16xi32>,
        %get3A_712 = vector.shape_cast %get3A_711 : vector<16xi32> to vector<16xi32>
        %and3A_713 = arith.constant 16383 : i32
        %and3A_714 = vector.broadcast %and3A_713 : i32 to vector<16xi32>
        %and3A_715 = arith.andi %get3A_712, %and3A_714 : vector<16xi32>
        %swap3A_716 = arith.constant 0 : i32
        %swap3A_717 = arith.constant 0 : i32
        %swap3A_718 = tpu.memref_slice %arg7[%swap3A_716, %swap3A_717] : memref<2x128xi32, #tpu.memory_space<vmem>> -> memref<1x128xi32, #tpu.memory_space<vmem>>
        %swap3A_719 = tpu.memref_squeeze %swap3A_718 : memref<1x128xi32, #tpu.memory_space<vmem>> -> memref<128xi32, #tpu.memory_space<vmem>>
        %swap3A_720 = arith.constant 64 : index
        %swap3A_721 = tpu.vector_load %swap3A_719[%swap3A_720] {strides = array<i32>} : memref<128xi32, #tpu.memory_space<vmem>>, vector<16xi32>,
        %swap3A_722 = vector.shape_cast %swap3A_721 : vector<16xi32> to vector<16xi32>
        %swap3A_723 = vector.shape_cast %and3A_715 : vector<16xi32> to vector<16xi32>
        tpu.vector_store %swap3A_719[%swap3A_720], %swap3A_723 {strides = array<i32>} : memref<128xi32, #tpu.memory_space<vmem>>, vector<16xi32>,
        %get3A_724 = arith.constant 0 : i32
        %get3A_725 = tpu.memref_slice %arg6[%add3A_638, %get3A_724] : memref<80x128xi32, #tpu.memory_space<vmem>> -> memref<1x128xi32, #tpu.memory_space<vmem>>
        %get3A_726 = tpu.memref_squeeze %get3A_725 : memref<1x128xi32, #tpu.memory_space<vmem>> -> memref<128xi32, #tpu.memory_space<vmem>>
        %get3A_727 = arith.constant 80 : index
        %get3A_728 = tpu.vector_load %get3A_726[%get3A_727] {strides = array<i32>} : memref<128xi32, #tpu.memory_space<vmem>>, vector<16xi32>,
        %get3A_729 = vector.shape_cast %get3A_728 : vector<16xi32> to vector<16xi32>
        %and3A_730 = arith.constant 16383 : i32
        %and3A_731 = vector.broadcast %and3A_730 : i32 to vector<16xi32>
        %and3A_732 = arith.andi %get3A_729, %and3A_731 : vector<16xi32>
        %swap3A_733 = arith.constant 0 : i32
        %swap3A_734 = arith.constant 0 : i32
        %swap3A_735 = tpu.memref_slice %arg7[%swap3A_733, %swap3A_734] : memref<2x128xi32, #tpu.memory_space<vmem>> -> memref<1x128xi32, #tpu.memory_space<vmem>>
        %swap3A_736 = tpu.memref_squeeze %swap3A_735 : memref<1x128xi32, #tpu.memory_space<vmem>> -> memref<128xi32, #tpu.memory_space<vmem>>
        %swap3A_737 = arith.constant 80 : index
        %swap3A_738 = tpu.vector_load %swap3A_736[%swap3A_737] {strides = array<i32>} : memref<128xi32, #tpu.memory_space<vmem>>, vector<16xi32>,
        %swap3A_739 = vector.shape_cast %swap3A_738 : vector<16xi32> to vector<16xi32>
        %swap3A_740 = vector.shape_cast %and3A_732 : vector<16xi32> to vector<16xi32>
        tpu.vector_store %swap3A_736[%swap3A_737], %swap3A_740 {strides = array<i32>} : memref<128xi32, #tpu.memory_space<vmem>>, vector<16xi32>,
        %get3A_741 = arith.constant 0 : i32
        %get3A_742 = tpu.memref_slice %arg6[%add3A_638, %get3A_741] : memref<80x128xi32, #tpu.memory_space<vmem>> -> memref<1x128xi32, #tpu.memory_space<vmem>>
        %get3A_743 = tpu.memref_squeeze %get3A_742 : memref<1x128xi32, #tpu.memory_space<vmem>> -> memref<128xi32, #tpu.memory_space<vmem>>
        %get3A_744 = arith.constant 96 : index
        %get3A_745 = tpu.vector_load %get3A_743[%get3A_744] {strides = array<i32>} : memref<128xi32, #tpu.memory_space<vmem>>, vector<16xi32>,
        %get3A_746 = vector.shape_cast %get3A_745 : vector<16xi32> to vector<16xi32>
        %and3A_747 = arith.constant 16383 : i32
        %and3A_748 = vector.broadcast %and3A_747 : i32 to vector<16xi32>
        %and3A_749 = arith.andi %get3A_746, %and3A_748 : vector<16xi32>
        %swap3A_750 = arith.constant 0 : i32
        %swap3A_751 = arith.constant 0 : i32
        %swap3A_752 = tpu.memref_slice %arg7[%swap3A_750, %swap3A_751] : memref<2x128xi32, #tpu.memory_space<vmem>> -> memref<1x128xi32, #tpu.memory_space<vmem>>
        %swap3A_753 = tpu.memref_squeeze %swap3A_752 : memref<1x128xi32, #tpu.memory_space<vmem>> -> memref<128xi32, #tpu.memory_space<vmem>>
        %swap3A_754 = arith.constant 96 : index
        %swap3A_755 = tpu.vector_load %swap3A_753[%swap3A_754] {strides = array<i32>} : memref<128xi32, #tpu.memory_space<vmem>>, vector<16xi32>,
        %swap3A_756 = vector.shape_cast %swap3A_755 : vector<16xi32> to vector<16xi32>
        %swap3A_757 = vector.shape_cast %and3A_749 : vector<16xi32> to vector<16xi32>
        tpu.vector_store %swap3A_753[%swap3A_754], %swap3A_757 {strides = array<i32>} : memref<128xi32, #tpu.memory_space<vmem>>, vector<16xi32>,
        %get3A_758 = arith.constant 0 : i32
        %get3A_759 = tpu.memref_slice %arg6[%add3A_638, %get3A_758] : memref<80x128xi32, #tpu.memory_space<vmem>> -> memref<1x128xi32, #tpu.memory_space<vmem>>
        %get3A_760 = tpu.memref_squeeze %get3A_759 : memref<1x128xi32, #tpu.memory_space<vmem>> -> memref<128xi32, #tpu.memory_space<vmem>>
        %get3A_761 = arith.constant 112 : index
        %get3A_762 = tpu.vector_load %get3A_760[%get3A_761] {strides = array<i32>} : memref<128xi32, #tpu.memory_space<vmem>>, vector<16xi32>,
        %get3A_763 = vector.shape_cast %get3A_762 : vector<16xi32> to vector<16xi32>
        %and3A_764 = arith.constant 16383 : i32
        %and3A_765 = vector.broadcast %and3A_764 : i32 to vector<16xi32>
        %and3A_766 = arith.andi %get3A_763, %and3A_765 : vector<16xi32>
        %swap3A_767 = arith.constant 0 : i32
        %swap3A_768 = arith.constant 0 : i32
        %swap3A_769 = tpu.memref_slice %arg7[%swap3A_767, %swap3A_768] : memref<2x128xi32, #tpu.memory_space<vmem>> -> memref<1x128xi32, #tpu.memory_space<vmem>>
        %swap3A_770 = tpu.memref_squeeze %swap3A_769 : memref<1x128xi32, #tpu.memory_space<vmem>> -> memref<128xi32, #tpu.memory_space<vmem>>
        %swap3A_771 = arith.constant 112 : index
        %swap3A_772 = tpu.vector_load %swap3A_770[%swap3A_771] {strides = array<i32>} : memref<128xi32, #tpu.memory_space<vmem>>, vector<16xi32>,
        %swap3A_773 = vector.shape_cast %swap3A_772 : vector<16xi32> to vector<16xi32>
        %swap3A_774 = vector.shape_cast %and3A_766 : vector<16xi32> to vector<16xi32>
        tpu.vector_store %swap3A_770[%swap3A_771], %swap3A_774 {strides = array<i32>} : memref<128xi32, #tpu.memory_space<vmem>>, vector<16xi32>,
        %add3A_775 = arith.constant 1 : i32
        %add3A_776 = arith.addi %add3A_313, %add3A_775 : i32
        %get3A_777 = arith.constant 0 : i32
        %get3A_778 = tpu.memref_slice %arg6[%add3A_776, %get3A_777] : memref<80x128xi32, #tpu.memory_space<vmem>> -> memref<1x128xi32, #tpu.memory_space<vmem>>
        %get3A_779 = tpu.memref_squeeze %get3A_778 : memref<1x128xi32, #tpu.memory_space<vmem>> -> memref<128xi32, #tpu.memory_space<vmem>>
        %get3A_780 = arith.constant 0 : index
        %get3A_781 = tpu.vector_load %get3A_779[%get3A_780] {strides = array<i32>} : memref<128xi32, #tpu.memory_space<vmem>>, vector<16xi32>,
        %get3A_782 = vector.shape_cast %get3A_781 : vector<16xi32> to vector<16xi32>
        %shift_right_logical3A_783 = arith.constant 14 : i32
        %shift_right_logical3A_784 = vector.broadcast %shift_right_logical3A_783 : i32 to vector<16xi32>
        %shift_right_logical3A_785 = arith.shrui %get3A_782, %shift_right_logical3A_784 : vector<16xi32>
        %swap3A_786 = arith.constant 0 : i32
        %swap3A_787 = arith.constant 0 : i32
        %swap3A_788 = tpu.memref_slice %arg8[%swap3A_786, %swap3A_787] : memref<2x128xi32, #tpu.memory_space<vmem>> -> memref<1x128xi32, #tpu.memory_space<vmem>>
        %swap3A_789 = tpu.memref_squeeze %swap3A_788 : memref<1x128xi32, #tpu.memory_space<vmem>> -> memref<128xi32, #tpu.memory_space<vmem>>
        %swap3A_790 = arith.constant 0 : index
        %swap3A_791 = tpu.vector_load %swap3A_789[%swap3A_790] {strides = array<i32>} : memref<128xi32, #tpu.memory_space<vmem>>, vector<16xi32>,
        %swap3A_792 = vector.shape_cast %swap3A_791 : vector<16xi32> to vector<16xi32>
        %swap3A_793 = vector.shape_cast %shift_right_logical3A_785 : vector<16xi32> to vector<16xi32>
        tpu.vector_store %swap3A_789[%swap3A_790], %swap3A_793 {strides = array<i32>} : memref<128xi32, #tpu.memory_space<vmem>>, vector<16xi32>,
        %get3A_794 = arith.constant 0 : i32
        %get3A_795 = tpu.memref_slice %arg6[%add3A_776, %get3A_794] : memref<80x128xi32, #tpu.memory_space<vmem>> -> memref<1x128xi32, #tpu.memory_space<vmem>>
        %get3A_796 = tpu.memref_squeeze %get3A_795 : memref<1x128xi32, #tpu.memory_space<vmem>> -> memref<128xi32, #tpu.memory_space<vmem>>
        %get3A_797 = arith.constant 16 : index
        %get3A_798 = tpu.vector_load %get3A_796[%get3A_797] {strides = array<i32>} : memref<128xi32, #tpu.memory_space<vmem>>, vector<16xi32>,
        %get3A_799 = vector.shape_cast %get3A_798 : vector<16xi32> to vector<16xi32>
        %shift_right_logical3A_800 = arith.constant 14 : i32
        %shift_right_logical3A_801 = vector.broadcast %shift_right_logical3A_800 : i32 to vector<16xi32>
        %shift_right_logical3A_802 = arith.shrui %get3A_799, %shift_right_logical3A_801 : vector<16xi32>
        %swap3A_803 = arith.constant 0 : i32
        %swap3A_804 = arith.constant 0 : i32
        %swap3A_805 = tpu.memref_slice %arg8[%swap3A_803, %swap3A_804] : memref<2x128xi32, #tpu.memory_space<vmem>> -> memref<1x128xi32, #tpu.memory_space<vmem>>
        %swap3A_806 = tpu.memref_squeeze %swap3A_805 : memref<1x128xi32, #tpu.memory_space<vmem>> -> memref<128xi32, #tpu.memory_space<vmem>>
        %swap3A_807 = arith.constant 16 : index
        %swap3A_808 = tpu.vector_load %swap3A_806[%swap3A_807] {strides = array<i32>} : memref<128xi32, #tpu.memory_space<vmem>>, vector<16xi32>,
        %swap3A_809 = vector.shape_cast %swap3A_808 : vector<16xi32> to vector<16xi32>
        %swap3A_810 = vector.shape_cast %shift_right_logical3A_802 : vector<16xi32> to vector<16xi32>
        tpu.vector_store %swap3A_806[%swap3A_807], %swap3A_810 {strides = array<i32>} : memref<128xi32, #tpu.memory_space<vmem>>, vector<16xi32>,
        %get3A_811 = arith.constant 0 : i32
        %get3A_812 = tpu.memref_slice %arg6[%add3A_776, %get3A_811] : memref<80x128xi32, #tpu.memory_space<vmem>> -> memref<1x128xi32, #tpu.memory_space<vmem>>
        %get3A_813 = tpu.memref_squeeze %get3A_812 : memref<1x128xi32, #tpu.memory_space<vmem>> -> memref<128xi32, #tpu.memory_space<vmem>>
        %get3A_814 = arith.constant 32 : index
        %get3A_815 = tpu.vector_load %get3A_813[%get3A_814] {strides = array<i32>} : memref<128xi32, #tpu.memory_space<vmem>>, vector<16xi32>,
        %get3A_816 = vector.shape_cast %get3A_815 : vector<16xi32> to vector<16xi32>
        %shift_right_logical3A_817 = arith.constant 14 : i32
        %shift_right_logical3A_818 = vector.broadcast %shift_right_logical3A_817 : i32 to vector<16xi32>
        %shift_right_logical3A_819 = arith.shrui %get3A_816, %shift_right_logical3A_818 : vector<16xi32>
        %swap3A_820 = arith.constant 0 : i32
        %swap3A_821 = arith.constant 0 : i32
        %swap3A_822 = tpu.memref_slice %arg8[%swap3A_820, %swap3A_821] : memref<2x128xi32, #tpu.memory_space<vmem>> -> memref<1x128xi32, #tpu.memory_space<vmem>>
        %swap3A_823 = tpu.memref_squeeze %swap3A_822 : memref<1x128xi32, #tpu.memory_space<vmem>> -> memref<128xi32, #tpu.memory_space<vmem>>
        %swap3A_824 = arith.constant 32 : index
        %swap3A_825 = tpu.vector_load %swap3A_823[%swap3A_824] {strides = array<i32>} : memref<128xi32, #tpu.memory_space<vmem>>, vector<16xi32>,
        %swap3A_826 = vector.shape_cast %swap3A_825 : vector<16xi32> to vector<16xi32>
        %swap3A_827 = vector.shape_cast %shift_right_logical3A_819 : vector<16xi32> to vector<16xi32>
        tpu.vector_store %swap3A_823[%swap3A_824], %swap3A_827 {strides = array<i32>} : memref<128xi32, #tpu.memory_space<vmem>>, vector<16xi32>,
        %get3A_828 = arith.constant 0 : i32
        %get3A_829 = tpu.memref_slice %arg6[%add3A_776, %get3A_828] : memref<80x128xi32, #tpu.memory_space<vmem>> -> memref<1x128xi32, #tpu.memory_space<vmem>>
        %get3A_830 = tpu.memref_squeeze %get3A_829 : memref<1x128xi32, #tpu.memory_space<vmem>> -> memref<128xi32, #tpu.memory_space<vmem>>
        %get3A_831 = arith.constant 48 : index
        %get3A_832 = tpu.vector_load %get3A_830[%get3A_831] {strides = array<i32>} : memref<128xi32, #tpu.memory_space<vmem>>, vector<16xi32>,
        %get3A_833 = vector.shape_cast %get3A_832 : vector<16xi32> to vector<16xi32>
        %shift_right_logical3A_834 = arith.constant 14 : i32
        %shift_right_logical3A_835 = vector.broadcast %shift_right_logical3A_834 : i32 to vector<16xi32>
        %shift_right_logical3A_836 = arith.shrui %get3A_833, %shift_right_logical3A_835 : vector<16xi32>
        %swap3A_837 = arith.constant 0 : i32
        %swap3A_838 = arith.constant 0 : i32
        %swap3A_839 = tpu.memref_slice %arg8[%swap3A_837, %swap3A_838] : memref<2x128xi32, #tpu.memory_space<vmem>> -> memref<1x128xi32, #tpu.memory_space<vmem>>
        %swap3A_840 = tpu.memref_squeeze %swap3A_839 : memref<1x128xi32, #tpu.memory_space<vmem>> -> memref<128xi32, #tpu.memory_space<vmem>>
        %swap3A_841 = arith.constant 48 : index
        %swap3A_842 = tpu.vector_load %swap3A_840[%swap3A_841] {strides = array<i32>} : memref<128xi32, #tpu.memory_space<vmem>>, vector<16xi32>,
        %swap3A_843 = vector.shape_cast %swap3A_842 : vector<16xi32> to vector<16xi32>
        %swap3A_844 = vector.shape_cast %shift_right_logical3A_836 : vector<16xi32> to vector<16xi32>
        tpu.vector_store %swap3A_840[%swap3A_841], %swap3A_844 {strides = array<i32>} : memref<128xi32, #tpu.memory_space<vmem>>, vector<16xi32>,
        %get3A_845 = arith.constant 0 : i32
        %get3A_846 = tpu.memref_slice %arg6[%add3A_776, %get3A_845] : memref<80x128xi32, #tpu.memory_space<vmem>> -> memref<1x128xi32, #tpu.memory_space<vmem>>
        %get3A_847 = tpu.memref_squeeze %get3A_846 : memref<1x128xi32, #tpu.memory_space<vmem>> -> memref<128xi32, #tpu.memory_space<vmem>>
        %get3A_848 = arith.constant 64 : index
        %get3A_849 = tpu.vector_load %get3A_847[%get3A_848] {strides = array<i32>} : memref<128xi32, #tpu.memory_space<vmem>>, vector<16xi32>,
        %get3A_850 = vector.shape_cast %get3A_849 : vector<16xi32> to vector<16xi32>
        %shift_right_logical3A_851 = arith.constant 14 : i32
        %shift_right_logical3A_852 = vector.broadcast %shift_right_logical3A_851 : i32 to vector<16xi32>
        %shift_right_logical3A_853 = arith.shrui %get3A_850, %shift_right_logical3A_852 : vector<16xi32>
        %swap3A_854 = arith.constant 0 : i32
        %swap3A_855 = arith.constant 0 : i32
        %swap3A_856 = tpu.memref_slice %arg8[%swap3A_854, %swap3A_855] : memref<2x128xi32, #tpu.memory_space<vmem>> -> memref<1x128xi32, #tpu.memory_space<vmem>>
        %swap3A_857 = tpu.memref_squeeze %swap3A_856 : memref<1x128xi32, #tpu.memory_space<vmem>> -> memref<128xi32, #tpu.memory_space<vmem>>
        %swap3A_858 = arith.constant 64 : index
        %swap3A_859 = tpu.vector_load %swap3A_857[%swap3A_858] {strides = array<i32>} : memref<128xi32, #tpu.memory_space<vmem>>, vector<16xi32>,
        %swap3A_860 = vector.shape_cast %swap3A_859 : vector<16xi32> to vector<16xi32>
        %swap3A_861 = vector.shape_cast %shift_right_logical3A_853 : vector<16xi32> to vector<16xi32>
        tpu.vector_store %swap3A_857[%swap3A_858], %swap3A_861 {strides = array<i32>} : memref<128xi32, #tpu.memory_space<vmem>>, vector<16xi32>,
        %get3A_862 = arith.constant 0 : i32
        %get3A_863 = tpu.memref_slice %arg6[%add3A_776, %get3A_862] : memref<80x128xi32, #tpu.memory_space<vmem>> -> memref<1x128xi32, #tpu.memory_space<vmem>>
        %get3A_864 = tpu.memref_squeeze %get3A_863 : memref<1x128xi32, #tpu.memory_space<vmem>> -> memref<128xi32, #tpu.memory_space<vmem>>
        %get3A_865 = arith.constant 80 : index
        %get3A_866 = tpu.vector_load %get3A_864[%get3A_865] {strides = array<i32>} : memref<128xi32, #tpu.memory_space<vmem>>, vector<16xi32>,
        %get3A_867 = vector.shape_cast %get3A_866 : vector<16xi32> to vector<16xi32>
        %shift_right_logical3A_868 = arith.constant 14 : i32
        %shift_right_logical3A_869 = vector.broadcast %shift_right_logical3A_868 : i32 to vector<16xi32>
        %shift_right_logical3A_870 = arith.shrui %get3A_867, %shift_right_logical3A_869 : vector<16xi32>
        %swap3A_871 = arith.constant 0 : i32
        %swap3A_872 = arith.constant 0 : i32
        %swap3A_873 = tpu.memref_slice %arg8[%swap3A_871, %swap3A_872] : memref<2x128xi32, #tpu.memory_space<vmem>> -> memref<1x128xi32, #tpu.memory_space<vmem>>
        %swap3A_874 = tpu.memref_squeeze %swap3A_873 : memref<1x128xi32, #tpu.memory_space<vmem>> -> memref<128xi32, #tpu.memory_space<vmem>>
        %swap3A_875 = arith.constant 80 : index
        %swap3A_876 = tpu.vector_load %swap3A_874[%swap3A_875] {strides = array<i32>} : memref<128xi32, #tpu.memory_space<vmem>>, vector<16xi32>,
        %swap3A_877 = vector.shape_cast %swap3A_876 : vector<16xi32> to vector<16xi32>
        %swap3A_878 = vector.shape_cast %shift_right_logical3A_870 : vector<16xi32> to vector<16xi32>
        tpu.vector_store %swap3A_874[%swap3A_875], %swap3A_878 {strides = array<i32>} : memref<128xi32, #tpu.memory_space<vmem>>, vector<16xi32>,
        %get3A_879 = arith.constant 0 : i32
        %get3A_880 = tpu.memref_slice %arg6[%add3A_776, %get3A_879] : memref<80x128xi32, #tpu.memory_space<vmem>> -> memref<1x128xi32, #tpu.memory_space<vmem>>
        %get3A_881 = tpu.memref_squeeze %get3A_880 : memref<1x128xi32, #tpu.memory_space<vmem>> -> memref<128xi32, #tpu.memory_space<vmem>>
        %get3A_882 = arith.constant 96 : index
        %get3A_883 = tpu.vector_load %get3A_881[%get3A_882] {strides = array<i32>} : memref<128xi32, #tpu.memory_space<vmem>>, vector<16xi32>,
        %get3A_884 = vector.shape_cast %get3A_883 : vector<16xi32> to vector<16xi32>
        %shift_right_logical3A_885 = arith.constant 14 : i32
        %shift_right_logical3A_886 = vector.broadcast %shift_right_logical3A_885 : i32 to vector<16xi32>
        %shift_right_logical3A_887 = arith.shrui %get3A_884, %shift_right_logical3A_886 : vector<16xi32>
        %swap3A_888 = arith.constant 0 : i32
        %swap3A_889 = arith.constant 0 : i32
        %swap3A_890 = tpu.memref_slice %arg8[%swap3A_888, %swap3A_889] : memref<2x128xi32, #tpu.memory_space<vmem>> -> memref<1x128xi32, #tpu.memory_space<vmem>>
        %swap3A_891 = tpu.memref_squeeze %swap3A_890 : memref<1x128xi32, #tpu.memory_space<vmem>> -> memref<128xi32, #tpu.memory_space<vmem>>
        %swap3A_892 = arith.constant 96 : index
        %swap3A_893 = tpu.vector_load %swap3A_891[%swap3A_892] {strides = array<i32>} : memref<128xi32, #tpu.memory_space<vmem>>, vector<16xi32>,
        %swap3A_894 = vector.shape_cast %swap3A_893 : vector<16xi32> to vector<16xi32>
        %swap3A_895 = vector.shape_cast %shift_right_logical3A_887 : vector<16xi32> to vector<16xi32>
        tpu.vector_store %swap3A_891[%swap3A_892], %swap3A_895 {strides = array<i32>} : memref<128xi32, #tpu.memory_space<vmem>>, vector<16xi32>,
        %get3A_896 = arith.constant 0 : i32
        %get3A_897 = tpu.memref_slice %arg6[%add3A_776, %get3A_896] : memref<80x128xi32, #tpu.memory_space<vmem>> -> memref<1x128xi32, #tpu.memory_space<vmem>>
        %get3A_898 = tpu.memref_squeeze %get3A_897 : memref<1x128xi32, #tpu.memory_space<vmem>> -> memref<128xi32, #tpu.memory_space<vmem>>
        %get3A_899 = arith.constant 112 : index
        %get3A_900 = tpu.vector_load %get3A_898[%get3A_899] {strides = array<i32>} : memref<128xi32, #tpu.memory_space<vmem>>, vector<16xi32>,
        %get3A_901 = vector.shape_cast %get3A_900 : vector<16xi32> to vector<16xi32>
        %shift_right_logical3A_902 = arith.constant 14 : i32
        %shift_right_logical3A_903 = vector.broadcast %shift_right_logical3A_902 : i32 to vector<16xi32>
        %shift_right_logical3A_904 = arith.shrui %get3A_901, %shift_right_logical3A_903 : vector<16xi32>
        %swap3A_905 = arith.constant 0 : i32
        %swap3A_906 = arith.constant 0 : i32
        %swap3A_907 = tpu.memref_slice %arg8[%swap3A_905, %swap3A_906] : memref<2x128xi32, #tpu.memory_space<vmem>> -> memref<1x128xi32, #tpu.memory_space<vmem>>
        %swap3A_908 = tpu.memref_squeeze %swap3A_907 : memref<1x128xi32, #tpu.memory_space<vmem>> -> memref<128xi32, #tpu.memory_space<vmem>>
        %swap3A_909 = arith.constant 112 : index
        %swap3A_910 = tpu.vector_load %swap3A_908[%swap3A_909] {strides = array<i32>} : memref<128xi32, #tpu.memory_space<vmem>>, vector<16xi32>,
        %swap3A_911 = vector.shape_cast %swap3A_910 : vector<16xi32> to vector<16xi32>
        %swap3A_912 = vector.shape_cast %shift_right_logical3A_904 : vector<16xi32> to vector<16xi32>
        tpu.vector_store %swap3A_908[%swap3A_909], %swap3A_912 {strides = array<i32>} : memref<128xi32, #tpu.memory_space<vmem>>, vector<16xi32>,
      } else {
      }
      %dma_wait3A_616 = arith.constant 1 : i32
      %dma_wait3A_617 = arith.constant 1 : i32
      %dma_wait3A_618 = arith.constant 0 : i32
      %dma_wait3A_619 = arith.constant 0 : i32
      %dma_wait3A_620 = tpu.memref_slice %arg9[%dma_wait3A_617, %dma_wait3A_618, %dma_wait3A_619] : memref<2x128x128xf32, #tpu.memory_space<vmem>> -> memref<1x128x128xf32, #tpu.memory_space<vmem>>
      %dma_wait3A_621 = tpu.memref_squeeze %dma_wait3A_620 : memref<1x128x128xf32, #tpu.memory_space<vmem>> -> memref<128x128xf32, #tpu.memory_space<vmem>>
      %dma_wait3A_622 = arith.constant 0 : i32
      %dma_wait3A_623 = tpu.memref_slice %arg7[%dma_wait3A_616, %dma_wait3A_622] : memref<2x128xi32, #tpu.memory_space<vmem>> -> memref<1x128xi32, #tpu.memory_space<vmem>>
      %dma_wait3A_624 = tpu.memref_squeeze %dma_wait3A_623 : memref<1x128xi32, #tpu.memory_space<vmem>> -> memref<128xi32, #tpu.memory_space<vmem>>
      %dma_wait3A_625 = arith.constant 0 : i32
      %dma_wait3A_626 = arith.constant 0 : i32
      %dma_wait3A_627 = tpu.memref_slice %arg2[%dma_wait3A_625, %dma_wait3A_626] : memref<10000x128xf32, #tpu.memory_space<hbm>> -> memref<10000x128xf32, #tpu.memory_space<hbm>>
      tpu.wait_indirect_dma semaphore(%arg10 : memref<!tpu.dma_semaphore, #tpu.memory_space<semaphore_mem>>) src(%dma_wait3A_627 : memref<10000x128xf32, #tpu.memory_space<hbm>>) dst(%dma_wait3A_621 : memref<128x128xf32, #tpu.memory_space<vmem>>)
      %add3A_628 = arith.constant 1 : i32
      %add3A_629 = arith.addi %add3A_313, %add3A_628 : i32
      %lt3A_630 = arith.constant 80 : i32
      %lt3A_631 = arith.cmpi slt, %add3A_629, %lt3A_630 : i32
      %convert_element_type3A_632 = arith.extui %lt3A_631 : i1 to i32
      %cond3A_633 = arith.constant 0 : i32
      %cond3A_634 = arith.cmpi ne, %convert_element_type3A_632, %cond3A_633 : i32
      scf.if %cond3A_634 {
        %dma_start3A_637 = arith.constant 0 : i32
        %dma_start3A_638 = arith.constant 0 : i32
        %dma_start3A_639 = arith.constant 0 : i32
        %dma_start3A_640 = arith.constant 0 : i32
        %dma_start3A_641 = tpu.memref_slice %arg9[%dma_start3A_638, %dma_start3A_639, %dma_start3A_640] : memref<2x128x128xf32, #tpu.memory_space<vmem>> -> memref<1x128x128xf32, #tpu.memory_space<vmem>>
        %dma_start3A_642 = tpu.memref_squeeze %dma_start3A_641 : memref<1x128x128xf32, #tpu.memory_space<vmem>> -> memref<128x128xf32, #tpu.memory_space<vmem>>
        %dma_start3A_643 = arith.constant 0 : i32
        %dma_start3A_644 = tpu.memref_slice %arg7[%dma_start3A_637, %dma_start3A_643] : memref<2x128xi32, #tpu.memory_space<vmem>> -> memref<1x128xi32, #tpu.memory_space<vmem>>
        %dma_start3A_645 = tpu.memref_squeeze %dma_start3A_644 : memref<1x128xi32, #tpu.memory_space<vmem>> -> memref<128xi32, #tpu.memory_space<vmem>>
        %dma_start3A_646 = arith.constant 0 : i32
        %dma_start3A_647 = arith.constant 0 : i32
        %dma_start3A_648 = tpu.memref_slice %arg2[%dma_start3A_646, %dma_start3A_647] : memref<10000x128xf32, #tpu.memory_space<hbm>> -> memref<10000x128xf32, #tpu.memory_space<hbm>>
        tpu.enqueue_indirect_dma source(%dma_start3A_648 : memref<10000x128xf32, #tpu.memory_space<hbm>>) target(%dma_start3A_642 : memref<128x128xf32, #tpu.memory_space<vmem>>) offsets(%dma_start3A_645 : memref<128xi32, #tpu.memory_space<vmem>>) semaphore(%arg10 : memref<!tpu.dma_semaphore, #tpu.memory_space<semaphore_mem>>)
      } else {
      }
      %run_scoped3A_635 = arith.constant 1 : i32
      %run_scoped3A_636 = arith.constant 1 : i32
      "tpu.region"() ({
        %run_scoped3A_637 = tpu.sem_alloc : memref<!tpu.dma_semaphore, #tpu.memory_space<semaphore_mem>>
        %dma_start3A_638 = arith.constant 0 : i32
        %dma_start3A_639 = arith.constant 0 : i32
        %dma_start3A_640 = tpu.memref_slice %arg9[%run_scoped3A_635, %dma_start3A_638, %dma_start3A_639] : memref<2x128x128xf32, #tpu.memory_space<vmem>> -> memref<1x128x128xf32, #tpu.memory_space<vmem>>
        %dma_start3A_641 = tpu.memref_squeeze %dma_start3A_640 : memref<1x128x128xf32, #tpu.memory_space<vmem>> -> memref<128x128xf32, #tpu.memory_space<vmem>>
        %dma_start3A_642 = arith.constant 0 : i32
        %dma_start3A_643 = tpu.memref_slice %arg8[%run_scoped3A_636, %dma_start3A_642] : memref<2x128xi32, #tpu.memory_space<vmem>> -> memref<1x128xi32, #tpu.memory_space<vmem>>
        %dma_start3A_644 = tpu.memref_squeeze %dma_start3A_643 : memref<1x128xi32, #tpu.memory_space<vmem>> -> memref<128xi32, #tpu.memory_space<vmem>>
        %dma_start3A_645 = arith.constant 0 : i32
        %dma_start3A_646 = arith.constant 0 : i32
        %dma_start3A_647 = tpu.memref_slice %arg11[%dma_start3A_645, %dma_start3A_646] : memref<10112x128xf32, #tpu.memory_space<vmem_shared>> -> memref<10112x128xf32, #tpu.memory_space<vmem_shared>>
        tpu.enqueue_indirect_dma source(%dma_start3A_641 : memref<128x128xf32, #tpu.memory_space<vmem>>) target(%dma_start3A_647 : memref<10112x128xf32, #tpu.memory_space<vmem_shared>>) offsets(%dma_start3A_644 : memref<128xi32, #tpu.memory_space<vmem>>) semaphore(%run_scoped3A_637 : memref<!tpu.dma_semaphore, #tpu.memory_space<semaphore_mem>>) {add = true}
        %dma_wait3A_648 = arith.constant 0 : i32
        %dma_wait3A_649 = arith.constant 0 : i32
        %dma_wait3A_650 = tpu.memref_slice %arg9[%run_scoped3A_635, %dma_wait3A_648, %dma_wait3A_649] : memref<2x128x128xf32, #tpu.memory_space<vmem>> -> memref<1x128x128xf32, #tpu.memory_space<vmem>>
        %dma_wait3A_651 = tpu.memref_squeeze %dma_wait3A_650 : memref<1x128x128xf32, #tpu.memory_space<vmem>> -> memref<128x128xf32, #tpu.memory_space<vmem>>
        %dma_wait3A_652 = arith.constant 0 : i32
        %dma_wait3A_653 = tpu.memref_slice %arg8[%run_scoped3A_636, %dma_wait3A_652] : memref<2x128xi32, #tpu.memory_space<vmem>> -> memref<1x128xi32, #tpu.memory_space<vmem>>
        %dma_wait3A_654 = tpu.memref_squeeze %dma_wait3A_653 : memref<1x128xi32, #tpu.memory_space<vmem>> -> memref<128xi32, #tpu.memory_space<vmem>>
        %dma_wait3A_655 = arith.constant 0 : i32
        %dma_wait3A_656 = arith.constant 0 : i32
        %dma_wait3A_657 = tpu.memref_slice %arg11[%dma_wait3A_655, %dma_wait3A_656] : memref<10112x128xf32, #tpu.memory_space<vmem_shared>> -> memref<10112x128xf32, #tpu.memory_space<vmem_shared>>
        tpu.wait_indirect_dma semaphore(%run_scoped3A_637 : memref<!tpu.dma_semaphore, #tpu.memory_space<semaphore_mem>>) src(%dma_wait3A_651 : memref<128x128xf32, #tpu.memory_space<vmem>>) dst(%dma_wait3A_657 : memref<10112x128xf32, #tpu.memory_space<vmem_shared>>)
        tpu.yield
      }) : () -> ()
    }
    %scan3A_302 = arith.constant 40 : i32
    %barrier3A_303 = arith.constant 0 : index
    tpu.barrier barrier_id(%barrier3A_303)
    %eq3A_304 = arith.constant 0 : i32
    %eq3A_305 = arith.cmpi eq, %arg1, %eq3A_304 : i32
    %convert_element_type3A_306 = arith.extui %eq3A_305 : i1 to i32
    %cond3A_307 = arith.constant 0 : i32
    %cond3A_308 = arith.cmpi ne, %convert_element_type3A_306, %cond3A_307 : i32
    scf.if %cond3A_308 {
      "tpu.region"() ({
        %run_scoped3A = tpu.sem_alloc : memref<!tpu.dma_semaphore, #tpu.memory_space<semaphore_mem>>
        %dma_start3A_309 = arith.constant 0 : i32
        %dma_start3A_310 = arith.constant 0 : i32
        %dma_start3A_311 = tpu.memref_slice %arg5[%arg0, %dma_start3A_309, %dma_start3A_310] : memref<2x10112x128xf32, #tpu.memory_space<hbm>> -> memref<1x10112x128xf32, #tpu.memory_space<hbm>>
        %dma_start3A_312 = tpu.memref_squeeze %dma_start3A_311 : memref<1x10112x128xf32, #tpu.memory_space<hbm>> -> memref<10112x128xf32, #tpu.memory_space<hbm>>
        tpu.enqueue_dma source(%arg11 : memref<10112x128xf32, #tpu.memory_space<vmem_shared>>) target(%dma_start3A_312 : memref<10112x128xf32, #tpu.memory_space<hbm>>) target_semaphore(%run_scoped3A : memref<!tpu.dma_semaphore, #tpu.memory_space<semaphore_mem>>)
        %dma_wait3A = arith.constant 0 : i32
        %dma_wait3A_313 = arith.constant 0 : i32
        %dma_wait3A_314 = tpu.memref_slice %arg5[%arg0, %dma_wait3A, %dma_wait3A_313] : memref<2x10112x128xf32, #tpu.memory_space<hbm>> -> memref<1x10112x128xf32, #tpu.memory_space<hbm>>
        %dma_wait3A_315 = tpu.memref_squeeze %dma_wait3A_314 : memref<1x10112x128xf32, #tpu.memory_space<hbm>> -> memref<10112x128xf32, #tpu.memory_space<hbm>>
        tpu.wait_dma2 semaphore(%run_scoped3A : memref<!tpu.dma_semaphore, #tpu.memory_space<semaphore_mem>>) src(%arg11 : memref<10112x128xf32, #tpu.memory_space<vmem_shared>>) dst(%dma_wait3A_315 : memref<10112x128xf32, #tpu.memory_space<hbm>>)
        tpu.yield
      }) : () -> ()
    } else {
    }
    return
  }
}

#map = affine_map<(d0, d1) -> (0, 0)>
#map1 = affine_map<(d0, d1) -> (0, 0, 0)>
module attributes {stable_mosaic.version = 14 : i64} {
  func.func @_agg_body(%arg0: i32, %arg1: i32, %arg2: memref<10000x128xf32, #tpu.memory_space<hbm>>, %arg3: memref<32x80x128xi32, #tpu.memory_space<hbm>>, %arg4: memref<10112x128xf32, #tpu.memory_space<hbm>>, %arg5: memref<2x10112x128xf32, #tpu.memory_space<hbm>>, %arg6: memref<80x128xi32, #tpu.memory_space<vmem>>, %arg7: memref<2x128xi32, #tpu.memory_space<vmem>>, %arg8: memref<2x128xi32, #tpu.memory_space<vmem>>, %arg9: memref<2x128x128xf32, #tpu.memory_space<vmem>>, %arg10: memref<!tpu.dma_semaphore, #tpu.memory_space<semaphore_mem>>, %arg11: memref<10112x128xf32, #tpu.memory_space<vmem_shared>>) attributes {dimension_semantics = [#tpu.dimension_semantics<core_parallel>, #tpu.dimension_semantics<subcore_parallel>], iteration_bounds = array<i64: 2, 16>, scalar_prefetch = 0 : i64, scratch_operands = 6 : i64, tpu.core_type = #tpu.core_type<sc_vector_subcore>, window_params = [{transform_indices = #map}, {transform_indices = #map1}, {transform_indices = #map}, {transform_indices = #map1}]} {
    %mul3A = arith.constant 16 : i32
    %mul3A_0 = arith.muli %arg0, %mul3A : i32
    %add3A = arith.addi %mul3A_0, %arg1 : i32
    "tpu.region"() ({
      %run_scoped3A = tpu.sem_alloc : memref<!tpu.dma_semaphore, #tpu.memory_space<semaphore_mem>>
      %dma_start3A_309 = arith.constant 0 : i32
      %dma_start3A_310 = arith.constant 0 : i32
      %dma_start3A_311 = tpu.memref_slice %arg3[%add3A, %dma_start3A_309, %dma_start3A_310] : memref<32x80x128xi32, #tpu.memory_space<hbm>> -> memref<1x80x128xi32, #tpu.memory_space<hbm>>
      %dma_start3A_312 = tpu.memref_squeeze %dma_start3A_311 : memref<1x80x128xi32, #tpu.memory_space<hbm>> -> memref<80x128xi32, #tpu.memory_space<hbm>>
      %dma_start3A_313 = arith.constant 0 : i32
      %dma_start3A_314 = arith.constant 0 : i32
      %dma_start3A_315 = tpu.memref_slice %arg3[%add3A, %dma_start3A_313, %dma_start3A_314] : memref<32x80x128xi32, #tpu.memory_space<hbm>> -> memref<1x80x128xi32, #tpu.memory_space<hbm>>
      %dma_start3A_316 = tpu.memref_squeeze %dma_start3A_315 : memref<1x80x128xi32, #tpu.memory_space<hbm>> -> memref<80x128xi32, #tpu.memory_space<hbm>>
      tpu.enqueue_dma source(%dma_start3A_316 : memref<80x128xi32, #tpu.memory_space<hbm>>) target(%arg6 : memref<80x128xi32, #tpu.memory_space<vmem>>) target_semaphore(%run_scoped3A : memref<!tpu.dma_semaphore, #tpu.memory_space<semaphore_mem>>)
      %dma_wait3A = arith.constant 0 : i32
      %dma_wait3A_317 = arith.constant 0 : i32
      %dma_wait3A_318 = tpu.memref_slice %arg3[%add3A, %dma_wait3A, %dma_wait3A_317] : memref<32x80x128xi32, #tpu.memory_space<hbm>> -> memref<1x80x128xi32, #tpu.memory_space<hbm>>
      %dma_wait3A_319 = tpu.memref_squeeze %dma_wait3A_318 : memref<1x80x128xi32, #tpu.memory_space<hbm>> -> memref<80x128xi32, #tpu.memory_space<hbm>>
      %dma_wait3A_320 = arith.constant 0 : i32
      %dma_wait3A_321 = arith.constant 0 : i32
      %dma_wait3A_322 = tpu.memref_slice %arg3[%add3A, %dma_wait3A_320, %dma_wait3A_321] : memref<32x80x128xi32, #tpu.memory_space<hbm>> -> memref<1x80x128xi32, #tpu.memory_space<hbm>>
      %dma_wait3A_323 = tpu.memref_squeeze %dma_wait3A_322 : memref<1x80x128xi32, #tpu.memory_space<hbm>> -> memref<80x128xi32, #tpu.memory_space<hbm>>
      tpu.wait_dma2 semaphore(%run_scoped3A : memref<!tpu.dma_semaphore, #tpu.memory_space<semaphore_mem>>) src(%dma_wait3A_323 : memref<80x128xi32, #tpu.memory_space<hbm>>) dst(%arg6 : memref<80x128xi32, #tpu.memory_space<vmem>>)
      tpu.yield
    }) : () -> ()
    %eq3A = arith.constant 0 : i32
    %eq3A_1 = arith.cmpi eq, %arg1, %eq3A : i32
    %convert_element_type3A = arith.extui %eq3A_1 : i1 to i32
    %cond3A = arith.constant 0 : i32
    %cond3A_2 = arith.cmpi ne, %convert_element_type3A, %cond3A : i32
    scf.if %cond3A_2 {
      "tpu.region"() ({
        %run_scoped3A = tpu.sem_alloc : memref<!tpu.dma_semaphore, #tpu.memory_space<semaphore_mem>>
        tpu.enqueue_dma source(%arg4 : memref<10112x128xf32, #tpu.memory_space<hbm>>) target(%arg11 : memref<10112x128xf32, #tpu.memory_space<vmem_shared>>) target_semaphore(%run_scoped3A : memref<!tpu.dma_semaphore, #tpu.memory_space<semaphore_mem>>)
        tpu.wait_dma2 semaphore(%run_scoped3A : memref<!tpu.dma_semaphore, #tpu.memory_space<semaphore_mem>>) src(%arg4 : memref<10112x128xf32, #tpu.memory_space<hbm>>) dst(%arg11 : memref<10112x128xf32, #tpu.memory_space<vmem_shared>>)
        tpu.yield
      }) : () -> ()
    } else {
    }
    %barrier3A = arith.constant 0 : index
    tpu.barrier barrier_id(%barrier3A)
    %get3A = arith.constant 0 : i32
    %get3A_3 = arith.constant 0 : i32
    %get3A_4 = tpu.memref_slice %arg6[%get3A, %get3A_3] : memref<80x128xi32, #tpu.memory_space<vmem>> -> memref<1x128xi32, #tpu.memory_space<vmem>>
    %get3A_5 = tpu.memref_squeeze %get3A_4 : memref<1x128xi32, #tpu.memory_space<vmem>> -> memref<128xi32, #tpu.memory_space<vmem>>
    %get3A_6 = arith.constant 0 : index
    %get3A_7 = tpu.vector_load %get3A_5[%get3A_6] {strides = array<i32>} : memref<128xi32, #tpu.memory_space<vmem>>, vector<16xi32>,
    %get3A_8 = vector.shape_cast %get3A_7 : vector<16xi32> to vector<16xi32>
    %and3A = arith.constant 16383 : i32
    %and3A_9 = vector.broadcast %and3A : i32 to vector<16xi32>
    %and3A_10 = arith.andi %get3A_8, %and3A_9 : vector<16xi32>
    %swap3A = arith.constant 0 : i32
    %swap3A_11 = arith.constant 0 : i32
    %swap3A_12 = tpu.memref_slice %arg7[%swap3A, %swap3A_11] : memref<2x128xi32, #tpu.memory_space<vmem>> -> memref<1x128xi32, #tpu.memory_space<vmem>>
    %swap3A_13 = tpu.memref_squeeze %swap3A_12 : memref<1x128xi32, #tpu.memory_space<vmem>> -> memref<128xi32, #tpu.memory_space<vmem>>
    %swap3A_14 = arith.constant 0 : index
    %swap3A_15 = tpu.vector_load %swap3A_13[%swap3A_14] {strides = array<i32>} : memref<128xi32, #tpu.memory_space<vmem>>, vector<16xi32>,
    %swap3A_16 = vector.shape_cast %swap3A_15 : vector<16xi32> to vector<16xi32>
    %swap3A_17 = vector.shape_cast %and3A_10 : vector<16xi32> to vector<16xi32>
    tpu.vector_store %swap3A_13[%swap3A_14], %swap3A_17 {strides = array<i32>} : memref<128xi32, #tpu.memory_space<vmem>>, vector<16xi32>,
    %get3A_18 = arith.constant 0 : i32
    %get3A_19 = arith.constant 0 : i32
    %get3A_20 = tpu.memref_slice %arg6[%get3A_18, %get3A_19] : memref<80x128xi32, #tpu.memory_space<vmem>> -> memref<1x128xi32, #tpu.memory_space<vmem>>
    %get3A_21 = tpu.memref_squeeze %get3A_20 : memref<1x128xi32, #tpu.memory_space<vmem>> -> memref<128xi32, #tpu.memory_space<vmem>>
    %get3A_22 = arith.constant 16 : index
    %get3A_23 = tpu.vector_load %get3A_21[%get3A_22] {strides = array<i32>} : memref<128xi32, #tpu.memory_space<vmem>>, vector<16xi32>,
    %get3A_24 = vector.shape_cast %get3A_23 : vector<16xi32> to vector<16xi32>
    %and3A_25 = arith.constant 16383 : i32
    %and3A_26 = vector.broadcast %and3A_25 : i32 to vector<16xi32>
    %and3A_27 = arith.andi %get3A_24, %and3A_26 : vector<16xi32>
    %swap3A_28 = arith.constant 0 : i32
    %swap3A_29 = arith.constant 0 : i32
    %swap3A_30 = tpu.memref_slice %arg7[%swap3A_28, %swap3A_29] : memref<2x128xi32, #tpu.memory_space<vmem>> -> memref<1x128xi32, #tpu.memory_space<vmem>>
    %swap3A_31 = tpu.memref_squeeze %swap3A_30 : memref<1x128xi32, #tpu.memory_space<vmem>> -> memref<128xi32, #tpu.memory_space<vmem>>
    %swap3A_32 = arith.constant 16 : index
    %swap3A_33 = tpu.vector_load %swap3A_31[%swap3A_32] {strides = array<i32>} : memref<128xi32, #tpu.memory_space<vmem>>, vector<16xi32>,
    %swap3A_34 = vector.shape_cast %swap3A_33 : vector<16xi32> to vector<16xi32>
    %swap3A_35 = vector.shape_cast %and3A_27 : vector<16xi32> to vector<16xi32>
    tpu.vector_store %swap3A_31[%swap3A_32], %swap3A_35 {strides = array<i32>} : memref<128xi32, #tpu.memory_space<vmem>>, vector<16xi32>,
    %get3A_36 = arith.constant 0 : i32
    %get3A_37 = arith.constant 0 : i32
    %get3A_38 = tpu.memref_slice %arg6[%get3A_36, %get3A_37] : memref<80x128xi32, #tpu.memory_space<vmem>> -> memref<1x128xi32, #tpu.memory_space<vmem>>
    %get3A_39 = tpu.memref_squeeze %get3A_38 : memref<1x128xi32, #tpu.memory_space<vmem>> -> memref<128xi32, #tpu.memory_space<vmem>>
    %get3A_40 = arith.constant 32 : index
    %get3A_41 = tpu.vector_load %get3A_39[%get3A_40] {strides = array<i32>} : memref<128xi32, #tpu.memory_space<vmem>>, vector<16xi32>,
    %get3A_42 = vector.shape_cast %get3A_41 : vector<16xi32> to vector<16xi32>
    %and3A_43 = arith.constant 16383 : i32
    %and3A_44 = vector.broadcast %and3A_43 : i32 to vector<16xi32>
    %and3A_45 = arith.andi %get3A_42, %and3A_44 : vector<16xi32>
    %swap3A_46 = arith.constant 0 : i32
    %swap3A_47 = arith.constant 0 : i32
    %swap3A_48 = tpu.memref_slice %arg7[%swap3A_46, %swap3A_47] : memref<2x128xi32, #tpu.memory_space<vmem>> -> memref<1x128xi32, #tpu.memory_space<vmem>>
    %swap3A_49 = tpu.memref_squeeze %swap3A_48 : memref<1x128xi32, #tpu.memory_space<vmem>> -> memref<128xi32, #tpu.memory_space<vmem>>
    %swap3A_50 = arith.constant 32 : index
    %swap3A_51 = tpu.vector_load %swap3A_49[%swap3A_50] {strides = array<i32>} : memref<128xi32, #tpu.memory_space<vmem>>, vector<16xi32>,
    %swap3A_52 = vector.shape_cast %swap3A_51 : vector<16xi32> to vector<16xi32>
    %swap3A_53 = vector.shape_cast %and3A_45 : vector<16xi32> to vector<16xi32>
    tpu.vector_store %swap3A_49[%swap3A_50], %swap3A_53 {strides = array<i32>} : memref<128xi32, #tpu.memory_space<vmem>>, vector<16xi32>,
    %get3A_54 = arith.constant 0 : i32
    %get3A_55 = arith.constant 0 : i32
    %get3A_56 = tpu.memref_slice %arg6[%get3A_54, %get3A_55] : memref<80x128xi32, #tpu.memory_space<vmem>> -> memref<1x128xi32, #tpu.memory_space<vmem>>
    %get3A_57 = tpu.memref_squeeze %get3A_56 : memref<1x128xi32, #tpu.memory_space<vmem>> -> memref<128xi32, #tpu.memory_space<vmem>>
    %get3A_58 = arith.constant 48 : index
    %get3A_59 = tpu.vector_load %get3A_57[%get3A_58] {strides = array<i32>} : memref<128xi32, #tpu.memory_space<vmem>>, vector<16xi32>,
    %get3A_60 = vector.shape_cast %get3A_59 : vector<16xi32> to vector<16xi32>
    %and3A_61 = arith.constant 16383 : i32
    %and3A_62 = vector.broadcast %and3A_61 : i32 to vector<16xi32>
    %and3A_63 = arith.andi %get3A_60, %and3A_62 : vector<16xi32>
    %swap3A_64 = arith.constant 0 : i32
    %swap3A_65 = arith.constant 0 : i32
    %swap3A_66 = tpu.memref_slice %arg7[%swap3A_64, %swap3A_65] : memref<2x128xi32, #tpu.memory_space<vmem>> -> memref<1x128xi32, #tpu.memory_space<vmem>>
    %swap3A_67 = tpu.memref_squeeze %swap3A_66 : memref<1x128xi32, #tpu.memory_space<vmem>> -> memref<128xi32, #tpu.memory_space<vmem>>
    %swap3A_68 = arith.constant 48 : index
    %swap3A_69 = tpu.vector_load %swap3A_67[%swap3A_68] {strides = array<i32>} : memref<128xi32, #tpu.memory_space<vmem>>, vector<16xi32>,
    %swap3A_70 = vector.shape_cast %swap3A_69 : vector<16xi32> to vector<16xi32>
    %swap3A_71 = vector.shape_cast %and3A_63 : vector<16xi32> to vector<16xi32>
    tpu.vector_store %swap3A_67[%swap3A_68], %swap3A_71 {strides = array<i32>} : memref<128xi32, #tpu.memory_space<vmem>>, vector<16xi32>,
    %get3A_72 = arith.constant 0 : i32
    %get3A_73 = arith.constant 0 : i32
    %get3A_74 = tpu.memref_slice %arg6[%get3A_72, %get3A_73] : memref<80x128xi32, #tpu.memory_space<vmem>> -> memref<1x128xi32, #tpu.memory_space<vmem>>
    %get3A_75 = tpu.memref_squeeze %get3A_74 : memref<1x128xi32, #tpu.memory_space<vmem>> -> memref<128xi32, #tpu.memory_space<vmem>>
    %get3A_76 = arith.constant 64 : index
    %get3A_77 = tpu.vector_load %get3A_75[%get3A_76] {strides = array<i32>} : memref<128xi32, #tpu.memory_space<vmem>>, vector<16xi32>,
    %get3A_78 = vector.shape_cast %get3A_77 : vector<16xi32> to vector<16xi32>
    %and3A_79 = arith.constant 16383 : i32
    %and3A_80 = vector.broadcast %and3A_79 : i32 to vector<16xi32>
    %and3A_81 = arith.andi %get3A_78, %and3A_80 : vector<16xi32>
    %swap3A_82 = arith.constant 0 : i32
    %swap3A_83 = arith.constant 0 : i32
    %swap3A_84 = tpu.memref_slice %arg7[%swap3A_82, %swap3A_83] : memref<2x128xi32, #tpu.memory_space<vmem>> -> memref<1x128xi32, #tpu.memory_space<vmem>>
    %swap3A_85 = tpu.memref_squeeze %swap3A_84 : memref<1x128xi32, #tpu.memory_space<vmem>> -> memref<128xi32, #tpu.memory_space<vmem>>
    %swap3A_86 = arith.constant 64 : index
    %swap3A_87 = tpu.vector_load %swap3A_85[%swap3A_86] {strides = array<i32>} : memref<128xi32, #tpu.memory_space<vmem>>, vector<16xi32>,
    %swap3A_88 = vector.shape_cast %swap3A_87 : vector<16xi32> to vector<16xi32>
    %swap3A_89 = vector.shape_cast %and3A_81 : vector<16xi32> to vector<16xi32>
    tpu.vector_store %swap3A_85[%swap3A_86], %swap3A_89 {strides = array<i32>} : memref<128xi32, #tpu.memory_space<vmem>>, vector<16xi32>,
    %get3A_90 = arith.constant 0 : i32
    %get3A_91 = arith.constant 0 : i32
    %get3A_92 = tpu.memref_slice %arg6[%get3A_90, %get3A_91] : memref<80x128xi32, #tpu.memory_space<vmem>> -> memref<1x128xi32, #tpu.memory_space<vmem>>
    %get3A_93 = tpu.memref_squeeze %get3A_92 : memref<1x128xi32, #tpu.memory_space<vmem>> -> memref<128xi32, #tpu.memory_space<vmem>>
    %get3A_94 = arith.constant 80 : index
    %get3A_95 = tpu.vector_load %get3A_93[%get3A_94] {strides = array<i32>} : memref<128xi32, #tpu.memory_space<vmem>>, vector<16xi32>,
    %get3A_96 = vector.shape_cast %get3A_95 : vector<16xi32> to vector<16xi32>
    %and3A_97 = arith.constant 16383 : i32
    %and3A_98 = vector.broadcast %and3A_97 : i32 to vector<16xi32>
    %and3A_99 = arith.andi %get3A_96, %and3A_98 : vector<16xi32>
    %swap3A_100 = arith.constant 0 : i32
    %swap3A_101 = arith.constant 0 : i32
    %swap3A_102 = tpu.memref_slice %arg7[%swap3A_100, %swap3A_101] : memref<2x128xi32, #tpu.memory_space<vmem>> -> memref<1x128xi32, #tpu.memory_space<vmem>>
    %swap3A_103 = tpu.memref_squeeze %swap3A_102 : memref<1x128xi32, #tpu.memory_space<vmem>> -> memref<128xi32, #tpu.memory_space<vmem>>
    %swap3A_104 = arith.constant 80 : index
    %swap3A_105 = tpu.vector_load %swap3A_103[%swap3A_104] {strides = array<i32>} : memref<128xi32, #tpu.memory_space<vmem>>, vector<16xi32>,
    %swap3A_106 = vector.shape_cast %swap3A_105 : vector<16xi32> to vector<16xi32>
    %swap3A_107 = vector.shape_cast %and3A_99 : vector<16xi32> to vector<16xi32>
    tpu.vector_store %swap3A_103[%swap3A_104], %swap3A_107 {strides = array<i32>} : memref<128xi32, #tpu.memory_space<vmem>>, vector<16xi32>,
    %get3A_108 = arith.constant 0 : i32
    %get3A_109 = arith.constant 0 : i32
    %get3A_110 = tpu.memref_slice %arg6[%get3A_108, %get3A_109] : memref<80x128xi32, #tpu.memory_space<vmem>> -> memref<1x128xi32, #tpu.memory_space<vmem>>
    %get3A_111 = tpu.memref_squeeze %get3A_110 : memref<1x128xi32, #tpu.memory_space<vmem>> -> memref<128xi32, #tpu.memory_space<vmem>>
    %get3A_112 = arith.constant 96 : index
    %get3A_113 = tpu.vector_load %get3A_111[%get3A_112] {strides = array<i32>} : memref<128xi32, #tpu.memory_space<vmem>>, vector<16xi32>,
    %get3A_114 = vector.shape_cast %get3A_113 : vector<16xi32> to vector<16xi32>
    %and3A_115 = arith.constant 16383 : i32
    %and3A_116 = vector.broadcast %and3A_115 : i32 to vector<16xi32>
    %and3A_117 = arith.andi %get3A_114, %and3A_116 : vector<16xi32>
    %swap3A_118 = arith.constant 0 : i32
    %swap3A_119 = arith.constant 0 : i32
    %swap3A_120 = tpu.memref_slice %arg7[%swap3A_118, %swap3A_119] : memref<2x128xi32, #tpu.memory_space<vmem>> -> memref<1x128xi32, #tpu.memory_space<vmem>>
    %swap3A_121 = tpu.memref_squeeze %swap3A_120 : memref<1x128xi32, #tpu.memory_space<vmem>> -> memref<128xi32, #tpu.memory_space<vmem>>
    %swap3A_122 = arith.constant 96 : index
    %swap3A_123 = tpu.vector_load %swap3A_121[%swap3A_122] {strides = array<i32>} : memref<128xi32, #tpu.memory_space<vmem>>, vector<16xi32>,
    %swap3A_124 = vector.shape_cast %swap3A_123 : vector<16xi32> to vector<16xi32>
    %swap3A_125 = vector.shape_cast %and3A_117 : vector<16xi32> to vector<16xi32>
    tpu.vector_store %swap3A_121[%swap3A_122], %swap3A_125 {strides = array<i32>} : memref<128xi32, #tpu.memory_space<vmem>>, vector<16xi32>,
    %get3A_126 = arith.constant 0 : i32
    %get3A_127 = arith.constant 0 : i32
    %get3A_128 = tpu.memref_slice %arg6[%get3A_126, %get3A_127] : memref<80x128xi32, #tpu.memory_space<vmem>> -> memref<1x128xi32, #tpu.memory_space<vmem>>
    %get3A_129 = tpu.memref_squeeze %get3A_128 : memref<1x128xi32, #tpu.memory_space<vmem>> -> memref<128xi32, #tpu.memory_space<vmem>>
    %get3A_130 = arith.constant 112 : index
    %get3A_131 = tpu.vector_load %get3A_129[%get3A_130] {strides = array<i32>} : memref<128xi32, #tpu.memory_space<vmem>>, vector<16xi32>,
    %get3A_132 = vector.shape_cast %get3A_131 : vector<16xi32> to vector<16xi32>
    %and3A_133 = arith.constant 16383 : i32
    %and3A_134 = vector.broadcast %and3A_133 : i32 to vector<16xi32>
    %and3A_135 = arith.andi %get3A_132, %and3A_134 : vector<16xi32>
    %swap3A_136 = arith.constant 0 : i32
    %swap3A_137 = arith.constant 0 : i32
    %swap3A_138 = tpu.memref_slice %arg7[%swap3A_136, %swap3A_137] : memref<2x128xi32, #tpu.memory_space<vmem>> -> memref<1x128xi32, #tpu.memory_space<vmem>>
    %swap3A_139 = tpu.memref_squeeze %swap3A_138 : memref<1x128xi32, #tpu.memory_space<vmem>> -> memref<128xi32, #tpu.memory_space<vmem>>
    %swap3A_140 = arith.constant 112 : index
    %swap3A_141 = tpu.vector_load %swap3A_139[%swap3A_140] {strides = array<i32>} : memref<128xi32, #tpu.memory_space<vmem>>, vector<16xi32>,
    %swap3A_142 = vector.shape_cast %swap3A_141 : vector<16xi32> to vector<16xi32>
    %swap3A_143 = vector.shape_cast %and3A_135 : vector<16xi32> to vector<16xi32>
    tpu.vector_store %swap3A_139[%swap3A_140], %swap3A_143 {strides = array<i32>} : memref<128xi32, #tpu.memory_space<vmem>>, vector<16xi32>,
    %get3A_144 = arith.constant 0 : i32
    %get3A_145 = arith.constant 0 : i32
    %get3A_146 = tpu.memref_slice %arg6[%get3A_144, %get3A_145] : memref<80x128xi32, #tpu.memory_space<vmem>> -> memref<1x128xi32, #tpu.memory_space<vmem>>
    %get3A_147 = tpu.memref_squeeze %get3A_146 : memref<1x128xi32, #tpu.memory_space<vmem>> -> memref<128xi32, #tpu.memory_space<vmem>>
    %get3A_148 = arith.constant 0 : index
    %get3A_149 = tpu.vector_load %get3A_147[%get3A_148] {strides = array<i32>} : memref<128xi32, #tpu.memory_space<vmem>>, vector<16xi32>,
    %get3A_150 = vector.shape_cast %get3A_149 : vector<16xi32> to vector<16xi32>
    %shift_right_logical3A = arith.constant 14 : i32
    %shift_right_logical3A_151 = vector.broadcast %shift_right_logical3A : i32 to vector<16xi32>
    %shift_right_logical3A_152 = arith.shrui %get3A_150, %shift_right_logical3A_151 : vector<16xi32>
    %swap3A_153 = arith.constant 0 : i32
    %swap3A_154 = arith.constant 0 : i32
    %swap3A_155 = tpu.memref_slice %arg8[%swap3A_153, %swap3A_154] : memref<2x128xi32, #tpu.memory_space<vmem>> -> memref<1x128xi32, #tpu.memory_space<vmem>>
    %swap3A_156 = tpu.memref_squeeze %swap3A_155 : memref<1x128xi32, #tpu.memory_space<vmem>> -> memref<128xi32, #tpu.memory_space<vmem>>
    %swap3A_157 = arith.constant 0 : index
    %swap3A_158 = tpu.vector_load %swap3A_156[%swap3A_157] {strides = array<i32>} : memref<128xi32, #tpu.memory_space<vmem>>, vector<16xi32>,
    %swap3A_159 = vector.shape_cast %swap3A_158 : vector<16xi32> to vector<16xi32>
    %swap3A_160 = vector.shape_cast %shift_right_logical3A_152 : vector<16xi32> to vector<16xi32>
    tpu.vector_store %swap3A_156[%swap3A_157], %swap3A_160 {strides = array<i32>} : memref<128xi32, #tpu.memory_space<vmem>>, vector<16xi32>,
    %get3A_161 = arith.constant 0 : i32
    %get3A_162 = arith.constant 0 : i32
    %get3A_163 = tpu.memref_slice %arg6[%get3A_161, %get3A_162] : memref<80x128xi32, #tpu.memory_space<vmem>> -> memref<1x128xi32, #tpu.memory_space<vmem>>
    %get3A_164 = tpu.memref_squeeze %get3A_163 : memref<1x128xi32, #tpu.memory_space<vmem>> -> memref<128xi32, #tpu.memory_space<vmem>>
    %get3A_165 = arith.constant 16 : index
    %get3A_166 = tpu.vector_load %get3A_164[%get3A_165] {strides = array<i32>} : memref<128xi32, #tpu.memory_space<vmem>>, vector<16xi32>,
    %get3A_167 = vector.shape_cast %get3A_166 : vector<16xi32> to vector<16xi32>
    %shift_right_logical3A_168 = arith.constant 14 : i32
    %shift_right_logical3A_169 = vector.broadcast %shift_right_logical3A_168 : i32 to vector<16xi32>
    %shift_right_logical3A_170 = arith.shrui %get3A_167, %shift_right_logical3A_169 : vector<16xi32>
    %swap3A_171 = arith.constant 0 : i32
    %swap3A_172 = arith.constant 0 : i32
    %swap3A_173 = tpu.memref_slice %arg8[%swap3A_171, %swap3A_172] : memref<2x128xi32, #tpu.memory_space<vmem>> -> memref<1x128xi32, #tpu.memory_space<vmem>>
    %swap3A_174 = tpu.memref_squeeze %swap3A_173 : memref<1x128xi32, #tpu.memory_space<vmem>> -> memref<128xi32, #tpu.memory_space<vmem>>
    %swap3A_175 = arith.constant 16 : index
    %swap3A_176 = tpu.vector_load %swap3A_174[%swap3A_175] {strides = array<i32>} : memref<128xi32, #tpu.memory_space<vmem>>, vector<16xi32>,
    %swap3A_177 = vector.shape_cast %swap3A_176 : vector<16xi32> to vector<16xi32>
    %swap3A_178 = vector.shape_cast %shift_right_logical3A_170 : vector<16xi32> to vector<16xi32>
    tpu.vector_store %swap3A_174[%swap3A_175], %swap3A_178 {strides = array<i32>} : memref<128xi32, #tpu.memory_space<vmem>>, vector<16xi32>,
    %get3A_179 = arith.constant 0 : i32
    %get3A_180 = arith.constant 0 : i32
    %get3A_181 = tpu.memref_slice %arg6[%get3A_179, %get3A_180] : memref<80x128xi32, #tpu.memory_space<vmem>> -> memref<1x128xi32, #tpu.memory_space<vmem>>
    %get3A_182 = tpu.memref_squeeze %get3A_181 : memref<1x128xi32, #tpu.memory_space<vmem>> -> memref<128xi32, #tpu.memory_space<vmem>>
    %get3A_183 = arith.constant 32 : index
    %get3A_184 = tpu.vector_load %get3A_182[%get3A_183] {strides = array<i32>} : memref<128xi32, #tpu.memory_space<vmem>>, vector<16xi32>,
    %get3A_185 = vector.shape_cast %get3A_184 : vector<16xi32> to vector<16xi32>
    %shift_right_logical3A_186 = arith.constant 14 : i32
    %shift_right_logical3A_187 = vector.broadcast %shift_right_logical3A_186 : i32 to vector<16xi32>
    %shift_right_logical3A_188 = arith.shrui %get3A_185, %shift_right_logical3A_187 : vector<16xi32>
    %swap3A_189 = arith.constant 0 : i32
    %swap3A_190 = arith.constant 0 : i32
    %swap3A_191 = tpu.memref_slice %arg8[%swap3A_189, %swap3A_190] : memref<2x128xi32, #tpu.memory_space<vmem>> -> memref<1x128xi32, #tpu.memory_space<vmem>>
    %swap3A_192 = tpu.memref_squeeze %swap3A_191 : memref<1x128xi32, #tpu.memory_space<vmem>> -> memref<128xi32, #tpu.memory_space<vmem>>
    %swap3A_193 = arith.constant 32 : index
    %swap3A_194 = tpu.vector_load %swap3A_192[%swap3A_193] {strides = array<i32>} : memref<128xi32, #tpu.memory_space<vmem>>, vector<16xi32>,
    %swap3A_195 = vector.shape_cast %swap3A_194 : vector<16xi32> to vector<16xi32>
    %swap3A_196 = vector.shape_cast %shift_right_logical3A_188 : vector<16xi32> to vector<16xi32>
    tpu.vector_store %swap3A_192[%swap3A_193], %swap3A_196 {strides = array<i32>} : memref<128xi32, #tpu.memory_space<vmem>>, vector<16xi32>,
    %get3A_197 = arith.constant 0 : i32
    %get3A_198 = arith.constant 0 : i32
    %get3A_199 = tpu.memref_slice %arg6[%get3A_197, %get3A_198] : memref<80x128xi32, #tpu.memory_space<vmem>> -> memref<1x128xi32, #tpu.memory_space<vmem>>
    %get3A_200 = tpu.memref_squeeze %get3A_199 : memref<1x128xi32, #tpu.memory_space<vmem>> -> memref<128xi32, #tpu.memory_space<vmem>>
    %get3A_201 = arith.constant 48 : index
    %get3A_202 = tpu.vector_load %get3A_200[%get3A_201] {strides = array<i32>} : memref<128xi32, #tpu.memory_space<vmem>>, vector<16xi32>,
    %get3A_203 = vector.shape_cast %get3A_202 : vector<16xi32> to vector<16xi32>
    %shift_right_logical3A_204 = arith.constant 14 : i32
    %shift_right_logical3A_205 = vector.broadcast %shift_right_logical3A_204 : i32 to vector<16xi32>
    %shift_right_logical3A_206 = arith.shrui %get3A_203, %shift_right_logical3A_205 : vector<16xi32>
    %swap3A_207 = arith.constant 0 : i32
    %swap3A_208 = arith.constant 0 : i32
    %swap3A_209 = tpu.memref_slice %arg8[%swap3A_207, %swap3A_208] : memref<2x128xi32, #tpu.memory_space<vmem>> -> memref<1x128xi32, #tpu.memory_space<vmem>>
    %swap3A_210 = tpu.memref_squeeze %swap3A_209 : memref<1x128xi32, #tpu.memory_space<vmem>> -> memref<128xi32, #tpu.memory_space<vmem>>
    %swap3A_211 = arith.constant 48 : index
    %swap3A_212 = tpu.vector_load %swap3A_210[%swap3A_211] {strides = array<i32>} : memref<128xi32, #tpu.memory_space<vmem>>, vector<16xi32>,
    %swap3A_213 = vector.shape_cast %swap3A_212 : vector<16xi32> to vector<16xi32>
    %swap3A_214 = vector.shape_cast %shift_right_logical3A_206 : vector<16xi32> to vector<16xi32>
    tpu.vector_store %swap3A_210[%swap3A_211], %swap3A_214 {strides = array<i32>} : memref<128xi32, #tpu.memory_space<vmem>>, vector<16xi32>,
    %get3A_215 = arith.constant 0 : i32
    %get3A_216 = arith.constant 0 : i32
    %get3A_217 = tpu.memref_slice %arg6[%get3A_215, %get3A_216] : memref<80x128xi32, #tpu.memory_space<vmem>> -> memref<1x128xi32, #tpu.memory_space<vmem>>
    %get3A_218 = tpu.memref_squeeze %get3A_217 : memref<1x128xi32, #tpu.memory_space<vmem>> -> memref<128xi32, #tpu.memory_space<vmem>>
    %get3A_219 = arith.constant 64 : index
    %get3A_220 = tpu.vector_load %get3A_218[%get3A_219] {strides = array<i32>} : memref<128xi32, #tpu.memory_space<vmem>>, vector<16xi32>,
    %get3A_221 = vector.shape_cast %get3A_220 : vector<16xi32> to vector<16xi32>
    %shift_right_logical3A_222 = arith.constant 14 : i32
    %shift_right_logical3A_223 = vector.broadcast %shift_right_logical3A_222 : i32 to vector<16xi32>
    %shift_right_logical3A_224 = arith.shrui %get3A_221, %shift_right_logical3A_223 : vector<16xi32>
    %swap3A_225 = arith.constant 0 : i32
    %swap3A_226 = arith.constant 0 : i32
    %swap3A_227 = tpu.memref_slice %arg8[%swap3A_225, %swap3A_226] : memref<2x128xi32, #tpu.memory_space<vmem>> -> memref<1x128xi32, #tpu.memory_space<vmem>>
    %swap3A_228 = tpu.memref_squeeze %swap3A_227 : memref<1x128xi32, #tpu.memory_space<vmem>> -> memref<128xi32, #tpu.memory_space<vmem>>
    %swap3A_229 = arith.constant 64 : index
    %swap3A_230 = tpu.vector_load %swap3A_228[%swap3A_229] {strides = array<i32>} : memref<128xi32, #tpu.memory_space<vmem>>, vector<16xi32>,
    %swap3A_231 = vector.shape_cast %swap3A_230 : vector<16xi32> to vector<16xi32>
    %swap3A_232 = vector.shape_cast %shift_right_logical3A_224 : vector<16xi32> to vector<16xi32>
    tpu.vector_store %swap3A_228[%swap3A_229], %swap3A_232 {strides = array<i32>} : memref<128xi32, #tpu.memory_space<vmem>>, vector<16xi32>,
    %get3A_233 = arith.constant 0 : i32
    %get3A_234 = arith.constant 0 : i32
    %get3A_235 = tpu.memref_slice %arg6[%get3A_233, %get3A_234] : memref<80x128xi32, #tpu.memory_space<vmem>> -> memref<1x128xi32, #tpu.memory_space<vmem>>
    %get3A_236 = tpu.memref_squeeze %get3A_235 : memref<1x128xi32, #tpu.memory_space<vmem>> -> memref<128xi32, #tpu.memory_space<vmem>>
    %get3A_237 = arith.constant 80 : index
    %get3A_238 = tpu.vector_load %get3A_236[%get3A_237] {strides = array<i32>} : memref<128xi32, #tpu.memory_space<vmem>>, vector<16xi32>,
    %get3A_239 = vector.shape_cast %get3A_238 : vector<16xi32> to vector<16xi32>
    %shift_right_logical3A_240 = arith.constant 14 : i32
    %shift_right_logical3A_241 = vector.broadcast %shift_right_logical3A_240 : i32 to vector<16xi32>
    %shift_right_logical3A_242 = arith.shrui %get3A_239, %shift_right_logical3A_241 : vector<16xi32>
    %swap3A_243 = arith.constant 0 : i32
    %swap3A_244 = arith.constant 0 : i32
    %swap3A_245 = tpu.memref_slice %arg8[%swap3A_243, %swap3A_244] : memref<2x128xi32, #tpu.memory_space<vmem>> -> memref<1x128xi32, #tpu.memory_space<vmem>>
    %swap3A_246 = tpu.memref_squeeze %swap3A_245 : memref<1x128xi32, #tpu.memory_space<vmem>> -> memref<128xi32, #tpu.memory_space<vmem>>
    %swap3A_247 = arith.constant 80 : index
    %swap3A_248 = tpu.vector_load %swap3A_246[%swap3A_247] {strides = array<i32>} : memref<128xi32, #tpu.memory_space<vmem>>, vector<16xi32>,
    %swap3A_249 = vector.shape_cast %swap3A_248 : vector<16xi32> to vector<16xi32>
    %swap3A_250 = vector.shape_cast %shift_right_logical3A_242 : vector<16xi32> to vector<16xi32>
    tpu.vector_store %swap3A_246[%swap3A_247], %swap3A_250 {strides = array<i32>} : memref<128xi32, #tpu.memory_space<vmem>>, vector<16xi32>,
    %get3A_251 = arith.constant 0 : i32
    %get3A_252 = arith.constant 0 : i32
    %get3A_253 = tpu.memref_slice %arg6[%get3A_251, %get3A_252] : memref<80x128xi32, #tpu.memory_space<vmem>> -> memref<1x128xi32, #tpu.memory_space<vmem>>
    %get3A_254 = tpu.memref_squeeze %get3A_253 : memref<1x128xi32, #tpu.memory_space<vmem>> -> memref<128xi32, #tpu.memory_space<vmem>>
    %get3A_255 = arith.constant 96 : index
    %get3A_256 = tpu.vector_load %get3A_254[%get3A_255] {strides = array<i32>} : memref<128xi32, #tpu.memory_space<vmem>>, vector<16xi32>,
    %get3A_257 = vector.shape_cast %get3A_256 : vector<16xi32> to vector<16xi32>
    %shift_right_logical3A_258 = arith.constant 14 : i32
    %shift_right_logical3A_259 = vector.broadcast %shift_right_logical3A_258 : i32 to vector<16xi32>
    %shift_right_logical3A_260 = arith.shrui %get3A_257, %shift_right_logical3A_259 : vector<16xi32>
    %swap3A_261 = arith.constant 0 : i32
    %swap3A_262 = arith.constant 0 : i32
    %swap3A_263 = tpu.memref_slice %arg8[%swap3A_261, %swap3A_262] : memref<2x128xi32, #tpu.memory_space<vmem>> -> memref<1x128xi32, #tpu.memory_space<vmem>>
    %swap3A_264 = tpu.memref_squeeze %swap3A_263 : memref<1x128xi32, #tpu.memory_space<vmem>> -> memref<128xi32, #tpu.memory_space<vmem>>
    %swap3A_265 = arith.constant 96 : index
    %swap3A_266 = tpu.vector_load %swap3A_264[%swap3A_265] {strides = array<i32>} : memref<128xi32, #tpu.memory_space<vmem>>, vector<16xi32>,
    %swap3A_267 = vector.shape_cast %swap3A_266 : vector<16xi32> to vector<16xi32>
    %swap3A_268 = vector.shape_cast %shift_right_logical3A_260 : vector<16xi32> to vector<16xi32>
    tpu.vector_store %swap3A_264[%swap3A_265], %swap3A_268 {strides = array<i32>} : memref<128xi32, #tpu.memory_space<vmem>>, vector<16xi32>,
    %get3A_269 = arith.constant 0 : i32
    %get3A_270 = arith.constant 0 : i32
    %get3A_271 = tpu.memref_slice %arg6[%get3A_269, %get3A_270] : memref<80x128xi32, #tpu.memory_space<vmem>> -> memref<1x128xi32, #tpu.memory_space<vmem>>
    %get3A_272 = tpu.memref_squeeze %get3A_271 : memref<1x128xi32, #tpu.memory_space<vmem>> -> memref<128xi32, #tpu.memory_space<vmem>>
    %get3A_273 = arith.constant 112 : index
    %get3A_274 = tpu.vector_load %get3A_272[%get3A_273] {strides = array<i32>} : memref<128xi32, #tpu.memory_space<vmem>>, vector<16xi32>,
    %get3A_275 = vector.shape_cast %get3A_274 : vector<16xi32> to vector<16xi32>
    %shift_right_logical3A_276 = arith.constant 14 : i32
    %shift_right_logical3A_277 = vector.broadcast %shift_right_logical3A_276 : i32 to vector<16xi32>
    %shift_right_logical3A_278 = arith.shrui %get3A_275, %shift_right_logical3A_277 : vector<16xi32>
    %swap3A_279 = arith.constant 0 : i32
    %swap3A_280 = arith.constant 0 : i32
    %swap3A_281 = tpu.memref_slice %arg8[%swap3A_279, %swap3A_280] : memref<2x128xi32, #tpu.memory_space<vmem>> -> memref<1x128xi32, #tpu.memory_space<vmem>>
    %swap3A_282 = tpu.memref_squeeze %swap3A_281 : memref<1x128xi32, #tpu.memory_space<vmem>> -> memref<128xi32, #tpu.memory_space<vmem>>
    %swap3A_283 = arith.constant 112 : index
    %swap3A_284 = tpu.vector_load %swap3A_282[%swap3A_283] {strides = array<i32>} : memref<128xi32, #tpu.memory_space<vmem>>, vector<16xi32>,
    %swap3A_285 = vector.shape_cast %swap3A_284 : vector<16xi32> to vector<16xi32>
    %swap3A_286 = vector.shape_cast %shift_right_logical3A_278 : vector<16xi32> to vector<16xi32>
    tpu.vector_store %swap3A_282[%swap3A_283], %swap3A_286 {strides = array<i32>} : memref<128xi32, #tpu.memory_space<vmem>>, vector<16xi32>,
    %dma_start3A = arith.constant 0 : i32
    %dma_start3A_287 = arith.constant 0 : i32
    %dma_start3A_288 = arith.constant 0 : i32
    %dma_start3A_289 = arith.constant 0 : i32
    %dma_start3A_290 = tpu.memref_slice %arg9[%dma_start3A_287, %dma_start3A_288, %dma_start3A_289] : memref<2x128x128xf32, #tpu.memory_space<vmem>> -> memref<1x128x128xf32, #tpu.memory_space<vmem>>
    %dma_start3A_291 = tpu.memref_squeeze %dma_start3A_290 : memref<1x128x128xf32, #tpu.memory_space<vmem>> -> memref<128x128xf32, #tpu.memory_space<vmem>>
    %dma_start3A_292 = arith.constant 0 : i32
    %dma_start3A_293 = tpu.memref_slice %arg7[%dma_start3A, %dma_start3A_292] : memref<2x128xi32, #tpu.memory_space<vmem>> -> memref<1x128xi32, #tpu.memory_space<vmem>>
    %dma_start3A_294 = tpu.memref_squeeze %dma_start3A_293 : memref<1x128xi32, #tpu.memory_space<vmem>> -> memref<128xi32, #tpu.memory_space<vmem>>
    %dma_start3A_295 = arith.constant 0 : i32
    %dma_start3A_296 = arith.constant 0 : i32
    %dma_start3A_297 = tpu.memref_slice %arg2[%dma_start3A_295, %dma_start3A_296] : memref<10000x128xf32, #tpu.memory_space<hbm>> -> memref<10000x128xf32, #tpu.memory_space<hbm>>
    tpu.enqueue_indirect_dma source(%dma_start3A_297 : memref<10000x128xf32, #tpu.memory_space<hbm>>) target(%dma_start3A_291 : memref<128x128xf32, #tpu.memory_space<vmem>>) offsets(%dma_start3A_294 : memref<128xi32, #tpu.memory_space<vmem>>) semaphore(%arg10 : memref<!tpu.dma_semaphore, #tpu.memory_space<semaphore_mem>>)
    %scan3A = arith.constant 0 : i32
    %scan3A_298 = arith.constant 0 : i32
    %scan3A_299 = arith.constant 40 : i32
    %scan3A_300 = arith.addi %scan3A_298, %scan3A_299 : i32
    %scan3A_301 = arith.constant 1 : i32
    scf.for %scan3A_309 = %scan3A_298 to %scan3A_300 step %scan3A_301  : i32 {
      %mul3A_310 = arith.constant 2 : i32
      %mul3A_311 = arith.muli %mul3A_310, %scan3A_309 : i32
      %add3A_312 = arith.constant 1 : i32
      %add3A_313 = arith.addi %mul3A_311, %add3A_312 : i32
      %get3A_314 = arith.constant 0 : i32
      %get3A_315 = tpu.memref_slice %arg6[%add3A_313, %get3A_314] : memref<80x128xi32, #tpu.memory_space<vmem>> -> memref<1x128xi32, #tpu.memory_space<vmem>>
      %get3A_316 = tpu.memref_squeeze %get3A_315 : memref<1x128xi32, #tpu.memory_space<vmem>> -> memref<128xi32, #tpu.memory_space<vmem>>
      %get3A_317 = arith.constant 0 : index
      %get3A_318 = tpu.vector_load %get3A_316[%get3A_317] {strides = array<i32>} : memref<128xi32, #tpu.memory_space<vmem>>, vector<16xi32>,
      %get3A_319 = vector.shape_cast %get3A_318 : vector<16xi32> to vector<16xi32>
      %and3A_320 = arith.constant 16383 : i32
      %and3A_321 = vector.broadcast %and3A_320 : i32 to vector<16xi32>
      %and3A_322 = arith.andi %get3A_319, %and3A_321 : vector<16xi32>
      %swap3A_323 = arith.constant 1 : i32
      %swap3A_324 = arith.constant 0 : i32
      %swap3A_325 = tpu.memref_slice %arg7[%swap3A_323, %swap3A_324] : memref<2x128xi32, #tpu.memory_space<vmem>> -> memref<1x128xi32, #tpu.memory_space<vmem>>
      %swap3A_326 = tpu.memref_squeeze %swap3A_325 : memref<1x128xi32, #tpu.memory_space<vmem>> -> memref<128xi32, #tpu.memory_space<vmem>>
      %swap3A_327 = arith.constant 0 : index
      %swap3A_328 = tpu.vector_load %swap3A_326[%swap3A_327] {strides = array<i32>} : memref<128xi32, #tpu.memory_space<vmem>>, vector<16xi32>,
      %swap3A_329 = vector.shape_cast %swap3A_328 : vector<16xi32> to vector<16xi32>
      %swap3A_330 = vector.shape_cast %and3A_322 : vector<16xi32> to vector<16xi32>
      tpu.vector_store %swap3A_326[%swap3A_327], %swap3A_330 {strides = array<i32>} : memref<128xi32, #tpu.memory_space<vmem>>, vector<16xi32>,
      %get3A_331 = arith.constant 0 : i32
      %get3A_332 = tpu.memref_slice %arg6[%add3A_313, %get3A_331] : memref<80x128xi32, #tpu.memory_space<vmem>> -> memref<1x128xi32, #tpu.memory_space<vmem>>
      %get3A_333 = tpu.memref_squeeze %get3A_332 : memref<1x128xi32, #tpu.memory_space<vmem>> -> memref<128xi32, #tpu.memory_space<vmem>>
      %get3A_334 = arith.constant 16 : index
      %get3A_335 = tpu.vector_load %get3A_333[%get3A_334] {strides = array<i32>} : memref<128xi32, #tpu.memory_space<vmem>>, vector<16xi32>,
      %get3A_336 = vector.shape_cast %get3A_335 : vector<16xi32> to vector<16xi32>
      %and3A_337 = arith.constant 16383 : i32
      %and3A_338 = vector.broadcast %and3A_337 : i32 to vector<16xi32>
      %and3A_339 = arith.andi %get3A_336, %and3A_338 : vector<16xi32>
      %swap3A_340 = arith.constant 1 : i32
      %swap3A_341 = arith.constant 0 : i32
      %swap3A_342 = tpu.memref_slice %arg7[%swap3A_340, %swap3A_341] : memref<2x128xi32, #tpu.memory_space<vmem>> -> memref<1x128xi32, #tpu.memory_space<vmem>>
      %swap3A_343 = tpu.memref_squeeze %swap3A_342 : memref<1x128xi32, #tpu.memory_space<vmem>> -> memref<128xi32, #tpu.memory_space<vmem>>
      %swap3A_344 = arith.constant 16 : index
      %swap3A_345 = tpu.vector_load %swap3A_343[%swap3A_344] {strides = array<i32>} : memref<128xi32, #tpu.memory_space<vmem>>, vector<16xi32>,
      %swap3A_346 = vector.shape_cast %swap3A_345 : vector<16xi32> to vector<16xi32>
      %swap3A_347 = vector.shape_cast %and3A_339 : vector<16xi32> to vector<16xi32>
      tpu.vector_store %swap3A_343[%swap3A_344], %swap3A_347 {strides = array<i32>} : memref<128xi32, #tpu.memory_space<vmem>>, vector<16xi32>,
      %get3A_348 = arith.constant 0 : i32
      %get3A_349 = tpu.memref_slice %arg6[%add3A_313, %get3A_348] : memref<80x128xi32, #tpu.memory_space<vmem>> -> memref<1x128xi32, #tpu.memory_space<vmem>>
      %get3A_350 = tpu.memref_squeeze %get3A_349 : memref<1x128xi32, #tpu.memory_space<vmem>> -> memref<128xi32, #tpu.memory_space<vmem>>
      %get3A_351 = arith.constant 32 : index
      %get3A_352 = tpu.vector_load %get3A_350[%get3A_351] {strides = array<i32>} : memref<128xi32, #tpu.memory_space<vmem>>, vector<16xi32>,
      %get3A_353 = vector.shape_cast %get3A_352 : vector<16xi32> to vector<16xi32>
      %and3A_354 = arith.constant 16383 : i32
      %and3A_355 = vector.broadcast %and3A_354 : i32 to vector<16xi32>
      %and3A_356 = arith.andi %get3A_353, %and3A_355 : vector<16xi32>
      %swap3A_357 = arith.constant 1 : i32
      %swap3A_358 = arith.constant 0 : i32
      %swap3A_359 = tpu.memref_slice %arg7[%swap3A_357, %swap3A_358] : memref<2x128xi32, #tpu.memory_space<vmem>> -> memref<1x128xi32, #tpu.memory_space<vmem>>
      %swap3A_360 = tpu.memref_squeeze %swap3A_359 : memref<1x128xi32, #tpu.memory_space<vmem>> -> memref<128xi32, #tpu.memory_space<vmem>>
      %swap3A_361 = arith.constant 32 : index
      %swap3A_362 = tpu.vector_load %swap3A_360[%swap3A_361] {strides = array<i32>} : memref<128xi32, #tpu.memory_space<vmem>>, vector<16xi32>,
      %swap3A_363 = vector.shape_cast %swap3A_362 : vector<16xi32> to vector<16xi32>
      %swap3A_364 = vector.shape_cast %and3A_356 : vector<16xi32> to vector<16xi32>
      tpu.vector_store %swap3A_360[%swap3A_361], %swap3A_364 {strides = array<i32>} : memref<128xi32, #tpu.memory_space<vmem>>, vector<16xi32>,
      %get3A_365 = arith.constant 0 : i32
      %get3A_366 = tpu.memref_slice %arg6[%add3A_313, %get3A_365] : memref<80x128xi32, #tpu.memory_space<vmem>> -> memref<1x128xi32, #tpu.memory_space<vmem>>
      %get3A_367 = tpu.memref_squeeze %get3A_366 : memref<1x128xi32, #tpu.memory_space<vmem>> -> memref<128xi32, #tpu.memory_space<vmem>>
      %get3A_368 = arith.constant 48 : index
      %get3A_369 = tpu.vector_load %get3A_367[%get3A_368] {strides = array<i32>} : memref<128xi32, #tpu.memory_space<vmem>>, vector<16xi32>,
      %get3A_370 = vector.shape_cast %get3A_369 : vector<16xi32> to vector<16xi32>
      %and3A_371 = arith.constant 16383 : i32
      %and3A_372 = vector.broadcast %and3A_371 : i32 to vector<16xi32>
      %and3A_373 = arith.andi %get3A_370, %and3A_372 : vector<16xi32>
      %swap3A_374 = arith.constant 1 : i32
      %swap3A_375 = arith.constant 0 : i32
      %swap3A_376 = tpu.memref_slice %arg7[%swap3A_374, %swap3A_375] : memref<2x128xi32, #tpu.memory_space<vmem>> -> memref<1x128xi32, #tpu.memory_space<vmem>>
      %swap3A_377 = tpu.memref_squeeze %swap3A_376 : memref<1x128xi32, #tpu.memory_space<vmem>> -> memref<128xi32, #tpu.memory_space<vmem>>
      %swap3A_378 = arith.constant 48 : index
      %swap3A_379 = tpu.vector_load %swap3A_377[%swap3A_378] {strides = array<i32>} : memref<128xi32, #tpu.memory_space<vmem>>, vector<16xi32>,
      %swap3A_380 = vector.shape_cast %swap3A_379 : vector<16xi32> to vector<16xi32>
      %swap3A_381 = vector.shape_cast %and3A_373 : vector<16xi32> to vector<16xi32>
      tpu.vector_store %swap3A_377[%swap3A_378], %swap3A_381 {strides = array<i32>} : memref<128xi32, #tpu.memory_space<vmem>>, vector<16xi32>,
      %get3A_382 = arith.constant 0 : i32
      %get3A_383 = tpu.memref_slice %arg6[%add3A_313, %get3A_382] : memref<80x128xi32, #tpu.memory_space<vmem>> -> memref<1x128xi32, #tpu.memory_space<vmem>>
      %get3A_384 = tpu.memref_squeeze %get3A_383 : memref<1x128xi32, #tpu.memory_space<vmem>> -> memref<128xi32, #tpu.memory_space<vmem>>
      %get3A_385 = arith.constant 64 : index
      %get3A_386 = tpu.vector_load %get3A_384[%get3A_385] {strides = array<i32>} : memref<128xi32, #tpu.memory_space<vmem>>, vector<16xi32>,
      %get3A_387 = vector.shape_cast %get3A_386 : vector<16xi32> to vector<16xi32>
      %and3A_388 = arith.constant 16383 : i32
      %and3A_389 = vector.broadcast %and3A_388 : i32 to vector<16xi32>
      %and3A_390 = arith.andi %get3A_387, %and3A_389 : vector<16xi32>
      %swap3A_391 = arith.constant 1 : i32
      %swap3A_392 = arith.constant 0 : i32
      %swap3A_393 = tpu.memref_slice %arg7[%swap3A_391, %swap3A_392] : memref<2x128xi32, #tpu.memory_space<vmem>> -> memref<1x128xi32, #tpu.memory_space<vmem>>
      %swap3A_394 = tpu.memref_squeeze %swap3A_393 : memref<1x128xi32, #tpu.memory_space<vmem>> -> memref<128xi32, #tpu.memory_space<vmem>>
      %swap3A_395 = arith.constant 64 : index
      %swap3A_396 = tpu.vector_load %swap3A_394[%swap3A_395] {strides = array<i32>} : memref<128xi32, #tpu.memory_space<vmem>>, vector<16xi32>,
      %swap3A_397 = vector.shape_cast %swap3A_396 : vector<16xi32> to vector<16xi32>
      %swap3A_398 = vector.shape_cast %and3A_390 : vector<16xi32> to vector<16xi32>
      tpu.vector_store %swap3A_394[%swap3A_395], %swap3A_398 {strides = array<i32>} : memref<128xi32, #tpu.memory_space<vmem>>, vector<16xi32>,
      %get3A_399 = arith.constant 0 : i32
      %get3A_400 = tpu.memref_slice %arg6[%add3A_313, %get3A_399] : memref<80x128xi32, #tpu.memory_space<vmem>> -> memref<1x128xi32, #tpu.memory_space<vmem>>
      %get3A_401 = tpu.memref_squeeze %get3A_400 : memref<1x128xi32, #tpu.memory_space<vmem>> -> memref<128xi32, #tpu.memory_space<vmem>>
      %get3A_402 = arith.constant 80 : index
      %get3A_403 = tpu.vector_load %get3A_401[%get3A_402] {strides = array<i32>} : memref<128xi32, #tpu.memory_space<vmem>>, vector<16xi32>,
      %get3A_404 = vector.shape_cast %get3A_403 : vector<16xi32> to vector<16xi32>
      %and3A_405 = arith.constant 16383 : i32
      %and3A_406 = vector.broadcast %and3A_405 : i32 to vector<16xi32>
      %and3A_407 = arith.andi %get3A_404, %and3A_406 : vector<16xi32>
      %swap3A_408 = arith.constant 1 : i32
      %swap3A_409 = arith.constant 0 : i32
      %swap3A_410 = tpu.memref_slice %arg7[%swap3A_408, %swap3A_409] : memref<2x128xi32, #tpu.memory_space<vmem>> -> memref<1x128xi32, #tpu.memory_space<vmem>>
      %swap3A_411 = tpu.memref_squeeze %swap3A_410 : memref<1x128xi32, #tpu.memory_space<vmem>> -> memref<128xi32, #tpu.memory_space<vmem>>
      %swap3A_412 = arith.constant 80 : index
      %swap3A_413 = tpu.vector_load %swap3A_411[%swap3A_412] {strides = array<i32>} : memref<128xi32, #tpu.memory_space<vmem>>, vector<16xi32>,
      %swap3A_414 = vector.shape_cast %swap3A_413 : vector<16xi32> to vector<16xi32>
      %swap3A_415 = vector.shape_cast %and3A_407 : vector<16xi32> to vector<16xi32>
      tpu.vector_store %swap3A_411[%swap3A_412], %swap3A_415 {strides = array<i32>} : memref<128xi32, #tpu.memory_space<vmem>>, vector<16xi32>,
      %get3A_416 = arith.constant 0 : i32
      %get3A_417 = tpu.memref_slice %arg6[%add3A_313, %get3A_416] : memref<80x128xi32, #tpu.memory_space<vmem>> -> memref<1x128xi32, #tpu.memory_space<vmem>>
      %get3A_418 = tpu.memref_squeeze %get3A_417 : memref<1x128xi32, #tpu.memory_space<vmem>> -> memref<128xi32, #tpu.memory_space<vmem>>
      %get3A_419 = arith.constant 96 : index
      %get3A_420 = tpu.vector_load %get3A_418[%get3A_419] {strides = array<i32>} : memref<128xi32, #tpu.memory_space<vmem>>, vector<16xi32>,
      %get3A_421 = vector.shape_cast %get3A_420 : vector<16xi32> to vector<16xi32>
      %and3A_422 = arith.constant 16383 : i32
      %and3A_423 = vector.broadcast %and3A_422 : i32 to vector<16xi32>
      %and3A_424 = arith.andi %get3A_421, %and3A_423 : vector<16xi32>
      %swap3A_425 = arith.constant 1 : i32
      %swap3A_426 = arith.constant 0 : i32
      %swap3A_427 = tpu.memref_slice %arg7[%swap3A_425, %swap3A_426] : memref<2x128xi32, #tpu.memory_space<vmem>> -> memref<1x128xi32, #tpu.memory_space<vmem>>
      %swap3A_428 = tpu.memref_squeeze %swap3A_427 : memref<1x128xi32, #tpu.memory_space<vmem>> -> memref<128xi32, #tpu.memory_space<vmem>>
      %swap3A_429 = arith.constant 96 : index
      %swap3A_430 = tpu.vector_load %swap3A_428[%swap3A_429] {strides = array<i32>} : memref<128xi32, #tpu.memory_space<vmem>>, vector<16xi32>,
      %swap3A_431 = vector.shape_cast %swap3A_430 : vector<16xi32> to vector<16xi32>
      %swap3A_432 = vector.shape_cast %and3A_424 : vector<16xi32> to vector<16xi32>
      tpu.vector_store %swap3A_428[%swap3A_429], %swap3A_432 {strides = array<i32>} : memref<128xi32, #tpu.memory_space<vmem>>, vector<16xi32>,
      %get3A_433 = arith.constant 0 : i32
      %get3A_434 = tpu.memref_slice %arg6[%add3A_313, %get3A_433] : memref<80x128xi32, #tpu.memory_space<vmem>> -> memref<1x128xi32, #tpu.memory_space<vmem>>
      %get3A_435 = tpu.memref_squeeze %get3A_434 : memref<1x128xi32, #tpu.memory_space<vmem>> -> memref<128xi32, #tpu.memory_space<vmem>>
      %get3A_436 = arith.constant 112 : index
      %get3A_437 = tpu.vector_load %get3A_435[%get3A_436] {strides = array<i32>} : memref<128xi32, #tpu.memory_space<vmem>>, vector<16xi32>,
      %get3A_438 = vector.shape_cast %get3A_437 : vector<16xi32> to vector<16xi32>
      %and3A_439 = arith.constant 16383 : i32
      %and3A_440 = vector.broadcast %and3A_439 : i32 to vector<16xi32>
      %and3A_441 = arith.andi %get3A_438, %and3A_440 : vector<16xi32>
      %swap3A_442 = arith.constant 1 : i32
      %swap3A_443 = arith.constant 0 : i32
      %swap3A_444 = tpu.memref_slice %arg7[%swap3A_442, %swap3A_443] : memref<2x128xi32, #tpu.memory_space<vmem>> -> memref<1x128xi32, #tpu.memory_space<vmem>>
      %swap3A_445 = tpu.memref_squeeze %swap3A_444 : memref<1x128xi32, #tpu.memory_space<vmem>> -> memref<128xi32, #tpu.memory_space<vmem>>
      %swap3A_446 = arith.constant 112 : index
      %swap3A_447 = tpu.vector_load %swap3A_445[%swap3A_446] {strides = array<i32>} : memref<128xi32, #tpu.memory_space<vmem>>, vector<16xi32>,
      %swap3A_448 = vector.shape_cast %swap3A_447 : vector<16xi32> to vector<16xi32>
      %swap3A_449 = vector.shape_cast %and3A_441 : vector<16xi32> to vector<16xi32>
      tpu.vector_store %swap3A_445[%swap3A_446], %swap3A_449 {strides = array<i32>} : memref<128xi32, #tpu.memory_space<vmem>>, vector<16xi32>,
      %get3A_450 = arith.constant 0 : i32
      %get3A_451 = tpu.memref_slice %arg6[%add3A_313, %get3A_450] : memref<80x128xi32, #tpu.memory_space<vmem>> -> memref<1x128xi32, #tpu.memory_space<vmem>>
      %get3A_452 = tpu.memref_squeeze %get3A_451 : memref<1x128xi32, #tpu.memory_space<vmem>> -> memref<128xi32, #tpu.memory_space<vmem>>
      %get3A_453 = arith.constant 0 : index
      %get3A_454 = tpu.vector_load %get3A_452[%get3A_453] {strides = array<i32>} : memref<128xi32, #tpu.memory_space<vmem>>, vector<16xi32>,
      %get3A_455 = vector.shape_cast %get3A_454 : vector<16xi32> to vector<16xi32>
      %shift_right_logical3A_456 = arith.constant 14 : i32
      %shift_right_logical3A_457 = vector.broadcast %shift_right_logical3A_456 : i32 to vector<16xi32>
      %shift_right_logical3A_458 = arith.shrui %get3A_455, %shift_right_logical3A_457 : vector<16xi32>
      %swap3A_459 = arith.constant 1 : i32
      %swap3A_460 = arith.constant 0 : i32
      %swap3A_461 = tpu.memref_slice %arg8[%swap3A_459, %swap3A_460] : memref<2x128xi32, #tpu.memory_space<vmem>> -> memref<1x128xi32, #tpu.memory_space<vmem>>
      %swap3A_462 = tpu.memref_squeeze %swap3A_461 : memref<1x128xi32, #tpu.memory_space<vmem>> -> memref<128xi32, #tpu.memory_space<vmem>>
      %swap3A_463 = arith.constant 0 : index
      %swap3A_464 = tpu.vector_load %swap3A_462[%swap3A_463] {strides = array<i32>} : memref<128xi32, #tpu.memory_space<vmem>>, vector<16xi32>,
      %swap3A_465 = vector.shape_cast %swap3A_464 : vector<16xi32> to vector<16xi32>
      %swap3A_466 = vector.shape_cast %shift_right_logical3A_458 : vector<16xi32> to vector<16xi32>
      tpu.vector_store %swap3A_462[%swap3A_463], %swap3A_466 {strides = array<i32>} : memref<128xi32, #tpu.memory_space<vmem>>, vector<16xi32>,
      %get3A_467 = arith.constant 0 : i32
      %get3A_468 = tpu.memref_slice %arg6[%add3A_313, %get3A_467] : memref<80x128xi32, #tpu.memory_space<vmem>> -> memref<1x128xi32, #tpu.memory_space<vmem>>
      %get3A_469 = tpu.memref_squeeze %get3A_468 : memref<1x128xi32, #tpu.memory_space<vmem>> -> memref<128xi32, #tpu.memory_space<vmem>>
      %get3A_470 = arith.constant 16 : index
      %get3A_471 = tpu.vector_load %get3A_469[%get3A_470] {strides = array<i32>} : memref<128xi32, #tpu.memory_space<vmem>>, vector<16xi32>,
      %get3A_472 = vector.shape_cast %get3A_471 : vector<16xi32> to vector<16xi32>
      %shift_right_logical3A_473 = arith.constant 14 : i32
      %shift_right_logical3A_474 = vector.broadcast %shift_right_logical3A_473 : i32 to vector<16xi32>
      %shift_right_logical3A_475 = arith.shrui %get3A_472, %shift_right_logical3A_474 : vector<16xi32>
      %swap3A_476 = arith.constant 1 : i32
      %swap3A_477 = arith.constant 0 : i32
      %swap3A_478 = tpu.memref_slice %arg8[%swap3A_476, %swap3A_477] : memref<2x128xi32, #tpu.memory_space<vmem>> -> memref<1x128xi32, #tpu.memory_space<vmem>>
      %swap3A_479 = tpu.memref_squeeze %swap3A_478 : memref<1x128xi32, #tpu.memory_space<vmem>> -> memref<128xi32, #tpu.memory_space<vmem>>
      %swap3A_480 = arith.constant 16 : index
      %swap3A_481 = tpu.vector_load %swap3A_479[%swap3A_480] {strides = array<i32>} : memref<128xi32, #tpu.memory_space<vmem>>, vector<16xi32>,
      %swap3A_482 = vector.shape_cast %swap3A_481 : vector<16xi32> to vector<16xi32>
      %swap3A_483 = vector.shape_cast %shift_right_logical3A_475 : vector<16xi32> to vector<16xi32>
      tpu.vector_store %swap3A_479[%swap3A_480], %swap3A_483 {strides = array<i32>} : memref<128xi32, #tpu.memory_space<vmem>>, vector<16xi32>,
      %get3A_484 = arith.constant 0 : i32
      %get3A_485 = tpu.memref_slice %arg6[%add3A_313, %get3A_484] : memref<80x128xi32, #tpu.memory_space<vmem>> -> memref<1x128xi32, #tpu.memory_space<vmem>>
      %get3A_486 = tpu.memref_squeeze %get3A_485 : memref<1x128xi32, #tpu.memory_space<vmem>> -> memref<128xi32, #tpu.memory_space<vmem>>
      %get3A_487 = arith.constant 32 : index
      %get3A_488 = tpu.vector_load %get3A_486[%get3A_487] {strides = array<i32>} : memref<128xi32, #tpu.memory_space<vmem>>, vector<16xi32>,
      %get3A_489 = vector.shape_cast %get3A_488 : vector<16xi32> to vector<16xi32>
      %shift_right_logical3A_490 = arith.constant 14 : i32
      %shift_right_logical3A_491 = vector.broadcast %shift_right_logical3A_490 : i32 to vector<16xi32>
      %shift_right_logical3A_492 = arith.shrui %get3A_489, %shift_right_logical3A_491 : vector<16xi32>
      %swap3A_493 = arith.constant 1 : i32
      %swap3A_494 = arith.constant 0 : i32
      %swap3A_495 = tpu.memref_slice %arg8[%swap3A_493, %swap3A_494] : memref<2x128xi32, #tpu.memory_space<vmem>> -> memref<1x128xi32, #tpu.memory_space<vmem>>
      %swap3A_496 = tpu.memref_squeeze %swap3A_495 : memref<1x128xi32, #tpu.memory_space<vmem>> -> memref<128xi32, #tpu.memory_space<vmem>>
      %swap3A_497 = arith.constant 32 : index
      %swap3A_498 = tpu.vector_load %swap3A_496[%swap3A_497] {strides = array<i32>} : memref<128xi32, #tpu.memory_space<vmem>>, vector<16xi32>,
      %swap3A_499 = vector.shape_cast %swap3A_498 : vector<16xi32> to vector<16xi32>
      %swap3A_500 = vector.shape_cast %shift_right_logical3A_492 : vector<16xi32> to vector<16xi32>
      tpu.vector_store %swap3A_496[%swap3A_497], %swap3A_500 {strides = array<i32>} : memref<128xi32, #tpu.memory_space<vmem>>, vector<16xi32>,
      %get3A_501 = arith.constant 0 : i32
      %get3A_502 = tpu.memref_slice %arg6[%add3A_313, %get3A_501] : memref<80x128xi32, #tpu.memory_space<vmem>> -> memref<1x128xi32, #tpu.memory_space<vmem>>
      %get3A_503 = tpu.memref_squeeze %get3A_502 : memref<1x128xi32, #tpu.memory_space<vmem>> -> memref<128xi32, #tpu.memory_space<vmem>>
      %get3A_504 = arith.constant 48 : index
      %get3A_505 = tpu.vector_load %get3A_503[%get3A_504] {strides = array<i32>} : memref<128xi32, #tpu.memory_space<vmem>>, vector<16xi32>,
      %get3A_506 = vector.shape_cast %get3A_505 : vector<16xi32> to vector<16xi32>
      %shift_right_logical3A_507 = arith.constant 14 : i32
      %shift_right_logical3A_508 = vector.broadcast %shift_right_logical3A_507 : i32 to vector<16xi32>
      %shift_right_logical3A_509 = arith.shrui %get3A_506, %shift_right_logical3A_508 : vector<16xi32>
      %swap3A_510 = arith.constant 1 : i32
      %swap3A_511 = arith.constant 0 : i32
      %swap3A_512 = tpu.memref_slice %arg8[%swap3A_510, %swap3A_511] : memref<2x128xi32, #tpu.memory_space<vmem>> -> memref<1x128xi32, #tpu.memory_space<vmem>>
      %swap3A_513 = tpu.memref_squeeze %swap3A_512 : memref<1x128xi32, #tpu.memory_space<vmem>> -> memref<128xi32, #tpu.memory_space<vmem>>
      %swap3A_514 = arith.constant 48 : index
      %swap3A_515 = tpu.vector_load %swap3A_513[%swap3A_514] {strides = array<i32>} : memref<128xi32, #tpu.memory_space<vmem>>, vector<16xi32>,
      %swap3A_516 = vector.shape_cast %swap3A_515 : vector<16xi32> to vector<16xi32>
      %swap3A_517 = vector.shape_cast %shift_right_logical3A_509 : vector<16xi32> to vector<16xi32>
      tpu.vector_store %swap3A_513[%swap3A_514], %swap3A_517 {strides = array<i32>} : memref<128xi32, #tpu.memory_space<vmem>>, vector<16xi32>,
      %get3A_518 = arith.constant 0 : i32
      %get3A_519 = tpu.memref_slice %arg6[%add3A_313, %get3A_518] : memref<80x128xi32, #tpu.memory_space<vmem>> -> memref<1x128xi32, #tpu.memory_space<vmem>>
      %get3A_520 = tpu.memref_squeeze %get3A_519 : memref<1x128xi32, #tpu.memory_space<vmem>> -> memref<128xi32, #tpu.memory_space<vmem>>
      %get3A_521 = arith.constant 64 : index
      %get3A_522 = tpu.vector_load %get3A_520[%get3A_521] {strides = array<i32>} : memref<128xi32, #tpu.memory_space<vmem>>, vector<16xi32>,
      %get3A_523 = vector.shape_cast %get3A_522 : vector<16xi32> to vector<16xi32>
      %shift_right_logical3A_524 = arith.constant 14 : i32
      %shift_right_logical3A_525 = vector.broadcast %shift_right_logical3A_524 : i32 to vector<16xi32>
      %shift_right_logical3A_526 = arith.shrui %get3A_523, %shift_right_logical3A_525 : vector<16xi32>
      %swap3A_527 = arith.constant 1 : i32
      %swap3A_528 = arith.constant 0 : i32
      %swap3A_529 = tpu.memref_slice %arg8[%swap3A_527, %swap3A_528] : memref<2x128xi32, #tpu.memory_space<vmem>> -> memref<1x128xi32, #tpu.memory_space<vmem>>
      %swap3A_530 = tpu.memref_squeeze %swap3A_529 : memref<1x128xi32, #tpu.memory_space<vmem>> -> memref<128xi32, #tpu.memory_space<vmem>>
      %swap3A_531 = arith.constant 64 : index
      %swap3A_532 = tpu.vector_load %swap3A_530[%swap3A_531] {strides = array<i32>} : memref<128xi32, #tpu.memory_space<vmem>>, vector<16xi32>,
      %swap3A_533 = vector.shape_cast %swap3A_532 : vector<16xi32> to vector<16xi32>
      %swap3A_534 = vector.shape_cast %shift_right_logical3A_526 : vector<16xi32> to vector<16xi32>
      tpu.vector_store %swap3A_530[%swap3A_531], %swap3A_534 {strides = array<i32>} : memref<128xi32, #tpu.memory_space<vmem>>, vector<16xi32>,
      %get3A_535 = arith.constant 0 : i32
      %get3A_536 = tpu.memref_slice %arg6[%add3A_313, %get3A_535] : memref<80x128xi32, #tpu.memory_space<vmem>> -> memref<1x128xi32, #tpu.memory_space<vmem>>
      %get3A_537 = tpu.memref_squeeze %get3A_536 : memref<1x128xi32, #tpu.memory_space<vmem>> -> memref<128xi32, #tpu.memory_space<vmem>>
      %get3A_538 = arith.constant 80 : index
      %get3A_539 = tpu.vector_load %get3A_537[%get3A_538] {strides = array<i32>} : memref<128xi32, #tpu.memory_space<vmem>>, vector<16xi32>,
      %get3A_540 = vector.shape_cast %get3A_539 : vector<16xi32> to vector<16xi32>
      %shift_right_logical3A_541 = arith.constant 14 : i32
      %shift_right_logical3A_542 = vector.broadcast %shift_right_logical3A_541 : i32 to vector<16xi32>
      %shift_right_logical3A_543 = arith.shrui %get3A_540, %shift_right_logical3A_542 : vector<16xi32>
      %swap3A_544 = arith.constant 1 : i32
      %swap3A_545 = arith.constant 0 : i32
      %swap3A_546 = tpu.memref_slice %arg8[%swap3A_544, %swap3A_545] : memref<2x128xi32, #tpu.memory_space<vmem>> -> memref<1x128xi32, #tpu.memory_space<vmem>>
      %swap3A_547 = tpu.memref_squeeze %swap3A_546 : memref<1x128xi32, #tpu.memory_space<vmem>> -> memref<128xi32, #tpu.memory_space<vmem>>
      %swap3A_548 = arith.constant 80 : index
      %swap3A_549 = tpu.vector_load %swap3A_547[%swap3A_548] {strides = array<i32>} : memref<128xi32, #tpu.memory_space<vmem>>, vector<16xi32>,
      %swap3A_550 = vector.shape_cast %swap3A_549 : vector<16xi32> to vector<16xi32>
      %swap3A_551 = vector.shape_cast %shift_right_logical3A_543 : vector<16xi32> to vector<16xi32>
      tpu.vector_store %swap3A_547[%swap3A_548], %swap3A_551 {strides = array<i32>} : memref<128xi32, #tpu.memory_space<vmem>>, vector<16xi32>,
      %get3A_552 = arith.constant 0 : i32
      %get3A_553 = tpu.memref_slice %arg6[%add3A_313, %get3A_552] : memref<80x128xi32, #tpu.memory_space<vmem>> -> memref<1x128xi32, #tpu.memory_space<vmem>>
      %get3A_554 = tpu.memref_squeeze %get3A_553 : memref<1x128xi32, #tpu.memory_space<vmem>> -> memref<128xi32, #tpu.memory_space<vmem>>
      %get3A_555 = arith.constant 96 : index
      %get3A_556 = tpu.vector_load %get3A_554[%get3A_555] {strides = array<i32>} : memref<128xi32, #tpu.memory_space<vmem>>, vector<16xi32>,
      %get3A_557 = vector.shape_cast %get3A_556 : vector<16xi32> to vector<16xi32>
      %shift_right_logical3A_558 = arith.constant 14 : i32
      %shift_right_logical3A_559 = vector.broadcast %shift_right_logical3A_558 : i32 to vector<16xi32>
      %shift_right_logical3A_560 = arith.shrui %get3A_557, %shift_right_logical3A_559 : vector<16xi32>
      %swap3A_561 = arith.constant 1 : i32
      %swap3A_562 = arith.constant 0 : i32
      %swap3A_563 = tpu.memref_slice %arg8[%swap3A_561, %swap3A_562] : memref<2x128xi32, #tpu.memory_space<vmem>> -> memref<1x128xi32, #tpu.memory_space<vmem>>
      %swap3A_564 = tpu.memref_squeeze %swap3A_563 : memref<1x128xi32, #tpu.memory_space<vmem>> -> memref<128xi32, #tpu.memory_space<vmem>>
      %swap3A_565 = arith.constant 96 : index
      %swap3A_566 = tpu.vector_load %swap3A_564[%swap3A_565] {strides = array<i32>} : memref<128xi32, #tpu.memory_space<vmem>>, vector<16xi32>,
      %swap3A_567 = vector.shape_cast %swap3A_566 : vector<16xi32> to vector<16xi32>
      %swap3A_568 = vector.shape_cast %shift_right_logical3A_560 : vector<16xi32> to vector<16xi32>
      tpu.vector_store %swap3A_564[%swap3A_565], %swap3A_568 {strides = array<i32>} : memref<128xi32, #tpu.memory_space<vmem>>, vector<16xi32>,
      %get3A_569 = arith.constant 0 : i32
      %get3A_570 = tpu.memref_slice %arg6[%add3A_313, %get3A_569] : memref<80x128xi32, #tpu.memory_space<vmem>> -> memref<1x128xi32, #tpu.memory_space<vmem>>
      %get3A_571 = tpu.memref_squeeze %get3A_570 : memref<1x128xi32, #tpu.memory_space<vmem>> -> memref<128xi32, #tpu.memory_space<vmem>>
      %get3A_572 = arith.constant 112 : index
      %get3A_573 = tpu.vector_load %get3A_571[%get3A_572] {strides = array<i32>} : memref<128xi32, #tpu.memory_space<vmem>>, vector<16xi32>,
      %get3A_574 = vector.shape_cast %get3A_573 : vector<16xi32> to vector<16xi32>
      %shift_right_logical3A_575 = arith.constant 14 : i32
      %shift_right_logical3A_576 = vector.broadcast %shift_right_logical3A_575 : i32 to vector<16xi32>
      %shift_right_logical3A_577 = arith.shrui %get3A_574, %shift_right_logical3A_576 : vector<16xi32>
      %swap3A_578 = arith.constant 1 : i32
      %swap3A_579 = arith.constant 0 : i32
      %swap3A_580 = tpu.memref_slice %arg8[%swap3A_578, %swap3A_579] : memref<2x128xi32, #tpu.memory_space<vmem>> -> memref<1x128xi32, #tpu.memory_space<vmem>>
      %swap3A_581 = tpu.memref_squeeze %swap3A_580 : memref<1x128xi32, #tpu.memory_space<vmem>> -> memref<128xi32, #tpu.memory_space<vmem>>
      %swap3A_582 = arith.constant 112 : index
      %swap3A_583 = tpu.vector_load %swap3A_581[%swap3A_582] {strides = array<i32>} : memref<128xi32, #tpu.memory_space<vmem>>, vector<16xi32>,
      %swap3A_584 = vector.shape_cast %swap3A_583 : vector<16xi32> to vector<16xi32>
      %swap3A_585 = vector.shape_cast %shift_right_logical3A_577 : vector<16xi32> to vector<16xi32>
      tpu.vector_store %swap3A_581[%swap3A_582], %swap3A_585 {strides = array<i32>} : memref<128xi32, #tpu.memory_space<vmem>>, vector<16xi32>,
      %dma_wait3A = arith.constant 0 : i32
      %dma_wait3A_586 = arith.constant 0 : i32
      %dma_wait3A_587 = arith.constant 0 : i32
      %dma_wait3A_588 = arith.constant 0 : i32
      %dma_wait3A_589 = tpu.memref_slice %arg9[%dma_wait3A_586, %dma_wait3A_587, %dma_wait3A_588] : memref<2x128x128xf32, #tpu.memory_space<vmem>> -> memref<1x128x128xf32, #tpu.memory_space<vmem>>
      %dma_wait3A_590 = tpu.memref_squeeze %dma_wait3A_589 : memref<1x128x128xf32, #tpu.memory_space<vmem>> -> memref<128x128xf32, #tpu.memory_space<vmem>>
      %dma_wait3A_591 = arith.constant 0 : i32
      %dma_wait3A_592 = tpu.memref_slice %arg7[%dma_wait3A, %dma_wait3A_591] : memref<2x128xi32, #tpu.memory_space<vmem>> -> memref<1x128xi32, #tpu.memory_space<vmem>>
      %dma_wait3A_593 = tpu.memref_squeeze %dma_wait3A_592 : memref<1x128xi32, #tpu.memory_space<vmem>> -> memref<128xi32, #tpu.memory_space<vmem>>
      %dma_wait3A_594 = arith.constant 0 : i32
      %dma_wait3A_595 = arith.constant 0 : i32
      %dma_wait3A_596 = tpu.memref_slice %arg2[%dma_wait3A_594, %dma_wait3A_595] : memref<10000x128xf32, #tpu.memory_space<hbm>> -> memref<10000x128xf32, #tpu.memory_space<hbm>>
      tpu.wait_indirect_dma semaphore(%arg10 : memref<!tpu.dma_semaphore, #tpu.memory_space<semaphore_mem>>) src(%dma_wait3A_596 : memref<10000x128xf32, #tpu.memory_space<hbm>>) dst(%dma_wait3A_590 : memref<128x128xf32, #tpu.memory_space<vmem>>)
      %dma_start3A_597 = arith.constant 1 : i32
      %dma_start3A_598 = arith.constant 1 : i32
      %dma_start3A_599 = arith.constant 0 : i32
      %dma_start3A_600 = arith.constant 0 : i32
      %dma_start3A_601 = tpu.memref_slice %arg9[%dma_start3A_598, %dma_start3A_599, %dma_start3A_600] : memref<2x128x128xf32, #tpu.memory_space<vmem>> -> memref<1x128x128xf32, #tpu.memory_space<vmem>>
      %dma_start3A_602 = tpu.memref_squeeze %dma_start3A_601 : memref<1x128x128xf32, #tpu.memory_space<vmem>> -> memref<128x128xf32, #tpu.memory_space<vmem>>
      %dma_start3A_603 = arith.constant 0 : i32
      %dma_start3A_604 = tpu.memref_slice %arg7[%dma_start3A_597, %dma_start3A_603] : memref<2x128xi32, #tpu.memory_space<vmem>> -> memref<1x128xi32, #tpu.memory_space<vmem>>
      %dma_start3A_605 = tpu.memref_squeeze %dma_start3A_604 : memref<1x128xi32, #tpu.memory_space<vmem>> -> memref<128xi32, #tpu.memory_space<vmem>>
      %dma_start3A_606 = arith.constant 0 : i32
      %dma_start3A_607 = arith.constant 0 : i32
      %dma_start3A_608 = tpu.memref_slice %arg2[%dma_start3A_606, %dma_start3A_607] : memref<10000x128xf32, #tpu.memory_space<hbm>> -> memref<10000x128xf32, #tpu.memory_space<hbm>>
      tpu.enqueue_indirect_dma source(%dma_start3A_608 : memref<10000x128xf32, #tpu.memory_space<hbm>>) target(%dma_start3A_602 : memref<128x128xf32, #tpu.memory_space<vmem>>) offsets(%dma_start3A_605 : memref<128xi32, #tpu.memory_space<vmem>>) semaphore(%arg10 : memref<!tpu.dma_semaphore, #tpu.memory_space<semaphore_mem>>)
      %run_scoped3A = arith.constant 0 : i32
      %run_scoped3A_609 = arith.constant 0 : i32
      "tpu.region"() ({
        %run_scoped3A_637 = tpu.sem_alloc : memref<!tpu.dma_semaphore, #tpu.memory_space<semaphore_mem>>
        %dma_start3A_638 = arith.constant 0 : i32
        %dma_start3A_639 = arith.constant 0 : i32
        %dma_start3A_640 = tpu.memref_slice %arg9[%run_scoped3A, %dma_start3A_638, %dma_start3A_639] : memref<2x128x128xf32, #tpu.memory_space<vmem>> -> memref<1x128x128xf32, #tpu.memory_space<vmem>>
        %dma_start3A_641 = tpu.memref_squeeze %dma_start3A_640 : memref<1x128x128xf32, #tpu.memory_space<vmem>> -> memref<128x128xf32, #tpu.memory_space<vmem>>
        %dma_start3A_642 = arith.constant 0 : i32
        %dma_start3A_643 = tpu.memref_slice %arg8[%run_scoped3A_609, %dma_start3A_642] : memref<2x128xi32, #tpu.memory_space<vmem>> -> memref<1x128xi32, #tpu.memory_space<vmem>>
        %dma_start3A_644 = tpu.memref_squeeze %dma_start3A_643 : memref<1x128xi32, #tpu.memory_space<vmem>> -> memref<128xi32, #tpu.memory_space<vmem>>
        %dma_start3A_645 = arith.constant 0 : i32
        %dma_start3A_646 = arith.constant 0 : i32
        %dma_start3A_647 = tpu.memref_slice %arg11[%dma_start3A_645, %dma_start3A_646] : memref<10112x128xf32, #tpu.memory_space<vmem_shared>> -> memref<10112x128xf32, #tpu.memory_space<vmem_shared>>
        tpu.enqueue_indirect_dma source(%dma_start3A_641 : memref<128x128xf32, #tpu.memory_space<vmem>>) target(%dma_start3A_647 : memref<10112x128xf32, #tpu.memory_space<vmem_shared>>) offsets(%dma_start3A_644 : memref<128xi32, #tpu.memory_space<vmem>>) semaphore(%run_scoped3A_637 : memref<!tpu.dma_semaphore, #tpu.memory_space<semaphore_mem>>) {add = true}
        %dma_wait3A_648 = arith.constant 0 : i32
        %dma_wait3A_649 = arith.constant 0 : i32
        %dma_wait3A_650 = tpu.memref_slice %arg9[%run_scoped3A, %dma_wait3A_648, %dma_wait3A_649] : memref<2x128x128xf32, #tpu.memory_space<vmem>> -> memref<1x128x128xf32, #tpu.memory_space<vmem>>
        %dma_wait3A_651 = tpu.memref_squeeze %dma_wait3A_650 : memref<1x128x128xf32, #tpu.memory_space<vmem>> -> memref<128x128xf32, #tpu.memory_space<vmem>>
        %dma_wait3A_652 = arith.constant 0 : i32
        %dma_wait3A_653 = tpu.memref_slice %arg8[%run_scoped3A_609, %dma_wait3A_652] : memref<2x128xi32, #tpu.memory_space<vmem>> -> memref<1x128xi32, #tpu.memory_space<vmem>>
        %dma_wait3A_654 = tpu.memref_squeeze %dma_wait3A_653 : memref<1x128xi32, #tpu.memory_space<vmem>> -> memref<128xi32, #tpu.memory_space<vmem>>
        %dma_wait3A_655 = arith.constant 0 : i32
        %dma_wait3A_656 = arith.constant 0 : i32
        %dma_wait3A_657 = tpu.memref_slice %arg11[%dma_wait3A_655, %dma_wait3A_656] : memref<10112x128xf32, #tpu.memory_space<vmem_shared>> -> memref<10112x128xf32, #tpu.memory_space<vmem_shared>>
        tpu.wait_indirect_dma semaphore(%run_scoped3A_637 : memref<!tpu.dma_semaphore, #tpu.memory_space<semaphore_mem>>) src(%dma_wait3A_651 : memref<128x128xf32, #tpu.memory_space<vmem>>) dst(%dma_wait3A_657 : memref<10112x128xf32, #tpu.memory_space<vmem_shared>>)
        tpu.yield
      }) : () -> ()
      %add3A_610 = arith.constant 1 : i32
      %add3A_611 = arith.addi %add3A_313, %add3A_610 : i32
      %lt3A = arith.constant 80 : i32
      %lt3A_612 = arith.cmpi slt, %add3A_611, %lt3A : i32
      %convert_element_type3A_613 = arith.extui %lt3A_612 : i1 to i32
      %cond3A_614 = arith.constant 0 : i32
      %cond3A_615 = arith.cmpi ne, %convert_element_type3A_613, %cond3A_614 : i32
      scf.if %cond3A_615 {
        %add3A_637 = arith.constant 1 : i32
        %add3A_638 = arith.addi %add3A_313, %add3A_637 : i32
        %get3A_639 = arith.constant 0 : i32
        %get3A_640 = tpu.memref_slice %arg6[%add3A_638, %get3A_639] : memref<80x128xi32, #tpu.memory_space<vmem>> -> memref<1x128xi32, #tpu.memory_space<vmem>>
        %get3A_641 = tpu.memref_squeeze %get3A_640 : memref<1x128xi32, #tpu.memory_space<vmem>> -> memref<128xi32, #tpu.memory_space<vmem>>
        %get3A_642 = arith.constant 0 : index
        %get3A_643 = tpu.vector_load %get3A_641[%get3A_642] {strides = array<i32>} : memref<128xi32, #tpu.memory_space<vmem>>, vector<16xi32>,
        %get3A_644 = vector.shape_cast %get3A_643 : vector<16xi32> to vector<16xi32>
        %and3A_645 = arith.constant 16383 : i32
        %and3A_646 = vector.broadcast %and3A_645 : i32 to vector<16xi32>
        %and3A_647 = arith.andi %get3A_644, %and3A_646 : vector<16xi32>
        %swap3A_648 = arith.constant 0 : i32
        %swap3A_649 = arith.constant 0 : i32
        %swap3A_650 = tpu.memref_slice %arg7[%swap3A_648, %swap3A_649] : memref<2x128xi32, #tpu.memory_space<vmem>> -> memref<1x128xi32, #tpu.memory_space<vmem>>
        %swap3A_651 = tpu.memref_squeeze %swap3A_650 : memref<1x128xi32, #tpu.memory_space<vmem>> -> memref<128xi32, #tpu.memory_space<vmem>>
        %swap3A_652 = arith.constant 0 : index
        %swap3A_653 = tpu.vector_load %swap3A_651[%swap3A_652] {strides = array<i32>} : memref<128xi32, #tpu.memory_space<vmem>>, vector<16xi32>,
        %swap3A_654 = vector.shape_cast %swap3A_653 : vector<16xi32> to vector<16xi32>
        %swap3A_655 = vector.shape_cast %and3A_647 : vector<16xi32> to vector<16xi32>
        tpu.vector_store %swap3A_651[%swap3A_652], %swap3A_655 {strides = array<i32>} : memref<128xi32, #tpu.memory_space<vmem>>, vector<16xi32>,
        %get3A_656 = arith.constant 0 : i32
        %get3A_657 = tpu.memref_slice %arg6[%add3A_638, %get3A_656] : memref<80x128xi32, #tpu.memory_space<vmem>> -> memref<1x128xi32, #tpu.memory_space<vmem>>
        %get3A_658 = tpu.memref_squeeze %get3A_657 : memref<1x128xi32, #tpu.memory_space<vmem>> -> memref<128xi32, #tpu.memory_space<vmem>>
        %get3A_659 = arith.constant 16 : index
        %get3A_660 = tpu.vector_load %get3A_658[%get3A_659] {strides = array<i32>} : memref<128xi32, #tpu.memory_space<vmem>>, vector<16xi32>,
        %get3A_661 = vector.shape_cast %get3A_660 : vector<16xi32> to vector<16xi32>
        %and3A_662 = arith.constant 16383 : i32
        %and3A_663 = vector.broadcast %and3A_662 : i32 to vector<16xi32>
        %and3A_664 = arith.andi %get3A_661, %and3A_663 : vector<16xi32>
        %swap3A_665 = arith.constant 0 : i32
        %swap3A_666 = arith.constant 0 : i32
        %swap3A_667 = tpu.memref_slice %arg7[%swap3A_665, %swap3A_666] : memref<2x128xi32, #tpu.memory_space<vmem>> -> memref<1x128xi32, #tpu.memory_space<vmem>>
        %swap3A_668 = tpu.memref_squeeze %swap3A_667 : memref<1x128xi32, #tpu.memory_space<vmem>> -> memref<128xi32, #tpu.memory_space<vmem>>
        %swap3A_669 = arith.constant 16 : index
        %swap3A_670 = tpu.vector_load %swap3A_668[%swap3A_669] {strides = array<i32>} : memref<128xi32, #tpu.memory_space<vmem>>, vector<16xi32>,
        %swap3A_671 = vector.shape_cast %swap3A_670 : vector<16xi32> to vector<16xi32>
        %swap3A_672 = vector.shape_cast %and3A_664 : vector<16xi32> to vector<16xi32>
        tpu.vector_store %swap3A_668[%swap3A_669], %swap3A_672 {strides = array<i32>} : memref<128xi32, #tpu.memory_space<vmem>>, vector<16xi32>,
        %get3A_673 = arith.constant 0 : i32
        %get3A_674 = tpu.memref_slice %arg6[%add3A_638, %get3A_673] : memref<80x128xi32, #tpu.memory_space<vmem>> -> memref<1x128xi32, #tpu.memory_space<vmem>>
        %get3A_675 = tpu.memref_squeeze %get3A_674 : memref<1x128xi32, #tpu.memory_space<vmem>> -> memref<128xi32, #tpu.memory_space<vmem>>
        %get3A_676 = arith.constant 32 : index
        %get3A_677 = tpu.vector_load %get3A_675[%get3A_676] {strides = array<i32>} : memref<128xi32, #tpu.memory_space<vmem>>, vector<16xi32>,
        %get3A_678 = vector.shape_cast %get3A_677 : vector<16xi32> to vector<16xi32>
        %and3A_679 = arith.constant 16383 : i32
        %and3A_680 = vector.broadcast %and3A_679 : i32 to vector<16xi32>
        %and3A_681 = arith.andi %get3A_678, %and3A_680 : vector<16xi32>
        %swap3A_682 = arith.constant 0 : i32
        %swap3A_683 = arith.constant 0 : i32
        %swap3A_684 = tpu.memref_slice %arg7[%swap3A_682, %swap3A_683] : memref<2x128xi32, #tpu.memory_space<vmem>> -> memref<1x128xi32, #tpu.memory_space<vmem>>
        %swap3A_685 = tpu.memref_squeeze %swap3A_684 : memref<1x128xi32, #tpu.memory_space<vmem>> -> memref<128xi32, #tpu.memory_space<vmem>>
        %swap3A_686 = arith.constant 32 : index
        %swap3A_687 = tpu.vector_load %swap3A_685[%swap3A_686] {strides = array<i32>} : memref<128xi32, #tpu.memory_space<vmem>>, vector<16xi32>,
        %swap3A_688 = vector.shape_cast %swap3A_687 : vector<16xi32> to vector<16xi32>
        %swap3A_689 = vector.shape_cast %and3A_681 : vector<16xi32> to vector<16xi32>
        tpu.vector_store %swap3A_685[%swap3A_686], %swap3A_689 {strides = array<i32>} : memref<128xi32, #tpu.memory_space<vmem>>, vector<16xi32>,
        %get3A_690 = arith.constant 0 : i32
        %get3A_691 = tpu.memref_slice %arg6[%add3A_638, %get3A_690] : memref<80x128xi32, #tpu.memory_space<vmem>> -> memref<1x128xi32, #tpu.memory_space<vmem>>
        %get3A_692 = tpu.memref_squeeze %get3A_691 : memref<1x128xi32, #tpu.memory_space<vmem>> -> memref<128xi32, #tpu.memory_space<vmem>>
        %get3A_693 = arith.constant 48 : index
        %get3A_694 = tpu.vector_load %get3A_692[%get3A_693] {strides = array<i32>} : memref<128xi32, #tpu.memory_space<vmem>>, vector<16xi32>,
        %get3A_695 = vector.shape_cast %get3A_694 : vector<16xi32> to vector<16xi32>
        %and3A_696 = arith.constant 16383 : i32
        %and3A_697 = vector.broadcast %and3A_696 : i32 to vector<16xi32>
        %and3A_698 = arith.andi %get3A_695, %and3A_697 : vector<16xi32>
        %swap3A_699 = arith.constant 0 : i32
        %swap3A_700 = arith.constant 0 : i32
        %swap3A_701 = tpu.memref_slice %arg7[%swap3A_699, %swap3A_700] : memref<2x128xi32, #tpu.memory_space<vmem>> -> memref<1x128xi32, #tpu.memory_space<vmem>>
        %swap3A_702 = tpu.memref_squeeze %swap3A_701 : memref<1x128xi32, #tpu.memory_space<vmem>> -> memref<128xi32, #tpu.memory_space<vmem>>
        %swap3A_703 = arith.constant 48 : index
        %swap3A_704 = tpu.vector_load %swap3A_702[%swap3A_703] {strides = array<i32>} : memref<128xi32, #tpu.memory_space<vmem>>, vector<16xi32>,
        %swap3A_705 = vector.shape_cast %swap3A_704 : vector<16xi32> to vector<16xi32>
        %swap3A_706 = vector.shape_cast %and3A_698 : vector<16xi32> to vector<16xi32>
        tpu.vector_store %swap3A_702[%swap3A_703], %swap3A_706 {strides = array<i32>} : memref<128xi32, #tpu.memory_space<vmem>>, vector<16xi32>,
        %get3A_707 = arith.constant 0 : i32
        %get3A_708 = tpu.memref_slice %arg6[%add3A_638, %get3A_707] : memref<80x128xi32, #tpu.memory_space<vmem>> -> memref<1x128xi32, #tpu.memory_space<vmem>>
        %get3A_709 = tpu.memref_squeeze %get3A_708 : memref<1x128xi32, #tpu.memory_space<vmem>> -> memref<128xi32, #tpu.memory_space<vmem>>
        %get3A_710 = arith.constant 64 : index
        %get3A_711 = tpu.vector_load %get3A_709[%get3A_710] {strides = array<i32>} : memref<128xi32, #tpu.memory_space<vmem>>, vector<16xi32>,
        %get3A_712 = vector.shape_cast %get3A_711 : vector<16xi32> to vector<16xi32>
        %and3A_713 = arith.constant 16383 : i32
        %and3A_714 = vector.broadcast %and3A_713 : i32 to vector<16xi32>
        %and3A_715 = arith.andi %get3A_712, %and3A_714 : vector<16xi32>
        %swap3A_716 = arith.constant 0 : i32
        %swap3A_717 = arith.constant 0 : i32
        %swap3A_718 = tpu.memref_slice %arg7[%swap3A_716, %swap3A_717] : memref<2x128xi32, #tpu.memory_space<vmem>> -> memref<1x128xi32, #tpu.memory_space<vmem>>
        %swap3A_719 = tpu.memref_squeeze %swap3A_718 : memref<1x128xi32, #tpu.memory_space<vmem>> -> memref<128xi32, #tpu.memory_space<vmem>>
        %swap3A_720 = arith.constant 64 : index
        %swap3A_721 = tpu.vector_load %swap3A_719[%swap3A_720] {strides = array<i32>} : memref<128xi32, #tpu.memory_space<vmem>>, vector<16xi32>,
        %swap3A_722 = vector.shape_cast %swap3A_721 : vector<16xi32> to vector<16xi32>
        %swap3A_723 = vector.shape_cast %and3A_715 : vector<16xi32> to vector<16xi32>
        tpu.vector_store %swap3A_719[%swap3A_720], %swap3A_723 {strides = array<i32>} : memref<128xi32, #tpu.memory_space<vmem>>, vector<16xi32>,
        %get3A_724 = arith.constant 0 : i32
        %get3A_725 = tpu.memref_slice %arg6[%add3A_638, %get3A_724] : memref<80x128xi32, #tpu.memory_space<vmem>> -> memref<1x128xi32, #tpu.memory_space<vmem>>
        %get3A_726 = tpu.memref_squeeze %get3A_725 : memref<1x128xi32, #tpu.memory_space<vmem>> -> memref<128xi32, #tpu.memory_space<vmem>>
        %get3A_727 = arith.constant 80 : index
        %get3A_728 = tpu.vector_load %get3A_726[%get3A_727] {strides = array<i32>} : memref<128xi32, #tpu.memory_space<vmem>>, vector<16xi32>,
        %get3A_729 = vector.shape_cast %get3A_728 : vector<16xi32> to vector<16xi32>
        %and3A_730 = arith.constant 16383 : i32
        %and3A_731 = vector.broadcast %and3A_730 : i32 to vector<16xi32>
        %and3A_732 = arith.andi %get3A_729, %and3A_731 : vector<16xi32>
        %swap3A_733 = arith.constant 0 : i32
        %swap3A_734 = arith.constant 0 : i32
        %swap3A_735 = tpu.memref_slice %arg7[%swap3A_733, %swap3A_734] : memref<2x128xi32, #tpu.memory_space<vmem>> -> memref<1x128xi32, #tpu.memory_space<vmem>>
        %swap3A_736 = tpu.memref_squeeze %swap3A_735 : memref<1x128xi32, #tpu.memory_space<vmem>> -> memref<128xi32, #tpu.memory_space<vmem>>
        %swap3A_737 = arith.constant 80 : index
        %swap3A_738 = tpu.vector_load %swap3A_736[%swap3A_737] {strides = array<i32>} : memref<128xi32, #tpu.memory_space<vmem>>, vector<16xi32>,
        %swap3A_739 = vector.shape_cast %swap3A_738 : vector<16xi32> to vector<16xi32>
        %swap3A_740 = vector.shape_cast %and3A_732 : vector<16xi32> to vector<16xi32>
        tpu.vector_store %swap3A_736[%swap3A_737], %swap3A_740 {strides = array<i32>} : memref<128xi32, #tpu.memory_space<vmem>>, vector<16xi32>,
        %get3A_741 = arith.constant 0 : i32
        %get3A_742 = tpu.memref_slice %arg6[%add3A_638, %get3A_741] : memref<80x128xi32, #tpu.memory_space<vmem>> -> memref<1x128xi32, #tpu.memory_space<vmem>>
        %get3A_743 = tpu.memref_squeeze %get3A_742 : memref<1x128xi32, #tpu.memory_space<vmem>> -> memref<128xi32, #tpu.memory_space<vmem>>
        %get3A_744 = arith.constant 96 : index
        %get3A_745 = tpu.vector_load %get3A_743[%get3A_744] {strides = array<i32>} : memref<128xi32, #tpu.memory_space<vmem>>, vector<16xi32>,
        %get3A_746 = vector.shape_cast %get3A_745 : vector<16xi32> to vector<16xi32>
        %and3A_747 = arith.constant 16383 : i32
        %and3A_748 = vector.broadcast %and3A_747 : i32 to vector<16xi32>
        %and3A_749 = arith.andi %get3A_746, %and3A_748 : vector<16xi32>
        %swap3A_750 = arith.constant 0 : i32
        %swap3A_751 = arith.constant 0 : i32
        %swap3A_752 = tpu.memref_slice %arg7[%swap3A_750, %swap3A_751] : memref<2x128xi32, #tpu.memory_space<vmem>> -> memref<1x128xi32, #tpu.memory_space<vmem>>
        %swap3A_753 = tpu.memref_squeeze %swap3A_752 : memref<1x128xi32, #tpu.memory_space<vmem>> -> memref<128xi32, #tpu.memory_space<vmem>>
        %swap3A_754 = arith.constant 96 : index
        %swap3A_755 = tpu.vector_load %swap3A_753[%swap3A_754] {strides = array<i32>} : memref<128xi32, #tpu.memory_space<vmem>>, vector<16xi32>,
        %swap3A_756 = vector.shape_cast %swap3A_755 : vector<16xi32> to vector<16xi32>
        %swap3A_757 = vector.shape_cast %and3A_749 : vector<16xi32> to vector<16xi32>
        tpu.vector_store %swap3A_753[%swap3A_754], %swap3A_757 {strides = array<i32>} : memref<128xi32, #tpu.memory_space<vmem>>, vector<16xi32>,
        %get3A_758 = arith.constant 0 : i32
        %get3A_759 = tpu.memref_slice %arg6[%add3A_638, %get3A_758] : memref<80x128xi32, #tpu.memory_space<vmem>> -> memref<1x128xi32, #tpu.memory_space<vmem>>
        %get3A_760 = tpu.memref_squeeze %get3A_759 : memref<1x128xi32, #tpu.memory_space<vmem>> -> memref<128xi32, #tpu.memory_space<vmem>>
        %get3A_761 = arith.constant 112 : index
        %get3A_762 = tpu.vector_load %get3A_760[%get3A_761] {strides = array<i32>} : memref<128xi32, #tpu.memory_space<vmem>>, vector<16xi32>,
        %get3A_763 = vector.shape_cast %get3A_762 : vector<16xi32> to vector<16xi32>
        %and3A_764 = arith.constant 16383 : i32
        %and3A_765 = vector.broadcast %and3A_764 : i32 to vector<16xi32>
        %and3A_766 = arith.andi %get3A_763, %and3A_765 : vector<16xi32>
        %swap3A_767 = arith.constant 0 : i32
        %swap3A_768 = arith.constant 0 : i32
        %swap3A_769 = tpu.memref_slice %arg7[%swap3A_767, %swap3A_768] : memref<2x128xi32, #tpu.memory_space<vmem>> -> memref<1x128xi32, #tpu.memory_space<vmem>>
        %swap3A_770 = tpu.memref_squeeze %swap3A_769 : memref<1x128xi32, #tpu.memory_space<vmem>> -> memref<128xi32, #tpu.memory_space<vmem>>
        %swap3A_771 = arith.constant 112 : index
        %swap3A_772 = tpu.vector_load %swap3A_770[%swap3A_771] {strides = array<i32>} : memref<128xi32, #tpu.memory_space<vmem>>, vector<16xi32>,
        %swap3A_773 = vector.shape_cast %swap3A_772 : vector<16xi32> to vector<16xi32>
        %swap3A_774 = vector.shape_cast %and3A_766 : vector<16xi32> to vector<16xi32>
        tpu.vector_store %swap3A_770[%swap3A_771], %swap3A_774 {strides = array<i32>} : memref<128xi32, #tpu.memory_space<vmem>>, vector<16xi32>,
        %add3A_775 = arith.constant 1 : i32
        %add3A_776 = arith.addi %add3A_313, %add3A_775 : i32
        %get3A_777 = arith.constant 0 : i32
        %get3A_778 = tpu.memref_slice %arg6[%add3A_776, %get3A_777] : memref<80x128xi32, #tpu.memory_space<vmem>> -> memref<1x128xi32, #tpu.memory_space<vmem>>
        %get3A_779 = tpu.memref_squeeze %get3A_778 : memref<1x128xi32, #tpu.memory_space<vmem>> -> memref<128xi32, #tpu.memory_space<vmem>>
        %get3A_780 = arith.constant 0 : index
        %get3A_781 = tpu.vector_load %get3A_779[%get3A_780] {strides = array<i32>} : memref<128xi32, #tpu.memory_space<vmem>>, vector<16xi32>,
        %get3A_782 = vector.shape_cast %get3A_781 : vector<16xi32> to vector<16xi32>
        %shift_right_logical3A_783 = arith.constant 14 : i32
        %shift_right_logical3A_784 = vector.broadcast %shift_right_logical3A_783 : i32 to vector<16xi32>
        %shift_right_logical3A_785 = arith.shrui %get3A_782, %shift_right_logical3A_784 : vector<16xi32>
        %swap3A_786 = arith.constant 0 : i32
        %swap3A_787 = arith.constant 0 : i32
        %swap3A_788 = tpu.memref_slice %arg8[%swap3A_786, %swap3A_787] : memref<2x128xi32, #tpu.memory_space<vmem>> -> memref<1x128xi32, #tpu.memory_space<vmem>>
        %swap3A_789 = tpu.memref_squeeze %swap3A_788 : memref<1x128xi32, #tpu.memory_space<vmem>> -> memref<128xi32, #tpu.memory_space<vmem>>
        %swap3A_790 = arith.constant 0 : index
        %swap3A_791 = tpu.vector_load %swap3A_789[%swap3A_790] {strides = array<i32>} : memref<128xi32, #tpu.memory_space<vmem>>, vector<16xi32>,
        %swap3A_792 = vector.shape_cast %swap3A_791 : vector<16xi32> to vector<16xi32>
        %swap3A_793 = vector.shape_cast %shift_right_logical3A_785 : vector<16xi32> to vector<16xi32>
        tpu.vector_store %swap3A_789[%swap3A_790], %swap3A_793 {strides = array<i32>} : memref<128xi32, #tpu.memory_space<vmem>>, vector<16xi32>,
        %get3A_794 = arith.constant 0 : i32
        %get3A_795 = tpu.memref_slice %arg6[%add3A_776, %get3A_794] : memref<80x128xi32, #tpu.memory_space<vmem>> -> memref<1x128xi32, #tpu.memory_space<vmem>>
        %get3A_796 = tpu.memref_squeeze %get3A_795 : memref<1x128xi32, #tpu.memory_space<vmem>> -> memref<128xi32, #tpu.memory_space<vmem>>
        %get3A_797 = arith.constant 16 : index
        %get3A_798 = tpu.vector_load %get3A_796[%get3A_797] {strides = array<i32>} : memref<128xi32, #tpu.memory_space<vmem>>, vector<16xi32>,
        %get3A_799 = vector.shape_cast %get3A_798 : vector<16xi32> to vector<16xi32>
        %shift_right_logical3A_800 = arith.constant 14 : i32
        %shift_right_logical3A_801 = vector.broadcast %shift_right_logical3A_800 : i32 to vector<16xi32>
        %shift_right_logical3A_802 = arith.shrui %get3A_799, %shift_right_logical3A_801 : vector<16xi32>
        %swap3A_803 = arith.constant 0 : i32
        %swap3A_804 = arith.constant 0 : i32
        %swap3A_805 = tpu.memref_slice %arg8[%swap3A_803, %swap3A_804] : memref<2x128xi32, #tpu.memory_space<vmem>> -> memref<1x128xi32, #tpu.memory_space<vmem>>
        %swap3A_806 = tpu.memref_squeeze %swap3A_805 : memref<1x128xi32, #tpu.memory_space<vmem>> -> memref<128xi32, #tpu.memory_space<vmem>>
        %swap3A_807 = arith.constant 16 : index
        %swap3A_808 = tpu.vector_load %swap3A_806[%swap3A_807] {strides = array<i32>} : memref<128xi32, #tpu.memory_space<vmem>>, vector<16xi32>,
        %swap3A_809 = vector.shape_cast %swap3A_808 : vector<16xi32> to vector<16xi32>
        %swap3A_810 = vector.shape_cast %shift_right_logical3A_802 : vector<16xi32> to vector<16xi32>
        tpu.vector_store %swap3A_806[%swap3A_807], %swap3A_810 {strides = array<i32>} : memref<128xi32, #tpu.memory_space<vmem>>, vector<16xi32>,
        %get3A_811 = arith.constant 0 : i32
        %get3A_812 = tpu.memref_slice %arg6[%add3A_776, %get3A_811] : memref<80x128xi32, #tpu.memory_space<vmem>> -> memref<1x128xi32, #tpu.memory_space<vmem>>
        %get3A_813 = tpu.memref_squeeze %get3A_812 : memref<1x128xi32, #tpu.memory_space<vmem>> -> memref<128xi32, #tpu.memory_space<vmem>>
        %get3A_814 = arith.constant 32 : index
        %get3A_815 = tpu.vector_load %get3A_813[%get3A_814] {strides = array<i32>} : memref<128xi32, #tpu.memory_space<vmem>>, vector<16xi32>,
        %get3A_816 = vector.shape_cast %get3A_815 : vector<16xi32> to vector<16xi32>
        %shift_right_logical3A_817 = arith.constant 14 : i32
        %shift_right_logical3A_818 = vector.broadcast %shift_right_logical3A_817 : i32 to vector<16xi32>
        %shift_right_logical3A_819 = arith.shrui %get3A_816, %shift_right_logical3A_818 : vector<16xi32>
        %swap3A_820 = arith.constant 0 : i32
        %swap3A_821 = arith.constant 0 : i32
        %swap3A_822 = tpu.memref_slice %arg8[%swap3A_820, %swap3A_821] : memref<2x128xi32, #tpu.memory_space<vmem>> -> memref<1x128xi32, #tpu.memory_space<vmem>>
        %swap3A_823 = tpu.memref_squeeze %swap3A_822 : memref<1x128xi32, #tpu.memory_space<vmem>> -> memref<128xi32, #tpu.memory_space<vmem>>
        %swap3A_824 = arith.constant 32 : index
        %swap3A_825 = tpu.vector_load %swap3A_823[%swap3A_824] {strides = array<i32>} : memref<128xi32, #tpu.memory_space<vmem>>, vector<16xi32>,
        %swap3A_826 = vector.shape_cast %swap3A_825 : vector<16xi32> to vector<16xi32>
        %swap3A_827 = vector.shape_cast %shift_right_logical3A_819 : vector<16xi32> to vector<16xi32>
        tpu.vector_store %swap3A_823[%swap3A_824], %swap3A_827 {strides = array<i32>} : memref<128xi32, #tpu.memory_space<vmem>>, vector<16xi32>,
        %get3A_828 = arith.constant 0 : i32
        %get3A_829 = tpu.memref_slice %arg6[%add3A_776, %get3A_828] : memref<80x128xi32, #tpu.memory_space<vmem>> -> memref<1x128xi32, #tpu.memory_space<vmem>>
        %get3A_830 = tpu.memref_squeeze %get3A_829 : memref<1x128xi32, #tpu.memory_space<vmem>> -> memref<128xi32, #tpu.memory_space<vmem>>
        %get3A_831 = arith.constant 48 : index
        %get3A_832 = tpu.vector_load %get3A_830[%get3A_831] {strides = array<i32>} : memref<128xi32, #tpu.memory_space<vmem>>, vector<16xi32>,
        %get3A_833 = vector.shape_cast %get3A_832 : vector<16xi32> to vector<16xi32>
        %shift_right_logical3A_834 = arith.constant 14 : i32
        %shift_right_logical3A_835 = vector.broadcast %shift_right_logical3A_834 : i32 to vector<16xi32>
        %shift_right_logical3A_836 = arith.shrui %get3A_833, %shift_right_logical3A_835 : vector<16xi32>
        %swap3A_837 = arith.constant 0 : i32
        %swap3A_838 = arith.constant 0 : i32
        %swap3A_839 = tpu.memref_slice %arg8[%swap3A_837, %swap3A_838] : memref<2x128xi32, #tpu.memory_space<vmem>> -> memref<1x128xi32, #tpu.memory_space<vmem>>
        %swap3A_840 = tpu.memref_squeeze %swap3A_839 : memref<1x128xi32, #tpu.memory_space<vmem>> -> memref<128xi32, #tpu.memory_space<vmem>>
        %swap3A_841 = arith.constant 48 : index
        %swap3A_842 = tpu.vector_load %swap3A_840[%swap3A_841] {strides = array<i32>} : memref<128xi32, #tpu.memory_space<vmem>>, vector<16xi32>,
        %swap3A_843 = vector.shape_cast %swap3A_842 : vector<16xi32> to vector<16xi32>
        %swap3A_844 = vector.shape_cast %shift_right_logical3A_836 : vector<16xi32> to vector<16xi32>
        tpu.vector_store %swap3A_840[%swap3A_841], %swap3A_844 {strides = array<i32>} : memref<128xi32, #tpu.memory_space<vmem>>, vector<16xi32>,
        %get3A_845 = arith.constant 0 : i32
        %get3A_846 = tpu.memref_slice %arg6[%add3A_776, %get3A_845] : memref<80x128xi32, #tpu.memory_space<vmem>> -> memref<1x128xi32, #tpu.memory_space<vmem>>
        %get3A_847 = tpu.memref_squeeze %get3A_846 : memref<1x128xi32, #tpu.memory_space<vmem>> -> memref<128xi32, #tpu.memory_space<vmem>>
        %get3A_848 = arith.constant 64 : index
        %get3A_849 = tpu.vector_load %get3A_847[%get3A_848] {strides = array<i32>} : memref<128xi32, #tpu.memory_space<vmem>>, vector<16xi32>,
        %get3A_850 = vector.shape_cast %get3A_849 : vector<16xi32> to vector<16xi32>
        %shift_right_logical3A_851 = arith.constant 14 : i32
        %shift_right_logical3A_852 = vector.broadcast %shift_right_logical3A_851 : i32 to vector<16xi32>
        %shift_right_logical3A_853 = arith.shrui %get3A_850, %shift_right_logical3A_852 : vector<16xi32>
        %swap3A_854 = arith.constant 0 : i32
        %swap3A_855 = arith.constant 0 : i32
        %swap3A_856 = tpu.memref_slice %arg8[%swap3A_854, %swap3A_855] : memref<2x128xi32, #tpu.memory_space<vmem>> -> memref<1x128xi32, #tpu.memory_space<vmem>>
        %swap3A_857 = tpu.memref_squeeze %swap3A_856 : memref<1x128xi32, #tpu.memory_space<vmem>> -> memref<128xi32, #tpu.memory_space<vmem>>
        %swap3A_858 = arith.constant 64 : index
        %swap3A_859 = tpu.vector_load %swap3A_857[%swap3A_858] {strides = array<i32>} : memref<128xi32, #tpu.memory_space<vmem>>, vector<16xi32>,
        %swap3A_860 = vector.shape_cast %swap3A_859 : vector<16xi32> to vector<16xi32>
        %swap3A_861 = vector.shape_cast %shift_right_logical3A_853 : vector<16xi32> to vector<16xi32>
        tpu.vector_store %swap3A_857[%swap3A_858], %swap3A_861 {strides = array<i32>} : memref<128xi32, #tpu.memory_space<vmem>>, vector<16xi32>,
        %get3A_862 = arith.constant 0 : i32
        %get3A_863 = tpu.memref_slice %arg6[%add3A_776, %get3A_862] : memref<80x128xi32, #tpu.memory_space<vmem>> -> memref<1x128xi32, #tpu.memory_space<vmem>>
        %get3A_864 = tpu.memref_squeeze %get3A_863 : memref<1x128xi32, #tpu.memory_space<vmem>> -> memref<128xi32, #tpu.memory_space<vmem>>
        %get3A_865 = arith.constant 80 : index
        %get3A_866 = tpu.vector_load %get3A_864[%get3A_865] {strides = array<i32>} : memref<128xi32, #tpu.memory_space<vmem>>, vector<16xi32>,
        %get3A_867 = vector.shape_cast %get3A_866 : vector<16xi32> to vector<16xi32>
        %shift_right_logical3A_868 = arith.constant 14 : i32
        %shift_right_logical3A_869 = vector.broadcast %shift_right_logical3A_868 : i32 to vector<16xi32>
        %shift_right_logical3A_870 = arith.shrui %get3A_867, %shift_right_logical3A_869 : vector<16xi32>
        %swap3A_871 = arith.constant 0 : i32
        %swap3A_872 = arith.constant 0 : i32
        %swap3A_873 = tpu.memref_slice %arg8[%swap3A_871, %swap3A_872] : memref<2x128xi32, #tpu.memory_space<vmem>> -> memref<1x128xi32, #tpu.memory_space<vmem>>
        %swap3A_874 = tpu.memref_squeeze %swap3A_873 : memref<1x128xi32, #tpu.memory_space<vmem>> -> memref<128xi32, #tpu.memory_space<vmem>>
        %swap3A_875 = arith.constant 80 : index
        %swap3A_876 = tpu.vector_load %swap3A_874[%swap3A_875] {strides = array<i32>} : memref<128xi32, #tpu.memory_space<vmem>>, vector<16xi32>,
        %swap3A_877 = vector.shape_cast %swap3A_876 : vector<16xi32> to vector<16xi32>
        %swap3A_878 = vector.shape_cast %shift_right_logical3A_870 : vector<16xi32> to vector<16xi32>
        tpu.vector_store %swap3A_874[%swap3A_875], %swap3A_878 {strides = array<i32>} : memref<128xi32, #tpu.memory_space<vmem>>, vector<16xi32>,
        %get3A_879 = arith.constant 0 : i32
        %get3A_880 = tpu.memref_slice %arg6[%add3A_776, %get3A_879] : memref<80x128xi32, #tpu.memory_space<vmem>> -> memref<1x128xi32, #tpu.memory_space<vmem>>
        %get3A_881 = tpu.memref_squeeze %get3A_880 : memref<1x128xi32, #tpu.memory_space<vmem>> -> memref<128xi32, #tpu.memory_space<vmem>>
        %get3A_882 = arith.constant 96 : index
        %get3A_883 = tpu.vector_load %get3A_881[%get3A_882] {strides = array<i32>} : memref<128xi32, #tpu.memory_space<vmem>>, vector<16xi32>,
        %get3A_884 = vector.shape_cast %get3A_883 : vector<16xi32> to vector<16xi32>
        %shift_right_logical3A_885 = arith.constant 14 : i32
        %shift_right_logical3A_886 = vector.broadcast %shift_right_logical3A_885 : i32 to vector<16xi32>
        %shift_right_logical3A_887 = arith.shrui %get3A_884, %shift_right_logical3A_886 : vector<16xi32>
        %swap3A_888 = arith.constant 0 : i32
        %swap3A_889 = arith.constant 0 : i32
        %swap3A_890 = tpu.memref_slice %arg8[%swap3A_888, %swap3A_889] : memref<2x128xi32, #tpu.memory_space<vmem>> -> memref<1x128xi32, #tpu.memory_space<vmem>>
        %swap3A_891 = tpu.memref_squeeze %swap3A_890 : memref<1x128xi32, #tpu.memory_space<vmem>> -> memref<128xi32, #tpu.memory_space<vmem>>
        %swap3A_892 = arith.constant 96 : index
        %swap3A_893 = tpu.vector_load %swap3A_891[%swap3A_892] {strides = array<i32>} : memref<128xi32, #tpu.memory_space<vmem>>, vector<16xi32>,
        %swap3A_894 = vector.shape_cast %swap3A_893 : vector<16xi32> to vector<16xi32>
        %swap3A_895 = vector.shape_cast %shift_right_logical3A_887 : vector<16xi32> to vector<16xi32>
        tpu.vector_store %swap3A_891[%swap3A_892], %swap3A_895 {strides = array<i32>} : memref<128xi32, #tpu.memory_space<vmem>>, vector<16xi32>,
        %get3A_896 = arith.constant 0 : i32
        %get3A_897 = tpu.memref_slice %arg6[%add3A_776, %get3A_896] : memref<80x128xi32, #tpu.memory_space<vmem>> -> memref<1x128xi32, #tpu.memory_space<vmem>>
        %get3A_898 = tpu.memref_squeeze %get3A_897 : memref<1x128xi32, #tpu.memory_space<vmem>> -> memref<128xi32, #tpu.memory_space<vmem>>
        %get3A_899 = arith.constant 112 : index
        %get3A_900 = tpu.vector_load %get3A_898[%get3A_899] {strides = array<i32>} : memref<128xi32, #tpu.memory_space<vmem>>, vector<16xi32>,
        %get3A_901 = vector.shape_cast %get3A_900 : vector<16xi32> to vector<16xi32>
        %shift_right_logical3A_902 = arith.constant 14 : i32
        %shift_right_logical3A_903 = vector.broadcast %shift_right_logical3A_902 : i32 to vector<16xi32>
        %shift_right_logical3A_904 = arith.shrui %get3A_901, %shift_right_logical3A_903 : vector<16xi32>
        %swap3A_905 = arith.constant 0 : i32
        %swap3A_906 = arith.constant 0 : i32
        %swap3A_907 = tpu.memref_slice %arg8[%swap3A_905, %swap3A_906] : memref<2x128xi32, #tpu.memory_space<vmem>> -> memref<1x128xi32, #tpu.memory_space<vmem>>
        %swap3A_908 = tpu.memref_squeeze %swap3A_907 : memref<1x128xi32, #tpu.memory_space<vmem>> -> memref<128xi32, #tpu.memory_space<vmem>>
        %swap3A_909 = arith.constant 112 : index
        %swap3A_910 = tpu.vector_load %swap3A_908[%swap3A_909] {strides = array<i32>} : memref<128xi32, #tpu.memory_space<vmem>>, vector<16xi32>,
        %swap3A_911 = vector.shape_cast %swap3A_910 : vector<16xi32> to vector<16xi32>
        %swap3A_912 = vector.shape_cast %shift_right_logical3A_904 : vector<16xi32> to vector<16xi32>
        tpu.vector_store %swap3A_908[%swap3A_909], %swap3A_912 {strides = array<i32>} : memref<128xi32, #tpu.memory_space<vmem>>, vector<16xi32>,
      } else {
      }
      %dma_wait3A_616 = arith.constant 1 : i32
      %dma_wait3A_617 = arith.constant 1 : i32
      %dma_wait3A_618 = arith.constant 0 : i32
      %dma_wait3A_619 = arith.constant 0 : i32
      %dma_wait3A_620 = tpu.memref_slice %arg9[%dma_wait3A_617, %dma_wait3A_618, %dma_wait3A_619] : memref<2x128x128xf32, #tpu.memory_space<vmem>> -> memref<1x128x128xf32, #tpu.memory_space<vmem>>
      %dma_wait3A_621 = tpu.memref_squeeze %dma_wait3A_620 : memref<1x128x128xf32, #tpu.memory_space<vmem>> -> memref<128x128xf32, #tpu.memory_space<vmem>>
      %dma_wait3A_622 = arith.constant 0 : i32
      %dma_wait3A_623 = tpu.memref_slice %arg7[%dma_wait3A_616, %dma_wait3A_622] : memref<2x128xi32, #tpu.memory_space<vmem>> -> memref<1x128xi32, #tpu.memory_space<vmem>>
      %dma_wait3A_624 = tpu.memref_squeeze %dma_wait3A_623 : memref<1x128xi32, #tpu.memory_space<vmem>> -> memref<128xi32, #tpu.memory_space<vmem>>
      %dma_wait3A_625 = arith.constant 0 : i32
      %dma_wait3A_626 = arith.constant 0 : i32
      %dma_wait3A_627 = tpu.memref_slice %arg2[%dma_wait3A_625, %dma_wait3A_626] : memref<10000x128xf32, #tpu.memory_space<hbm>> -> memref<10000x128xf32, #tpu.memory_space<hbm>>
      tpu.wait_indirect_dma semaphore(%arg10 : memref<!tpu.dma_semaphore, #tpu.memory_space<semaphore_mem>>) src(%dma_wait3A_627 : memref<10000x128xf32, #tpu.memory_space<hbm>>) dst(%dma_wait3A_621 : memref<128x128xf32, #tpu.memory_space<vmem>>)
      %add3A_628 = arith.constant 1 : i32
      %add3A_629 = arith.addi %add3A_313, %add3A_628 : i32
      %lt3A_630 = arith.constant 80 : i32
      %lt3A_631 = arith.cmpi slt, %add3A_629, %lt3A_630 : i32
      %convert_element_type3A_632 = arith.extui %lt3A_631 : i1 to i32
      %cond3A_633 = arith.constant 0 : i32
      %cond3A_634 = arith.cmpi ne, %convert_element_type3A_632, %cond3A_633 : i32
      scf.if %cond3A_634 {
        %dma_start3A_637 = arith.constant 0 : i32
        %dma_start3A_638 = arith.constant 0 : i32
        %dma_start3A_639 = arith.constant 0 : i32
        %dma_start3A_640 = arith.constant 0 : i32
        %dma_start3A_641 = tpu.memref_slice %arg9[%dma_start3A_638, %dma_start3A_639, %dma_start3A_640] : memref<2x128x128xf32, #tpu.memory_space<vmem>> -> memref<1x128x128xf32, #tpu.memory_space<vmem>>
        %dma_start3A_642 = tpu.memref_squeeze %dma_start3A_641 : memref<1x128x128xf32, #tpu.memory_space<vmem>> -> memref<128x128xf32, #tpu.memory_space<vmem>>
        %dma_start3A_643 = arith.constant 0 : i32
        %dma_start3A_644 = tpu.memref_slice %arg7[%dma_start3A_637, %dma_start3A_643] : memref<2x128xi32, #tpu.memory_space<vmem>> -> memref<1x128xi32, #tpu.memory_space<vmem>>
        %dma_start3A_645 = tpu.memref_squeeze %dma_start3A_644 : memref<1x128xi32, #tpu.memory_space<vmem>> -> memref<128xi32, #tpu.memory_space<vmem>>
        %dma_start3A_646 = arith.constant 0 : i32
        %dma_start3A_647 = arith.constant 0 : i32
        %dma_start3A_648 = tpu.memref_slice %arg2[%dma_start3A_646, %dma_start3A_647] : memref<10000x128xf32, #tpu.memory_space<hbm>> -> memref<10000x128xf32, #tpu.memory_space<hbm>>
        tpu.enqueue_indirect_dma source(%dma_start3A_648 : memref<10000x128xf32, #tpu.memory_space<hbm>>) target(%dma_start3A_642 : memref<128x128xf32, #tpu.memory_space<vmem>>) offsets(%dma_start3A_645 : memref<128xi32, #tpu.memory_space<vmem>>) semaphore(%arg10 : memref<!tpu.dma_semaphore, #tpu.memory_space<semaphore_mem>>)
      } else {
      }
      %run_scoped3A_635 = arith.constant 1 : i32
      %run_scoped3A_636 = arith.constant 1 : i32
      "tpu.region"() ({
        %run_scoped3A_637 = tpu.sem_alloc : memref<!tpu.dma_semaphore, #tpu.memory_space<semaphore_mem>>
        %dma_start3A_638 = arith.constant 0 : i32
        %dma_start3A_639 = arith.constant 0 : i32
        %dma_start3A_640 = tpu.memref_slice %arg9[%run_scoped3A_635, %dma_start3A_638, %dma_start3A_639] : memref<2x128x128xf32, #tpu.memory_space<vmem>> -> memref<1x128x128xf32, #tpu.memory_space<vmem>>
        %dma_start3A_641 = tpu.memref_squeeze %dma_start3A_640 : memref<1x128x128xf32, #tpu.memory_space<vmem>> -> memref<128x128xf32, #tpu.memory_space<vmem>>
        %dma_start3A_642 = arith.constant 0 : i32
        %dma_start3A_643 = tpu.memref_slice %arg8[%run_scoped3A_636, %dma_start3A_642] : memref<2x128xi32, #tpu.memory_space<vmem>> -> memref<1x128xi32, #tpu.memory_space<vmem>>
        %dma_start3A_644 = tpu.memref_squeeze %dma_start3A_643 : memref<1x128xi32, #tpu.memory_space<vmem>> -> memref<128xi32, #tpu.memory_space<vmem>>
        %dma_start3A_645 = arith.constant 0 : i32
        %dma_start3A_646 = arith.constant 0 : i32
        %dma_start3A_647 = tpu.memref_slice %arg11[%dma_start3A_645, %dma_start3A_646] : memref<10112x128xf32, #tpu.memory_space<vmem_shared>> -> memref<10112x128xf32, #tpu.memory_space<vmem_shared>>
        tpu.enqueue_indirect_dma source(%dma_start3A_641 : memref<128x128xf32, #tpu.memory_space<vmem>>) target(%dma_start3A_647 : memref<10112x128xf32, #tpu.memory_space<vmem_shared>>) offsets(%dma_start3A_644 : memref<128xi32, #tpu.memory_space<vmem>>) semaphore(%run_scoped3A_637 : memref<!tpu.dma_semaphore, #tpu.memory_space<semaphore_mem>>) {add = true}
        %dma_wait3A_648 = arith.constant 0 : i32
        %dma_wait3A_649 = arith.constant 0 : i32
        %dma_wait3A_650 = tpu.memref_slice %arg9[%run_scoped3A_635, %dma_wait3A_648, %dma_wait3A_649] : memref<2x128x128xf32, #tpu.memory_space<vmem>> -> memref<1x128x128xf32, #tpu.memory_space<vmem>>
        %dma_wait3A_651 = tpu.memref_squeeze %dma_wait3A_650 : memref<1x128x128xf32, #tpu.memory_space<vmem>> -> memref<128x128xf32, #tpu.memory_space<vmem>>
        %dma_wait3A_652 = arith.constant 0 : i32
        %dma_wait3A_653 = tpu.memref_slice %arg8[%run_scoped3A_636, %dma_wait3A_652] : memref<2x128xi32, #tpu.memory_space<vmem>> -> memref<1x128xi32, #tpu.memory_space<vmem>>
        %dma_wait3A_654 = tpu.memref_squeeze %dma_wait3A_653 : memref<1x128xi32, #tpu.memory_space<vmem>> -> memref<128xi32, #tpu.memory_space<vmem>>
        %dma_wait3A_655 = arith.constant 0 : i32
        %dma_wait3A_656 = arith.constant 0 : i32
        %dma_wait3A_657 = tpu.memref_slice %arg11[%dma_wait3A_655, %dma_wait3A_656] : memref<10112x128xf32, #tpu.memory_space<vmem_shared>> -> memref<10112x128xf32, #tpu.memory_space<vmem_shared>>
        tpu.wait_indirect_dma semaphore(%run_scoped3A_637 : memref<!tpu.dma_semaphore, #tpu.memory_space<semaphore_mem>>) src(%dma_wait3A_651 : memref<128x128xf32, #tpu.memory_space<vmem>>) dst(%dma_wait3A_657 : memref<10112x128xf32, #tpu.memory_space<vmem_shared>>)
        tpu.yield
      }) : () -> ()
    }
    %scan3A_302 = arith.constant 40 : i32
    %barrier3A_303 = arith.constant 0 : index
    tpu.barrier barrier_id(%barrier3A_303)
    %eq3A_304 = arith.constant 0 : i32
    %eq3A_305 = arith.cmpi eq, %arg1, %eq3A_304 : i32
    %convert_element_type3A_306 = arith.extui %eq3A_305 : i1 to i32
    %cond3A_307 = arith.constant 0 : i32
    %cond3A_308 = arith.cmpi ne, %convert_element_type3A_306, %cond3A_307 : i32
    scf.if %cond3A_308 {
      "tpu.region"() ({
        %run_scoped3A = tpu.sem_alloc : memref<!tpu.dma_semaphore, #tpu.memory_space<semaphore_mem>>
        %dma_start3A_309 = arith.constant 0 : i32
        %dma_start3A_310 = arith.constant 0 : i32
        %dma_start3A_311 = tpu.memref_slice %arg5[%arg0, %dma_start3A_309, %dma_start3A_310] : memref<2x10112x128xf32, #tpu.memory_space<hbm>> -> memref<1x10112x128xf32, #tpu.memory_space<hbm>>
        %dma_start3A_312 = tpu.memref_squeeze %dma_start3A_311 : memref<1x10112x128xf32, #tpu.memory_space<hbm>> -> memref<10112x128xf32, #tpu.memory_space<hbm>>
        tpu.enqueue_dma source(%arg11 : memref<10112x128xf32, #tpu.memory_space<vmem_shared>>) target(%dma_start3A_312 : memref<10112x128xf32, #tpu.memory_space<hbm>>) target_semaphore(%run_scoped3A : memref<!tpu.dma_semaphore, #tpu.memory_space<semaphore_mem>>)
        %dma_wait3A = arith.constant 0 : i32
        %dma_wait3A_313 = arith.constant 0 : i32
        %dma_wait3A_314 = tpu.memref_slice %arg5[%arg0, %dma_wait3A, %dma_wait3A_313] : memref<2x10112x128xf32, #tpu.memory_space<hbm>> -> memref<1x10112x128xf32, #tpu.memory_space<hbm>>
        %dma_wait3A_315 = tpu.memref_squeeze %dma_wait3A_314 : memref<1x10112x128xf32, #tpu.memory_space<hbm>> -> memref<10112x128xf32, #tpu.memory_space<hbm>>
        tpu.wait_dma2 semaphore(%run_scoped3A : memref<!tpu.dma_semaphore, #tpu.memory_space<semaphore_mem>>) src(%arg11 : memref<10112x128xf32, #tpu.memory_space<vmem_shared>>) dst(%dma_wait3A_315 : memref<10112x128xf32, #tpu.memory_space<hbm>>)
        tpu.yield
      }) : () -> ()
    } else {
    }
    return
  }
}

module attributes {stable_mosaic.version = 14 : i64} {
  func.func @_mm_scale_body(%arg0: i32, %arg1: memref<1000x128xf32, #tpu.memory_space<vmem>>, %arg2: memref<128x128xf32, #tpu.memory_space<vmem>>, %arg3: memref<1000x1xf32, #tpu.memory_space<vmem>>, %arg4: memref<1000x128xf32, #tpu.memory_space<vmem>>, %arg5: memref<1000x1xf32, #tpu.memory_space<vmem>>) attributes {dimension_semantics = [#tpu.dimension_semantics<arbitrary>], iteration_bounds = array<i64: 10>, scalar_prefetch = 0 : i64, scratch_operands = 0 : i64, tpu.core_type = #tpu.core_type<tc>, window_params = [{transform_indices = @transform_0, window_bounds = array<i64: 1000, 128>}, {pipeline_mode = #tpu.pipeline_mode<synchronous>, transform_indices = @transform_1, window_bounds = array<i64: 128, 128>}, {transform_indices = @transform_2, window_bounds = array<i64: 1000, 1>}, {transform_indices = @transform_3, window_bounds = array<i64: 1000, 128>}, {transform_indices = @transform_4, window_bounds = array<i64: 1000, 1>}]} {
    %get3A = arith.constant 0 : index
    %get3A_0 = arith.constant 0 : index
    %get3A_1 = vector.load %arg1[%get3A, %get3A_0] : memref<1000x128xf32, #tpu.memory_space<vmem>>, vector<1000x128xf32>
    %get3A_2 = arith.constant 0 : index
    %get3A_3 = arith.constant 0 : index
    %get3A_4 = vector.load %arg2[%get3A_2, %get3A_3] : memref<128x128xf32, #tpu.memory_space<vmem>>, vector<128x128xf32>
    %dot_general3A = arith.constant dense<0.000000e+00> : vector<1000x128xf32>
    %dot_general3A_5 = tpu.matmul %get3A_1, %get3A_4, %dot_general3A {dimension_numbers = #tpu.dot_dimension_numbers<[1], [0], [0], [1], [0, 0, 1, 1], [], []>, transpose_lhs_hint = false} : vector<1000x128xf32>, vector<128x128xf32>, vector<1000x128xf32> -> vector<1000x128xf32>
    %get3A_6 = arith.constant 0 : index
    %get3A_7 = arith.constant 0 : index
    %get3A_8 = vector.load %arg3[%get3A_6, %get3A_7] : memref<1000x1xf32, #tpu.memory_space<vmem>>, vector<1000x1xf32>
    %add3A = arith.constant 1.000000e+00 : f32
    %add3A_9 = vector.broadcast %add3A : f32 to vector<1000x1xf32>
    %add3A_10 = arith.addf %get3A_8, %add3A_9 : vector<1000x1xf32>
    %rsqrt3A = math.rsqrt %add3A_10 : vector<1000x1xf32>
    %swap3A = arith.constant 0 : index
    %swap3A_11 = arith.constant 0 : index
    %swap3A_12 = vector.load %arg5[%swap3A, %swap3A_11] : memref<1000x1xf32, #tpu.memory_space<vmem>>, vector<1000x1xf32>
    tpu.vector_store %arg5[%swap3A, %swap3A_11], %rsqrt3A {strides = array<i32>} : memref<1000x1xf32, #tpu.memory_space<vmem>>, vector<1000x1xf32>,
    %mul3A = vector.broadcast %rsqrt3A : vector<1000x1xf32> to vector<1000x128xf32>
    %mul3A_13 = arith.mulf %dot_general3A_5, %mul3A : vector<1000x128xf32>
    %swap3A_14 = arith.constant 0 : index
    %swap3A_15 = arith.constant 0 : index
    %swap3A_16 = vector.load %arg4[%swap3A_14, %swap3A_15] : memref<1000x128xf32, #tpu.memory_space<vmem>>, vector<1000x128xf32>
    tpu.vector_store %arg4[%swap3A_14, %swap3A_15], %mul3A_13 {strides = array<i32>} : memref<1000x128xf32, #tpu.memory_space<vmem>>, vector<1000x128xf32>,
    return
  }
  func.func @transform_0(%arg0: i32) -> (i32, i32) {
    %c0_i32 = arith.constant 0 : i32
    %c0_i32_0 = arith.constant 0 : i32
    return %arg0, %c0_i32 : i32, i32
  }
  func.func @transform_1(%arg0: i32) -> (i32, i32) {
    %c0_i32 = arith.constant 0 : i32
    %c0_i32_0 = arith.constant 0 : i32
    %c0_i32_1 = arith.constant 0 : i32
    return %c0_i32, %c0_i32_0 : i32, i32
  }
  func.func @transform_2(%arg0: i32) -> (i32, i32) {
    %c0_i32 = arith.constant 0 : i32
    %c0_i32_0 = arith.constant 0 : i32
    return %arg0, %c0_i32 : i32, i32
  }
  func.func @transform_3(%arg0: i32) -> (i32, i32) {
    %c0_i32 = arith.constant 0 : i32
    %c0_i32_0 = arith.constant 0 : i32
    return %arg0, %c0_i32 : i32, i32
  }
  func.func @transform_4(%arg0: i32) -> (i32, i32) {
    %c0_i32 = arith.constant 0 : i32
    %c0_i32_0 = arith.constant 0 : i32
    return %arg0, %c0_i32 : i32, i32
  }
}

module attributes {stable_mosaic.version = 14 : i64} {
  func.func @_mid_body(%arg0: i32, %arg1: memref<1000x128xf32, #tpu.memory_space<vmem>>, %arg2: memref<1000x128xf32, #tpu.memory_space<vmem>>, %arg3: memref<1000x128xf32, #tpu.memory_space<vmem>>, %arg4: memref<1000x1xf32, #tpu.memory_space<vmem>>, %arg5: memref<1x128xf32, #tpu.memory_space<vmem>>, %arg6: memref<128x128xf32, #tpu.memory_space<vmem>>, %arg7: memref<1000x128xf32, #tpu.memory_space<vmem>>) attributes {dimension_semantics = [#tpu.dimension_semantics<arbitrary>], iteration_bounds = array<i64: 10>, scalar_prefetch = 0 : i64, scratch_operands = 0 : i64, tpu.core_type = #tpu.core_type<tc>, window_params = [{transform_indices = @transform_0, window_bounds = array<i64: 1000, 128>}, {transform_indices = @transform_1, window_bounds = array<i64: 1000, 128>}, {transform_indices = @transform_2, window_bounds = array<i64: 1000, 128>}, {transform_indices = @transform_3, window_bounds = array<i64: 1000, 1>}, {pipeline_mode = #tpu.pipeline_mode<synchronous>, transform_indices = @transform_4, window_bounds = array<i64: 1, 128>}, {pipeline_mode = #tpu.pipeline_mode<synchronous>, transform_indices = @transform_5, window_bounds = array<i64: 128, 128>}, {transform_indices = @transform_6, window_bounds = array<i64: 1000, 128>}]} {
    %get3A = arith.constant 0 : index
    %get3A_0 = arith.constant 0 : index
    %get3A_1 = vector.load %arg4[%get3A, %get3A_0] : memref<1000x1xf32, #tpu.memory_space<vmem>>, vector<1000x1xf32>
    %get3A_2 = arith.constant 0 : index
    %get3A_3 = arith.constant 0 : index
    %get3A_4 = vector.load %arg1[%get3A_2, %get3A_3] : memref<1000x128xf32, #tpu.memory_space<vmem>>, vector<1000x128xf32>
    %get3A_5 = arith.constant 0 : index
    %get3A_6 = arith.constant 0 : index
    %get3A_7 = vector.load %arg2[%get3A_5, %get3A_6] : memref<1000x128xf32, #tpu.memory_space<vmem>>, vector<1000x128xf32>
    %add3A = arith.addf %get3A_4, %get3A_7 : vector<1000x128xf32>
    %get3A_8 = arith.constant 0 : index
    %get3A_9 = arith.constant 0 : index
    %get3A_10 = vector.load %arg3[%get3A_8, %get3A_9] : memref<1000x128xf32, #tpu.memory_space<vmem>>, vector<1000x128xf32>
    %add3A_11 = arith.addf %add3A, %get3A_10 : vector<1000x128xf32>
    %mul3A = vector.broadcast %get3A_1 : vector<1000x1xf32> to vector<1000x128xf32>
    %mul3A_12 = arith.mulf %add3A_11, %mul3A : vector<1000x128xf32>
    %get3A_13 = arith.constant 0 : index
    %get3A_14 = arith.constant 0 : index
    %get3A_15 = vector.load %arg5[%get3A_13, %get3A_14] : memref<1x128xf32, #tpu.memory_space<vmem>>, vector<1x128xf32>
    %add3A_16 = vector.broadcast %get3A_15 : vector<1x128xf32> to vector<1000x128xf32>
    %add3A_17 = arith.addf %mul3A_12, %add3A_16 : vector<1000x128xf32>
    %max3A = arith.constant 0.000000e+00 : f32
    %max3A_18 = vector.broadcast %max3A : f32 to vector<1000x128xf32>
    %max3A_19 = arith.maximumf %add3A_17, %max3A_18 : vector<1000x128xf32>
    %get3A_20 = arith.constant 0 : index
    %get3A_21 = arith.constant 0 : index
    %get3A_22 = vector.load %arg6[%get3A_20, %get3A_21] : memref<128x128xf32, #tpu.memory_space<vmem>>, vector<128x128xf32>
    %dot_general3A = arith.constant dense<0.000000e+00> : vector<1000x128xf32>
    %dot_general3A_23 = tpu.matmul %max3A_19, %get3A_22, %dot_general3A {dimension_numbers = #tpu.dot_dimension_numbers<[1], [0], [0], [1], [0, 0, 1, 1], [], []>, transpose_lhs_hint = false} : vector<1000x128xf32>, vector<128x128xf32>, vector<1000x128xf32> -> vector<1000x128xf32>
    %mul3A_24 = vector.broadcast %get3A_1 : vector<1000x1xf32> to vector<1000x128xf32>
    %mul3A_25 = arith.mulf %dot_general3A_23, %mul3A_24 : vector<1000x128xf32>
    %swap3A = arith.constant 0 : index
    %swap3A_26 = arith.constant 0 : index
    %swap3A_27 = vector.load %arg7[%swap3A, %swap3A_26] : memref<1000x128xf32, #tpu.memory_space<vmem>>, vector<1000x128xf32>
    tpu.vector_store %arg7[%swap3A, %swap3A_26], %mul3A_25 {strides = array<i32>} : memref<1000x128xf32, #tpu.memory_space<vmem>>, vector<1000x128xf32>,
    return
  }
  func.func @transform_0(%arg0: i32) -> (i32, i32) {
    %c0_i32 = arith.constant 0 : i32
    %c0_i32_0 = arith.constant 0 : i32
    return %arg0, %c0_i32 : i32, i32
  }
  func.func @transform_1(%arg0: i32) -> (i32, i32) {
    %c0_i32 = arith.constant 0 : i32
    %c0_i32_0 = arith.constant 0 : i32
    return %arg0, %c0_i32 : i32, i32
  }
  func.func @transform_2(%arg0: i32) -> (i32, i32) {
    %c0_i32 = arith.constant 0 : i32
    %c0_i32_0 = arith.constant 0 : i32
    return %arg0, %c0_i32 : i32, i32
  }
  func.func @transform_3(%arg0: i32) -> (i32, i32) {
    %c0_i32 = arith.constant 0 : i32
    %c0_i32_0 = arith.constant 0 : i32
    return %arg0, %c0_i32 : i32, i32
  }
  func.func @transform_4(%arg0: i32) -> (i32, i32) {
    %c0_i32 = arith.constant 0 : i32
    %c0_i32_0 = arith.constant 0 : i32
    %c0_i32_1 = arith.constant 0 : i32
    return %c0_i32, %c0_i32_0 : i32, i32
  }
  func.func @transform_5(%arg0: i32) -> (i32, i32) {
    %c0_i32 = arith.constant 0 : i32
    %c0_i32_0 = arith.constant 0 : i32
    %c0_i32_1 = arith.constant 0 : i32
    return %c0_i32, %c0_i32_0 : i32, i32
  }
  func.func @transform_6(%arg0: i32) -> (i32, i32) {
    %c0_i32 = arith.constant 0 : i32
    %c0_i32_0 = arith.constant 0 : i32
    return %arg0, %c0_i32 : i32, i32
  }
}

module attributes {stable_mosaic.version = 14 : i64} {
  func.func @_pool_body(%arg0: i32, %arg1: memref<1000x128xf32, #tpu.memory_space<vmem>>, %arg2: memref<1000x128xf32, #tpu.memory_space<vmem>>, %arg3: memref<1000x128xf32, #tpu.memory_space<vmem>>, %arg4: memref<1000x1xf32, #tpu.memory_space<vmem>>, %arg5: memref<1x128xf32, #tpu.memory_space<vmem>>, %arg6: memref<1000x1xi32, #tpu.memory_space<vmem>>, %arg7: memref<128x2xf32, #tpu.memory_space<vmem>>, %arg8: memref<1x2xf32, #tpu.memory_space<vmem>>, %arg9: memref<64x2xf32, #tpu.memory_space<vmem>>, %arg10: memref<64x128xf32, #tpu.memory_space<vmem>>, %arg11: memref<64x1xf32, #tpu.memory_space<vmem>>) attributes {dimension_semantics = [#tpu.dimension_semantics<arbitrary>], iteration_bounds = array<i64: 10>, scalar_prefetch = 0 : i64, scratch_operands = 2 : i64, tpu.core_type = #tpu.core_type<tc>, window_params = [{transform_indices = @transform_0, window_bounds = array<i64: 1000, 128>}, {transform_indices = @transform_1, window_bounds = array<i64: 1000, 128>}, {transform_indices = @transform_2, window_bounds = array<i64: 1000, 128>}, {transform_indices = @transform_3, window_bounds = array<i64: 1000, 1>}, {pipeline_mode = #tpu.pipeline_mode<synchronous>, transform_indices = @transform_4, window_bounds = array<i64: 1, 128>}, {transform_indices = @transform_5, window_bounds = array<i64: 1000, 1>}, {pipeline_mode = #tpu.pipeline_mode<synchronous>, transform_indices = @transform_6, window_bounds = array<i64: 128, 2>}, {pipeline_mode = #tpu.pipeline_mode<synchronous>, transform_indices = @transform_7, window_bounds = array<i64: 1, 2>}, {pipeline_mode = #tpu.pipeline_mode<synchronous>, transform_indices = @transform_8, window_bounds = array<i64: 64, 2>}]} {
    %eq3A = arith.constant 0 : i32
    %eq3A_0 = arith.cmpi eq, %arg0, %eq3A : i32
    %convert_element_type3A = arith.extui %eq3A_0 : i1 to i32
    %cond3A = arith.constant 0 : i32
    %cond3A_1 = arith.cmpi ne, %convert_element_type3A, %cond3A : i32
    scf.if %cond3A_1 {
      %broadcast_in_dim3A_47 = arith.constant 0.000000e+00 : f32
      %broadcast_in_dim3A_48 = vector.broadcast %broadcast_in_dim3A_47 : f32 to vector<64x128xf32>
      %swap3A_49 = arith.constant 0 : index
      %swap3A_50 = arith.constant 0 : index
      %swap3A_51 = vector.load %arg10[%swap3A_49, %swap3A_50] : memref<64x128xf32, #tpu.memory_space<vmem>>, vector<64x128xf32>
      tpu.vector_store %arg10[%swap3A_49, %swap3A_50], %broadcast_in_dim3A_48 {strides = array<i32>} : memref<64x128xf32, #tpu.memory_space<vmem>>, vector<64x128xf32>,
      %broadcast_in_dim3A_52 = arith.constant 0.000000e+00 : f32
      %broadcast_in_dim3A_53 = vector.broadcast %broadcast_in_dim3A_52 : f32 to vector<64x1xf32>
      %swap3A_54 = arith.constant 0 : index
      %swap3A_55 = arith.constant 0 : index
      %swap3A_56 = vector.load %arg11[%swap3A_54, %swap3A_55] : memref<64x1xf32, #tpu.memory_space<vmem>>, vector<64x1xf32>
      tpu.vector_store %arg11[%swap3A_54, %swap3A_55], %broadcast_in_dim3A_53 {strides = array<i32>} : memref<64x1xf32, #tpu.memory_space<vmem>>, vector<64x1xf32>,
    } else {
    }
    %get3A = arith.constant 0 : index
    %get3A_2 = arith.constant 0 : index
    %get3A_3 = vector.load %arg1[%get3A, %get3A_2] : memref<1000x128xf32, #tpu.memory_space<vmem>>, vector<1000x128xf32>
    %get3A_4 = arith.constant 0 : index
    %get3A_5 = arith.constant 0 : index
    %get3A_6 = vector.load %arg2[%get3A_4, %get3A_5] : memref<1000x128xf32, #tpu.memory_space<vmem>>, vector<1000x128xf32>
    %add3A = arith.addf %get3A_3, %get3A_6 : vector<1000x128xf32>
    %get3A_7 = arith.constant 0 : index
    %get3A_8 = arith.constant 0 : index
    %get3A_9 = vector.load %arg3[%get3A_7, %get3A_8] : memref<1000x128xf32, #tpu.memory_space<vmem>>, vector<1000x128xf32>
    %add3A_10 = arith.addf %add3A, %get3A_9 : vector<1000x128xf32>
    %get3A_11 = arith.constant 0 : index
    %get3A_12 = arith.constant 0 : index
    %get3A_13 = vector.load %arg4[%get3A_11, %get3A_12] : memref<1000x1xf32, #tpu.memory_space<vmem>>, vector<1000x1xf32>
    %mul3A = vector.broadcast %get3A_13 : vector<1000x1xf32> to vector<1000x128xf32>
    %mul3A_14 = arith.mulf %add3A_10, %mul3A : vector<1000x128xf32>
    %get3A_15 = arith.constant 0 : index
    %get3A_16 = arith.constant 0 : index
    %get3A_17 = vector.load %arg5[%get3A_15, %get3A_16] : memref<1x128xf32, #tpu.memory_space<vmem>>, vector<1x128xf32>
    %add3A_18 = vector.broadcast %get3A_17 : vector<1x128xf32> to vector<1000x128xf32>
    %add3A_19 = arith.addf %mul3A_14, %add3A_18 : vector<1000x128xf32>
    %iota3A = tpu.iota {dimensions = array<i32: 1>} : vector<1000x64xi32>
    %get3A_20 = arith.constant 0 : index
    %get3A_21 = arith.constant 0 : index
    %get3A_22 = vector.load %arg6[%get3A_20, %get3A_21] : memref<1000x1xi32, #tpu.memory_space<vmem>>, vector<1000x1xi32>
    %eq3A_23 = vector.broadcast %get3A_22 : vector<1000x1xi32> to vector<1000x64xi32>
    %eq3A_24 = arith.cmpi eq, %eq3A_23, %iota3A : vector<1000x64xi32>
    %convert_element_type3A_25 = arith.extui %eq3A_24 : vector<1000x64xi1> to vector<1000x64xi32>
    %convert_element_type3A_26 = arith.sitofp %convert_element_type3A_25 : vector<1000x64xi32> to vector<1000x64xf32>
    %get3A_27 = arith.constant 0 : index
    %get3A_28 = arith.constant 0 : index
    %get3A_29 = vector.load %arg10[%get3A_27, %get3A_28] : memref<64x128xf32, #tpu.memory_space<vmem>>, vector<64x128xf32>
    %dot_general3A = arith.constant dense<0.000000e+00> : vector<64x128xf32>
    %dot_general3A_30 = tpu.matmul %convert_element_type3A_26, %add3A_19, %dot_general3A {dimension_numbers = #tpu.dot_dimension_numbers<[0], [0], [1], [1], [0, 1, 1, 1], [], []>, transpose_lhs_hint = false} : vector<1000x64xf32>, vector<1000x128xf32>, vector<64x128xf32> -> vector<64x128xf32>
    %add3A_31 = arith.addf %get3A_29, %dot_general3A_30 : vector<64x128xf32>
    %swap3A = arith.constant 0 : index
    %swap3A_32 = arith.constant 0 : index
    %swap3A_33 = vector.load %arg10[%swap3A, %swap3A_32] : memref<64x128xf32, #tpu.memory_space<vmem>>, vector<64x128xf32>
    tpu.vector_store %arg10[%swap3A, %swap3A_32], %add3A_31 {strides = array<i32>} : memref<64x128xf32, #tpu.memory_space<vmem>>, vector<64x128xf32>,
    %get3A_34 = arith.constant 0 : index
    %get3A_35 = arith.constant 0 : index
    %get3A_36 = vector.load %arg11[%get3A_34, %get3A_35] : memref<64x1xf32, #tpu.memory_space<vmem>>, vector<64x1xf32>
    %reduce_sum3A = arith.constant dense<0.000000e+00> : vector<64xf32>
    %reduce_sum3A_37 = vector.multi_reduction <add>, %convert_element_type3A_26, %reduce_sum3A [0] : vector<1000x64xf32> to vector<64xf32>
    %broadcast_in_dim3A = vector.shape_cast %reduce_sum3A_37 : vector<64xf32> to vector<64x1xf32>
    %add3A_38 = arith.addf %get3A_36, %broadcast_in_dim3A : vector<64x1xf32>
    %swap3A_39 = arith.constant 0 : index
    %swap3A_40 = arith.constant 0 : index
    %swap3A_41 = vector.load %arg11[%swap3A_39, %swap3A_40] : memref<64x1xf32, #tpu.memory_space<vmem>>, vector<64x1xf32>
    tpu.vector_store %arg11[%swap3A_39, %swap3A_40], %add3A_38 {strides = array<i32>} : memref<64x1xf32, #tpu.memory_space<vmem>>, vector<64x1xf32>,
    %eq3A_42 = arith.constant 9 : i32
    %eq3A_43 = arith.cmpi eq, %arg0, %eq3A_42 : i32
    %convert_element_type3A_44 = arith.extui %eq3A_43 : i1 to i32
    %cond3A_45 = arith.constant 0 : i32
    %cond3A_46 = arith.cmpi ne, %convert_element_type3A_44, %cond3A_45 : i32
    scf.if %cond3A_46 {
      %get3A_47 = arith.constant 0 : index
      %get3A_48 = arith.constant 0 : index
      %get3A_49 = vector.load %arg10[%get3A_47, %get3A_48] : memref<64x128xf32, #tpu.memory_space<vmem>>, vector<64x128xf32>
      %get3A_50 = arith.constant 0 : index
      %get3A_51 = arith.constant 0 : index
      %get3A_52 = vector.load %arg11[%get3A_50, %get3A_51] : memref<64x1xf32, #tpu.memory_space<vmem>>, vector<64x1xf32>
      %max3A = arith.constant 1.000000e+00 : f32
      %max3A_53 = vector.broadcast %max3A : f32 to vector<64x1xf32>
      %max3A_54 = arith.maximumf %get3A_52, %max3A_53 : vector<64x1xf32>
      %div3A = vector.broadcast %max3A_54 : vector<64x1xf32> to vector<64x128xf32>
      %div3A_55 = arith.divf %get3A_49, %div3A : vector<64x128xf32>
      %get3A_56 = arith.constant 0 : index
      %get3A_57 = arith.constant 0 : index
      %get3A_58 = vector.load %arg7[%get3A_56, %get3A_57] : memref<128x2xf32, #tpu.memory_space<vmem>>, vector<128x2xf32>
      %dot_general3A_59 = arith.constant dense<0.000000e+00> : vector<64x2xf32>
      %dot_general3A_60 = tpu.matmul %div3A_55, %get3A_58, %dot_general3A_59 {dimension_numbers = #tpu.dot_dimension_numbers<[1], [0], [0], [1], [0, 0, 1, 1], [], []>, transpose_lhs_hint = false} : vector<64x128xf32>, vector<128x2xf32>, vector<64x2xf32> -> vector<64x2xf32>
      %get3A_61 = arith.constant 0 : index
      %get3A_62 = arith.constant 0 : index
      %get3A_63 = vector.load %arg8[%get3A_61, %get3A_62] : memref<1x2xf32, #tpu.memory_space<vmem>>, vector<1x2xf32>
      %add3A_64 = vector.broadcast %get3A_63 : vector<1x2xf32> to vector<64x2xf32>
      %add3A_65 = arith.addf %dot_general3A_60, %add3A_64 : vector<64x2xf32>
      %swap3A_66 = arith.constant 0 : index
      %swap3A_67 = arith.constant 0 : index
      %swap3A_68 = vector.load %arg9[%swap3A_66, %swap3A_67] : memref<64x2xf32, #tpu.memory_space<vmem>>, vector<64x2xf32>
      tpu.vector_store %arg9[%swap3A_66, %swap3A_67], %add3A_65 {strides = array<i32>} : memref<64x2xf32, #tpu.memory_space<vmem>>, vector<64x2xf32>,
    } else {
    }
    return
  }
  func.func @transform_0(%arg0: i32) -> (i32, i32) {
    %c0_i32 = arith.constant 0 : i32
    %c0_i32_0 = arith.constant 0 : i32
    return %arg0, %c0_i32 : i32, i32
  }
  func.func @transform_1(%arg0: i32) -> (i32, i32) {
    %c0_i32 = arith.constant 0 : i32
    %c0_i32_0 = arith.constant 0 : i32
    return %arg0, %c0_i32 : i32, i32
  }
  func.func @transform_2(%arg0: i32) -> (i32, i32) {
    %c0_i32 = arith.constant 0 : i32
    %c0_i32_0 = arith.constant 0 : i32
    return %arg0, %c0_i32 : i32, i32
  }
  func.func @transform_3(%arg0: i32) -> (i32, i32) {
    %c0_i32 = arith.constant 0 : i32
    %c0_i32_0 = arith.constant 0 : i32
    return %arg0, %c0_i32 : i32, i32
  }
  func.func @transform_4(%arg0: i32) -> (i32, i32) {
    %c0_i32 = arith.constant 0 : i32
    %c0_i32_0 = arith.constant 0 : i32
    %c0_i32_1 = arith.constant 0 : i32
    return %c0_i32, %c0_i32_0 : i32, i32
  }
  func.func @transform_5(%arg0: i32) -> (i32, i32) {
    %c0_i32 = arith.constant 0 : i32
    %c0_i32_0 = arith.constant 0 : i32
    return %arg0, %c0_i32 : i32, i32
  }
  func.func @transform_6(%arg0: i32) -> (i32, i32) {
    %c0_i32 = arith.constant 0 : i32
    %c0_i32_0 = arith.constant 0 : i32
    %c0_i32_1 = arith.constant 0 : i32
    return %c0_i32, %c0_i32_0 : i32, i32
  }
  func.func @transform_7(%arg0: i32) -> (i32, i32) {
    %c0_i32 = arith.constant 0 : i32
    %c0_i32_0 = arith.constant 0 : i32
    %c0_i32_1 = arith.constant 0 : i32
    return %c0_i32, %c0_i32_0 : i32, i32
  }
  func.func @transform_8(%arg0: i32) -> (i32, i32) {
    %c0_i32 = arith.constant 0 : i32
    %c0_i32_0 = arith.constant 0 : i32
    %c0_i32_1 = arith.constant 0 : i32
    return %c0_i32, %c0_i32_0 : i32, i32
  }
}

</mosaic_0001>

<sc_bundles>
// kernel: kernel.11.cloned.1.call-start
scs
__scs_entry_jumppad:
0x0: {  	(pc) =	sbr.rel $0x88, $3  }
0x1: {  	(tag) =	ssettag $0x0;
	lr =	simm.s32 $0x1  }
0x2: {  	[smem:$0x3F98] =	sst lr;
	_ =	strace $0xD0000000  }
0x3: {  	_ = 	snop  }
0x4: {  	_ = 	snop  }
0x5: {  	_ = 	snop  }
0x6: {  	_ = 	snop  }
0x7: {  	_ = 	snop  }
__scs_overlays_trampoline_lowered:
0x8: {  	[smem:$0x3FA7] =	sst s0  }
0x9: {  	[smem:$0x3FA8] =	sst s1  }
0xa: {  	[smem:$0x3FA9] =	sst s2  }
0xb: {  	[smem:$0x3FAA] =	sst s3  }
0xc: {  	[smem:$0x3FAB] =	sst s4  }
0xd: {  	[smem:$0x3FAC] =	sst s5  }
0xe: {  	[smem:$0x3FAD] =	sst s6  }
0xf: {  	[smem:$0x3FAE] =	sst s7  }
0x10: {  	[smem:$0x3FAF] =	sst s8  }
0x11: {  	[smem:$0x3FB0] =	sst s9;
	s0 =	simm.s32 @!p0 $0x0  }
0x12: {  	s1 =	sld [smem:$0x3F96];
	s0 =	simm.s32 @p0 $0x1  }
0x13: {  	[smem:$0x3FB1] =	sst s0;
	s0 =	simm.s32 @!p1 $0x0  }
0x14: {  	s2 =	sld [smem:$0x3F95];
	s0 =	simm.s32 @p1 $0x1  }
0x15: {  	[smem:$0x3FB2] =	sst s0;
	s0 =	simm.s32 @!p2 $0x0  }
0x16: {  	s3 =	sld [smem:$0x3FDB];
	s0 =	simm.s32 @p2 $0x1  }
0x17: {  	s4 =	simm.s32 $0x1BF5;
	[smem:$0x3FB4] =	sst s0  }
0x18: {  	s0 =	sld [smem:$0x3F97];
	_ =	swait.ge [sflag:s4], $0x0  }
0x19: {  	s7 =	sld [smem:$0x3F98]  }
0x1a: {  	s8 =	sadd.s32 $0xFFFFE003, lr  }
0x1b: {  	s9 =	sadd.s32 $0xFFFFFEF7, lr;
	s5 =	simm.s32 $0xFFFFFFFF;
	p2 =	slt.u32 s8, $0xFFFFF086  }
0x1c: {  	p1 =	slt.u32 s9, $0xF7A;
	s5 =	simm.s32 @!p2 $0x0  }
0x1d: {  	s5 =	simm.s32 @p1 $0x1;
	p0 =	seq.s32 s7, s2  }
0x1e: {  	s7 =	smul.u32 @!p0 $0xF7A, s2;
	p2 =	seq.s32 @!p0 s5, $0x0  }
0x1f: {  	s9 =	smul.u32 $0xF7A, s1;
	s8 =	simm.s32 @!p0 $0x1BF5;
	p2 =	por !p2, p0  }
0x20: {  	[sflag:s8] =	ssyncset.s32 @!p0 $0xFFFFF086;
	s6 =	sadd.s32 @!p0 s3, s7;
	s7 =	simm.s32 @!p0 $0x108  }
0x21: {  	s3 =	sadd.s32 s3, s9;
	s6 =	sadd.s32 @!p0 $0x88, s6;
	s7 =	simm.s32 @p2 $0x1082  }
0x22: {  	[simem:s7], [sflag:s8] =	dma.local @!p0 [hbm:s6], $0xF7A  }
0x23: {  	s9 =	sor.u32 $0xD0000000, s2;
	s6 =	simm.s32 $0x108;
	_ =	swait.ge @!p0 [sflag:s8], $0x0  }
0x24: {  	s3 =	sadd.s32 $0x88, s3;
	s6 =	simm.s32 @!p1 $0x1082;
	[sflag:s4] =	ssyncset.s32 $0xFFFFF086  }
0x25: {  	[simem:s6], [sflag:s4] =	dma.local [hbm:s3], $0xF7A  }
0x26: {  	[smem:$0x3F98] =	sst s1;
	(tag) =	ssettag s2;
	_ =	strace s9  }
0x27: {  	s1 =	sld [smem:$0x3FA8]  }
0x28: {  	s2 =	sld [smem:$0x3FA9]  }
0x29: {  	s4 =	sld [smem:$0x3FAB]  }
0x2a: {  	p0 =	seq.s32 s5, $0x0;
	s5 =	sld [smem:$0x3FAC]  }
0x2b: {  	s6 =	sld [smem:$0x3FAD]  }
0x2c: {  	s7 =	sld [smem:$0x3FAE]  }
0x2d: {  	s3 =	simm.s32 $0x108;
	s8 =	sld [smem:$0x3FAF]  }
0x2e: {  	s3 =	simm.s32 @!p0 $0x1082;
	s9 =	sld [smem:$0x3FB0]  }
0x2f: {  	lr =	sadd.s32 s0, s3;
	s0 =	sld [smem:$0x3FA7]  }
0x30: {  	s3 =	sld [smem:$0x3FAA]  }
0x31: {  	[smem:$0x3FB3] =	sst s10  }
0x32: {  	s10 =	sld [smem:$0x3FB1];
	_ =	sdelay $0x3  }
0x33: {  	p0 =	seq.s32 s10, $0x1;
	s10 =	sld [smem:$0x3FB3];
	_ =	sdelay $0x3  }
0x34: {  	[smem:$0x3FB3] =	sst s10  }
0x35: {  	s10 =	sld [smem:$0x3FB2];
	_ =	sdelay $0x3  }
0x36: {  	p1 =	seq.s32 s10, $0x1;
	s10 =	sld [smem:$0x3FB3];
	_ =	sdelay $0x3  }
0x37: {  	[smem:$0x3FB3] =	sst s10  }
0x38: {  	s10 =	sld [smem:$0x3FB4]  }
0x39: {  	_ = 	snop;
	(pc) =	sbr.ind lr, $3  }
0x3a: {  	_ = 	snop  }
0x3b: {  	_ = 	snop  }
0x3c: {  	p2 =	seq.s32 s10, $0x1;
	s10 =	sld [smem:$0x3FB3]  }
0x3d: {  	_ =	shalt  }
0x3e: {  	_ =	shalt  }
0x3f: {  	_ =	shalt  }
0x40: {  	_ =	shalt  }
0x41: {  	_ =	shalt  }
0x42: {  	_ =	shalt  }
0x43: {  	_ =	shalt  }
0x44: {  	_ =	shalt  }
0x45: {  	_ =	shalt  }
0x46: {  	_ =	shalt  }
0x47: {  	_ =	shalt  }
0x48: {  	_ =	shalt  }
0x49: {  	_ =	shalt  }
0x4a: {  	_ =	shalt  }
0x4b: {  	_ =	shalt  }
0x4c: {  	_ =	shalt  }
0x4d: {  	_ =	shalt  }
0x4e: {  	_ =	shalt  }
0x4f: {  	_ =	shalt  }
0x50: {  	_ =	shalt  }
0x51: {  	_ =	shalt  }
0x52: {  	_ =	shalt  }
0x53: {  	_ =	shalt  }
0x54: {  	_ =	shalt  }
0x55: {  	_ =	shalt  }
0x56: {  	_ =	shalt  }
0x57: {  	_ =	shalt  }
0x58: {  	_ =	shalt  }
0x59: {  	_ =	shalt  }
0x5a: {  	_ =	shalt  }
0x5b: {  	_ =	shalt  }
0x5c: {  	_ =	shalt  }
0x5d: {  	_ =	shalt  }
0x5e: {  	_ =	shalt  }
0x5f: {  	_ =	shalt  }
0x60: {  	_ =	shalt  }
0x61: {  	_ =	shalt  }
0x62: {  	_ =	shalt  }
0x63: {  	_ =	shalt  }
0x64: {  	_ =	shalt  }
0x65: {  	_ =	shalt  }
0x66: {  	_ =	shalt  }
0x67: {  	_ =	shalt  }
0x68: {  	_ =	shalt  }
0x69: {  	_ =	shalt  }
0x6a: {  	_ =	shalt  }
0x6b: {  	_ =	shalt  }
0x6c: {  	_ =	shalt  }
0x6d: {  	_ =	shalt  }
0x6e: {  	_ =	shalt  }
0x6f: {  	_ =	shalt  }
0x70: {  	_ =	shalt  }
0x71: {  	_ =	shalt  }
0x72: {  	_ =	shalt  }
0x73: {  	_ =	shalt  }
0x74: {  	_ =	shalt  }
0x75: {  	_ =	shalt  }
0x76: {  	_ =	shalt  }
0x77: {  	_ =	shalt  }
0x78: {  	_ =	shalt  }
0x79: {  	_ =	shalt  }
0x7a: {  	_ =	shalt  }
0x7b: {  	_ =	shalt  }
0x7c: {  	_ =	shalt  }
0x7d: {  	_ =	shalt  }
0x7e: {  	_ =	shalt  }
0x7f: {  	_ =	shalt  }
0x80: {  	_ =	shalt  }
0x81: {  	_ =	shalt  }
0x82: {  	_ =	shalt  }
0x83: {  	_ =	shalt  }
0x84: {  	_ =	shalt  }
0x85: {  	_ =	shalt  }
0x86: {  	_ =	shalt  }
0x87: {  	_ =	shalt  }
.Lfunc_end0:
.L_simem_size_0:
called_computation.1_lowered:
.L_overlay_start_0:
0x88: {  	s2 =	sld [smem:$0x3FD9]  }
0x89: {  	s3 =	sld [smem:$0x3FFE];
	_ =	sdelay $0x1  }
0x8a: {  	s1 =	srdreg.scid  }
0x8b: {  	s0 =	sand.u32 $0x1, s1  }
0x8c: {  	s16 =	sshll.u32 s0, $0xA;
	s2 =	sadd.s32 s3, s2  }
0x8d: {  	s2 =	sadd.s32 s2, s16  }
0x8e: {  	[smem:$0x3FBF] =	sst s2  }
0x8f: {  	_ = 	snop  }
0x90: {  	(tm) =	ssettm $0x1  }
0x91: {  	s17 =	sld [smem:$0x3FFB];
	_ =	sdelay $0x3  }
0x92: {  	_ =	strace s17  }
0x93: {  	s2 =	sld [smem:$0x3FFC];
	_ =	sdelay $0x3  }
0x94: {  	_ =	strace s2  }
0x95: {  	s2 =	sld [smem:$0x3FFD];
	_ =	sdelay $0x3  }
0x96: {  	_ =	strace s2  }
0x97: {  	_ =	strace $0x8FFFFFFF  }
0x98: {  	s18 =	sld [smem:$0x3FDB];
	_ =	sdelay $0x1  }
0x99: {  	s19 =	simm.s32 $_scs_section_size  }
0x9a: {  	s4 =	simm.s32 $_size__tile_overlayer_lowered;
	s5 =	simm.s32 $_tile_overlayer_lowered  }
0x9b: {  	s22 =	simm.s32 $0x1BFF;
	s21 =	sshll.u32 s5, $0x1;
	s2 =	sadd.s32 s19, s18  }
0x9c: {  	s6 =	simm.s32 $0x0;
	s20 =	sshll.u32 s4, $0x1;
	s4 =	sadd.s32 s21, s2  }
0x9d: {  	[timem:s6], [sflag:s22] =	dma.local [hbm:s4], s20  }
0x9e: {  	_ =	swait.ge [sflag:s22], s20  }
0x9f: {  	s3 =	ssub.s32 $0x0, s20;
	[sflag:s22] =	ssyncset.done $0x0  }
0xa0: {  	[sflag:s22] =	ssyncadd.s32 s3;
	_ =	sdelay $0x1  }
0xa1: {  	s23 =	simm.s32 $0x1B8B  }
0xa2: {  	_ =	swait.ge [sflag:s23], $0x1  }
0xa3: {  	[sflag:s23] =	ssyncset.done $0x0  }
0xa4: {  	s25 =	simm.s32 $0x1B8E;
	s24 =	sld [smem:$0x3FFE];
	[sflag:s23] =	ssyncadd.s32 $0xFFFFFFFF  }
0xa5: {  	s26 =	simm.s32 $execute0_lowered;
	[smem:$0x3FD2] =	sst s25  }
0xa6: {  	s4 =	sshll.u32 s26, $0x1;
	_ =	strace $0x80000049;
	[dreg:$0x1] =	wrdreg $0xFFFFFFFF  }
0xa7: {  	s28 =	simm.s32 $_size_execute0_lowered;
	s2 =	sadd.s32 s2, s4;
	[dreg:$0x0] =	wrdreg $0x0  }
0xa8: {  	s4 =	sshll.u32 s28, $0x1;
	[dreg:$0x2] =	wrdreg s2  }
0xa9: {  	[dreg:$0x3] =	wrdreg s4  }
0xaa: {  	[dreg:$0x4] =	wrdreg $0xC0  }
0xab: {  	_ =	task [dreg:s6], $0x5FFFF  }
0xac: {  	[dreg:$0x1] =	wrdreg $0xFFFFFFFF  }
0xad: {  	[dreg:$0x0] =	wrdreg $0x60  }
0xae: {  	[dreg:$0x2] =	wrdreg s24  }
0xaf: {  	[dreg:$0x3] =	wrdreg $0xAA000  }
0xb0: {  	[dreg:$0x4] =	wrdreg $0x9  }
0xb1: {  	_ =	task.clear_ibuf [dreg:s6], $0x5FFFF;
	_ =	strace $0x90000049  }
0xb2: {  	s29 =	simm.s32 $0x9;
	_ =	strace $0x8000004B  }
0xb3: {  	_ =	swait.ge [sflag:s29], $0x1  }
0xb4: {  	[sflag:s29] =	ssyncadd.s32 $0xFFFFFFFF  }
0xb5: {  	_ =	strace $0x9000004B  }
0xb6: {  	_ =	sfence  }
0xb7: {  	s30 =	sld [smem:$0x0];
	_ =	sdelay $0x2  }
0xb8: {  	s31 =	sshll.u32 s1, $0xD;
	s1 =	sshrl.u32 s1, $0x2  }
0xb9: {  	s3 =	sand.u32 $0x4000, s31;
	s1 =	sadd.s32 s1, s30  }
0xba: {  	s0 =	sor.u32 s3, s0;
	s1 =	sshll.u32 s1, $0x11  }
0xbb: {  	s0 =	sor.u32 s1, s0  }
0xbc: {  	s0 =	sadd.s32 $0x8F2B, s0  }
0xbd: {  	[sflag:s0] =	ssyncadd.remote.s32 $0x1  }
0xbe: {  	_ =	sfence.sel $0xFFFF  }
0xbf: {  	[dreg:$0x0] =	wrdreg $0xFFFFFFFF;
	(pc) =	sbr.abs _section_cstart, $3  }
0xc0: {  	[dreg:$0x1] =	wrdreg $0xFFFFFFFF  }
0xc1: {  	_ =	task.clear_ibuf [dreg:s6], $0x2FFFF;
	_ =	strace $0x9FFFFFFF  }
0xc2: {  	(tm) =	ssettm $0x7FFFFFFF  }
0xc3: {  	_ =	shalt  }
tec
execute0_lowered:
.L_overlay_start_1:
0x0: {  	(tag) =	ssettag $0x1  }
0x1: {  	s0 =	srdreg.scid;
	s5 =	rddreg [dreg:$0x0]  }
0x2: {  	s1 =	rddreg [dreg:$0x1];
	s7 =	stileid.u32;
	s2 =	simm.s32 $0x0  }
0x3: {  	s11 =	simm.s32 $0x2800;
	s12 =	simm.s32 $0x2A00;
	s13 =	simm.s32 $0x1  }
0x4: {  	s14 =	simm.s32 $0x2880;
	s15 =	simm.s32 $0x6A00;
	s16 =	simm.s32 $0x2900  }
0x5: {  	s17 =	simm.s32 $0x2980;
	s3 =	sand.u32 $0x1, s0;
	s0 =	rddreg [dreg:$0x2]  }
0x6: {  	s18 =	simm.s32 $0x0;
	[smem:$0x7FF] =	sst s2;
	p0 =	sne.s32 s7, $0x0  }
0x7: {  	s4 =	sshll.u32 s3, $0x4;
	_ =	strace $0x8000004A;
	s6 =	smul.u32 $0x27800, s3  }
0x8: {  	s8 =	ssub.s32 $0x2, s3;
	s3 =	sadd.s32 $0x35C00, s5;
	s4 =	sor.u32 s7, s4  }
0x9: {  	s10 =	sshrl.u32 s8, $0x1;
	s4 =	smul.u32 $0x500, s4;
	s6 =	sadd.s32 s6, s5  }
0xa: {  	s8 =	ssub.s32 s8, s10;
	s10 =	simm.s32 $0x80;
	s6 =	sadd.s32 $0x84000, s6  }
0xb: {  	s7 =	smax.u32 s8, $0x1;
	s8 =	simm.s32 $0x2;
	s9 =	sadd.s32 s4, s5  }
0xc: {  	s4 =	sadd.s32 $0xE400, s5;
	s5 =	sadd.s32 $0x4400, s9;
	s9 =	sshrl.u32 @!p0 s1, $0x3  }
.LBB2_1:
0xd: {  	[tilespmem:s2], [sflag:$0x2] =	stream.linear.gather [hbm4b:s5+s2], $0x2800, $0x38;
	[tilespmem:$0x1E600] =	vst v63  }
0xe: {  	_ =	swait.ge [sflag:s8], $0x2800  }
0xf: {  	[sflag:s8] =	ssyncset.done $0x0  }
0x10: {  	s19 =	simm.s32 @!p0 $0x1C02;
	[sflag:s8] =	ssyncadd.s32 $0xFFFFD800  }
0x11: {  	[spmem:s9], [sflag:s19] =	dma.local @!p0 [hbm:s4], $0x27800  }
0x12: {  	s19 =	simm.s32 @!p0 $0x2  }
0x13: {  	_ =	swait.ge @!p0 [sflag:s19], $0x27800  }
0x14: {  	[sflag:s19] =	ssyncset.done @!p0 $0x0  }
0x15: {  	[sflag:s19] =	ssyncadd.s32 @!p0 $0xFFFD8800  }
0x16: {  	[bflag:$0x0] =	sbarrier.arrive $0xFFFF  }
0x17: {  	v0 =	vld [tilespmem:$0x0]  }
0x18: {  	v1 =	vld [tilespmem:$0x10]  }
0x19: {  	v2 =	vld [tilespmem:$0x20]  }
0x1a: {  	v3 =	vld [tilespmem:$0x30]  }
0x1b: {  	v4 =	vld [tilespmem:$0x40]  }
0x1c: {  	v5 =	vld [tilespmem:$0x50];
	v0 =	vand.u32 $0x3FFF, v0  }
0x1d: {  	v40 =	vld [tilespmem:$0x60];
	v39 =	vand.u32 $0x3FFF, v1;
	[tilespmem:$0x2800] =	vst v0  }
0x1e: {  	v42 =	vld [tilespmem:$0x70];
	v41 =	vand.u32 $0x3FFF, v2;
	[tilespmem:$0x2810] =	vst v39  }
0x1f: {  	v44 =	vld [tilespmem:$0x0];
	v43 =	vand.u32 $0x3FFF, v3;
	[tilespmem:$0x2820] =	vst v41  }
0x20: {  	v46 =	vld [tilespmem:$0x10];
	v45 =	vand.u32 $0x3FFF, v4;
	[tilespmem:$0x2830] =	vst v43  }
0x21: {  	v48 =	vld [tilespmem:$0x20];
	v47 =	vand.u32 $0x3FFF, v5;
	[tilespmem:$0x2840] =	vst v45  }
0x22: {  	v50 =	vld [tilespmem:$0x30];
	v49 =	vand.u32 $0x3FFF, v40;
	[tilespmem:$0x2850] =	vst v47  }
0x23: {  	v52 =	vld [tilespmem:$0x40];
	v51 =	vand.u32 $0x3FFF, v42;
	[tilespmem:$0x2860] =	vst v49  }
0x24: {  	v54 =	vld [tilespmem:$0x50];
	v53 =	vshrl.u32 v44, $0xE;
	[tilespmem:$0x2870] =	vst v51  }
0x25: {  	v56 =	vld [tilespmem:$0x60];
	v55 =	vshrl.u32 v46, $0xE;
	[tilespmem:$0x2900] =	vst v53  }
0x26: {  	v58 =	vld [tilespmem:$0x70];
	v57 =	vshrl.u32 v48, $0xE;
	[tilespmem:$0x2910] =	vst v55  }
0x27: {  	v59 =	vshrl.u32 v50, $0xE;
	[tilespmem:$0x2920] =	vst v57  }
0x28: {  	v60 =	vshrl.u32 v52, $0xE;
	[tilespmem:$0x2930] =	vst v59  }
0x29: {  	v61 =	vshrl.u32 v54, $0xE;
	[tilespmem:$0x2940] =	vst v60  }
0x2a: {  	v62 =	vshrl.u32 v56, $0xE;
	[tilespmem:$0x2950] =	vst v61  }
0x2b: {  	v63 =	vshrl.u32 v58, $0xE;
	[tilespmem:$0x2960] =	vst v62  }
0x2c: {  	s31 =	simm.s32 $0x0;
	[tilespmem:$0x2970] =	vst v63  }
0x2d: {  	[tilespmem:s12], [sflag:$0x1] =	stream.indirect.gather [hbm4b:s3+s10], $0x80, s11, s10, $0xb8;
	[tilespmem:$0x1E600] =	vst v63  }
0x2e: {  	v0 =	vld [tilespmem:s31+$0x80];
	_ =	sdelay $0x4  }
0x2f: {  	v0 =	vand.u32 $0x3FFF, v0  }
0x30: {  	[tilespmem:$0x2880] =	vst v0  }
0x31: {  	v0 =	vld [tilespmem:s31+$0x90];
	_ =	sdelay $0x4  }
0x32: {  	v0 =	vand.u32 $0x3FFF, v0  }
0x33: {  	[tilespmem:$0x2890] =	vst v0  }
0x34: {  	v0 =	vld [tilespmem:s31+$0xA0];
	_ =	sdelay $0x4  }
0x35: {  	v0 =	vand.u32 $0x3FFF, v0  }
0x36: {  	[tilespmem:$0x28A0] =	vst v0  }
0x37: {  	v0 =	vld [tilespmem:s31+$0xB0];
	_ =	sdelay $0x4  }
0x38: {  	v0 =	vand.u32 $0x3FFF, v0  }
0x39: {  	[tilespmem:$0x28B0] =	vst v0  }
0x3a: {  	v0 =	vld [tilespmem:s31+$0xC0];
	_ =	sdelay $0x4  }
0x3b: {  	v0 =	vand.u32 $0x3FFF, v0  }
0x3c: {  	[tilespmem:$0x28C0] =	vst v0  }
0x3d: {  	v0 =	vld [tilespmem:s31+$0xD0];
	_ =	sdelay $0x4  }
0x3e: {  	v0 =	vand.u32 $0x3FFF, v0  }
0x3f: {  	[tilespmem:$0x28D0] =	vst v0  }
0x40: {  	v0 =	vld [tilespmem:s31+$0xE0];
	_ =	sdelay $0x4  }
0x41: {  	v0 =	vand.u32 $0x3FFF, v0  }
0x42: {  	[tilespmem:$0x28E0] =	vst v0  }
0x43: {  	v0 =	vld [tilespmem:s31+$0xF0];
	_ =	sdelay $0x4  }
0x44: {  	v0 =	vand.u32 $0x3FFF, v0  }
0x45: {  	[tilespmem:$0x28F0] =	vst v0  }
0x46: {  	v0 =	vld [tilespmem:s31+$0x80];
	_ =	sdelay $0x4  }
0x47: {  	v0 =	vshrl.u32 v0, $0xE  }
0x48: {  	[tilespmem:$0x2980] =	vst v0  }
0x49: {  	v0 =	vld [tilespmem:s31+$0x90];
	_ =	sdelay $0x4  }
0x4a: {  	v0 =	vshrl.u32 v0, $0xE  }
0x4b: {  	[tilespmem:$0x2990] =	vst v0  }
0x4c: {  	v0 =	vld [tilespmem:s31+$0xA0];
	_ =	sdelay $0x4  }
0x4d: {  	v0 =	vshrl.u32 v0, $0xE  }
0x4e: {  	[tilespmem:$0x29A0] =	vst v0  }
0x4f: {  	v0 =	vld [tilespmem:s31+$0xB0];
	_ =	sdelay $0x4  }
0x50: {  	v0 =	vshrl.u32 v0, $0xE  }
0x51: {  	[tilespmem:$0x29B0] =	vst v0  }
0x52: {  	v0 =	vld [tilespmem:s31+$0xC0];
	_ =	sdelay $0x4  }
0x53: {  	v0 =	vshrl.u32 v0, $0xE  }
0x54: {  	[tilespmem:$0x29C0] =	vst v0  }
0x55: {  	v0 =	vld [tilespmem:s31+$0xD0];
	_ =	sdelay $0x4  }
0x56: {  	v0 =	vshrl.u32 v0, $0xE  }
0x57: {  	[tilespmem:$0x29D0] =	vst v0  }
0x58: {  	v0 =	vld [tilespmem:s31+$0xE0];
	_ =	sdelay $0x4  }
0x59: {  	v0 =	vshrl.u32 v0, $0xE  }
0x5a: {  	[tilespmem:$0x29E0] =	vst v0  }
0x5b: {  	v0 =	vld [tilespmem:s31+$0xF0];
	_ =	sdelay $0x4  }
0x5c: {  	v0 =	vshrl.u32 v0, $0xE  }
0x5d: {  	[tilespmem:$0x29F0] =	vst v0  }
0x5e: {  	_ =	swait.ge [sflag:s13], $0x4000  }
0x5f: {  	[sflag:s13] =	ssyncset.done $0x0  }
0x60: {  	[sflag:s13] =	ssyncadd.s32 $0xFFFFC000  }
0x61: {  	[tilespmem:s15], [sflag:$0x1] =	stream.indirect.gather [hbm4b:s3+s10], $0x80, s14, s10, $0xb8;
	[tilespmem:$0x1E600] =	vst v63  }
0x62: {  	_ = 	snop  }
0x63: {  	[spmem:s1] =	stream.indirect.scatter.add.f32 [tilespmem:s12], [sflag:$0x2], $0x80, s16, s10, $0xb8;
	[tilespmem:$0x1E600] =	vst v63  }
0x64: {  	_ =	swait.ge [sflag:s8], $0x4000  }
0x65: {  	p1 =	por $0x0, $0x0;
	[sflag:s8] =	ssyncset.done $0x0  }
0x66: {  	s19 =	simm.s32 @p1 $0x1;
	[sflag:s8] =	ssyncadd.s32 $0xFFFFC000  }
0x67: {  	_ =	swait.ge @p1 [sflag:s19], $0x4000  }
0x68: {  	[sflag:s19] =	ssyncset.done @p1 $0x0  }
0x69: {  	[sflag:s19] =	ssyncadd.s32 @p1 $0xFFFFC000;
	s19 =	simm.s32 @!p1 $0x0  }
0x6a: {  	v0 =	vld @!p1 [tilespmem:s19+$0x100];
	_ =	sdelay $0x4  }
0x6b: {  	v0 =	vand.u32 @!p1 $0x3FFF, v0  }
0x6c: {  	[tilespmem:$0x2800] =	vst @!p1 v0  }
0x6d: {  	v0 =	vld @!p1 [tilespmem:s19+$0x110];
	_ =	sdelay $0x4  }
0x6e: {  	v0 =	vand.u32 @!p1 $0x3FFF, v0  }
0x6f: {  	[tilespmem:$0x2810] =	vst @!p1 v0  }
0x70: {  	v0 =	vld @!p1 [tilespmem:s19+$0x120];
	_ =	sdelay $0x4  }
0x71: {  	v0 =	vand.u32 @!p1 $0x3FFF, v0  }
0x72: {  	[tilespmem:$0x2820] =	vst @!p1 v0  }
0x73: {  	v0 =	vld @!p1 [tilespmem:s19+$0x130];
	_ =	sdelay $0x4  }
0x74: {  	v0 =	vand.u32 @!p1 $0x3FFF, v0  }
0x75: {  	[tilespmem:$0x2830] =	vst @!p1 v0  }
0x76: {  	v0 =	vld @!p1 [tilespmem:s19+$0x140];
	_ =	sdelay $0x4  }
0x77: {  	v0 =	vand.u32 @!p1 $0x3FFF, v0  }
0x78: {  	[tilespmem:$0x2840] =	vst @!p1 v0  }
0x79: {  	v0 =	vld @!p1 [tilespmem:s19+$0x150];
	_ =	sdelay $0x4  }
0x7a: {  	v0 =	vand.u32 @!p1 $0x3FFF, v0  }
0x7b: {  	[tilespmem:$0x2850] =	vst @!p1 v0  }
0x7c: {  	v0 =	vld @!p1 [tilespmem:s19+$0x160];
	_ =	sdelay $0x4  }
0x7d: {  	v0 =	vand.u32 @!p1 $0x3FFF, v0  }
0x7e: {  	[tilespmem:$0x2860] =	vst @!p1 v0  }
0x7f: {  	v0 =	vld @!p1 [tilespmem:s19+$0x170];
	_ =	sdelay $0x4  }
0x80: {  	v0 =	vand.u32 @!p1 $0x3FFF, v0  }
0x81: {  	[tilespmem:$0x2870] =	vst @!p1 v0  }
0x82: {  	v0 =	vld @!p1 [tilespmem:s19+$0x100];
	_ =	sdelay $0x4  }
0x83: {  	v0 =	vshrl.u32 @!p1 v0, $0xE  }
0x84: {  	[tilespmem:$0x2900] =	vst @!p1 v0  }
0x85: {  	v0 =	vld @!p1 [tilespmem:s19+$0x110];
	_ =	sdelay $0x4  }
0x86: {  	v0 =	vshrl.u32 @!p1 v0, $0xE  }
0x87: {  	[tilespmem:$0x2910] =	vst @!p1 v0  }
0x88: {  	v0 =	vld @!p1 [tilespmem:s19+$0x120];
	_ =	sdelay $0x4  }
0x89: {  	v0 =	vshrl.u32 @!p1 v0, $0xE  }
0x8a: {  	[tilespmem:$0x2920] =	vst @!p1 v0  }
0x8b: {  	v0 =	vld @!p1 [tilespmem:s19+$0x130];
	_ =	sdelay $0x4  }
0x8c: {  	v0 =	vshrl.u32 @!p1 v0, $0xE  }
0x8d: {  	[tilespmem:$0x2930] =	vst @!p1 v0  }
0x8e: {  	v0 =	vld @!p1 [tilespmem:s19+$0x140];
	_ =	sdelay $0x4  }
0x8f: {  	v0 =	vshrl.u32 @!p1 v0, $0xE  }
0x90: {  	[tilespmem:$0x2940] =	vst @!p1 v0  }
0x91: {  	v0 =	vld @!p1 [tilespmem:s19+$0x150];
	_ =	sdelay $0x4  }
0x92: {  	v0 =	vshrl.u32 @!p1 v0, $0xE  }
0x93: {  	[tilespmem:$0x2950] =	vst @!p1 v0  }
0x94: {  	v0 =	vld @!p1 [tilespmem:s19+$0x160];
	_ =	sdelay $0x4  }
0x95: {  	v0 =	vshrl.u32 @!p1 v0, $0xE  }
0x96: {  	[tilespmem:$0x2960] =	vst @!p1 v0  }
0x97: {  	v0 =	vld @!p1 [tilespmem:s19+$0x170];
	_ =	sdelay $0x4  }
0x98: {  	v0 =	vshrl.u32 @!p1 v0, $0xE  }
0x99: {  	s19 =	simm.s32 @!p1 $0x1;
	[tilespmem:$0x2970] =	vst @!p1 v0  }
0x9a: {  	_ =	swait.ge @!p1 [sflag:s19], $0x4000  }
0x9b: {  	s20 =	simm.s32 @!p1 $0x2A00;
	[sflag:s19] =	ssyncset.done @!p1 $0x0  }
0x9c: {  	s21 =	simm.s32 @!p1 $0x2800;
	[sflag:s19] =	ssyncadd.s32 @!p1 $0xFFFFC000;
	s19 =	simm.s32 @!p1 $0x80  }
0x9d: {  	[tilespmem:s20], [sflag:$0x1] =	stream.indirect.gather @!p1 [hbm4b:s3+s19], $0x80, s21, s19, $0xb8;
	[tilespmem:$0x1E600] =	vst v63  }
0x9e: {  	_ = 	snop  }
0x9f: {  	[spmem:s1] =	stream.indirect.scatter.add.f32 [tilespmem:s15], [sflag:$0x2], $0x80, s17, s10, $0xb8;
	[tilespmem:$0x1E600] =	vst v63  }
0xa0: {  	_ =	swait.ge [sflag:s8], $0x4000  }
0xa1: {  	s19 =	simm.s32 $0x400;
	[sflag:s8] =	ssyncset.done $0x0  }
.LBB2_2:
0xa2: {  	[sflag:s8] =	ssyncadd.s32 $0xFFFFC000;
	s20 =	smov.u32 s19;
	s19 =	sadd.s32 $0x400, s19  }
0xa3: {  	s21 =	sshra.s32 s20, $0x2;
	p1 =	sne.s32 s19, $0xA000  }
0xa4: {  	v0 =	vld [tilespmem:s21+$0x80];
	_ =	sdelay $0x4  }
0xa5: {  	v0 =	vand.u32 $0x3FFF, v0  }
0xa6: {  	[tilespmem:$0x2880] =	vst v0  }
0xa7: {  	v0 =	vld [tilespmem:s21+$0x90];
	_ =	sdelay $0x4  }
0xa8: {  	v0 =	vand.u32 $0x3FFF, v0  }
0xa9: {  	[tilespmem:$0x2890] =	vst v0  }
0xaa: {  	v0 =	vld [tilespmem:s21+$0xA0];
	_ =	sdelay $0x4  }
0xab: {  	v0 =	vand.u32 $0x3FFF, v0  }
0xac: {  	[tilespmem:$0x28A0] =	vst v0  }
0xad: {  	v0 =	vld [tilespmem:s21+$0xB0];
	_ =	sdelay $0x4  }
0xae: {  	v0 =	vand.u32 $0x3FFF, v0  }
0xaf: {  	[tilespmem:$0x28B0] =	vst v0  }
0xb0: {  	v0 =	vld [tilespmem:s21+$0xC0];
	_ =	sdelay $0x4  }
0xb1: {  	v0 =	vand.u32 $0x3FFF, v0  }
0xb2: {  	[tilespmem:$0x28C0] =	vst v0  }
0xb3: {  	v0 =	vld [tilespmem:s21+$0xD0];
	_ =	sdelay $0x4  }
0xb4: {  	v0 =	vand.u32 $0x3FFF, v0  }
0xb5: {  	[tilespmem:$0x28D0] =	vst v0  }
0xb6: {  	v0 =	vld [tilespmem:s21+$0xE0];
	_ =	sdelay $0x4  }
0xb7: {  	v0 =	vand.u32 $0x3FFF, v0  }
0xb8: {  	[tilespmem:$0x28E0] =	vst v0  }
0xb9: {  	v0 =	vld [tilespmem:s21+$0xF0];
	_ =	sdelay $0x4  }
0xba: {  	v0 =	vand.u32 $0x3FFF, v0  }
0xbb: {  	[tilespmem:$0x28F0] =	vst v0  }
0xbc: {  	v0 =	vld [tilespmem:s21+$0x80];
	_ =	sdelay $0x4  }
0xbd: {  	v0 =	vshrl.u32 v0, $0xE  }
0xbe: {  	[tilespmem:$0x2980] =	vst v0  }
0xbf: {  	v0 =	vld [tilespmem:s21+$0x90];
	_ =	sdelay $0x4  }
0xc0: {  	v0 =	vshrl.u32 v0, $0xE  }
0xc1: {  	[tilespmem:$0x2990] =	vst v0  }
0xc2: {  	v0 =	vld [tilespmem:s21+$0xA0];
	_ =	sdelay $0x4  }
0xc3: {  	v0 =	vshrl.u32 v0, $0xE  }
0xc4: {  	[tilespmem:$0x29A0] =	vst v0  }
0xc5: {  	v0 =	vld [tilespmem:s21+$0xB0];
	_ =	sdelay $0x4  }
0xc6: {  	v0 =	vshrl.u32 v0, $0xE  }
0xc7: {  	[tilespmem:$0x29B0] =	vst v0  }
0xc8: {  	v0 =	vld [tilespmem:s21+$0xC0];
	_ =	sdelay $0x4  }
0xc9: {  	v0 =	vshrl.u32 v0, $0xE  }
0xca: {  	[tilespmem:$0x29C0] =	vst v0  }
0xcb: {  	v0 =	vld [tilespmem:s21+$0xD0];
	_ =	sdelay $0x4  }
0xcc: {  	v0 =	vshrl.u32 v0, $0xE  }
0xcd: {  	[tilespmem:$0x29D0] =	vst v0  }
0xce: {  	v0 =	vld [tilespmem:s21+$0xE0];
	_ =	sdelay $0x4  }
0xcf: {  	v0 =	vshrl.u32 v0, $0xE  }
0xd0: {  	[tilespmem:$0x29E0] =	vst v0  }
0xd1: {  	v0 =	vld [tilespmem:s21+$0xF0];
	_ =	sdelay $0x4  }
0xd2: {  	v0 =	vshrl.u32 v0, $0xE  }
0xd3: {  	[tilespmem:$0x29F0] =	vst v0  }
0xd4: {  	_ =	swait.ge [sflag:s13], $0x4000  }
0xd5: {  	[sflag:s13] =	ssyncset.done $0x0  }
0xd6: {  	[sflag:s13] =	ssyncadd.s32 $0xFFFFC000  }
0xd7: {  	[tilespmem:s15], [sflag:$0x1] =	stream.indirect.gather [hbm4b:s3+s10], $0x80, s14, s10, $0xb8;
	[tilespmem:$0x1E600] =	vst v63  }
0xd8: {  	_ = 	snop  }
0xd9: {  	[spmem:s1] =	stream.indirect.scatter.add.f32 [tilespmem:s12], [sflag:$0x2], $0x80, s16, s10, $0xb8;
	[tilespmem:$0x1E600] =	vst v63  }
0xda: {  	_ =	swait.ge [sflag:s8], $0x4000  }
0xdb: {  	p2 =	seq.s32 s20, $0x9C00;
	[sflag:s8] =	ssyncset.done $0x0  }
0xdc: {  	s21 =	simm.s32 @p2 $0x1;
	[sflag:s8] =	ssyncadd.s32 $0xFFFFC000  }
0xdd: {  	_ =	swait.ge @p2 [sflag:s21], $0x4000  }
0xde: {  	[sflag:s21] =	ssyncset.done @p2 $0x0  }
0xdf: {  	s20 =	sshra.s32 @!p2 s20, $0x2;
	[sflag:s21] =	ssyncadd.s32 @p2 $0xFFFFC000  }
0xe0: {  	v0 =	vld @!p2 [tilespmem:s20+$0x100];
	_ =	sdelay $0x4  }
0xe1: {  	v0 =	vand.u32 @!p2 $0x3FFF, v0  }
0xe2: {  	[tilespmem:$0x2800] =	vst @!p2 v0  }
0xe3: {  	v0 =	vld @!p2 [tilespmem:s20+$0x110];
	_ =	sdelay $0x4  }
0xe4: {  	v0 =	vand.u32 @!p2 $0x3FFF, v0  }
0xe5: {  	[tilespmem:$0x2810] =	vst @!p2 v0  }
0xe6: {  	v0 =	vld @!p2 [tilespmem:s20+$0x120];
	_ =	sdelay $0x4  }
0xe7: {  	v0 =	vand.u32 @!p2 $0x3FFF, v0  }
0xe8: {  	[tilespmem:$0x2820] =	vst @!p2 v0  }
0xe9: {  	v0 =	vld @!p2 [tilespmem:s20+$0x130];
	_ =	sdelay $0x4  }
0xea: {  	v0 =	vand.u32 @!p2 $0x3FFF, v0  }
0xeb: {  	[tilespmem:$0x2830] =	vst @!p2 v0  }
0xec: {  	v0 =	vld @!p2 [tilespmem:s20+$0x140];
	_ =	sdelay $0x4  }
0xed: {  	v0 =	vand.u32 @!p2 $0x3FFF, v0  }
0xee: {  	[tilespmem:$0x2840] =	vst @!p2 v0  }
0xef: {  	v0 =	vld @!p2 [tilespmem:s20+$0x150];
	_ =	sdelay $0x4  }
0xf0: {  	v0 =	vand.u32 @!p2 $0x3FFF, v0  }
0xf1: {  	[tilespmem:$0x2850] =	vst @!p2 v0  }
0xf2: {  	v0 =	vld @!p2 [tilespmem:s20+$0x160];
	_ =	sdelay $0x4  }
0xf3: {  	v0 =	vand.u32 @!p2 $0x3FFF, v0  }
0xf4: {  	[tilespmem:$0x2860] =	vst @!p2 v0  }
0xf5: {  	v0 =	vld @!p2 [tilespmem:s20+$0x170];
	_ =	sdelay $0x4  }
0xf6: {  	v0 =	vand.u32 @!p2 $0x3FFF, v0  }
0xf7: {  	[tilespmem:$0x2870] =	vst @!p2 v0  }
0xf8: {  	v0 =	vld @!p2 [tilespmem:s20+$0x100];
	_ =	sdelay $0x4  }
0xf9: {  	v0 =	vshrl.u32 @!p2 v0, $0xE  }
0xfa: {  	[tilespmem:$0x2900] =	vst @!p2 v0  }
0xfb: {  	v0 =	vld @!p2 [tilespmem:s20+$0x110];
	_ =	sdelay $0x4  }
0xfc: {  	v0 =	vshrl.u32 @!p2 v0, $0xE  }
0xfd: {  	[tilespmem:$0x2910] =	vst @!p2 v0  }
0xfe: {  	v0 =	vld @!p2 [tilespmem:s20+$0x120];
	_ =	sdelay $0x4  }
0xff: {  	v0 =	vshrl.u32 @!p2 v0, $0xE  }
0x100: {  	[tilespmem:$0x2920] =	vst @!p2 v0  }
0x101: {  	v0 =	vld @!p2 [tilespmem:s20+$0x130];
	_ =	sdelay $0x4  }
0x102: {  	v0 =	vshrl.u32 @!p2 v0, $0xE  }
0x103: {  	[tilespmem:$0x2930] =	vst @!p2 v0  }
0x104: {  	v0 =	vld @!p2 [tilespmem:s20+$0x140];
	_ =	sdelay $0x4  }
0x105: {  	v0 =	vshrl.u32 @!p2 v0, $0xE  }
0x106: {  	[tilespmem:$0x2940] =	vst @!p2 v0  }
0x107: {  	v0 =	vld @!p2 [tilespmem:s20+$0x150];
	_ =	sdelay $0x4  }
0x108: {  	v0 =	vshrl.u32 @!p2 v0, $0xE  }
0x109: {  	[tilespmem:$0x2950] =	vst @!p2 v0  }
0x10a: {  	v0 =	vld @!p2 [tilespmem:s20+$0x160];
	_ =	sdelay $0x4  }
0x10b: {  	v0 =	vshrl.u32 @!p2 v0, $0xE  }
0x10c: {  	[tilespmem:$0x2960] =	vst @!p2 v0  }
0x10d: {  	v0 =	vld @!p2 [tilespmem:s20+$0x170];
	_ =	sdelay $0x4  }
0x10e: {  	v0 =	vshrl.u32 @!p2 v0, $0xE  }
0x10f: {  	s20 =	simm.s32 @!p2 $0x1;
	[tilespmem:$0x2970] =	vst @!p2 v0  }
0x110: {  	_ =	swait.ge @!p2 [sflag:s20], $0x4000  }
0x111: {  	s21 =	simm.s32 @!p2 $0x2A00;
	[sflag:s20] =	ssyncset.done @!p2 $0x0  }
0x112: {  	s22 =	simm.s32 @!p2 $0x2800;
	[sflag:s20] =	ssyncadd.s32 @!p2 $0xFFFFC000;
	s20 =	simm.s32 @!p2 $0x80  }
0x113: {  	[tilespmem:s21], [sflag:$0x1] =	stream.indirect.gather @!p2 [hbm4b:s3+s20], $0x80, s22, s20, $0xb8;
	[tilespmem:$0x1E600] =	vst v63  }
.Ltmp0:
0x114: {  	_ = 	snop;
	(pc) =	sbr.rel @p1 .LBB2_2-.Ltmp0, $4  }
0x115: {  	_ = 	snop  }
0x116: {  	[spmem:s1] =	stream.indirect.scatter.add.f32 [tilespmem:s15], [sflag:$0x2], $0x80, s17, s10, $0xb8;
	[tilespmem:$0x1E600] =	vst v63  }
0x117: {  	_ =	swait.ge [sflag:s8], $0x4000  }
0x118: {  	[sflag:s8] =	ssyncset.done $0x0  }
0x119: {  	[sflag:s8] =	ssyncadd.s32 $0xFFFFC000;
	s18 =	sadd.s32 $0x1, s18  }
0x11a: {  	s19 =	simm.s32 @!p0 $0x1C02;
	[bflag:$0x0] =	sbarrier.arrive $0xFFFF;
	p1 =	sne.s32 s18, s7  }
0x11b: {  	[hbm:s6], [sflag:s19] =	dma.local @!p0 [spmem:s9], $0x27800  }
.Ltmp1:
0x11c: {  	_ = 	snop;
	(pc) =	sbr.rel @p1 .LBB2_1-.Ltmp1, $4  }
0x11d: {  	s19 =	simm.s32 @!p0 $0x2  }
0x11e: {  	_ =	swait.ge @!p0 [sflag:s19], $0x27800  }
0x11f: {  	[sflag:s19] =	ssyncset.done @!p0 $0x0  }
0x120: {  	[sflag:s19] =	ssyncadd.s32 @!p0 $0xFFFD8800  }
0x121: {  	_ =	sfence.sel $0x180000  }
0x122: {  	[bflag:$0x0] =	sbarrier.arrive $0xFFFF  }
0x123: {  	_ =	strace $0x9000004A  }
0x124: {  	s0 =	sadd.s32 @!p0 $0x100000, s0;
	[bflag:$0x2] =	sbarrier.arrive $0xFFFF  }
0x125: {  	[sflag:s0] =	ssyncadd.tile.s32 @!p0 $0x1;
	_ =	shalt  }
.Lfunc_end2:
_tile_overlayer_lowered:
.L_overlay_start_2:
0x126: {  	(tag) =	ssettag $0x2  }
0x127: {  	s0 =	rddreg [dreg:$0x0];
	s2 =	stileid.u32  }
0x128: {  	s1 =	rddreg [dreg:$0x1];
	p0 =	sne.s32 s2, $0x0  }
0x129: {  	s3 =	rddreg [dreg:$0x2];
	[bflag:$0x3] =	sbarrier.arrive $0xFFFF;
	s2 =	simm.s32 @!p0 $0x1C02  }
0x12a: {  	[timem:s3], [sflag:s2] =	dma.local @!p0 [hbm:s0], s1  }
0x12b: {  	s0 =	simm.s32 @!p0 $0x2  }
0x12c: {  	_ =	swait.ge @!p0 [sflag:s0], s1  }
0x12d: {  	s1 =	ssub.s32 @!p0 $0x0, s1;
	[sflag:s0] =	ssyncset.done @!p0 $0x0  }
0x12e: {  	[sflag:s0] =	ssyncadd.s32 @!p0 s1  }
0x12f: {  	[bflag:$0x3] =	sbarrier.arrive $0xFFFF  }
0x130: {  	_ =	shalt  }

// kernel: kernel.14.cloned.1.call-start
scs
__scs_entry_jumppad:
0x0: {  	(pc) =	sbr.rel $0x88, $3  }
0x1: {  	(tag) =	ssettag $0x0;
	lr =	simm.s32 $0x1  }
0x2: {  	[smem:$0x3F98] =	sst lr;
	_ =	strace $0xD0000000  }
0x3: {  	_ = 	snop  }
0x4: {  	_ = 	snop  }
0x5: {  	_ = 	snop  }
0x6: {  	_ = 	snop  }
0x7: {  	_ = 	snop  }
__scs_overlays_trampoline_lowered:
0x8: {  	[smem:$0x3FA7] =	sst s0  }
0x9: {  	[smem:$0x3FA8] =	sst s1  }
0xa: {  	[smem:$0x3FA9] =	sst s2  }
0xb: {  	[smem:$0x3FAA] =	sst s3  }
0xc: {  	[smem:$0x3FAB] =	sst s4  }
0xd: {  	[smem:$0x3FAC] =	sst s5  }
0xe: {  	[smem:$0x3FAD] =	sst s6  }
0xf: {  	[smem:$0x3FAE] =	sst s7  }
0x10: {  	[smem:$0x3FAF] =	sst s8  }
0x11: {  	[smem:$0x3FB0] =	sst s9;
	s0 =	simm.s32 @!p0 $0x0  }
0x12: {  	s1 =	sld [smem:$0x3F96];
	s0 =	simm.s32 @p0 $0x1  }
0x13: {  	[smem:$0x3FB1] =	sst s0;
	s0 =	simm.s32 @!p1 $0x0  }
0x14: {  	s2 =	sld [smem:$0x3F95];
	s0 =	simm.s32 @p1 $0x1  }
0x15: {  	[smem:$0x3FB2] =	sst s0;
	s0 =	simm.s32 @!p2 $0x0  }
0x16: {  	s3 =	sld [smem:$0x3FDB];
	s0 =	simm.s32 @p2 $0x1  }
0x17: {  	s4 =	simm.s32 $0x1BF5;
	[smem:$0x3FB4] =	sst s0  }
0x18: {  	s0 =	sld [smem:$0x3F97];
	_ =	swait.ge [sflag:s4], $0x0  }
0x19: {  	s7 =	sld [smem:$0x3F98]  }
0x1a: {  	s8 =	sadd.s32 $0xFFFFE003, lr  }
0x1b: {  	s9 =	sadd.s32 $0xFFFFFEF7, lr;
	s5 =	simm.s32 $0xFFFFFFFF;
	p2 =	slt.u32 s8, $0xFFFFF086  }
0x1c: {  	p1 =	slt.u32 s9, $0xF7A;
	s5 =	simm.s32 @!p2 $0x0  }
0x1d: {  	s5 =	simm.s32 @p1 $0x1;
	p0 =	seq.s32 s7, s2  }
0x1e: {  	s7 =	smul.u32 @!p0 $0xF7A, s2;
	p2 =	seq.s32 @!p0 s5, $0x0  }
0x1f: {  	s9 =	smul.u32 $0xF7A, s1;
	s8 =	simm.s32 @!p0 $0x1BF5;
	p2 =	por !p2, p0  }
0x20: {  	[sflag:s8] =	ssyncset.s32 @!p0 $0xFFFFF086;
	s6 =	sadd.s32 @!p0 s3, s7;
	s7 =	simm.s32 @!p0 $0x108  }
0x21: {  	s3 =	sadd.s32 s3, s9;
	s6 =	sadd.s32 @!p0 $0x88, s6;
	s7 =	simm.s32 @p2 $0x1082  }
0x22: {  	[simem:s7], [sflag:s8] =	dma.local @!p0 [hbm:s6], $0xF7A  }
0x23: {  	s9 =	sor.u32 $0xD0000000, s2;
	s6 =	simm.s32 $0x108;
	_ =	swait.ge @!p0 [sflag:s8], $0x0  }
0x24: {  	s3 =	sadd.s32 $0x88, s3;
	s6 =	simm.s32 @!p1 $0x1082;
	[sflag:s4] =	ssyncset.s32 $0xFFFFF086  }
0x25: {  	[simem:s6], [sflag:s4] =	dma.local [hbm:s3], $0xF7A  }
0x26: {  	[smem:$0x3F98] =	sst s1;
	(tag) =	ssettag s2;
	_ =	strace s9  }
0x27: {  	s1 =	sld [smem:$0x3FA8]  }
0x28: {  	s2 =	sld [smem:$0x3FA9]  }
0x29: {  	s4 =	sld [smem:$0x3FAB]  }
0x2a: {  	p0 =	seq.s32 s5, $0x0;
	s5 =	sld [smem:$0x3FAC]  }
0x2b: {  	s6 =	sld [smem:$0x3FAD]  }
0x2c: {  	s7 =	sld [smem:$0x3FAE]  }
0x2d: {  	s3 =	simm.s32 $0x108;
	s8 =	sld [smem:$0x3FAF]  }
0x2e: {  	s3 =	simm.s32 @!p0 $0x1082;
	s9 =	sld [smem:$0x3FB0]  }
0x2f: {  	lr =	sadd.s32 s0, s3;
	s0 =	sld [smem:$0x3FA7]  }
0x30: {  	s3 =	sld [smem:$0x3FAA]  }
0x31: {  	[smem:$0x3FB3] =	sst s10  }
0x32: {  	s10 =	sld [smem:$0x3FB1];
	_ =	sdelay $0x3  }
0x33: {  	p0 =	seq.s32 s10, $0x1;
	s10 =	sld [smem:$0x3FB3];
	_ =	sdelay $0x3  }
0x34: {  	[smem:$0x3FB3] =	sst s10  }
0x35: {  	s10 =	sld [smem:$0x3FB2];
	_ =	sdelay $0x3  }
0x36: {  	p1 =	seq.s32 s10, $0x1;
	s10 =	sld [smem:$0x3FB3];
	_ =	sdelay $0x3  }
0x37: {  	[smem:$0x3FB3] =	sst s10  }
0x38: {  	s10 =	sld [smem:$0x3FB4]  }
0x39: {  	_ = 	snop;
	(pc) =	sbr.ind lr, $3  }
0x3a: {  	_ = 	snop  }
0x3b: {  	_ = 	snop  }
0x3c: {  	p2 =	seq.s32 s10, $0x1;
	s10 =	sld [smem:$0x3FB3]  }
0x3d: {  	_ =	shalt  }
0x3e: {  	_ =	shalt  }
0x3f: {  	_ =	shalt  }
0x40: {  	_ =	shalt  }
0x41: {  	_ =	shalt  }
0x42: {  	_ =	shalt  }
0x43: {  	_ =	shalt  }
0x44: {  	_ =	shalt  }
0x45: {  	_ =	shalt  }
0x46: {  	_ =	shalt  }
0x47: {  	_ =	shalt  }
0x48: {  	_ =	shalt  }
0x49: {  	_ =	shalt  }
0x4a: {  	_ =	shalt  }
0x4b: {  	_ =	shalt  }
0x4c: {  	_ =	shalt  }
0x4d: {  	_ =	shalt  }
0x4e: {  	_ =	shalt  }
0x4f: {  	_ =	shalt  }
0x50: {  	_ =	shalt  }
0x51: {  	_ =	shalt  }
0x52: {  	_ =	shalt  }
0x53: {  	_ =	shalt  }
0x54: {  	_ =	shalt  }
0x55: {  	_ =	shalt  }
0x56: {  	_ =	shalt  }
0x57: {  	_ =	shalt  }
0x58: {  	_ =	shalt  }
0x59: {  	_ =	shalt  }
0x5a: {  	_ =	shalt  }
0x5b: {  	_ =	shalt  }
0x5c: {  	_ =	shalt  }
0x5d: {  	_ =	shalt  }
0x5e: {  	_ =	shalt  }
0x5f: {  	_ =	shalt  }
0x60: {  	_ =	shalt  }
0x61: {  	_ =	shalt  }
0x62: {  	_ =	shalt  }
0x63: {  	_ =	shalt  }
0x64: {  	_ =	shalt  }
0x65: {  	_ =	shalt  }
0x66: {  	_ =	shalt  }
0x67: {  	_ =	shalt  }
0x68: {  	_ =	shalt  }
0x69: {  	_ =	shalt  }
0x6a: {  	_ =	shalt  }
0x6b: {  	_ =	shalt  }
0x6c: {  	_ =	shalt  }
0x6d: {  	_ =	shalt  }
0x6e: {  	_ =	shalt  }
0x6f: {  	_ =	shalt  }
0x70: {  	_ =	shalt  }
0x71: {  	_ =	shalt  }
0x72: {  	_ =	shalt  }
0x73: {  	_ =	shalt  }
0x74: {  	_ =	shalt  }
0x75: {  	_ =	shalt  }
0x76: {  	_ =	shalt  }
0x77: {  	_ =	shalt  }
0x78: {  	_ =	shalt  }
0x79: {  	_ =	shalt  }
0x7a: {  	_ =	shalt  }
0x7b: {  	_ =	shalt  }
0x7c: {  	_ =	shalt  }
0x7d: {  	_ =	shalt  }
0x7e: {  	_ =	shalt  }
0x7f: {  	_ =	shalt  }
0x80: {  	_ =	shalt  }
0x81: {  	_ =	shalt  }
0x82: {  	_ =	shalt  }
0x83: {  	_ =	shalt  }
0x84: {  	_ =	shalt  }
0x85: {  	_ =	shalt  }
0x86: {  	_ =	shalt  }
0x87: {  	_ =	shalt  }
.Lfunc_end0:
.L_simem_size_0:
called_computation.2_lowered:
.L_overlay_start_0:
0x88: {  	s2 =	sld [smem:$0x3FD9]  }
0x89: {  	s3 =	sld [smem:$0x3FFE];
	_ =	sdelay $0x1  }
0x8a: {  	s1 =	srdreg.scid  }
0x8b: {  	s0 =	sand.u32 $0x1, s1  }
0x8c: {  	s16 =	sshll.u32 s0, $0xA;
	s2 =	sadd.s32 s3, s2  }
0x8d: {  	s2 =	sadd.s32 s2, s16  }
0x8e: {  	[smem:$0x3FBF] =	sst s2  }
0x8f: {  	_ = 	snop  }
0x90: {  	(tm) =	ssettm $0x1  }
0x91: {  	s17 =	sld [smem:$0x3FFB];
	_ =	sdelay $0x3  }
0x92: {  	_ =	strace s17  }
0x93: {  	s2 =	sld [smem:$0x3FFC];
	_ =	sdelay $0x3  }
0x94: {  	_ =	strace s2  }
0x95: {  	s2 =	sld [smem:$0x3FFD];
	_ =	sdelay $0x3  }
0x96: {  	_ =	strace s2  }
0x97: {  	_ =	strace $0x8FFFFFFF  }
0x98: {  	s18 =	sld [smem:$0x3FDB];
	_ =	sdelay $0x1  }
0x99: {  	s19 =	simm.s32 $_scs_section_size  }
0x9a: {  	s4 =	simm.s32 $_size__tile_overlayer_lowered;
	s5 =	simm.s32 $_tile_overlayer_lowered  }
0x9b: {  	s22 =	simm.s32 $0x1BFF;
	s21 =	sshll.u32 s5, $0x1;
	s2 =	sadd.s32 s19, s18  }
0x9c: {  	s6 =	simm.s32 $0x0;
	s20 =	sshll.u32 s4, $0x1;
	s4 =	sadd.s32 s21, s2  }
0x9d: {  	[timem:s6], [sflag:s22] =	dma.local [hbm:s4], s20  }
0x9e: {  	_ =	swait.ge [sflag:s22], s20  }
0x9f: {  	s3 =	ssub.s32 $0x0, s20;
	[sflag:s22] =	ssyncset.done $0x0  }
0xa0: {  	[sflag:s22] =	ssyncadd.s32 s3;
	_ =	sdelay $0x1  }
0xa1: {  	s23 =	simm.s32 $0x1B8B  }
0xa2: {  	_ =	swait.ge [sflag:s23], $0x1  }
0xa3: {  	[sflag:s23] =	ssyncset.done $0x0  }
0xa4: {  	s25 =	simm.s32 $0x1B8E;
	s24 =	sld [smem:$0x3FFE];
	[sflag:s23] =	ssyncadd.s32 $0xFFFFFFFF  }
0xa5: {  	s26 =	simm.s32 $execute0_lowered;
	[smem:$0x3FD2] =	sst s25  }
0xa6: {  	s4 =	sshll.u32 s26, $0x1;
	_ =	strace $0x8000004C;
	[dreg:$0x1] =	wrdreg $0xFFFFFFFF  }
0xa7: {  	s28 =	simm.s32 $_size_execute0_lowered;
	s2 =	sadd.s32 s2, s4;
	[dreg:$0x0] =	wrdreg $0x0  }
0xa8: {  	s4 =	sshll.u32 s28, $0x1;
	[dreg:$0x2] =	wrdreg s2  }
0xa9: {  	[dreg:$0x3] =	wrdreg s4  }
0xaa: {  	[dreg:$0x4] =	wrdreg $0xC0  }
0xab: {  	_ =	task [dreg:s6], $0x5FFFF  }
0xac: {  	[dreg:$0x1] =	wrdreg $0xFFFFFFFF  }
0xad: {  	[dreg:$0x0] =	wrdreg $0x60  }
0xae: {  	[dreg:$0x2] =	wrdreg s24  }
0xaf: {  	[dreg:$0x3] =	wrdreg $0xAA000  }
0xb0: {  	[dreg:$0x4] =	wrdreg $0x9  }
0xb1: {  	_ =	task.clear_ibuf [dreg:s6], $0x5FFFF;
	_ =	strace $0x9000004C  }
0xb2: {  	s29 =	simm.s32 $0x9;
	_ =	strace $0x8000004E  }
0xb3: {  	_ =	swait.ge [sflag:s29], $0x1  }
0xb4: {  	[sflag:s29] =	ssyncadd.s32 $0xFFFFFFFF  }
0xb5: {  	_ =	strace $0x9000004E  }
0xb6: {  	_ =	sfence  }
0xb7: {  	s30 =	sld [smem:$0x0];
	_ =	sdelay $0x2  }
0xb8: {  	s31 =	sshll.u32 s1, $0xD;
	s1 =	sshrl.u32 s1, $0x2  }
0xb9: {  	s3 =	sand.u32 $0x4000, s31;
	s1 =	sadd.s32 s1, s30  }
0xba: {  	s0 =	sor.u32 s3, s0;
	s1 =	sshll.u32 s1, $0x11  }
0xbb: {  	s0 =	sor.u32 s1, s0  }
0xbc: {  	s0 =	sadd.s32 $0x8F2B, s0  }
0xbd: {  	[sflag:s0] =	ssyncadd.remote.s32 $0x1  }
0xbe: {  	_ =	sfence.sel $0xFFFF  }
0xbf: {  	[dreg:$0x0] =	wrdreg $0xFFFFFFFF;
	(pc) =	sbr.abs _section_cstart, $3  }
0xc0: {  	[dreg:$0x1] =	wrdreg $0xFFFFFFFF  }
0xc1: {  	_ =	task.clear_ibuf [dreg:s6], $0x2FFFF;
	_ =	strace $0x9FFFFFFF  }
0xc2: {  	(tm) =	ssettm $0x7FFFFFFF  }
0xc3: {  	_ =	shalt  }
tec
execute0_lowered:
.L_overlay_start_1:
0x0: {  	(tag) =	ssettag $0x1  }
0x1: {  	s0 =	srdreg.scid;
	s5 =	rddreg [dreg:$0x0]  }
0x2: {  	s1 =	rddreg [dreg:$0x1];
	s7 =	stileid.u32;
	s2 =	simm.s32 $0x0  }
0x3: {  	s11 =	simm.s32 $0x2800;
	s12 =	simm.s32 $0x2A00;
	s13 =	simm.s32 $0x1  }
0x4: {  	s14 =	simm.s32 $0x2880;
	s15 =	simm.s32 $0x6A00;
	s16 =	simm.s32 $0x2900  }
0x5: {  	s17 =	simm.s32 $0x2980;
	s3 =	sand.u32 $0x1, s0;
	s0 =	rddreg [dreg:$0x2]  }
0x6: {  	s18 =	simm.s32 $0x0;
	[smem:$0x7FF] =	sst s2;
	p0 =	sne.s32 s7, $0x0  }
0x7: {  	s4 =	sshll.u32 s3, $0x4;
	_ =	strace $0x8000004D;
	s6 =	smul.u32 $0x27800, s3  }
0x8: {  	s8 =	ssub.s32 $0x2, s3;
	s3 =	sadd.s32 $0x35C00, s5;
	s4 =	sor.u32 s7, s4  }
0x9: {  	s10 =	sshrl.u32 s8, $0x1;
	s4 =	smul.u32 $0x500, s4;
	s6 =	sadd.s32 s6, s5  }
0xa: {  	s8 =	ssub.s32 s8, s10;
	s10 =	simm.s32 $0x80;
	s6 =	sadd.s32 $0x84000, s6  }
0xb: {  	s7 =	smax.u32 s8, $0x1;
	s8 =	simm.s32 $0x2;
	s9 =	sadd.s32 s4, s5  }
0xc: {  	s4 =	sadd.s32 $0xE400, s5;
	s5 =	sadd.s32 $0x4400, s9;
	s9 =	sshrl.u32 @!p0 s1, $0x3  }
.LBB2_1:
0xd: {  	[tilespmem:s2], [sflag:$0x2] =	stream.linear.gather [hbm4b:s5+s2], $0x2800, $0x38;
	[tilespmem:$0x1E600] =	vst v63  }
0xe: {  	_ =	swait.ge [sflag:s8], $0x2800  }
0xf: {  	[sflag:s8] =	ssyncset.done $0x0  }
0x10: {  	s19 =	simm.s32 @!p0 $0x1C02;
	[sflag:s8] =	ssyncadd.s32 $0xFFFFD800  }
0x11: {  	[spmem:s9], [sflag:s19] =	dma.local @!p0 [hbm:s4], $0x27800  }
0x12: {  	s19 =	simm.s32 @!p0 $0x2  }
0x13: {  	_ =	swait.ge @!p0 [sflag:s19], $0x27800  }
0x14: {  	[sflag:s19] =	ssyncset.done @!p0 $0x0  }
0x15: {  	[sflag:s19] =	ssyncadd.s32 @!p0 $0xFFFD8800  }
0x16: {  	[bflag:$0x0] =	sbarrier.arrive $0xFFFF  }
0x17: {  	v0 =	vld [tilespmem:$0x0]  }
0x18: {  	v1 =	vld [tilespmem:$0x10]  }
0x19: {  	v2 =	vld [tilespmem:$0x20]  }
0x1a: {  	v3 =	vld [tilespmem:$0x30]  }
0x1b: {  	v4 =	vld [tilespmem:$0x40]  }
0x1c: {  	v5 =	vld [tilespmem:$0x50];
	v0 =	vand.u32 $0x3FFF, v0  }
0x1d: {  	v40 =	vld [tilespmem:$0x60];
	v39 =	vand.u32 $0x3FFF, v1;
	[tilespmem:$0x2800] =	vst v0  }
0x1e: {  	v42 =	vld [tilespmem:$0x70];
	v41 =	vand.u32 $0x3FFF, v2;
	[tilespmem:$0x2810] =	vst v39  }
0x1f: {  	v44 =	vld [tilespmem:$0x0];
	v43 =	vand.u32 $0x3FFF, v3;
	[tilespmem:$0x2820] =	vst v41  }
0x20: {  	v46 =	vld [tilespmem:$0x10];
	v45 =	vand.u32 $0x3FFF, v4;
	[tilespmem:$0x2830] =	vst v43  }
0x21: {  	v48 =	vld [tilespmem:$0x20];
	v47 =	vand.u32 $0x3FFF, v5;
	[tilespmem:$0x2840] =	vst v45  }
0x22: {  	v50 =	vld [tilespmem:$0x30];
	v49 =	vand.u32 $0x3FFF, v40;
	[tilespmem:$0x2850] =	vst v47  }
0x23: {  	v52 =	vld [tilespmem:$0x40];
	v51 =	vand.u32 $0x3FFF, v42;
	[tilespmem:$0x2860] =	vst v49  }
0x24: {  	v54 =	vld [tilespmem:$0x50];
	v53 =	vshrl.u32 v44, $0xE;
	[tilespmem:$0x2870] =	vst v51  }
0x25: {  	v56 =	vld [tilespmem:$0x60];
	v55 =	vshrl.u32 v46, $0xE;
	[tilespmem:$0x2900] =	vst v53  }
0x26: {  	v58 =	vld [tilespmem:$0x70];
	v57 =	vshrl.u32 v48, $0xE;
	[tilespmem:$0x2910] =	vst v55  }
0x27: {  	v59 =	vshrl.u32 v50, $0xE;
	[tilespmem:$0x2920] =	vst v57  }
0x28: {  	v60 =	vshrl.u32 v52, $0xE;
	[tilespmem:$0x2930] =	vst v59  }
0x29: {  	v61 =	vshrl.u32 v54, $0xE;
	[tilespmem:$0x2940] =	vst v60  }
0x2a: {  	v62 =	vshrl.u32 v56, $0xE;
	[tilespmem:$0x2950] =	vst v61  }
0x2b: {  	v63 =	vshrl.u32 v58, $0xE;
	[tilespmem:$0x2960] =	vst v62  }
0x2c: {  	s31 =	simm.s32 $0x0;
	[tilespmem:$0x2970] =	vst v63  }
0x2d: {  	[tilespmem:s12], [sflag:$0x1] =	stream.indirect.gather [hbm4b:s3+s10], $0x80, s11, s10, $0xb8;
	[tilespmem:$0x1E600] =	vst v63  }
0x2e: {  	v0 =	vld [tilespmem:s31+$0x80];
	_ =	sdelay $0x4  }
0x2f: {  	v0 =	vand.u32 $0x3FFF, v0  }
0x30: {  	[tilespmem:$0x2880] =	vst v0  }
0x31: {  	v0 =	vld [tilespmem:s31+$0x90];
	_ =	sdelay $0x4  }
0x32: {  	v0 =	vand.u32 $0x3FFF, v0  }
0x33: {  	[tilespmem:$0x2890] =	vst v0  }
0x34: {  	v0 =	vld [tilespmem:s31+$0xA0];
	_ =	sdelay $0x4  }
0x35: {  	v0 =	vand.u32 $0x3FFF, v0  }
0x36: {  	[tilespmem:$0x28A0] =	vst v0  }
0x37: {  	v0 =	vld [tilespmem:s31+$0xB0];
	_ =	sdelay $0x4  }
0x38: {  	v0 =	vand.u32 $0x3FFF, v0  }
0x39: {  	[tilespmem:$0x28B0] =	vst v0  }
0x3a: {  	v0 =	vld [tilespmem:s31+$0xC0];
	_ =	sdelay $0x4  }
0x3b: {  	v0 =	vand.u32 $0x3FFF, v0  }
0x3c: {  	[tilespmem:$0x28C0] =	vst v0  }
0x3d: {  	v0 =	vld [tilespmem:s31+$0xD0];
	_ =	sdelay $0x4  }
0x3e: {  	v0 =	vand.u32 $0x3FFF, v0  }
0x3f: {  	[tilespmem:$0x28D0] =	vst v0  }
0x40: {  	v0 =	vld [tilespmem:s31+$0xE0];
	_ =	sdelay $0x4  }
0x41: {  	v0 =	vand.u32 $0x3FFF, v0  }
0x42: {  	[tilespmem:$0x28E0] =	vst v0  }
0x43: {  	v0 =	vld [tilespmem:s31+$0xF0];
	_ =	sdelay $0x4  }
0x44: {  	v0 =	vand.u32 $0x3FFF, v0  }
0x45: {  	[tilespmem:$0x28F0] =	vst v0  }
0x46: {  	v0 =	vld [tilespmem:s31+$0x80];
	_ =	sdelay $0x4  }
0x47: {  	v0 =	vshrl.u32 v0, $0xE  }
0x48: {  	[tilespmem:$0x2980] =	vst v0  }
0x49: {  	v0 =	vld [tilespmem:s31+$0x90];
	_ =	sdelay $0x4  }
0x4a: {  	v0 =	vshrl.u32 v0, $0xE  }
0x4b: {  	[tilespmem:$0x2990] =	vst v0  }
0x4c: {  	v0 =	vld [tilespmem:s31+$0xA0];
	_ =	sdelay $0x4  }
0x4d: {  	v0 =	vshrl.u32 v0, $0xE  }
0x4e: {  	[tilespmem:$0x29A0] =	vst v0  }
0x4f: {  	v0 =	vld [tilespmem:s31+$0xB0];
	_ =	sdelay $0x4  }
0x50: {  	v0 =	vshrl.u32 v0, $0xE  }
0x51: {  	[tilespmem:$0x29B0] =	vst v0  }
0x52: {  	v0 =	vld [tilespmem:s31+$0xC0];
	_ =	sdelay $0x4  }
0x53: {  	v0 =	vshrl.u32 v0, $0xE  }
0x54: {  	[tilespmem:$0x29C0] =	vst v0  }
0x55: {  	v0 =	vld [tilespmem:s31+$0xD0];
	_ =	sdelay $0x4  }
0x56: {  	v0 =	vshrl.u32 v0, $0xE  }
0x57: {  	[tilespmem:$0x29D0] =	vst v0  }
0x58: {  	v0 =	vld [tilespmem:s31+$0xE0];
	_ =	sdelay $0x4  }
0x59: {  	v0 =	vshrl.u32 v0, $0xE  }
0x5a: {  	[tilespmem:$0x29E0] =	vst v0  }
0x5b: {  	v0 =	vld [tilespmem:s31+$0xF0];
	_ =	sdelay $0x4  }
0x5c: {  	v0 =	vshrl.u32 v0, $0xE  }
0x5d: {  	[tilespmem:$0x29F0] =	vst v0  }
0x5e: {  	_ =	swait.ge [sflag:s13], $0x4000  }
0x5f: {  	[sflag:s13] =	ssyncset.done $0x0  }
0x60: {  	[sflag:s13] =	ssyncadd.s32 $0xFFFFC000  }
0x61: {  	[tilespmem:s15], [sflag:$0x1] =	stream.indirect.gather [hbm4b:s3+s10], $0x80, s14, s10, $0xb8;
	[tilespmem:$0x1E600] =	vst v63  }
0x62: {  	_ = 	snop  }
0x63: {  	[spmem:s1] =	stream.indirect.scatter.add.f32 [tilespmem:s12], [sflag:$0x2], $0x80, s16, s10, $0xb8;
	[tilespmem:$0x1E600] =	vst v63  }
0x64: {  	_ =	swait.ge [sflag:s8], $0x4000  }
0x65: {  	p1 =	por $0x0, $0x0;
	[sflag:s8] =	ssyncset.done $0x0  }
0x66: {  	s19 =	simm.s32 @p1 $0x1;
	[sflag:s8] =	ssyncadd.s32 $0xFFFFC000  }
0x67: {  	_ =	swait.ge @p1 [sflag:s19], $0x4000  }
0x68: {  	[sflag:s19] =	ssyncset.done @p1 $0x0  }
0x69: {  	[sflag:s19] =	ssyncadd.s32 @p1 $0xFFFFC000;
	s19 =	simm.s32 @!p1 $0x0  }
0x6a: {  	v0 =	vld @!p1 [tilespmem:s19+$0x100];
	_ =	sdelay $0x4  }
0x6b: {  	v0 =	vand.u32 @!p1 $0x3FFF, v0  }
0x6c: {  	[tilespmem:$0x2800] =	vst @!p1 v0  }
0x6d: {  	v0 =	vld @!p1 [tilespmem:s19+$0x110];
	_ =	sdelay $0x4  }
0x6e: {  	v0 =	vand.u32 @!p1 $0x3FFF, v0  }
0x6f: {  	[tilespmem:$0x2810] =	vst @!p1 v0  }
0x70: {  	v0 =	vld @!p1 [tilespmem:s19+$0x120];
	_ =	sdelay $0x4  }
0x71: {  	v0 =	vand.u32 @!p1 $0x3FFF, v0  }
0x72: {  	[tilespmem:$0x2820] =	vst @!p1 v0  }
0x73: {  	v0 =	vld @!p1 [tilespmem:s19+$0x130];
	_ =	sdelay $0x4  }
0x74: {  	v0 =	vand.u32 @!p1 $0x3FFF, v0  }
0x75: {  	[tilespmem:$0x2830] =	vst @!p1 v0  }
0x76: {  	v0 =	vld @!p1 [tilespmem:s19+$0x140];
	_ =	sdelay $0x4  }
0x77: {  	v0 =	vand.u32 @!p1 $0x3FFF, v0  }
0x78: {  	[tilespmem:$0x2840] =	vst @!p1 v0  }
0x79: {  	v0 =	vld @!p1 [tilespmem:s19+$0x150];
	_ =	sdelay $0x4  }
0x7a: {  	v0 =	vand.u32 @!p1 $0x3FFF, v0  }
0x7b: {  	[tilespmem:$0x2850] =	vst @!p1 v0  }
0x7c: {  	v0 =	vld @!p1 [tilespmem:s19+$0x160];
	_ =	sdelay $0x4  }
0x7d: {  	v0 =	vand.u32 @!p1 $0x3FFF, v0  }
0x7e: {  	[tilespmem:$0x2860] =	vst @!p1 v0  }
0x7f: {  	v0 =	vld @!p1 [tilespmem:s19+$0x170];
	_ =	sdelay $0x4  }
0x80: {  	v0 =	vand.u32 @!p1 $0x3FFF, v0  }
0x81: {  	[tilespmem:$0x2870] =	vst @!p1 v0  }
0x82: {  	v0 =	vld @!p1 [tilespmem:s19+$0x100];
	_ =	sdelay $0x4  }
0x83: {  	v0 =	vshrl.u32 @!p1 v0, $0xE  }
0x84: {  	[tilespmem:$0x2900] =	vst @!p1 v0  }
0x85: {  	v0 =	vld @!p1 [tilespmem:s19+$0x110];
	_ =	sdelay $0x4  }
0x86: {  	v0 =	vshrl.u32 @!p1 v0, $0xE  }
0x87: {  	[tilespmem:$0x2910] =	vst @!p1 v0  }
0x88: {  	v0 =	vld @!p1 [tilespmem:s19+$0x120];
	_ =	sdelay $0x4  }
0x89: {  	v0 =	vshrl.u32 @!p1 v0, $0xE  }
0x8a: {  	[tilespmem:$0x2920] =	vst @!p1 v0  }
0x8b: {  	v0 =	vld @!p1 [tilespmem:s19+$0x130];
	_ =	sdelay $0x4  }
0x8c: {  	v0 =	vshrl.u32 @!p1 v0, $0xE  }
0x8d: {  	[tilespmem:$0x2930] =	vst @!p1 v0  }
0x8e: {  	v0 =	vld @!p1 [tilespmem:s19+$0x140];
	_ =	sdelay $0x4  }
0x8f: {  	v0 =	vshrl.u32 @!p1 v0, $0xE  }
0x90: {  	[tilespmem:$0x2940] =	vst @!p1 v0  }
0x91: {  	v0 =	vld @!p1 [tilespmem:s19+$0x150];
	_ =	sdelay $0x4  }
0x92: {  	v0 =	vshrl.u32 @!p1 v0, $0xE  }
0x93: {  	[tilespmem:$0x2950] =	vst @!p1 v0  }
0x94: {  	v0 =	vld @!p1 [tilespmem:s19+$0x160];
	_ =	sdelay $0x4  }
0x95: {  	v0 =	vshrl.u32 @!p1 v0, $0xE  }
0x96: {  	[tilespmem:$0x2960] =	vst @!p1 v0  }
0x97: {  	v0 =	vld @!p1 [tilespmem:s19+$0x170];
	_ =	sdelay $0x4  }
0x98: {  	v0 =	vshrl.u32 @!p1 v0, $0xE  }
0x99: {  	s19 =	simm.s32 @!p1 $0x1;
	[tilespmem:$0x2970] =	vst @!p1 v0  }
0x9a: {  	_ =	swait.ge @!p1 [sflag:s19], $0x4000  }
0x9b: {  	s20 =	simm.s32 @!p1 $0x2A00;
	[sflag:s19] =	ssyncset.done @!p1 $0x0  }
0x9c: {  	s21 =	simm.s32 @!p1 $0x2800;
	[sflag:s19] =	ssyncadd.s32 @!p1 $0xFFFFC000;
	s19 =	simm.s32 @!p1 $0x80  }
0x9d: {  	[tilespmem:s20], [sflag:$0x1] =	stream.indirect.gather @!p1 [hbm4b:s3+s19], $0x80, s21, s19, $0xb8;
	[tilespmem:$0x1E600] =	vst v63  }
0x9e: {  	_ = 	snop  }
0x9f: {  	[spmem:s1] =	stream.indirect.scatter.add.f32 [tilespmem:s15], [sflag:$0x2], $0x80, s17, s10, $0xb8;
	[tilespmem:$0x1E600] =	vst v63  }
0xa0: {  	_ =	swait.ge [sflag:s8], $0x4000  }
0xa1: {  	s19 =	simm.s32 $0x400;
	[sflag:s8] =	ssyncset.done $0x0  }
.LBB2_2:
0xa2: {  	[sflag:s8] =	ssyncadd.s32 $0xFFFFC000;
	s20 =	smov.u32 s19;
	s19 =	sadd.s32 $0x400, s19  }
0xa3: {  	s21 =	sshra.s32 s20, $0x2;
	p1 =	sne.s32 s19, $0xA000  }
0xa4: {  	v0 =	vld [tilespmem:s21+$0x80];
	_ =	sdelay $0x4  }
0xa5: {  	v0 =	vand.u32 $0x3FFF, v0  }
0xa6: {  	[tilespmem:$0x2880] =	vst v0  }
0xa7: {  	v0 =	vld [tilespmem:s21+$0x90];
	_ =	sdelay $0x4  }
0xa8: {  	v0 =	vand.u32 $0x3FFF, v0  }
0xa9: {  	[tilespmem:$0x2890] =	vst v0  }
0xaa: {  	v0 =	vld [tilespmem:s21+$0xA0];
	_ =	sdelay $0x4  }
0xab: {  	v0 =	vand.u32 $0x3FFF, v0  }
0xac: {  	[tilespmem:$0x28A0] =	vst v0  }
0xad: {  	v0 =	vld [tilespmem:s21+$0xB0];
	_ =	sdelay $0x4  }
0xae: {  	v0 =	vand.u32 $0x3FFF, v0  }
0xaf: {  	[tilespmem:$0x28B0] =	vst v0  }
0xb0: {  	v0 =	vld [tilespmem:s21+$0xC0];
	_ =	sdelay $0x4  }
0xb1: {  	v0 =	vand.u32 $0x3FFF, v0  }
0xb2: {  	[tilespmem:$0x28C0] =	vst v0  }
0xb3: {  	v0 =	vld [tilespmem:s21+$0xD0];
	_ =	sdelay $0x4  }
0xb4: {  	v0 =	vand.u32 $0x3FFF, v0  }
0xb5: {  	[tilespmem:$0x28D0] =	vst v0  }
0xb6: {  	v0 =	vld [tilespmem:s21+$0xE0];
	_ =	sdelay $0x4  }
0xb7: {  	v0 =	vand.u32 $0x3FFF, v0  }
0xb8: {  	[tilespmem:$0x28E0] =	vst v0  }
0xb9: {  	v0 =	vld [tilespmem:s21+$0xF0];
	_ =	sdelay $0x4  }
0xba: {  	v0 =	vand.u32 $0x3FFF, v0  }
0xbb: {  	[tilespmem:$0x28F0] =	vst v0  }
0xbc: {  	v0 =	vld [tilespmem:s21+$0x80];
	_ =	sdelay $0x4  }
0xbd: {  	v0 =	vshrl.u32 v0, $0xE  }
0xbe: {  	[tilespmem:$0x2980] =	vst v0  }
0xbf: {  	v0 =	vld [tilespmem:s21+$0x90];
	_ =	sdelay $0x4  }
0xc0: {  	v0 =	vshrl.u32 v0, $0xE  }
0xc1: {  	[tilespmem:$0x2990] =	vst v0  }
0xc2: {  	v0 =	vld [tilespmem:s21+$0xA0];
	_ =	sdelay $0x4  }
0xc3: {  	v0 =	vshrl.u32 v0, $0xE  }
0xc4: {  	[tilespmem:$0x29A0] =	vst v0  }
0xc5: {  	v0 =	vld [tilespmem:s21+$0xB0];
	_ =	sdelay $0x4  }
0xc6: {  	v0 =	vshrl.u32 v0, $0xE  }
0xc7: {  	[tilespmem:$0x29B0] =	vst v0  }
0xc8: {  	v0 =	vld [tilespmem:s21+$0xC0];
	_ =	sdelay $0x4  }
0xc9: {  	v0 =	vshrl.u32 v0, $0xE  }
0xca: {  	[tilespmem:$0x29C0] =	vst v0  }
0xcb: {  	v0 =	vld [tilespmem:s21+$0xD0];
	_ =	sdelay $0x4  }
0xcc: {  	v0 =	vshrl.u32 v0, $0xE  }
0xcd: {  	[tilespmem:$0x29D0] =	vst v0  }
0xce: {  	v0 =	vld [tilespmem:s21+$0xE0];
	_ =	sdelay $0x4  }
0xcf: {  	v0 =	vshrl.u32 v0, $0xE  }
0xd0: {  	[tilespmem:$0x29E0] =	vst v0  }
0xd1: {  	v0 =	vld [tilespmem:s21+$0xF0];
	_ =	sdelay $0x4  }
0xd2: {  	v0 =	vshrl.u32 v0, $0xE  }
0xd3: {  	[tilespmem:$0x29F0] =	vst v0  }
0xd4: {  	_ =	swait.ge [sflag:s13], $0x4000  }
0xd5: {  	[sflag:s13] =	ssyncset.done $0x0  }
0xd6: {  	[sflag:s13] =	ssyncadd.s32 $0xFFFFC000  }
0xd7: {  	[tilespmem:s15], [sflag:$0x1] =	stream.indirect.gather [hbm4b:s3+s10], $0x80, s14, s10, $0xb8;
	[tilespmem:$0x1E600] =	vst v63  }
0xd8: {  	_ = 	snop  }
0xd9: {  	[spmem:s1] =	stream.indirect.scatter.add.f32 [tilespmem:s12], [sflag:$0x2], $0x80, s16, s10, $0xb8;
	[tilespmem:$0x1E600] =	vst v63  }
0xda: {  	_ =	swait.ge [sflag:s8], $0x4000  }
0xdb: {  	p2 =	seq.s32 s20, $0x9C00;
	[sflag:s8] =	ssyncset.done $0x0  }
0xdc: {  	s21 =	simm.s32 @p2 $0x1;
	[sflag:s8] =	ssyncadd.s32 $0xFFFFC000  }
0xdd: {  	_ =	swait.ge @p2 [sflag:s21], $0x4000  }
0xde: {  	[sflag:s21] =	ssyncset.done @p2 $0x0  }
0xdf: {  	s20 =	sshra.s32 @!p2 s20, $0x2;
	[sflag:s21] =	ssyncadd.s32 @p2 $0xFFFFC000  }
0xe0: {  	v0 =	vld @!p2 [tilespmem:s20+$0x100];
	_ =	sdelay $0x4  }
0xe1: {  	v0 =	vand.u32 @!p2 $0x3FFF, v0  }
0xe2: {  	[tilespmem:$0x2800] =	vst @!p2 v0  }
0xe3: {  	v0 =	vld @!p2 [tilespmem:s20+$0x110];
	_ =	sdelay $0x4  }
0xe4: {  	v0 =	vand.u32 @!p2 $0x3FFF, v0  }
0xe5: {  	[tilespmem:$0x2810] =	vst @!p2 v0  }
0xe6: {  	v0 =	vld @!p2 [tilespmem:s20+$0x120];
	_ =	sdelay $0x4  }
0xe7: {  	v0 =	vand.u32 @!p2 $0x3FFF, v0  }
0xe8: {  	[tilespmem:$0x2820] =	vst @!p2 v0  }
0xe9: {  	v0 =	vld @!p2 [tilespmem:s20+$0x130];
	_ =	sdelay $0x4  }
0xea: {  	v0 =	vand.u32 @!p2 $0x3FFF, v0  }
0xeb: {  	[tilespmem:$0x2830] =	vst @!p2 v0  }
0xec: {  	v0 =	vld @!p2 [tilespmem:s20+$0x140];
	_ =	sdelay $0x4  }
0xed: {  	v0 =	vand.u32 @!p2 $0x3FFF, v0  }
0xee: {  	[tilespmem:$0x2840] =	vst @!p2 v0  }
0xef: {  	v0 =	vld @!p2 [tilespmem:s20+$0x150];
	_ =	sdelay $0x4  }
0xf0: {  	v0 =	vand.u32 @!p2 $0x3FFF, v0  }
0xf1: {  	[tilespmem:$0x2850] =	vst @!p2 v0  }
0xf2: {  	v0 =	vld @!p2 [tilespmem:s20+$0x160];
	_ =	sdelay $0x4  }
0xf3: {  	v0 =	vand.u32 @!p2 $0x3FFF, v0  }
0xf4: {  	[tilespmem:$0x2860] =	vst @!p2 v0  }
0xf5: {  	v0 =	vld @!p2 [tilespmem:s20+$0x170];
	_ =	sdelay $0x4  }
0xf6: {  	v0 =	vand.u32 @!p2 $0x3FFF, v0  }
0xf7: {  	[tilespmem:$0x2870] =	vst @!p2 v0  }
0xf8: {  	v0 =	vld @!p2 [tilespmem:s20+$0x100];
	_ =	sdelay $0x4  }
0xf9: {  	v0 =	vshrl.u32 @!p2 v0, $0xE  }
0xfa: {  	[tilespmem:$0x2900] =	vst @!p2 v0  }
0xfb: {  	v0 =	vld @!p2 [tilespmem:s20+$0x110];
	_ =	sdelay $0x4  }
0xfc: {  	v0 =	vshrl.u32 @!p2 v0, $0xE  }
0xfd: {  	[tilespmem:$0x2910] =	vst @!p2 v0  }
0xfe: {  	v0 =	vld @!p2 [tilespmem:s20+$0x120];
	_ =	sdelay $0x4  }
0xff: {  	v0 =	vshrl.u32 @!p2 v0, $0xE  }
0x100: {  	[tilespmem:$0x2920] =	vst @!p2 v0  }
0x101: {  	v0 =	vld @!p2 [tilespmem:s20+$0x130];
	_ =	sdelay $0x4  }
0x102: {  	v0 =	vshrl.u32 @!p2 v0, $0xE  }
0x103: {  	[tilespmem:$0x2930] =	vst @!p2 v0  }
0x104: {  	v0 =	vld @!p2 [tilespmem:s20+$0x140];
	_ =	sdelay $0x4  }
0x105: {  	v0 =	vshrl.u32 @!p2 v0, $0xE  }
0x106: {  	[tilespmem:$0x2940] =	vst @!p2 v0  }
0x107: {  	v0 =	vld @!p2 [tilespmem:s20+$0x150];
	_ =	sdelay $0x4  }
0x108: {  	v0 =	vshrl.u32 @!p2 v0, $0xE  }
0x109: {  	[tilespmem:$0x2950] =	vst @!p2 v0  }
0x10a: {  	v0 =	vld @!p2 [tilespmem:s20+$0x160];
	_ =	sdelay $0x4  }
0x10b: {  	v0 =	vshrl.u32 @!p2 v0, $0xE  }
0x10c: {  	[tilespmem:$0x2960] =	vst @!p2 v0  }
0x10d: {  	v0 =	vld @!p2 [tilespmem:s20+$0x170];
	_ =	sdelay $0x4  }
0x10e: {  	v0 =	vshrl.u32 @!p2 v0, $0xE  }
0x10f: {  	s20 =	simm.s32 @!p2 $0x1;
	[tilespmem:$0x2970] =	vst @!p2 v0  }
0x110: {  	_ =	swait.ge @!p2 [sflag:s20], $0x4000  }
0x111: {  	s21 =	simm.s32 @!p2 $0x2A00;
	[sflag:s20] =	ssyncset.done @!p2 $0x0  }
0x112: {  	s22 =	simm.s32 @!p2 $0x2800;
	[sflag:s20] =	ssyncadd.s32 @!p2 $0xFFFFC000;
	s20 =	simm.s32 @!p2 $0x80  }
0x113: {  	[tilespmem:s21], [sflag:$0x1] =	stream.indirect.gather @!p2 [hbm4b:s3+s20], $0x80, s22, s20, $0xb8;
	[tilespmem:$0x1E600] =	vst v63  }
.Ltmp0:
0x114: {  	_ = 	snop;
	(pc) =	sbr.rel @p1 .LBB2_2-.Ltmp0, $4  }
0x115: {  	_ = 	snop  }
0x116: {  	[spmem:s1] =	stream.indirect.scatter.add.f32 [tilespmem:s15], [sflag:$0x2], $0x80, s17, s10, $0xb8;
	[tilespmem:$0x1E600] =	vst v63  }
0x117: {  	_ =	swait.ge [sflag:s8], $0x4000  }
0x118: {  	[sflag:s8] =	ssyncset.done $0x0  }
0x119: {  	[sflag:s8] =	ssyncadd.s32 $0xFFFFC000;
	s18 =	sadd.s32 $0x1, s18  }
0x11a: {  	s19 =	simm.s32 @!p0 $0x1C02;
	[bflag:$0x0] =	sbarrier.arrive $0xFFFF;
	p1 =	sne.s32 s18, s7  }
0x11b: {  	[hbm:s6], [sflag:s19] =	dma.local @!p0 [spmem:s9], $0x27800  }
.Ltmp1:
0x11c: {  	_ = 	snop;
	(pc) =	sbr.rel @p1 .LBB2_1-.Ltmp1, $4  }
0x11d: {  	s19 =	simm.s32 @!p0 $0x2  }
0x11e: {  	_ =	swait.ge @!p0 [sflag:s19], $0x27800  }
0x11f: {  	[sflag:s19] =	ssyncset.done @!p0 $0x0  }
0x120: {  	[sflag:s19] =	ssyncadd.s32 @!p0 $0xFFFD8800  }
0x121: {  	_ =	sfence.sel $0x180000  }
0x122: {  	[bflag:$0x0] =	sbarrier.arrive $0xFFFF  }
0x123: {  	_ =	strace $0x9000004D  }
0x124: {  	s0 =	sadd.s32 @!p0 $0x100000, s0;
	[bflag:$0x2] =	sbarrier.arrive $0xFFFF  }
0x125: {  	[sflag:s0] =	ssyncadd.tile.s32 @!p0 $0x1;
	_ =	shalt  }
.Lfunc_end2:
_tile_overlayer_lowered:
.L_overlay_start_2:
0x126: {  	(tag) =	ssettag $0x2  }
0x127: {  	s0 =	rddreg [dreg:$0x0];
	s2 =	stileid.u32  }
0x128: {  	s1 =	rddreg [dreg:$0x1];
	p0 =	sne.s32 s2, $0x0  }
0x129: {  	s3 =	rddreg [dreg:$0x2];
	[bflag:$0x3] =	sbarrier.arrive $0xFFFF;
	s2 =	simm.s32 @!p0 $0x1C02  }
0x12a: {  	[timem:s3], [sflag:s2] =	dma.local @!p0 [hbm:s0], s1  }
0x12b: {  	s0 =	simm.s32 @!p0 $0x2  }
0x12c: {  	_ =	swait.ge @!p0 [sflag:s0], s1  }
0x12d: {  	s1 =	ssub.s32 @!p0 $0x0, s1;
	[sflag:s0] =	ssyncset.done @!p0 $0x0  }
0x12e: {  	[sflag:s0] =	ssyncadd.s32 @!p0 s1  }
0x12f: {  	[bflag:$0x3] =	sbarrier.arrive $0xFFFF  }
0x130: {  	_ =	shalt  }

// kernel: kernel.8.cloned.1.call-start
scs
__scs_entry_jumppad:
0x0: {  	(pc) =	sbr.rel $0x88, $3  }
0x1: {  	(tag) =	ssettag $0x0;
	lr =	simm.s32 $0x1  }
0x2: {  	[smem:$0x3F98] =	sst lr;
	_ =	strace $0xD0000000  }
0x3: {  	_ = 	snop  }
0x4: {  	_ = 	snop  }
0x5: {  	_ = 	snop  }
0x6: {  	_ = 	snop  }
0x7: {  	_ = 	snop  }
__scs_overlays_trampoline_lowered:
0x8: {  	[smem:$0x3FA7] =	sst s0  }
0x9: {  	[smem:$0x3FA8] =	sst s1  }
0xa: {  	[smem:$0x3FA9] =	sst s2  }
0xb: {  	[smem:$0x3FAA] =	sst s3  }
0xc: {  	[smem:$0x3FAB] =	sst s4  }
0xd: {  	[smem:$0x3FAC] =	sst s5  }
0xe: {  	[smem:$0x3FAD] =	sst s6  }
0xf: {  	[smem:$0x3FAE] =	sst s7  }
0x10: {  	[smem:$0x3FAF] =	sst s8  }
0x11: {  	[smem:$0x3FB0] =	sst s9;
	s0 =	simm.s32 @!p0 $0x0  }
0x12: {  	s1 =	sld [smem:$0x3F96];
	s0 =	simm.s32 @p0 $0x1  }
0x13: {  	[smem:$0x3FB1] =	sst s0;
	s0 =	simm.s32 @!p1 $0x0  }
0x14: {  	s2 =	sld [smem:$0x3F95];
	s0 =	simm.s32 @p1 $0x1  }
0x15: {  	[smem:$0x3FB2] =	sst s0;
	s0 =	simm.s32 @!p2 $0x0  }
0x16: {  	s3 =	sld [smem:$0x3FDB];
	s0 =	simm.s32 @p2 $0x1  }
0x17: {  	s4 =	simm.s32 $0x1BF5;
	[smem:$0x3FB4] =	sst s0  }
0x18: {  	s0 =	sld [smem:$0x3F97];
	_ =	swait.ge [sflag:s4], $0x0  }
0x19: {  	s7 =	sld [smem:$0x3F98]  }
0x1a: {  	s8 =	sadd.s32 $0xFFFFE003, lr  }
0x1b: {  	s9 =	sadd.s32 $0xFFFFFEF7, lr;
	s5 =	simm.s32 $0xFFFFFFFF;
	p2 =	slt.u32 s8, $0xFFFFF086  }
0x1c: {  	p1 =	slt.u32 s9, $0xF7A;
	s5 =	simm.s32 @!p2 $0x0  }
0x1d: {  	s5 =	simm.s32 @p1 $0x1;
	p0 =	seq.s32 s7, s2  }
0x1e: {  	s7 =	smul.u32 @!p0 $0xF7A, s2;
	p2 =	seq.s32 @!p0 s5, $0x0  }
0x1f: {  	s9 =	smul.u32 $0xF7A, s1;
	s8 =	simm.s32 @!p0 $0x1BF5;
	p2 =	por !p2, p0  }
0x20: {  	[sflag:s8] =	ssyncset.s32 @!p0 $0xFFFFF086;
	s6 =	sadd.s32 @!p0 s3, s7;
	s7 =	simm.s32 @!p0 $0x108  }
0x21: {  	s3 =	sadd.s32 s3, s9;
	s6 =	sadd.s32 @!p0 $0x88, s6;
	s7 =	simm.s32 @p2 $0x1082  }
0x22: {  	[simem:s7], [sflag:s8] =	dma.local @!p0 [hbm:s6], $0xF7A  }
0x23: {  	s9 =	sor.u32 $0xD0000000, s2;
	s6 =	simm.s32 $0x108;
	_ =	swait.ge @!p0 [sflag:s8], $0x0  }
0x24: {  	s3 =	sadd.s32 $0x88, s3;
	s6 =	simm.s32 @!p1 $0x1082;
	[sflag:s4] =	ssyncset.s32 $0xFFFFF086  }
0x25: {  	[simem:s6], [sflag:s4] =	dma.local [hbm:s3], $0xF7A  }
0x26: {  	[smem:$0x3F98] =	sst s1;
	(tag) =	ssettag s2;
	_ =	strace s9  }
0x27: {  	s1 =	sld [smem:$0x3FA8]  }
0x28: {  	s2 =	sld [smem:$0x3FA9]  }
0x29: {  	s4 =	sld [smem:$0x3FAB]  }
0x2a: {  	p0 =	seq.s32 s5, $0x0;
	s5 =	sld [smem:$0x3FAC]  }
0x2b: {  	s6 =	sld [smem:$0x3FAD]  }
0x2c: {  	s7 =	sld [smem:$0x3FAE]  }
0x2d: {  	s3 =	simm.s32 $0x108;
	s8 =	sld [smem:$0x3FAF]  }
0x2e: {  	s3 =	simm.s32 @!p0 $0x1082;
	s9 =	sld [smem:$0x3FB0]  }
0x2f: {  	lr =	sadd.s32 s0, s3;
	s0 =	sld [smem:$0x3FA7]  }
0x30: {  	s3 =	sld [smem:$0x3FAA]  }
0x31: {  	[smem:$0x3FB3] =	sst s10  }
0x32: {  	s10 =	sld [smem:$0x3FB1];
	_ =	sdelay $0x3  }
0x33: {  	p0 =	seq.s32 s10, $0x1;
	s10 =	sld [smem:$0x3FB3];
	_ =	sdelay $0x3  }
0x34: {  	[smem:$0x3FB3] =	sst s10  }
0x35: {  	s10 =	sld [smem:$0x3FB2];
	_ =	sdelay $0x3  }
0x36: {  	p1 =	seq.s32 s10, $0x1;
	s10 =	sld [smem:$0x3FB3];
	_ =	sdelay $0x3  }
0x37: {  	[smem:$0x3FB3] =	sst s10  }
0x38: {  	s10 =	sld [smem:$0x3FB4]  }
0x39: {  	_ = 	snop;
	(pc) =	sbr.ind lr, $3  }
0x3a: {  	_ = 	snop  }
0x3b: {  	_ = 	snop  }
0x3c: {  	p2 =	seq.s32 s10, $0x1;
	s10 =	sld [smem:$0x3FB3]  }
0x3d: {  	_ =	shalt  }
0x3e: {  	_ =	shalt  }
0x3f: {  	_ =	shalt  }
0x40: {  	_ =	shalt  }
0x41: {  	_ =	shalt  }
0x42: {  	_ =	shalt  }
0x43: {  	_ =	shalt  }
0x44: {  	_ =	shalt  }
0x45: {  	_ =	shalt  }
0x46: {  	_ =	shalt  }
0x47: {  	_ =	shalt  }
0x48: {  	_ =	shalt  }
0x49: {  	_ =	shalt  }
0x4a: {  	_ =	shalt  }
0x4b: {  	_ =	shalt  }
0x4c: {  	_ =	shalt  }
0x4d: {  	_ =	shalt  }
0x4e: {  	_ =	shalt  }
0x4f: {  	_ =	shalt  }
0x50: {  	_ =	shalt  }
0x51: {  	_ =	shalt  }
0x52: {  	_ =	shalt  }
0x53: {  	_ =	shalt  }
0x54: {  	_ =	shalt  }
0x55: {  	_ =	shalt  }
0x56: {  	_ =	shalt  }
0x57: {  	_ =	shalt  }
0x58: {  	_ =	shalt  }
0x59: {  	_ =	shalt  }
0x5a: {  	_ =	shalt  }
0x5b: {  	_ =	shalt  }
0x5c: {  	_ =	shalt  }
0x5d: {  	_ =	shalt  }
0x5e: {  	_ =	shalt  }
0x5f: {  	_ =	shalt  }
0x60: {  	_ =	shalt  }
0x61: {  	_ =	shalt  }
0x62: {  	_ =	shalt  }
0x63: {  	_ =	shalt  }
0x64: {  	_ =	shalt  }
0x65: {  	_ =	shalt  }
0x66: {  	_ =	shalt  }
0x67: {  	_ =	shalt  }
0x68: {  	_ =	shalt  }
0x69: {  	_ =	shalt  }
0x6a: {  	_ =	shalt  }
0x6b: {  	_ =	shalt  }
0x6c: {  	_ =	shalt  }
0x6d: {  	_ =	shalt  }
0x6e: {  	_ =	shalt  }
0x6f: {  	_ =	shalt  }
0x70: {  	_ =	shalt  }
0x71: {  	_ =	shalt  }
0x72: {  	_ =	shalt  }
0x73: {  	_ =	shalt  }
0x74: {  	_ =	shalt  }
0x75: {  	_ =	shalt  }
0x76: {  	_ =	shalt  }
0x77: {  	_ =	shalt  }
0x78: {  	_ =	shalt  }
0x79: {  	_ =	shalt  }
0x7a: {  	_ =	shalt  }
0x7b: {  	_ =	shalt  }
0x7c: {  	_ =	shalt  }
0x7d: {  	_ =	shalt  }
0x7e: {  	_ =	shalt  }
0x7f: {  	_ =	shalt  }
0x80: {  	_ =	shalt  }
0x81: {  	_ =	shalt  }
0x82: {  	_ =	shalt  }
0x83: {  	_ =	shalt  }
0x84: {  	_ =	shalt  }
0x85: {  	_ =	shalt  }
0x86: {  	_ =	shalt  }
0x87: {  	_ =	shalt  }
.Lfunc_end0:
.L_simem_size_0:
called_computation_lowered:
.L_overlay_start_0:
0x88: {  	s2 =	sld [smem:$0x3FD9]  }
0x89: {  	s3 =	sld [smem:$0x3FFE];
	_ =	sdelay $0x1  }
0x8a: {  	s1 =	srdreg.scid  }
0x8b: {  	s0 =	sand.u32 $0x1, s1  }
0x8c: {  	s16 =	sshll.u32 s0, $0xA;
	s2 =	sadd.s32 s3, s2  }
0x8d: {  	s2 =	sadd.s32 s2, s16  }
0x8e: {  	[smem:$0x3FBF] =	sst s2  }
0x8f: {  	_ = 	snop  }
0x90: {  	(tm) =	ssettm $0x1  }
0x91: {  	s17 =	sld [smem:$0x3FFB];
	_ =	sdelay $0x3  }
0x92: {  	_ =	strace s17  }
0x93: {  	s2 =	sld [smem:$0x3FFC];
	_ =	sdelay $0x3  }
0x94: {  	_ =	strace s2  }
0x95: {  	s2 =	sld [smem:$0x3FFD];
	_ =	sdelay $0x3  }
0x96: {  	_ =	strace s2  }
0x97: {  	_ =	strace $0x8FFFFFFF  }
0x98: {  	s18 =	sld [smem:$0x3FDB];
	_ =	sdelay $0x1  }
0x99: {  	s19 =	simm.s32 $_scs_section_size  }
0x9a: {  	s4 =	simm.s32 $_size__tile_overlayer_lowered;
	s5 =	simm.s32 $_tile_overlayer_lowered  }
0x9b: {  	s22 =	simm.s32 $0x1BFF;
	s21 =	sshll.u32 s5, $0x1;
	s2 =	sadd.s32 s19, s18  }
0x9c: {  	s6 =	simm.s32 $0x0;
	s20 =	sshll.u32 s4, $0x1;
	s4 =	sadd.s32 s21, s2  }
0x9d: {  	[timem:s6], [sflag:s22] =	dma.local [hbm:s4], s20  }
0x9e: {  	_ =	swait.ge [sflag:s22], s20  }
0x9f: {  	s3 =	ssub.s32 $0x0, s20;
	[sflag:s22] =	ssyncset.done $0x0  }
0xa0: {  	[sflag:s22] =	ssyncadd.s32 s3;
	_ =	sdelay $0x1  }
0xa1: {  	s23 =	simm.s32 $0x1B8B  }
0xa2: {  	_ =	swait.ge [sflag:s23], $0x1  }
0xa3: {  	[sflag:s23] =	ssyncset.done $0x0  }
0xa4: {  	s25 =	simm.s32 $0x1B8E;
	s24 =	sld [smem:$0x3FFE];
	[sflag:s23] =	ssyncadd.s32 $0xFFFFFFFF  }
0xa5: {  	s26 =	simm.s32 $execute0_lowered;
	[smem:$0x3FD2] =	sst s25  }
0xa6: {  	s4 =	sshll.u32 s26, $0x1;
	_ =	strace $0x80000046;
	[dreg:$0x1] =	wrdreg $0xFFFFFFFF  }
0xa7: {  	s28 =	simm.s32 $_size_execute0_lowered;
	s2 =	sadd.s32 s2, s4;
	[dreg:$0x0] =	wrdreg $0x0  }
0xa8: {  	s4 =	sshll.u32 s28, $0x1;
	[dreg:$0x2] =	wrdreg s2  }
0xa9: {  	[dreg:$0x3] =	wrdreg s4  }
0xaa: {  	[dreg:$0x4] =	wrdreg $0xC0  }
0xab: {  	_ =	task [dreg:s6], $0x5FFFF  }
0xac: {  	[dreg:$0x1] =	wrdreg $0xFFFFFFFF  }
0xad: {  	[dreg:$0x0] =	wrdreg $0x60  }
0xae: {  	[dreg:$0x2] =	wrdreg s24  }
0xaf: {  	[dreg:$0x3] =	wrdreg $0x69000  }
0xb0: {  	[dreg:$0x4] =	wrdreg $0x9  }
0xb1: {  	_ =	task.clear_ibuf [dreg:s6], $0x5FFFF;
	_ =	strace $0x90000046  }
0xb2: {  	s29 =	simm.s32 $0x9;
	_ =	strace $0x80000048  }
0xb3: {  	_ =	swait.ge [sflag:s29], $0x1  }
0xb4: {  	[sflag:s29] =	ssyncadd.s32 $0xFFFFFFFF  }
0xb5: {  	_ =	strace $0x90000048  }
0xb6: {  	_ =	sfence  }
0xb7: {  	s30 =	sld [smem:$0x0];
	_ =	sdelay $0x2  }
0xb8: {  	s31 =	sshll.u32 s1, $0xD;
	s1 =	sshrl.u32 s1, $0x2  }
0xb9: {  	s3 =	sand.u32 $0x4000, s31;
	s1 =	sadd.s32 s1, s30  }
0xba: {  	s0 =	sor.u32 s3, s0;
	s1 =	sshll.u32 s1, $0x11  }
0xbb: {  	s0 =	sor.u32 s1, s0  }
0xbc: {  	s0 =	sadd.s32 $0x8F2B, s0  }
0xbd: {  	[sflag:s0] =	ssyncadd.remote.s32 $0x1  }
0xbe: {  	_ =	sfence.sel $0xFFFF  }
0xbf: {  	[dreg:$0x0] =	wrdreg $0xFFFFFFFF;
	(pc) =	sbr.abs _section_cstart, $3  }
0xc0: {  	[dreg:$0x1] =	wrdreg $0xFFFFFFFF  }
0xc1: {  	_ =	task.clear_ibuf [dreg:s6], $0x2FFFF;
	_ =	strace $0x9FFFFFFF  }
0xc2: {  	(tm) =	ssettm $0x7FFFFFFF  }
0xc3: {  	_ =	shalt  }
tec
execute0_lowered:
.L_overlay_start_1:
0x0: {  	(tag) =	ssettag $0x1  }
0x1: {  	s0 =	srdreg.scid;
	s5 =	rddreg [dreg:$0x0]  }
0x2: {  	s1 =	rddreg [dreg:$0x1];
	s8 =	stileid.u32;
	s2 =	simm.s32 $0x0  }
0x3: {  	s11 =	simm.s32 $0x80;
	s12 =	simm.s32 $0x2800;
	s13 =	simm.s32 $0x2880  }
0x4: {  	s14 =	simm.s32 $0x1;
	s3 =	sand.u32 $0x1, s0;
	s0 =	rddreg [dreg:$0x2]  }
0x5: {  	s15 =	simm.s32 $0x0;
	[smem:$0x7FF] =	sst s2;
	p0 =	sne.s32 s8, $0x0  }
0x6: {  	s4 =	sshll.u32 s3, $0x4;
	_ =	strace $0x80000047;
	s6 =	smul.u32 $0x27800, s3  }
0x7: {  	s7 =	ssub.s32 $0x2, s3;
	s3 =	sadd.s32 $0xE400, s5;
	s4 =	sor.u32 s8, s4  }
0x8: {  	s10 =	sshrl.u32 s7, $0x1;
	s8 =	simm.s32 $0x2;
	s4 =	smul.u32 $0x500, s4  }
0x9: {  	s6 =	sadd.s32 s6, s5;
	s7 =	ssub.s32 s7, s10;
	s10 =	sshrl.u32 @!p0 s1, $0x3  }
0xa: {  	s6 =	sadd.s32 $0x36400, s6;
	s7 =	smax.u32 s7, $0x1;
	s9 =	sadd.s32 s4, s5  }
0xb: {  	s4 =	sadd.s32 $0x35C00, s5;
	s5 =	sadd.s32 $0x4400, s9;
	s9 =	simm.s32 $0x2900  }
.LBB2_1:
0xc: {  	[tilespmem:s2], [sflag:$0x2] =	stream.linear.gather [hbm4b:s5+s2], $0x2800, $0x38;
	[tilespmem:$0x1A500] =	vst v63  }
0xd: {  	_ =	swait.ge [sflag:s8], $0x2800  }
0xe: {  	[sflag:s8] =	ssyncset.done $0x0  }
0xf: {  	[sflag:s8] =	ssyncadd.s32 $0xFFFFD800  }
0x10: {  	[tilespmem:s9], [sflag:$0x2] =	stream.linear.gather [hbm4b:s4+s2], $0x4000, $0x38;
	[tilespmem:$0x1A500] =	vst v63  }
0x11: {  	_ =	swait.ge [sflag:s8], $0x4000  }
0x12: {  	[sflag:s8] =	ssyncset.done $0x0  }
0x13: {  	s16 =	simm.s32 @!p0 $0x1C02;
	[sflag:s8] =	ssyncadd.s32 $0xFFFFC000  }
0x14: {  	[spmem:s10], [sflag:s16] =	dma.local @!p0 [hbm:s3], $0x27800  }
0x15: {  	s16 =	simm.s32 @!p0 $0x2  }
0x16: {  	_ =	swait.ge @!p0 [sflag:s16], $0x27800  }
0x17: {  	[sflag:s16] =	ssyncset.done @!p0 $0x0  }
0x18: {  	[sflag:s16] =	ssyncadd.s32 @!p0 $0xFFFD8800  }
0x19: {  	s31 =	simm.s32 $0xF0;
	[bflag:$0x0] =	sbarrier.arrive $0xFFFF  }
0x1a: {  	v0 =	vld [tilespmem:s31+$0xFFFFFF10];
	_ =	sdelay $0x4  }
0x1b: {  	v0 =	vshrl.u32 v0, $0xE  }
0x1c: {  	[tilespmem:$0x2800] =	vst v0  }
0x1d: {  	v0 =	vld [tilespmem:s31+$0xFFFFFF20];
	_ =	sdelay $0x4  }
0x1e: {  	v0 =	vshrl.u32 v0, $0xE  }
0x1f: {  	[tilespmem:$0x2810] =	vst v0  }
0x20: {  	v0 =	vld [tilespmem:s31+$0xFFFFFF30];
	_ =	sdelay $0x4  }
0x21: {  	v0 =	vshrl.u32 v0, $0xE  }
0x22: {  	[tilespmem:$0x2820] =	vst v0  }
0x23: {  	v0 =	vld [tilespmem:s31+$0xFFFFFF40];
	_ =	sdelay $0x4  }
0x24: {  	v0 =	vshrl.u32 v0, $0xE  }
0x25: {  	[tilespmem:$0x2830] =	vst v0  }
0x26: {  	v0 =	vld [tilespmem:s31+$0xFFFFFF50];
	_ =	sdelay $0x4  }
0x27: {  	v0 =	vshrl.u32 v0, $0xE  }
0x28: {  	[tilespmem:$0x2840] =	vst v0  }
0x29: {  	v0 =	vld [tilespmem:s31+$0xFFFFFF60];
	_ =	sdelay $0x4  }
0x2a: {  	v0 =	vshrl.u32 v0, $0xE  }
0x2b: {  	[tilespmem:$0x2850] =	vst v0  }
0x2c: {  	v0 =	vld [tilespmem:s31+$0xFFFFFF70];
	_ =	sdelay $0x4  }
0x2d: {  	v0 =	vshrl.u32 v0, $0xE  }
0x2e: {  	[tilespmem:$0x2860] =	vst v0  }
0x2f: {  	v0 =	vld [tilespmem:s31+$0xFFFFFF80];
	_ =	sdelay $0x4  }
0x30: {  	v0 =	vshrl.u32 v0, $0xE  }
0x31: {  	[tilespmem:$0x2870] =	vst v0  }
0x32: {  	v0 =	vld [tilespmem:s31+$0xFFFFFF90];
	_ =	sdelay $0x4  }
0x33: {  	v0 =	vshrl.u32 v0, $0xE  }
0x34: {  	[tilespmem:$0x2880] =	vst v0  }
0x35: {  	v0 =	vld [tilespmem:s31+$0xFFFFFFA0];
	_ =	sdelay $0x4  }
0x36: {  	v0 =	vshrl.u32 v0, $0xE  }
0x37: {  	[tilespmem:$0x2890] =	vst v0  }
0x38: {  	v0 =	vld [tilespmem:s31+$0xFFFFFFB0];
	_ =	sdelay $0x4  }
0x39: {  	v0 =	vshrl.u32 v0, $0xE  }
0x3a: {  	[tilespmem:$0x28A0] =	vst v0  }
0x3b: {  	v0 =	vld [tilespmem:s31+$0xFFFFFFC0];
	_ =	sdelay $0x4  }
0x3c: {  	v0 =	vshrl.u32 v0, $0xE  }
0x3d: {  	[tilespmem:$0x28B0] =	vst v0  }
0x3e: {  	v0 =	vld [tilespmem:s31+$0xFFFFFFD0];
	_ =	sdelay $0x4  }
0x3f: {  	v0 =	vshrl.u32 v0, $0xE  }
0x40: {  	[tilespmem:$0x28C0] =	vst v0  }
0x41: {  	v0 =	vld [tilespmem:s31+$0xFFFFFFE0];
	_ =	sdelay $0x4  }
0x42: {  	v0 =	vshrl.u32 v0, $0xE  }
0x43: {  	[tilespmem:$0x28D0] =	vst v0  }
0x44: {  	v0 =	vld [tilespmem:s31+$0xFFFFFFF0];
	_ =	sdelay $0x4  }
0x45: {  	v0 =	vshrl.u32 v0, $0xE  }
0x46: {  	[tilespmem:$0x28E0] =	vst v0  }
0x47: {  	v0 =	vld [tilespmem:s31+$0x0];
	_ =	sdelay $0x4  }
0x48: {  	v0 =	vshrl.u32 v0, $0xE  }
0x49: {  	[tilespmem:$0x28F0] =	vst v0  }
0x4a: {  	[spmem:s1] =	stream.indirect.scatter.add.f32 [tilespmem:s9], [sflag:$0x1], $0x80, s12, s11, $0xb8;
	[tilespmem:$0x1A500] =	vst v63  }
0x4b: {  	_ = 	snop  }
0x4c: {  	[spmem:s1] =	stream.indirect.scatter.add.f32 [tilespmem:s9], [sflag:$0x1], $0x80, s13, s11, $0xb8;
	[tilespmem:$0x1A500] =	vst v63  }
0x4d: {  	_ =	swait.ge [sflag:s14], $0x4000  }
0x4e: {  	[sflag:s14] =	ssyncset.done $0x0  }
0x4f: {  	[sflag:s14] =	ssyncadd.s32 $0xFFFFC000  }
0x50: {  	_ =	swait.ge [sflag:s14], $0x4000  }
0x51: {  	s19 =	simm.s32 $0xBC0;
	s16 =	simm.s32 $0x7C0;
	[sflag:s14] =	ssyncset.done $0x0  }
.LBB2_2:
0x52: {  	s18 =	sshra.s32 s16, $0x2  }
0x53: {  	[sflag:s14] =	ssyncadd.s32 $0xFFFFC000;
	s16 =	smov.u32 s19;
	s17 =	sadd.s32 $0x400, s19  }
0x54: {  	p1 =	sne.s32 s19, $0x9FC0;
	v0 =	vld [tilespmem:s18+$0xFFFFFF10];
	_ =	sdelay $0x4  }
0x55: {  	v0 =	vshrl.u32 v0, $0xE  }
0x56: {  	[tilespmem:$0x2800] =	vst v0  }
0x57: {  	v0 =	vld [tilespmem:s18+$0xFFFFFF20];
	_ =	sdelay $0x4  }
0x58: {  	v0 =	vshrl.u32 v0, $0xE  }
0x59: {  	[tilespmem:$0x2810] =	vst v0  }
0x5a: {  	v0 =	vld [tilespmem:s18+$0xFFFFFF30];
	_ =	sdelay $0x4  }
0x5b: {  	v0 =	vshrl.u32 v0, $0xE  }
0x5c: {  	[tilespmem:$0x2820] =	vst v0  }
0x5d: {  	v0 =	vld [tilespmem:s18+$0xFFFFFF40];
	_ =	sdelay $0x4  }
0x5e: {  	v0 =	vshrl.u32 v0, $0xE  }
0x5f: {  	[tilespmem:$0x2830] =	vst v0  }
0x60: {  	v0 =	vld [tilespmem:s18+$0xFFFFFF50];
	_ =	sdelay $0x4  }
0x61: {  	v0 =	vshrl.u32 v0, $0xE  }
0x62: {  	[tilespmem:$0x2840] =	vst v0  }
0x63: {  	v0 =	vld [tilespmem:s18+$0xFFFFFF60];
	_ =	sdelay $0x4  }
0x64: {  	v0 =	vshrl.u32 v0, $0xE  }
0x65: {  	[tilespmem:$0x2850] =	vst v0  }
0x66: {  	v0 =	vld [tilespmem:s18+$0xFFFFFF70];
	_ =	sdelay $0x4  }
0x67: {  	v0 =	vshrl.u32 v0, $0xE  }
0x68: {  	[tilespmem:$0x2860] =	vst v0  }
0x69: {  	v0 =	vld [tilespmem:s18+$0xFFFFFF80];
	_ =	sdelay $0x4  }
0x6a: {  	v0 =	vshrl.u32 v0, $0xE  }
0x6b: {  	[tilespmem:$0x2870] =	vst v0  }
0x6c: {  	v0 =	vld [tilespmem:s18+$0xFFFFFF90];
	_ =	sdelay $0x4  }
0x6d: {  	v0 =	vshrl.u32 v0, $0xE  }
0x6e: {  	[tilespmem:$0x2880] =	vst v0  }
0x6f: {  	v0 =	vld [tilespmem:s18+$0xFFFFFFA0];
	_ =	sdelay $0x4  }
0x70: {  	v0 =	vshrl.u32 v0, $0xE  }
0x71: {  	[tilespmem:$0x2890] =	vst v0  }
0x72: {  	v0 =	vld [tilespmem:s18+$0xFFFFFFB0];
	_ =	sdelay $0x4  }
0x73: {  	v0 =	vshrl.u32 v0, $0xE  }
0x74: {  	[tilespmem:$0x28A0] =	vst v0  }
0x75: {  	v0 =	vld [tilespmem:s18+$0xFFFFFFC0];
	_ =	sdelay $0x4  }
0x76: {  	v0 =	vshrl.u32 v0, $0xE  }
0x77: {  	[tilespmem:$0x28B0] =	vst v0  }
0x78: {  	v0 =	vld [tilespmem:s18+$0xFFFFFFD0];
	_ =	sdelay $0x4  }
0x79: {  	v0 =	vshrl.u32 v0, $0xE  }
0x7a: {  	[tilespmem:$0x28C0] =	vst v0  }
0x7b: {  	v0 =	vld [tilespmem:s18+$0xFFFFFFE0];
	_ =	sdelay $0x4  }
0x7c: {  	v0 =	vshrl.u32 v0, $0xE  }
0x7d: {  	[tilespmem:$0x28D0] =	vst v0  }
0x7e: {  	v0 =	vld [tilespmem:s18+$0xFFFFFFF0];
	_ =	sdelay $0x4  }
0x7f: {  	v0 =	vshrl.u32 v0, $0xE  }
0x80: {  	[tilespmem:$0x28E0] =	vst v0  }
0x81: {  	v0 =	vld [tilespmem:s18+$0x0];
	_ =	sdelay $0x4  }
0x82: {  	v0 =	vshrl.u32 v0, $0xE  }
0x83: {  	[tilespmem:$0x28F0] =	vst v0  }
0x84: {  	[spmem:s1] =	stream.indirect.scatter.add.f32 [tilespmem:s9], [sflag:$0x1], $0x80, s12, s11, $0xb8;
	[tilespmem:$0x1A500] =	vst v63  }
0x85: {  	_ = 	snop  }
0x86: {  	[spmem:s1] =	stream.indirect.scatter.add.f32 [tilespmem:s9], [sflag:$0x1], $0x80, s13, s11, $0xb8;
	[tilespmem:$0x1A500] =	vst v63  }
.Ltmp0:
0x87: {  	_ =	swait.ge [sflag:s14], $0x4000;
	(pc) =	sbr.rel @p1 .LBB2_2-.Ltmp0, $4  }
0x88: {  	[sflag:s14] =	ssyncset.done $0x0  }
0x89: {  	[sflag:s14] =	ssyncadd.s32 $0xFFFFC000  }
0x8a: {  	_ =	swait.ge [sflag:s14], $0x4000  }
0x8b: {  	s19 =	smov.u32 s17;
	[sflag:s14] =	ssyncset.done $0x0  }
0x8c: {  	s16 =	sshra.s32 s16, $0x2;
	[sflag:s14] =	ssyncadd.s32 $0xFFFFC000  }
0x8d: {  	v0 =	vld [tilespmem:s16+$0xFFFFFF10];
	_ =	sdelay $0x4  }
0x8e: {  	v0 =	vshrl.u32 v0, $0xE  }
0x8f: {  	[tilespmem:$0x2800] =	vst v0  }
0x90: {  	v0 =	vld [tilespmem:s16+$0xFFFFFF20];
	_ =	sdelay $0x4  }
0x91: {  	v0 =	vshrl.u32 v0, $0xE  }
0x92: {  	[tilespmem:$0x2810] =	vst v0  }
0x93: {  	v0 =	vld [tilespmem:s16+$0xFFFFFF30];
	_ =	sdelay $0x4  }
0x94: {  	v0 =	vshrl.u32 v0, $0xE  }
0x95: {  	[tilespmem:$0x2820] =	vst v0  }
0x96: {  	v0 =	vld [tilespmem:s16+$0xFFFFFF40];
	_ =	sdelay $0x4  }
0x97: {  	v0 =	vshrl.u32 v0, $0xE  }
0x98: {  	[tilespmem:$0x2830] =	vst v0  }
0x99: {  	v0 =	vld [tilespmem:s16+$0xFFFFFF50];
	_ =	sdelay $0x4  }
0x9a: {  	v0 =	vshrl.u32 v0, $0xE  }
0x9b: {  	[tilespmem:$0x2840] =	vst v0  }
0x9c: {  	v0 =	vld [tilespmem:s16+$0xFFFFFF60];
	_ =	sdelay $0x4  }
0x9d: {  	v0 =	vshrl.u32 v0, $0xE  }
0x9e: {  	[tilespmem:$0x2850] =	vst v0  }
0x9f: {  	v0 =	vld [tilespmem:s16+$0xFFFFFF70];
	_ =	sdelay $0x4  }
0xa0: {  	v0 =	vshrl.u32 v0, $0xE  }
0xa1: {  	[tilespmem:$0x2860] =	vst v0  }
0xa2: {  	v0 =	vld [tilespmem:s16+$0xFFFFFF80];
	_ =	sdelay $0x4  }
0xa3: {  	v0 =	vshrl.u32 v0, $0xE  }
0xa4: {  	[tilespmem:$0x2870] =	vst v0  }
0xa5: {  	v0 =	vld [tilespmem:s16+$0xFFFFFF90];
	_ =	sdelay $0x4  }
0xa6: {  	v0 =	vshrl.u32 v0, $0xE  }
0xa7: {  	[tilespmem:$0x2880] =	vst v0  }
0xa8: {  	v0 =	vld [tilespmem:s16+$0xFFFFFFA0];
	_ =	sdelay $0x4  }
0xa9: {  	v0 =	vshrl.u32 v0, $0xE  }
0xaa: {  	[tilespmem:$0x2890] =	vst v0  }
0xab: {  	v0 =	vld [tilespmem:s16+$0xFFFFFFB0];
	_ =	sdelay $0x4  }
0xac: {  	v0 =	vshrl.u32 v0, $0xE  }
0xad: {  	[tilespmem:$0x28A0] =	vst v0  }
0xae: {  	v0 =	vld [tilespmem:s16+$0xFFFFFFC0];
	_ =	sdelay $0x4  }
0xaf: {  	v0 =	vshrl.u32 v0, $0xE  }
0xb0: {  	[tilespmem:$0x28B0] =	vst v0  }
0xb1: {  	v0 =	vld [tilespmem:s16+$0xFFFFFFD0];
	_ =	sdelay $0x4  }
0xb2: {  	v0 =	vshrl.u32 v0, $0xE  }
0xb3: {  	[tilespmem:$0x28C0] =	vst v0  }
0xb4: {  	v0 =	vld [tilespmem:s16+$0xFFFFFFE0];
	_ =	sdelay $0x4  }
0xb5: {  	v0 =	vshrl.u32 v0, $0xE  }
0xb6: {  	[tilespmem:$0x28D0] =	vst v0  }
0xb7: {  	v0 =	vld [tilespmem:s16+$0xFFFFFFF0];
	_ =	sdelay $0x4  }
0xb8: {  	v0 =	vshrl.u32 v0, $0xE  }
0xb9: {  	[tilespmem:$0x28E0] =	vst v0  }
0xba: {  	v0 =	vld [tilespmem:s16+$0x0];
	_ =	sdelay $0x4  }
0xbb: {  	v0 =	vshrl.u32 v0, $0xE  }
0xbc: {  	[tilespmem:$0x28F0] =	vst v0  }
0xbd: {  	[spmem:s1] =	stream.indirect.scatter.add.f32 [tilespmem:s9], [sflag:$0x1], $0x80, s12, s11, $0xb8;
	[tilespmem:$0x1A500] =	vst v63  }
0xbe: {  	_ = 	snop  }
0xbf: {  	[spmem:s1] =	stream.indirect.scatter.add.f32 [tilespmem:s9], [sflag:$0x1], $0x80, s13, s11, $0xb8;
	[tilespmem:$0x1A500] =	vst v63  }
0xc0: {  	_ =	swait.ge [sflag:s14], $0x4000  }
0xc1: {  	[sflag:s14] =	ssyncset.done $0x0  }
0xc2: {  	[sflag:s14] =	ssyncadd.s32 $0xFFFFC000  }
0xc3: {  	_ =	swait.ge [sflag:s14], $0x4000  }
0xc4: {  	[sflag:s14] =	ssyncset.done $0x0  }
0xc5: {  	s15 =	sadd.s32 $0x1, s15;
	[sflag:s14] =	ssyncadd.s32 $0xFFFFC000  }
0xc6: {  	p1 =	sne.s32 s15, s7;
	s16 =	simm.s32 @!p0 $0x1C02;
	[bflag:$0x0] =	sbarrier.arrive $0xFFFF  }
0xc7: {  	[hbm:s6], [sflag:s16] =	dma.local @!p0 [spmem:s10], $0x27800  }
.Ltmp1:
0xc8: {  	_ = 	snop;
	(pc) =	sbr.rel @p1 .LBB2_1-.Ltmp1, $4  }
0xc9: {  	s16 =	simm.s32 @!p0 $0x2  }
0xca: {  	_ =	swait.ge @!p0 [sflag:s16], $0x27800  }
0xcb: {  	[sflag:s16] =	ssyncset.done @!p0 $0x0  }
0xcc: {  	[sflag:s16] =	ssyncadd.s32 @!p0 $0xFFFD8800  }
0xcd: {  	_ =	sfence.sel $0x180000  }
0xce: {  	[bflag:$0x0] =	sbarrier.arrive $0xFFFF  }
0xcf: {  	_ =	strace $0x90000047  }
0xd0: {  	s0 =	sadd.s32 @!p0 $0x100000, s0;
	[bflag:$0x2] =	sbarrier.arrive $0xFFFF  }
0xd1: {  	[sflag:s0] =	ssyncadd.tile.s32 @!p0 $0x1;
	_ =	shalt  }
.Lfunc_end2:
_tile_overlayer_lowered:
.L_overlay_start_2:
0xd2: {  	(tag) =	ssettag $0x2  }
0xd3: {  	s0 =	rddreg [dreg:$0x0];
	s2 =	stileid.u32  }
0xd4: {  	s1 =	rddreg [dreg:$0x1];
	p0 =	sne.s32 s2, $0x0  }
0xd5: {  	s3 =	rddreg [dreg:$0x2];
	[bflag:$0x3] =	sbarrier.arrive $0xFFFF;
	s2 =	simm.s32 @!p0 $0x1C02  }
0xd6: {  	[timem:s3], [sflag:s2] =	dma.local @!p0 [hbm:s0], s1  }
0xd7: {  	s0 =	simm.s32 @!p0 $0x2  }
0xd8: {  	_ =	swait.ge @!p0 [sflag:s0], s1  }
0xd9: {  	s1 =	ssub.s32 @!p0 $0x0, s1;
	[sflag:s0] =	ssyncset.done @!p0 $0x0  }
0xda: {  	[sflag:s0] =	ssyncadd.s32 @!p0 s1  }
0xdb: {  	[bflag:$0x3] =	sbarrier.arrive $0xFFFF  }
0xdc: {  	_ =	shalt  }

</sc_bundles>
